<compile_context>
chip_gen: v7x
topology: tpu7x:2x2x1
jax: 0.10.2.dev20260603
libtpu: 0.0.44.dev20260713+nightly
codegen_flags: <defaults>
</compile_context>

<pallas_src>
import functools

import jax
import jax.numpy as jnp
from jax import lax
from jax.experimental import pallas as pl
from jax.experimental.pallas import tpu as pltpu
from jax.experimental.pallas import tpu_sc as plsc

N = 10000
E = 320000
F_IN = 128
H1, C1 = 8, 8
HC = 64
NC = 2
NS = 16
NW = NC * NS
EPT = E // NW
K = 125
NCHUNK = EPT // K
NP = 10240
RPT = NP // NS
AUGW = 80
DW = 16



def _prep1_body(x_ref, w_ref, ms_ref, md_ref, xl_ref, as_ref, ad_ref):
    xl = jnp.dot(x_ref[...], w_ref[...], preferred_element_type=jnp.float32)
    xl_ref[...] = xl
    as_ref[...] = jnp.dot(xl, ms_ref[...], preferred_element_type=jnp.float32)
    ad_ref[...] = jnp.dot(xl, md_ref[...], preferred_element_type=jnp.float32)


def _prep1(x, W1, m_src, m_dst):
    return pl.pallas_call(
        _prep1_body,
        out_shape=(
            jax.ShapeDtypeStruct((N, HC), jnp.float32),
            jax.ShapeDtypeStruct((N, H1), jnp.float32),
            jax.ShapeDtypeStruct((N, H1), jnp.float32),
        ),
    )(x, W1, m_src, m_dst)


def _mid_body(p0_ref, p1_ref, er_ref, b1_ref, w2_ref,
              ms_ref, md_ref, xl2_ref, as2_ref, ad2_ref):
    p = p0_ref[...] + p1_ref[...]
    denw = jnp.dot(p[:, HC:HC + H1], er_ref[...],
                   preferred_element_type=jnp.float32)
    out1 = p[:, 0:HC] / (denw + 1e-16) + b1_ref[...]
    h = jnp.where(out1 > 0, out1, jnp.exp(out1) - 1.0)
    xl2 = jnp.dot(h, w2_ref[...], preferred_element_type=jnp.float32)
    xl2_ref[...] = xl2
    as2_ref[...] = jnp.dot(xl2, ms_ref[...], preferred_element_type=jnp.float32)
    ad2_ref[...] = jnp.dot(xl2, md_ref[...], preferred_element_type=jnp.float32)


def _mid(p0, p1, erep, b1, W2, m_src2, m_dst2):
    return pl.pallas_call(
        _mid_body,
        out_shape=(
            jax.ShapeDtypeStruct((N, HC), jnp.float32),
            jax.ShapeDtypeStruct((N, 8), jnp.float32),
            jax.ShapeDtypeStruct((N, 8), jnp.float32),
        ),
    )(p0, p1, erep, b1, W2, m_src2, m_dst2)


def _final_body(p0_ref, p1_ref, b2_ref, o_ref):
    p = p0_ref[...] + p1_ref[...]
    den = p[:, HC:HC + 1]
    o_ref[...] = p[:, 0:HC] / (den + 1e-16) + b2_ref[...]


def _final(p0, p1, b2):
    return pl.pallas_call(
        _final_body,
        out_shape=jax.ShapeDtypeStruct((N, HC), jnp.float32),
    )(p0, p1, b2)



def _make_sc_edges(num_heads):
    mesh = plsc.VectorSubcoreMesh(core_axis_name="c", subcore_axis_name="s")

    @functools.partial(
        pl.kernel,
        out_type=jax.ShapeDtypeStruct((NC, NP, AUGW), jnp.float32),
        mesh=mesh,
        compiler_params=pltpu.CompilerParams(needs_layout_passes=False,
                                             use_tc_tiling_on_sc=False),
        scratch_types=[
            pltpu.VMEM((NCHUNK, K), jnp.int32),
            pltpu.VMEM((NCHUNK, K), jnp.int32),
            pltpu.VMEM((2, K, AUGW), jnp.float32),
            pltpu.VMEM((2, K, DW), jnp.float32),
            pltpu.VMEM((2, K, AUGW), jnp.float32),
            pltpu.VMEM_SHARED((NP, AUGW), jnp.float32),
            pltpu.SemaphoreType.DMA,
            pltpu.SemaphoreType.DMA,
            pltpu.SemaphoreType.DMA,
            pltpu.SemaphoreType.DMA,
        ],
    )
    def k(aug_hbm, adst_hbm, src_hbm, dst_hbm, z_hbm,
          out_hbm, sidx, didx, augr, adstr, msg, acc,
          gsem0, gsem1, ssem0, ssem1):
        gsems = [gsem0, gsem1]
        ssems = [ssem0, ssem1]
        cid = lax.axis_index("c")
        sid = lax.axis_index("s")
        wid = cid * NS + sid
        r0 = sid * RPT
        pltpu.sync_copy(src_hbm.at[wid], sidx)
        pltpu.sync_copy(dst_hbm.at[wid], didx)
        pltpu.sync_copy(z_hbm.at[pl.ds(r0, RPT)], acc.at[pl.ds(r0, RPT)])
        plsc.subcore_barrier()

        lane = lax.iota(jnp.int32, 16)
        bidx = [(16 * j + lane) >> 3 if num_heads > 1
                else jnp.zeros((16,), jnp.int32)
                for j in range(HC // 16)]

        def issue(m, b):
            da = pltpu.async_copy(aug_hbm.at[sidx.at[m]], augr.at[b],
                                  gsems[b])
            dd = pltpu.async_copy(adst_hbm.at[didx.at[m]], adstr.at[b],
                                  gsems[b])
            return da, dd

        def compute_scatter(m, b):
            augr_b, adstr_b, msg_b = augr.at[b], adstr.at[b], msg.at[b]

            def edge_body(e, ecarry):
                s16 = augr_b[e, pl.ds(HC, 16)] + adstr_b[e, :]
                s16 = jnp.maximum(s16, 0.2 * s16)
                w16 = jnp.exp(s16)
                msg_b[e, pl.ds(HC, 16)] = w16
                for j in range(HC // 16):
                    wb = w16.at[bidx[j]].get(mode="promise_in_bounds")
                    msg_b[e, pl.ds(16 * j, 16)] = (
                        augr_b[e, pl.ds(16 * j, 16)] * wb)
                return ecarry

            lax.fori_loop(0, K, edge_body, 0, unroll=5)
            return pltpu.async_copy(msg_b, acc.at[didx.at[m]], ssems[b],
                                    add=True)

        d0a, d0b = issue(0, 0)
        d0a.wait()
        d0b.wait()

        def pair_body(i, carry):
            m = 2 * i
            d1a, d1b = issue(m + 1, 1)
            s0 = compute_scatter(m, 0)
            d1a.wait()
            d1b.wait()
            mm = jnp.minimum(m + 2, NCHUNK - 1)
            d2a, d2b = issue(mm, 0)
            s1 = compute_scatter(m + 1, 1)
            d2a.wait()
            d2b.wait()
            s0.wait()
            s1.wait()
            return carry

        lax.fori_loop(0, NCHUNK // 2, pair_body, 0)
        plsc.subcore_barrier()
        pltpu.sync_copy(acc.at[pl.ds(r0, RPT)],
                        out_hbm.at[cid, pl.ds(r0, RPT)])

    return k


_sc_edges_l1 = _make_sc_edges(H1)
_sc_edges_l2 = _make_sc_edges(1)



def kernel(x, edge_index, W1, att_src1, att_dst1, b1, W2, att_src2, att_dst2,
           b2):
    ei = edge_index.astype(jnp.int32)
    src3 = ei[0].reshape(NW, NCHUNK, K)
    dst3 = ei[1].reshape(NW, NCHUNK, K)
    z80 = jnp.zeros((NP, AUGW), jnp.float32)
    eye8 = jnp.eye(H1, dtype=jnp.float32)
    m_src1 = (att_src1[0][:, :, None] * eye8[:, None, :]).reshape(HC, H1)
    m_dst1 = (att_dst1[0][:, :, None] * eye8[:, None, :]).reshape(HC, H1)
    erep = jnp.repeat(eye8, C1, axis=1)
    m_src2 = jnp.zeros((HC, 8), jnp.float32).at[:, 0].set(att_src2[0, 0])
    m_dst2 = jnp.zeros((HC, 8), jnp.float32).at[:, 0].set(att_dst2[0, 0])

    xl1, asrc1, adst1 = _prep1(x, W1, m_src1, m_dst1)
    aug1 = jnp.concatenate(
        [xl1, asrc1, jnp.zeros((N, AUGW - HC - H1), jnp.float32)], axis=1)
    adst1p = jnp.concatenate(
        [adst1, jnp.zeros((N, DW - H1), jnp.float32)], axis=1)

    p = _sc_edges_l1(aug1, adst1p, src3, dst3, z80)

    xl2, asrc2, adst2 = _mid(p[0, :N], p[1, :N], erep,
                             b1.reshape(1, HC), W2, m_src2, m_dst2)
    aug2 = jnp.concatenate(
        [xl2, asrc2[:, 0:1], jnp.zeros((N, AUGW - HC - 1), jnp.float32)],
        axis=1)
    adst2p = jnp.concatenate(
        [adst2[:, 0:1], jnp.zeros((N, DW - 1), jnp.float32)], axis=1)

    p2 = _sc_edges_l2(aug2, adst2p, src3, dst3, z80)

    return _final(p2[0, :N], p2[1, :N], b2.reshape(1, HC))

# --- scband reference (transcript-rebuilt; emitter-appended) ---
"""Pipeline reference for scband-transductive-gat-11793980195192 (READ-ONLY COPY).

The authoritative reference and input builder live on the scoring server;
editing this copy changes nothing except your own understanding.
"""

import jax, jax.numpy as jnp
import numpy as np

N = 10000
E = 320000
F_IN = 128
H1 = 8
C1 = 8
H2 = 1
C2 = 64


def setup_inputs(seed: int = 0) -> dict:
    key = jax.random.key(seed)
    ks = jax.random.split(key, 12)
    x = jax.random.normal(ks[0], (N, F_IN), dtype=jnp.float32)
    edge_index = jax.random.randint(ks[1], (2, E), 0, N)
    W1 = jax.random.normal(ks[2], (F_IN, H1 * C1), dtype=jnp.float32) * 0.1
    att_src1 = jax.random.normal(ks[3], (1, H1, C1), dtype=jnp.float32) * 0.1
    att_dst1 = jax.random.normal(ks[4], (1, H1, C1), dtype=jnp.float32) * 0.1
    b1 = jnp.zeros((H1 * C1,), dtype=jnp.float32)
    W2 = jax.random.normal(ks[5], (H1 * C1, H2 * C2), dtype=jnp.float32) * 0.1
    att_src2 = jax.random.normal(ks[6], (1, H2, C2), dtype=jnp.float32) * 0.1
    att_dst2 = jax.random.normal(ks[7], (1, H2, C2), dtype=jnp.float32) * 0.1
    b2 = jnp.zeros((C2,), dtype=jnp.float32)
    return {"x": x, "edge_index": edge_index, "W1": W1, "att_src1": att_src1,
            "att_dst1": att_dst1, "b1": b1, "W2": W2, "att_src2": att_src2,
            "att_dst2": att_dst2, "b2": b2}


def gat_conv(x, edge_index, W, att_src, att_dst, bias, heads, out_ch, concat):
    n = x.shape[0]
    x_l = (x @ W).reshape(n, heads, out_ch)
    alpha_src = (x_l * att_src).sum(-1)  # [N, H]
    alpha_dst = (x_l * att_dst).sum(-1)  # [N, H]
    src = edge_index[0]
    dst = edge_index[1]
    alpha = alpha_src[src] + alpha_dst[dst]  # [E, H]
    alpha = jax.nn.leaky_relu(alpha, 0.2)
    amax = jax.ops.segment_max(alpha, dst, num_segments=n)
    amax = jnp.where(jnp.isfinite(amax), amax, 0.0)
    alpha = jnp.exp(alpha - amax[dst])
    denom = jax.ops.segment_sum(alpha, dst, num_segments=n)
    alpha = alpha / (denom[dst] + 1e-16)
    msg = x_l[src] * alpha[:, :, None]  # [E, H, C]
    out = jax.ops.segment_sum(msg, dst, num_segments=n)  # [N, H, C]
    if concat:
        out = out.reshape(n, heads * out_ch)
    else:
        out = out.mean(axis=1)
    return out + bias


def reference(x, edge_index, W1, att_src1, att_dst1, b1, W2, att_src2, att_dst2, b2):
    # eval mode: dropout layers are identity
    h = gat_conv(x, edge_index, W1, att_src1, att_dst1, b1, H1, C1, True)
    h = jax.nn.elu(h)
    out = gat_conv(h, edge_index, W2, att_src2, att_dst2, b2, H2, C2, False)
    return out

if __name__ == "__main__":
    import jax
    _d = setup_inputs()
    print(jax.jit(kernel)(*tuple(_d.values())))

</pallas_src>

<mosaic_0001>
#map = affine_map<(d0, d1) -> (0, 0)>
#map1 = affine_map<(d0, d1) -> (0, 0, 0)>
module attributes {stable_mosaic.version = 14 : i64} {
  func.func @k(%arg0: i32, %arg1: i32, %arg2: memref<10000x80xf32, #tpu.memory_space<hbm>>, %arg3: memref<10000x16xf32, #tpu.memory_space<hbm>>, %arg4: memref<32x80x125xi32, #tpu.memory_space<hbm>>, %arg5: memref<32x80x125xi32, #tpu.memory_space<hbm>>, %arg6: memref<10240x80xf32, #tpu.memory_space<hbm>>, %arg7: memref<2x10240x80xf32, #tpu.memory_space<hbm>>, %arg8: memref<80x125xi32, #tpu.memory_space<vmem>>, %arg9: memref<80x125xi32, #tpu.memory_space<vmem>>, %arg10: memref<2x125x80xf32, #tpu.memory_space<vmem>>, %arg11: memref<2x125x16xf32, #tpu.memory_space<vmem>>, %arg12: memref<2x125x80xf32, #tpu.memory_space<vmem>>, %arg13: memref<10240x80xf32, #tpu.memory_space<vmem_shared>>, %arg14: memref<!tpu.dma_semaphore, #tpu.memory_space<semaphore_mem>>, %arg15: memref<!tpu.dma_semaphore, #tpu.memory_space<semaphore_mem>>, %arg16: memref<!tpu.dma_semaphore, #tpu.memory_space<semaphore_mem>>, %arg17: memref<!tpu.dma_semaphore, #tpu.memory_space<semaphore_mem>>) attributes {dimension_semantics = [#tpu.dimension_semantics<core_parallel>, #tpu.dimension_semantics<subcore_parallel>], iteration_bounds = array<i64: 2, 16>, scalar_prefetch = 0 : i64, scratch_operands = 10 : i64, tpu.core_type = #tpu.core_type<sc_vector_subcore>, window_params = [{transform_indices = #map}, {transform_indices = #map}, {transform_indices = #map1}, {transform_indices = #map1}, {transform_indices = #map}, {transform_indices = #map1}]} {
    %mul3A = arith.constant 16 : i32
    %mul3A_0 = arith.muli %arg0, %mul3A : i32
    %add3A = arith.addi %mul3A_0, %arg1 : i32
    %mul3A_1 = arith.constant 640 : i32
    %mul3A_2 = arith.muli %arg1, %mul3A_1 : i32
    "tpu.region"() ({
      %run_scoped3A = tpu.sem_alloc : memref<!tpu.dma_semaphore, #tpu.memory_space<semaphore_mem>>
      %dma_start3A_62 = arith.constant 0 : i32
      %dma_start3A_63 = arith.constant 0 : i32
      %dma_start3A_64 = tpu.memref_slice %arg4[%add3A, %dma_start3A_62, %dma_start3A_63] : memref<32x80x125xi32, #tpu.memory_space<hbm>> -> memref<1x80x125xi32, #tpu.memory_space<hbm>>
      %dma_start3A_65 = tpu.memref_squeeze %dma_start3A_64 : memref<1x80x125xi32, #tpu.memory_space<hbm>> -> memref<80x125xi32, #tpu.memory_space<hbm>>
      %dma_start3A_66 = arith.constant 0 : i32
      %dma_start3A_67 = arith.constant 0 : i32
      %dma_start3A_68 = tpu.memref_slice %arg4[%add3A, %dma_start3A_66, %dma_start3A_67] : memref<32x80x125xi32, #tpu.memory_space<hbm>> -> memref<1x80x125xi32, #tpu.memory_space<hbm>>
      %dma_start3A_69 = tpu.memref_squeeze %dma_start3A_68 : memref<1x80x125xi32, #tpu.memory_space<hbm>> -> memref<80x125xi32, #tpu.memory_space<hbm>>
      tpu.enqueue_dma source(%dma_start3A_69 : memref<80x125xi32, #tpu.memory_space<hbm>>) target(%arg8 : memref<80x125xi32, #tpu.memory_space<vmem>>) target_semaphore(%run_scoped3A : memref<!tpu.dma_semaphore, #tpu.memory_space<semaphore_mem>>)
      %dma_wait3A_70 = arith.constant 0 : i32
      %dma_wait3A_71 = arith.constant 0 : i32
      %dma_wait3A_72 = tpu.memref_slice %arg4[%add3A, %dma_wait3A_70, %dma_wait3A_71] : memref<32x80x125xi32, #tpu.memory_space<hbm>> -> memref<1x80x125xi32, #tpu.memory_space<hbm>>
      %dma_wait3A_73 = tpu.memref_squeeze %dma_wait3A_72 : memref<1x80x125xi32, #tpu.memory_space<hbm>> -> memref<80x125xi32, #tpu.memory_space<hbm>>
      %dma_wait3A_74 = arith.constant 0 : i32
      %dma_wait3A_75 = arith.constant 0 : i32
      %dma_wait3A_76 = tpu.memref_slice %arg4[%add3A, %dma_wait3A_74, %dma_wait3A_75] : memref<32x80x125xi32, #tpu.memory_space<hbm>> -> memref<1x80x125xi32, #tpu.memory_space<hbm>>
      %dma_wait3A_77 = tpu.memref_squeeze %dma_wait3A_76 : memref<1x80x125xi32, #tpu.memory_space<hbm>> -> memref<80x125xi32, #tpu.memory_space<hbm>>
      tpu.wait_dma2 semaphore(%run_scoped3A : memref<!tpu.dma_semaphore, #tpu.memory_space<semaphore_mem>>) src(%dma_wait3A_77 : memref<80x125xi32, #tpu.memory_space<hbm>>) dst(%arg8 : memref<80x125xi32, #tpu.memory_space<vmem>>)
      tpu.yield
    }) : () -> ()
    "tpu.region"() ({
      %run_scoped3A = tpu.sem_alloc : memref<!tpu.dma_semaphore, #tpu.memory_space<semaphore_mem>>
      %dma_start3A_62 = arith.constant 0 : i32
      %dma_start3A_63 = arith.constant 0 : i32
      %dma_start3A_64 = tpu.memref_slice %arg5[%add3A, %dma_start3A_62, %dma_start3A_63] : memref<32x80x125xi32, #tpu.memory_space<hbm>> -> memref<1x80x125xi32, #tpu.memory_space<hbm>>
      %dma_start3A_65 = tpu.memref_squeeze %dma_start3A_64 : memref<1x80x125xi32, #tpu.memory_space<hbm>> -> memref<80x125xi32, #tpu.memory_space<hbm>>
      %dma_start3A_66 = arith.constant 0 : i32
      %dma_start3A_67 = arith.constant 0 : i32
      %dma_start3A_68 = tpu.memref_slice %arg5[%add3A, %dma_start3A_66, %dma_start3A_67] : memref<32x80x125xi32, #tpu.memory_space<hbm>> -> memref<1x80x125xi32, #tpu.memory_space<hbm>>
      %dma_start3A_69 = tpu.memref_squeeze %dma_start3A_68 : memref<1x80x125xi32, #tpu.memory_space<hbm>> -> memref<80x125xi32, #tpu.memory_space<hbm>>
      tpu.enqueue_dma source(%dma_start3A_69 : memref<80x125xi32, #tpu.memory_space<hbm>>) target(%arg9 : memref<80x125xi32, #tpu.memory_space<vmem>>) target_semaphore(%run_scoped3A : memref<!tpu.dma_semaphore, #tpu.memory_space<semaphore_mem>>)
      %dma_wait3A_70 = arith.constant 0 : i32
      %dma_wait3A_71 = arith.constant 0 : i32
      %dma_wait3A_72 = tpu.memref_slice %arg5[%add3A, %dma_wait3A_70, %dma_wait3A_71] : memref<32x80x125xi32, #tpu.memory_space<hbm>> -> memref<1x80x125xi32, #tpu.memory_space<hbm>>
      %dma_wait3A_73 = tpu.memref_squeeze %dma_wait3A_72 : memref<1x80x125xi32, #tpu.memory_space<hbm>> -> memref<80x125xi32, #tpu.memory_space<hbm>>
      %dma_wait3A_74 = arith.constant 0 : i32
      %dma_wait3A_75 = arith.constant 0 : i32
      %dma_wait3A_76 = tpu.memref_slice %arg5[%add3A, %dma_wait3A_74, %dma_wait3A_75] : memref<32x80x125xi32, #tpu.memory_space<hbm>> -> memref<1x80x125xi32, #tpu.memory_space<hbm>>
      %dma_wait3A_77 = tpu.memref_squeeze %dma_wait3A_76 : memref<1x80x125xi32, #tpu.memory_space<hbm>> -> memref<80x125xi32, #tpu.memory_space<hbm>>
      tpu.wait_dma2 semaphore(%run_scoped3A : memref<!tpu.dma_semaphore, #tpu.memory_space<semaphore_mem>>) src(%dma_wait3A_77 : memref<80x125xi32, #tpu.memory_space<hbm>>) dst(%arg9 : memref<80x125xi32, #tpu.memory_space<vmem>>)
      tpu.yield
    }) : () -> ()
    "tpu.region"() ({
      %run_scoped3A = tpu.sem_alloc : memref<!tpu.dma_semaphore, #tpu.memory_space<semaphore_mem>>
      %dma_start3A_62 = arith.constant 0 : i32
      %dma_start3A_63 = tpu.memref_slice %arg13[%mul3A_2, %dma_start3A_62] : memref<10240x80xf32, #tpu.memory_space<vmem_shared>> -> memref<640x80xf32, #tpu.memory_space<vmem_shared>>
      %dma_start3A_64 = arith.constant 0 : i32
      %dma_start3A_65 = tpu.memref_slice %arg6[%mul3A_2, %dma_start3A_64] : memref<10240x80xf32, #tpu.memory_space<hbm>> -> memref<640x80xf32, #tpu.memory_space<hbm>>
      tpu.enqueue_dma source(%dma_start3A_65 : memref<640x80xf32, #tpu.memory_space<hbm>>) target(%dma_start3A_63 : memref<640x80xf32, #tpu.memory_space<vmem_shared>>) target_semaphore(%run_scoped3A : memref<!tpu.dma_semaphore, #tpu.memory_space<semaphore_mem>>)
      %dma_wait3A_66 = arith.constant 0 : i32
      %dma_wait3A_67 = tpu.memref_slice %arg13[%mul3A_2, %dma_wait3A_66] : memref<10240x80xf32, #tpu.memory_space<vmem_shared>> -> memref<640x80xf32, #tpu.memory_space<vmem_shared>>
      %dma_wait3A_68 = arith.constant 0 : i32
      %dma_wait3A_69 = tpu.memref_slice %arg6[%mul3A_2, %dma_wait3A_68] : memref<10240x80xf32, #tpu.memory_space<hbm>> -> memref<640x80xf32, #tpu.memory_space<hbm>>
      tpu.wait_dma2 semaphore(%run_scoped3A : memref<!tpu.dma_semaphore, #tpu.memory_space<semaphore_mem>>) src(%dma_wait3A_69 : memref<640x80xf32, #tpu.memory_space<hbm>>) dst(%dma_wait3A_67 : memref<640x80xf32, #tpu.memory_space<vmem_shared>>)
      tpu.yield
    }) : () -> ()
    %barrier3A = arith.constant 0 : index
    tpu.barrier barrier_id(%barrier3A)
    %iota3A = tpu.iota {dimensions = array<i32: 0>} : vector<16xi32>
    %broadcast_in_dim3A = arith.constant 0 : i32
    %broadcast_in_dim3A_3 = vector.broadcast %broadcast_in_dim3A : i32 to vector<16xi32>
    %broadcast_in_dim3A_4 = arith.constant 0 : i32
    %broadcast_in_dim3A_5 = vector.broadcast %broadcast_in_dim3A_4 : i32 to vector<16xi32>
    %broadcast_in_dim3A_6 = arith.constant 0 : i32
    %broadcast_in_dim3A_7 = vector.broadcast %broadcast_in_dim3A_6 : i32 to vector<16xi32>
    %broadcast_in_dim3A_8 = arith.constant 0 : i32
    %broadcast_in_dim3A_9 = vector.broadcast %broadcast_in_dim3A_8 : i32 to vector<16xi32>
    %dma_start3A = arith.constant 0 : i32
    %dma_start3A_10 = arith.constant 0 : i32
    %dma_start3A_11 = arith.constant 0 : i32
    %dma_start3A_12 = arith.constant 0 : i32
    %dma_start3A_13 = tpu.memref_slice %arg10[%dma_start3A_10, %dma_start3A_11, %dma_start3A_12] : memref<2x125x80xf32, #tpu.memory_space<vmem>> -> memref<1x125x80xf32, #tpu.memory_space<vmem>>
    %dma_start3A_14 = tpu.memref_squeeze %dma_start3A_13 : memref<1x125x80xf32, #tpu.memory_space<vmem>> -> memref<125x80xf32, #tpu.memory_space<vmem>>
    %dma_start3A_15 = arith.constant 0 : i32
    %dma_start3A_16 = tpu.memref_slice %arg8[%dma_start3A, %dma_start3A_15] : memref<80x125xi32, #tpu.memory_space<vmem>> -> memref<1x125xi32, #tpu.memory_space<vmem>>
    %dma_start3A_17 = tpu.memref_squeeze %dma_start3A_16 : memref<1x125xi32, #tpu.memory_space<vmem>> -> memref<125xi32, #tpu.memory_space<vmem>>
    %dma_start3A_18 = arith.constant 0 : i32
    %dma_start3A_19 = arith.constant 0 : i32
    %dma_start3A_20 = tpu.memref_slice %arg2[%dma_start3A_18, %dma_start3A_19] : memref<10000x80xf32, #tpu.memory_space<hbm>> -> memref<10000x80xf32, #tpu.memory_space<hbm>>
    tpu.enqueue_indirect_dma source(%dma_start3A_20 : memref<10000x80xf32, #tpu.memory_space<hbm>>) target(%dma_start3A_14 : memref<125x80xf32, #tpu.memory_space<vmem>>) offsets(%dma_start3A_17 : memref<125xi32, #tpu.memory_space<vmem>>) semaphore(%arg14 : memref<!tpu.dma_semaphore, #tpu.memory_space<semaphore_mem>>)
    %dma_start3A_21 = arith.constant 0 : i32
    %dma_start3A_22 = arith.constant 0 : i32
    %dma_start3A_23 = arith.constant 0 : i32
    %dma_start3A_24 = arith.constant 0 : i32
    %dma_start3A_25 = tpu.memref_slice %arg11[%dma_start3A_22, %dma_start3A_23, %dma_start3A_24] : memref<2x125x16xf32, #tpu.memory_space<vmem>> -> memref<1x125x16xf32, #tpu.memory_space<vmem>>
    %dma_start3A_26 = tpu.memref_squeeze %dma_start3A_25 : memref<1x125x16xf32, #tpu.memory_space<vmem>> -> memref<125x16xf32, #tpu.memory_space<vmem>>
    %dma_start3A_27 = arith.constant 0 : i32
    %dma_start3A_28 = tpu.memref_slice %arg9[%dma_start3A_21, %dma_start3A_27] : memref<80x125xi32, #tpu.memory_space<vmem>> -> memref<1x125xi32, #tpu.memory_space<vmem>>
    %dma_start3A_29 = tpu.memref_squeeze %dma_start3A_28 : memref<1x125xi32, #tpu.memory_space<vmem>> -> memref<125xi32, #tpu.memory_space<vmem>>
    %dma_start3A_30 = arith.constant 0 : i32
    %dma_start3A_31 = arith.constant 0 : i32
    %dma_start3A_32 = tpu.memref_slice %arg3[%dma_start3A_30, %dma_start3A_31] : memref<10000x16xf32, #tpu.memory_space<hbm>> -> memref<10000x16xf32, #tpu.memory_space<hbm>>
    tpu.enqueue_indirect_dma source(%dma_start3A_32 : memref<10000x16xf32, #tpu.memory_space<hbm>>) target(%dma_start3A_26 : memref<125x16xf32, #tpu.memory_space<vmem>>) offsets(%dma_start3A_29 : memref<125xi32, #tpu.memory_space<vmem>>) semaphore(%arg14 : memref<!tpu.dma_semaphore, #tpu.memory_space<semaphore_mem>>)
    %dma_wait3A = arith.constant 0 : i32
    %dma_wait3A_33 = arith.constant 0 : i32
    %dma_wait3A_34 = arith.constant 0 : i32
    %dma_wait3A_35 = arith.constant 0 : i32
    %dma_wait3A_36 = tpu.memref_slice %arg10[%dma_wait3A_33, %dma_wait3A_34, %dma_wait3A_35] : memref<2x125x80xf32, #tpu.memory_space<vmem>> -> memref<1x125x80xf32, #tpu.memory_space<vmem>>
    %dma_wait3A_37 = tpu.memref_squeeze %dma_wait3A_36 : memref<1x125x80xf32, #tpu.memory_space<vmem>> -> memref<125x80xf32, #tpu.memory_space<vmem>>
    %dma_wait3A_38 = arith.constant 0 : i32
    %dma_wait3A_39 = tpu.memref_slice %arg8[%dma_wait3A, %dma_wait3A_38] : memref<80x125xi32, #tpu.memory_space<vmem>> -> memref<1x125xi32, #tpu.memory_space<vmem>>
    %dma_wait3A_40 = tpu.memref_squeeze %dma_wait3A_39 : memref<1x125xi32, #tpu.memory_space<vmem>> -> memref<125xi32, #tpu.memory_space<vmem>>
    %dma_wait3A_41 = arith.constant 0 : i32
    %dma_wait3A_42 = arith.constant 0 : i32
    %dma_wait3A_43 = tpu.memref_slice %arg2[%dma_wait3A_41, %dma_wait3A_42] : memref<10000x80xf32, #tpu.memory_space<hbm>> -> memref<10000x80xf32, #tpu.memory_space<hbm>>
    tpu.wait_indirect_dma semaphore(%arg14 : memref<!tpu.dma_semaphore, #tpu.memory_space<semaphore_mem>>) src(%dma_wait3A_43 : memref<10000x80xf32, #tpu.memory_space<hbm>>) dst(%dma_wait3A_37 : memref<125x80xf32, #tpu.memory_space<vmem>>)
    %dma_wait3A_44 = arith.constant 0 : i32
    %dma_wait3A_45 = arith.constant 0 : i32
    %dma_wait3A_46 = arith.constant 0 : i32
    %dma_wait3A_47 = arith.constant 0 : i32
    %dma_wait3A_48 = tpu.memref_slice %arg11[%dma_wait3A_45, %dma_wait3A_46, %dma_wait3A_47] : memref<2x125x16xf32, #tpu.memory_space<vmem>> -> memref<1x125x16xf32, #tpu.memory_space<vmem>>
    %dma_wait3A_49 = tpu.memref_squeeze %dma_wait3A_48 : memref<1x125x16xf32, #tpu.memory_space<vmem>> -> memref<125x16xf32, #tpu.memory_space<vmem>>
    %dma_wait3A_50 = arith.constant 0 : i32
    %dma_wait3A_51 = tpu.memref_slice %arg9[%dma_wait3A_44, %dma_wait3A_50] : memref<80x125xi32, #tpu.memory_space<vmem>> -> memref<1x125xi32, #tpu.memory_space<vmem>>
    %dma_wait3A_52 = tpu.memref_squeeze %dma_wait3A_51 : memref<1x125xi32, #tpu.memory_space<vmem>> -> memref<125xi32, #tpu.memory_space<vmem>>
    %dma_wait3A_53 = arith.constant 0 : i32
    %dma_wait3A_54 = arith.constant 0 : i32
    %dma_wait3A_55 = tpu.memref_slice %arg3[%dma_wait3A_53, %dma_wait3A_54] : memref<10000x16xf32, #tpu.memory_space<hbm>> -> memref<10000x16xf32, #tpu.memory_space<hbm>>
    tpu.wait_indirect_dma semaphore(%arg14 : memref<!tpu.dma_semaphore, #tpu.memory_space<semaphore_mem>>) src(%dma_wait3A_55 : memref<10000x16xf32, #tpu.memory_space<hbm>>) dst(%dma_wait3A_49 : memref<125x16xf32, #tpu.memory_space<vmem>>)
    %scan3A = arith.constant 0 : i32
    %scan3A_56 = arith.constant 0 : i32
    %scan3A_57 = arith.constant 40 : i32
    %scan3A_58 = arith.addi %scan3A_56, %scan3A_57 : i32
    %scan3A_59 = arith.constant 1 : i32
    scf.for %scan3A_62 = %scan3A_56 to %scan3A_58 step %scan3A_59  : i32 {
      %mul3A_63 = arith.constant 2 : i32
      %mul3A_64 = arith.muli %mul3A_63, %scan3A_62 : i32
      %add3A_65 = arith.constant 1 : i32
      %add3A_66 = arith.addi %mul3A_64, %add3A_65 : i32
      %dma_start3A_67 = arith.constant 1 : i32
      %dma_start3A_68 = arith.constant 0 : i32
      %dma_start3A_69 = arith.constant 0 : i32
      %dma_start3A_70 = tpu.memref_slice %arg10[%dma_start3A_67, %dma_start3A_68, %dma_start3A_69] : memref<2x125x80xf32, #tpu.memory_space<vmem>> -> memref<1x125x80xf32, #tpu.memory_space<vmem>>
      %dma_start3A_71 = tpu.memref_squeeze %dma_start3A_70 : memref<1x125x80xf32, #tpu.memory_space<vmem>> -> memref<125x80xf32, #tpu.memory_space<vmem>>
      %dma_start3A_72 = arith.constant 0 : i32
      %dma_start3A_73 = tpu.memref_slice %arg8[%add3A_66, %dma_start3A_72] : memref<80x125xi32, #tpu.memory_space<vmem>> -> memref<1x125xi32, #tpu.memory_space<vmem>>
      %dma_start3A_74 = tpu.memref_squeeze %dma_start3A_73 : memref<1x125xi32, #tpu.memory_space<vmem>> -> memref<125xi32, #tpu.memory_space<vmem>>
      %dma_start3A_75 = arith.constant 0 : i32
      %dma_start3A_76 = arith.constant 0 : i32
      %dma_start3A_77 = tpu.memref_slice %arg2[%dma_start3A_75, %dma_start3A_76] : memref<10000x80xf32, #tpu.memory_space<hbm>> -> memref<10000x80xf32, #tpu.memory_space<hbm>>
      tpu.enqueue_indirect_dma source(%dma_start3A_77 : memref<10000x80xf32, #tpu.memory_space<hbm>>) target(%dma_start3A_71 : memref<125x80xf32, #tpu.memory_space<vmem>>) offsets(%dma_start3A_74 : memref<125xi32, #tpu.memory_space<vmem>>) semaphore(%arg15 : memref<!tpu.dma_semaphore, #tpu.memory_space<semaphore_mem>>)
      %dma_start3A_78 = arith.constant 1 : i32
      %dma_start3A_79 = arith.constant 0 : i32
      %dma_start3A_80 = arith.constant 0 : i32
      %dma_start3A_81 = tpu.memref_slice %arg11[%dma_start3A_78, %dma_start3A_79, %dma_start3A_80] : memref<2x125x16xf32, #tpu.memory_space<vmem>> -> memref<1x125x16xf32, #tpu.memory_space<vmem>>
      %dma_start3A_82 = tpu.memref_squeeze %dma_start3A_81 : memref<1x125x16xf32, #tpu.memory_space<vmem>> -> memref<125x16xf32, #tpu.memory_space<vmem>>
      %dma_start3A_83 = arith.constant 0 : i32
      %dma_start3A_84 = tpu.memref_slice %arg9[%add3A_66, %dma_start3A_83] : memref<80x125xi32, #tpu.memory_space<vmem>> -> memref<1x125xi32, #tpu.memory_space<vmem>>
      %dma_start3A_85 = tpu.memref_squeeze %dma_start3A_84 : memref<1x125xi32, #tpu.memory_space<vmem>> -> memref<125xi32, #tpu.memory_space<vmem>>
      %dma_start3A_86 = arith.constant 0 : i32
      %dma_start3A_87 = arith.constant 0 : i32
      %dma_start3A_88 = tpu.memref_slice %arg3[%dma_start3A_86, %dma_start3A_87] : memref<10000x16xf32, #tpu.memory_space<hbm>> -> memref<10000x16xf32, #tpu.memory_space<hbm>>
      tpu.enqueue_indirect_dma source(%dma_start3A_88 : memref<10000x16xf32, #tpu.memory_space<hbm>>) target(%dma_start3A_82 : memref<125x16xf32, #tpu.memory_space<vmem>>) offsets(%dma_start3A_85 : memref<125xi32, #tpu.memory_space<vmem>>) semaphore(%arg15 : memref<!tpu.dma_semaphore, #tpu.memory_space<semaphore_mem>>)
      %scan3A_89 = arith.constant 0 : i32
      %scan3A_90 = arith.constant 0 : i32
      %scan3A_91 = arith.constant 0 : i32
      %scan3A_92 = arith.constant 0 : i32
      %scan3A_93 = arith.constant 0 : i32
      %scan3A_94 = arith.constant 125 : i32
      %scan3A_95 = arith.addi %scan3A_93, %scan3A_94 : i32
      %scan3A_96 = arith.constant 5 : i32
      scf.for %scan3A_222 = %scan3A_93 to %scan3A_95 step %scan3A_96  : i32 {
        %get3A = arith.constant 0 : i32
        %get3A_223 = arith.constant 0 : i32
        %get3A_224 = tpu.memref_slice %arg10[%scan3A_90, %get3A, %get3A_223] : memref<2x125x80xf32, #tpu.memory_space<vmem>> -> memref<1x125x80xf32, #tpu.memory_space<vmem>>
        %get3A_225 = tpu.memref_squeeze %get3A_224 : memref<1x125x80xf32, #tpu.memory_space<vmem>> -> memref<125x80xf32, #tpu.memory_space<vmem>>
        %get3A_226 = arith.index_cast %scan3A_222 : i32 to index
        %get3A_227 = arith.constant 64 : index
        %get3A_228 = tpu.vector_load %get3A_225[%get3A_226, %get3A_227] {strides = array<i32>} : memref<125x80xf32, #tpu.memory_space<vmem>>, vector<16xf32>,
        %get3A_229 = arith.constant 0 : i32
        %get3A_230 = arith.constant 0 : i32
        %get3A_231 = tpu.memref_slice %arg11[%scan3A_91, %get3A_229, %get3A_230] : memref<2x125x16xf32, #tpu.memory_space<vmem>> -> memref<1x125x16xf32, #tpu.memory_space<vmem>>
        %get3A_232 = tpu.memref_squeeze %get3A_231 : memref<1x125x16xf32, #tpu.memory_space<vmem>> -> memref<125x16xf32, #tpu.memory_space<vmem>>
        %get3A_233 = arith.index_cast %scan3A_222 : i32 to index
        %get3A_234 = arith.constant 0 : index
        %get3A_235 = tpu.vector_load %get3A_232[%get3A_233, %get3A_234] {strides = array<i32>} : memref<125x16xf32, #tpu.memory_space<vmem>>, vector<16xf32>,
        %add3A_236 = arith.addf %get3A_228, %get3A_235 : vector<16xf32>
        %mul3A_237 = arith.constant 2.000000e-01 : f32
        %mul3A_238 = vector.broadcast %mul3A_237 : f32 to vector<16xf32>
        %mul3A_239 = arith.mulf %mul3A_238, %add3A_236 : vector<16xf32>
        %max3A = arith.maximumf %add3A_236, %mul3A_239 : vector<16xf32>
        %exp3A = math.exp %max3A : vector<16xf32>
        %swap3A = arith.constant 0 : i32
        %swap3A_240 = arith.constant 0 : i32
        %swap3A_241 = tpu.memref_slice %arg12[%scan3A_92, %swap3A, %swap3A_240] : memref<2x125x80xf32, #tpu.memory_space<vmem>> -> memref<1x125x80xf32, #tpu.memory_space<vmem>>
        %swap3A_242 = tpu.memref_squeeze %swap3A_241 : memref<1x125x80xf32, #tpu.memory_space<vmem>> -> memref<125x80xf32, #tpu.memory_space<vmem>>
        %swap3A_243 = arith.index_cast %scan3A_222 : i32 to index
        %swap3A_244 = arith.constant 64 : index
        %swap3A_245 = tpu.vector_load %swap3A_242[%swap3A_243, %swap3A_244] {strides = array<i32>} : memref<125x80xf32, #tpu.memory_space<vmem>>, vector<16xf32>,
        tpu.vector_store %swap3A_242[%swap3A_243, %swap3A_244], %exp3A {strides = array<i32>} : memref<125x80xf32, #tpu.memory_space<vmem>>, vector<16xf32>,
        %lt3A = arith.constant 0 : i32
        %lt3A_246 = vector.broadcast %lt3A : i32 to vector<16xi32>
        %lt3A_247 = arith.cmpi slt, %broadcast_in_dim3A_3, %lt3A_246 : vector<16xi32>
        %add3A_248 = arith.constant 16 : i32
        %add3A_249 = vector.broadcast %add3A_248 : i32 to vector<16xi32>
        %add3A_250 = arith.addi %broadcast_in_dim3A_3, %add3A_249 : vector<16xi32>
        %select_n3A = arith.select %lt3A_247, %add3A_250, %broadcast_in_dim3A_3 : vector<16xi1>, vector<16xi32>
        %broadcast_in_dim3A_251 = vector.shape_cast %select_n3A : vector<16xi32> to vector<16x1xi32>
        %gather3A = vector.shape_cast %broadcast_in_dim3A_251 : vector<16x1xi32> to vector<16xi32>
        %gather3A_252 = tpu.dynamic_gather %exp3A[%gather3A] in [0] : vector<16xf32>, vector<16xi32> -> vector<16xf32>
        %get3A_253 = arith.constant 0 : i32
        %get3A_254 = arith.constant 0 : i32
        %get3A_255 = tpu.memref_slice %arg10[%scan3A_90, %get3A_253, %get3A_254] : memref<2x125x80xf32, #tpu.memory_space<vmem>> -> memref<1x125x80xf32, #tpu.memory_space<vmem>>
        %get3A_256 = tpu.memref_squeeze %get3A_255 : memref<1x125x80xf32, #tpu.memory_space<vmem>> -> memref<125x80xf32, #tpu.memory_space<vmem>>
        %get3A_257 = arith.index_cast %scan3A_222 : i32 to index
        %get3A_258 = arith.constant 0 : index
        %get3A_259 = tpu.vector_load %get3A_256[%get3A_257, %get3A_258] {strides = array<i32>} : memref<125x80xf32, #tpu.memory_space<vmem>>, vector<16xf32>,
        %mul3A_260 = arith.mulf %get3A_259, %gather3A_252 : vector<16xf32>
        %swap3A_261 = arith.constant 0 : i32
        %swap3A_262 = arith.constant 0 : i32
        %swap3A_263 = tpu.memref_slice %arg12[%scan3A_92, %swap3A_261, %swap3A_262] : memref<2x125x80xf32, #tpu.memory_space<vmem>> -> memref<1x125x80xf32, #tpu.memory_space<vmem>>
        %swap3A_264 = tpu.memref_squeeze %swap3A_263 : memref<1x125x80xf32, #tpu.memory_space<vmem>> -> memref<125x80xf32, #tpu.memory_space<vmem>>
        %swap3A_265 = arith.index_cast %scan3A_222 : i32 to index
        %swap3A_266 = arith.constant 0 : index
        %swap3A_267 = tpu.vector_load %swap3A_264[%swap3A_265, %swap3A_266] {strides = array<i32>} : memref<125x80xf32, #tpu.memory_space<vmem>>, vector<16xf32>,
        tpu.vector_store %swap3A_264[%swap3A_265, %swap3A_266], %mul3A_260 {strides = array<i32>} : memref<125x80xf32, #tpu.memory_space<vmem>>, vector<16xf32>,
        %lt3A_268 = arith.constant 0 : i32
        %lt3A_269 = vector.broadcast %lt3A_268 : i32 to vector<16xi32>
        %lt3A_270 = arith.cmpi slt, %broadcast_in_dim3A_5, %lt3A_269 : vector<16xi32>
        %add3A_271 = arith.constant 16 : i32
        %add3A_272 = vector.broadcast %add3A_271 : i32 to vector<16xi32>
        %add3A_273 = arith.addi %broadcast_in_dim3A_5, %add3A_272 : vector<16xi32>
        %select_n3A_274 = arith.select %lt3A_270, %add3A_273, %broadcast_in_dim3A_5 : vector<16xi1>, vector<16xi32>
        %broadcast_in_dim3A_275 = vector.shape_cast %select_n3A_274 : vector<16xi32> to vector<16x1xi32>
        %gather3A_276 = vector.shape_cast %broadcast_in_dim3A_275 : vector<16x1xi32> to vector<16xi32>
        %gather3A_277 = tpu.dynamic_gather %exp3A[%gather3A_276] in [0] : vector<16xf32>, vector<16xi32> -> vector<16xf32>
        %get3A_278 = arith.constant 0 : i32
        %get3A_279 = arith.constant 0 : i32
        %get3A_280 = tpu.memref_slice %arg10[%scan3A_90, %get3A_278, %get3A_279] : memref<2x125x80xf32, #tpu.memory_space<vmem>> -> memref<1x125x80xf32, #tpu.memory_space<vmem>>
        %get3A_281 = tpu.memref_squeeze %get3A_280 : memref<1x125x80xf32, #tpu.memory_space<vmem>> -> memref<125x80xf32, #tpu.memory_space<vmem>>
        %get3A_282 = arith.index_cast %scan3A_222 : i32 to index
        %get3A_283 = arith.constant 16 : index
        %get3A_284 = tpu.vector_load %get3A_281[%get3A_282, %get3A_283] {strides = array<i32>} : memref<125x80xf32, #tpu.memory_space<vmem>>, vector<16xf32>,
        %mul3A_285 = arith.mulf %get3A_284, %gather3A_277 : vector<16xf32>
        %swap3A_286 = arith.constant 0 : i32
        %swap3A_287 = arith.constant 0 : i32
        %swap3A_288 = tpu.memref_slice %arg12[%scan3A_92, %swap3A_286, %swap3A_287] : memref<2x125x80xf32, #tpu.memory_space<vmem>> -> memref<1x125x80xf32, #tpu.memory_space<vmem>>
        %swap3A_289 = tpu.memref_squeeze %swap3A_288 : memref<1x125x80xf32, #tpu.memory_space<vmem>> -> memref<125x80xf32, #tpu.memory_space<vmem>>
        %swap3A_290 = arith.index_cast %scan3A_222 : i32 to index
        %swap3A_291 = arith.constant 16 : index
        %swap3A_292 = tpu.vector_load %swap3A_289[%swap3A_290, %swap3A_291] {strides = array<i32>} : memref<125x80xf32, #tpu.memory_space<vmem>>, vector<16xf32>,
        tpu.vector_store %swap3A_289[%swap3A_290, %swap3A_291], %mul3A_285 {strides = array<i32>} : memref<125x80xf32, #tpu.memory_space<vmem>>, vector<16xf32>,
        %lt3A_293 = arith.constant 0 : i32
        %lt3A_294 = vector.broadcast %lt3A_293 : i32 to vector<16xi32>
        %lt3A_295 = arith.cmpi slt, %broadcast_in_dim3A_7, %lt3A_294 : vector<16xi32>
        %add3A_296 = arith.constant 16 : i32
        %add3A_297 = vector.broadcast %add3A_296 : i32 to vector<16xi32>
        %add3A_298 = arith.addi %broadcast_in_dim3A_7, %add3A_297 : vector<16xi32>
        %select_n3A_299 = arith.select %lt3A_295, %add3A_298, %broadcast_in_dim3A_7 : vector<16xi1>, vector<16xi32>
        %broadcast_in_dim3A_300 = vector.shape_cast %select_n3A_299 : vector<16xi32> to vector<16x1xi32>
        %gather3A_301 = vector.shape_cast %broadcast_in_dim3A_300 : vector<16x1xi32> to vector<16xi32>
        %gather3A_302 = tpu.dynamic_gather %exp3A[%gather3A_301] in [0] : vector<16xf32>, vector<16xi32> -> vector<16xf32>
        %get3A_303 = arith.constant 0 : i32
        %get3A_304 = arith.constant 0 : i32
        %get3A_305 = tpu.memref_slice %arg10[%scan3A_90, %get3A_303, %get3A_304] : memref<2x125x80xf32, #tpu.memory_space<vmem>> -> memref<1x125x80xf32, #tpu.memory_space<vmem>>
        %get3A_306 = tpu.memref_squeeze %get3A_305 : memref<1x125x80xf32, #tpu.memory_space<vmem>> -> memref<125x80xf32, #tpu.memory_space<vmem>>
        %get3A_307 = arith.index_cast %scan3A_222 : i32 to index
        %get3A_308 = arith.constant 32 : index
        %get3A_309 = tpu.vector_load %get3A_306[%get3A_307, %get3A_308] {strides = array<i32>} : memref<125x80xf32, #tpu.memory_space<vmem>>, vector<16xf32>,
        %mul3A_310 = arith.mulf %get3A_309, %gather3A_302 : vector<16xf32>
        %swap3A_311 = arith.constant 0 : i32
        %swap3A_312 = arith.constant 0 : i32
        %swap3A_313 = tpu.memref_slice %arg12[%scan3A_92, %swap3A_311, %swap3A_312] : memref<2x125x80xf32, #tpu.memory_space<vmem>> -> memref<1x125x80xf32, #tpu.memory_space<vmem>>
        %swap3A_314 = tpu.memref_squeeze %swap3A_313 : memref<1x125x80xf32, #tpu.memory_space<vmem>> -> memref<125x80xf32, #tpu.memory_space<vmem>>
        %swap3A_315 = arith.index_cast %scan3A_222 : i32 to index
        %swap3A_316 = arith.constant 32 : index
        %swap3A_317 = tpu.vector_load %swap3A_314[%swap3A_315, %swap3A_316] {strides = array<i32>} : memref<125x80xf32, #tpu.memory_space<vmem>>, vector<16xf32>,
        tpu.vector_store %swap3A_314[%swap3A_315, %swap3A_316], %mul3A_310 {strides = array<i32>} : memref<125x80xf32, #tpu.memory_space<vmem>>, vector<16xf32>,
        %lt3A_318 = arith.constant 0 : i32
        %lt3A_319 = vector.broadcast %lt3A_318 : i32 to vector<16xi32>
        %lt3A_320 = arith.cmpi slt, %broadcast_in_dim3A_9, %lt3A_319 : vector<16xi32>
        %add3A_321 = arith.constant 16 : i32
        %add3A_322 = vector.broadcast %add3A_321 : i32 to vector<16xi32>
        %add3A_323 = arith.addi %broadcast_in_dim3A_9, %add3A_322 : vector<16xi32>
        %select_n3A_324 = arith.select %lt3A_320, %add3A_323, %broadcast_in_dim3A_9 : vector<16xi1>, vector<16xi32>
        %broadcast_in_dim3A_325 = vector.shape_cast %select_n3A_324 : vector<16xi32> to vector<16x1xi32>
        %gather3A_326 = vector.shape_cast %broadcast_in_dim3A_325 : vector<16x1xi32> to vector<16xi32>
        %gather3A_327 = tpu.dynamic_gather %exp3A[%gather3A_326] in [0] : vector<16xf32>, vector<16xi32> -> vector<16xf32>
        %get3A_328 = arith.constant 0 : i32
        %get3A_329 = arith.constant 0 : i32
        %get3A_330 = tpu.memref_slice %arg10[%scan3A_90, %get3A_328, %get3A_329] : memref<2x125x80xf32, #tpu.memory_space<vmem>> -> memref<1x125x80xf32, #tpu.memory_space<vmem>>
        %get3A_331 = tpu.memref_squeeze %get3A_330 : memref<1x125x80xf32, #tpu.memory_space<vmem>> -> memref<125x80xf32, #tpu.memory_space<vmem>>
        %get3A_332 = arith.index_cast %scan3A_222 : i32 to index
        %get3A_333 = arith.constant 48 : index
        %get3A_334 = tpu.vector_load %get3A_331[%get3A_332, %get3A_333] {strides = array<i32>} : memref<125x80xf32, #tpu.memory_space<vmem>>, vector<16xf32>,
        %mul3A_335 = arith.mulf %get3A_334, %gather3A_327 : vector<16xf32>
        %swap3A_336 = arith.constant 0 : i32
        %swap3A_337 = arith.constant 0 : i32
        %swap3A_338 = tpu.memref_slice %arg12[%scan3A_92, %swap3A_336, %swap3A_337] : memref<2x125x80xf32, #tpu.memory_space<vmem>> -> memref<1x125x80xf32, #tpu.memory_space<vmem>>
        %swap3A_339 = tpu.memref_squeeze %swap3A_338 : memref<1x125x80xf32, #tpu.memory_space<vmem>> -> memref<125x80xf32, #tpu.memory_space<vmem>>
        %swap3A_340 = arith.index_cast %scan3A_222 : i32 to index
        %swap3A_341 = arith.constant 48 : index
        %swap3A_342 = tpu.vector_load %swap3A_339[%swap3A_340, %swap3A_341] {strides = array<i32>} : memref<125x80xf32, #tpu.memory_space<vmem>>, vector<16xf32>,
        tpu.vector_store %swap3A_339[%swap3A_340, %swap3A_341], %mul3A_335 {strides = array<i32>} : memref<125x80xf32, #tpu.memory_space<vmem>>, vector<16xf32>,
        %scan3A_343 = arith.constant 1 : i32
        %scan3A_344 = arith.addi %scan3A_222, %scan3A_343 : i32
        %get3A_345 = arith.constant 0 : i32
        %get3A_346 = arith.constant 0 : i32
        %get3A_347 = tpu.memref_slice %arg10[%scan3A_90, %get3A_345, %get3A_346] : memref<2x125x80xf32, #tpu.memory_space<vmem>> -> memref<1x125x80xf32, #tpu.memory_space<vmem>>
        %get3A_348 = tpu.memref_squeeze %get3A_347 : memref<1x125x80xf32, #tpu.memory_space<vmem>> -> memref<125x80xf32, #tpu.memory_space<vmem>>
        %get3A_349 = arith.index_cast %scan3A_344 : i32 to index
        %get3A_350 = arith.constant 64 : index
        %get3A_351 = tpu.vector_load %get3A_348[%get3A_349, %get3A_350] {strides = array<i32>} : memref<125x80xf32, #tpu.memory_space<vmem>>, vector<16xf32>,
        %get3A_352 = arith.constant 0 : i32
        %get3A_353 = arith.constant 0 : i32
        %get3A_354 = tpu.memref_slice %arg11[%scan3A_91, %get3A_352, %get3A_353] : memref<2x125x16xf32, #tpu.memory_space<vmem>> -> memref<1x125x16xf32, #tpu.memory_space<vmem>>
        %get3A_355 = tpu.memref_squeeze %get3A_354 : memref<1x125x16xf32, #tpu.memory_space<vmem>> -> memref<125x16xf32, #tpu.memory_space<vmem>>
        %get3A_356 = arith.index_cast %scan3A_344 : i32 to index
        %get3A_357 = arith.constant 0 : index
        %get3A_358 = tpu.vector_load %get3A_355[%get3A_356, %get3A_357] {strides = array<i32>} : memref<125x16xf32, #tpu.memory_space<vmem>>, vector<16xf32>,
        %add3A_359 = arith.addf %get3A_351, %get3A_358 : vector<16xf32>
        %mul3A_360 = arith.constant 2.000000e-01 : f32
        %mul3A_361 = vector.broadcast %mul3A_360 : f32 to vector<16xf32>
        %mul3A_362 = arith.mulf %mul3A_361, %add3A_359 : vector<16xf32>
        %max3A_363 = arith.maximumf %add3A_359, %mul3A_362 : vector<16xf32>
        %exp3A_364 = math.exp %max3A_363 : vector<16xf32>
        %swap3A_365 = arith.constant 0 : i32
        %swap3A_366 = arith.constant 0 : i32
        %swap3A_367 = tpu.memref_slice %arg12[%scan3A_92, %swap3A_365, %swap3A_366] : memref<2x125x80xf32, #tpu.memory_space<vmem>> -> memref<1x125x80xf32, #tpu.memory_space<vmem>>
        %swap3A_368 = tpu.memref_squeeze %swap3A_367 : memref<1x125x80xf32, #tpu.memory_space<vmem>> -> memref<125x80xf32, #tpu.memory_space<vmem>>
        %swap3A_369 = arith.index_cast %scan3A_344 : i32 to index
        %swap3A_370 = arith.constant 64 : index
        %swap3A_371 = tpu.vector_load %swap3A_368[%swap3A_369, %swap3A_370] {strides = array<i32>} : memref<125x80xf32, #tpu.memory_space<vmem>>, vector<16xf32>,
        tpu.vector_store %swap3A_368[%swap3A_369, %swap3A_370], %exp3A_364 {strides = array<i32>} : memref<125x80xf32, #tpu.memory_space<vmem>>, vector<16xf32>,
        %lt3A_372 = arith.constant 0 : i32
        %lt3A_373 = vector.broadcast %lt3A_372 : i32 to vector<16xi32>
        %lt3A_374 = arith.cmpi slt, %broadcast_in_dim3A_3, %lt3A_373 : vector<16xi32>
        %add3A_375 = arith.constant 16 : i32
        %add3A_376 = vector.broadcast %add3A_375 : i32 to vector<16xi32>
        %add3A_377 = arith.addi %broadcast_in_dim3A_3, %add3A_376 : vector<16xi32>
        %select_n3A_378 = arith.select %lt3A_374, %add3A_377, %broadcast_in_dim3A_3 : vector<16xi1>, vector<16xi32>
        %broadcast_in_dim3A_379 = vector.shape_cast %select_n3A_378 : vector<16xi32> to vector<16x1xi32>
        %gather3A_380 = vector.shape_cast %broadcast_in_dim3A_379 : vector<16x1xi32> to vector<16xi32>
        %gather3A_381 = tpu.dynamic_gather %exp3A_364[%gather3A_380] in [0] : vector<16xf32>, vector<16xi32> -> vector<16xf32>
        %get3A_382 = arith.constant 0 : i32
        %get3A_383 = arith.constant 0 : i32
        %get3A_384 = tpu.memref_slice %arg10[%scan3A_90, %get3A_382, %get3A_383] : memref<2x125x80xf32, #tpu.memory_space<vmem>> -> memref<1x125x80xf32, #tpu.memory_space<vmem>>
        %get3A_385 = tpu.memref_squeeze %get3A_384 : memref<1x125x80xf32, #tpu.memory_space<vmem>> -> memref<125x80xf32, #tpu.memory_space<vmem>>
        %get3A_386 = arith.index_cast %scan3A_344 : i32 to index
        %get3A_387 = arith.constant 0 : index
        %get3A_388 = tpu.vector_load %get3A_385[%get3A_386, %get3A_387] {strides = array<i32>} : memref<125x80xf32, #tpu.memory_space<vmem>>, vector<16xf32>,
        %mul3A_389 = arith.mulf %get3A_388, %gather3A_381 : vector<16xf32>
        %swap3A_390 = arith.constant 0 : i32
        %swap3A_391 = arith.constant 0 : i32
        %swap3A_392 = tpu.memref_slice %arg12[%scan3A_92, %swap3A_390, %swap3A_391] : memref<2x125x80xf32, #tpu.memory_space<vmem>> -> memref<1x125x80xf32, #tpu.memory_space<vmem>>
        %swap3A_393 = tpu.memref_squeeze %swap3A_392 : memref<1x125x80xf32, #tpu.memory_space<vmem>> -> memref<125x80xf32, #tpu.memory_space<vmem>>
        %swap3A_394 = arith.index_cast %scan3A_344 : i32 to index
        %swap3A_395 = arith.constant 0 : index
        %swap3A_396 = tpu.vector_load %swap3A_393[%swap3A_394, %swap3A_395] {strides = array<i32>} : memref<125x80xf32, #tpu.memory_space<vmem>>, vector<16xf32>,
        tpu.vector_store %swap3A_393[%swap3A_394, %swap3A_395], %mul3A_389 {strides = array<i32>} : memref<125x80xf32, #tpu.memory_space<vmem>>, vector<16xf32>,
        %lt3A_397 = arith.constant 0 : i32
        %lt3A_398 = vector.broadcast %lt3A_397 : i32 to vector<16xi32>
        %lt3A_399 = arith.cmpi slt, %broadcast_in_dim3A_5, %lt3A_398 : vector<16xi32>
        %add3A_400 = arith.constant 16 : i32
        %add3A_401 = vector.broadcast %add3A_400 : i32 to vector<16xi32>
        %add3A_402 = arith.addi %broadcast_in_dim3A_5, %add3A_401 : vector<16xi32>
        %select_n3A_403 = arith.select %lt3A_399, %add3A_402, %broadcast_in_dim3A_5 : vector<16xi1>, vector<16xi32>
        %broadcast_in_dim3A_404 = vector.shape_cast %select_n3A_403 : vector<16xi32> to vector<16x1xi32>
        %gather3A_405 = vector.shape_cast %broadcast_in_dim3A_404 : vector<16x1xi32> to vector<16xi32>
        %gather3A_406 = tpu.dynamic_gather %exp3A_364[%gather3A_405] in [0] : vector<16xf32>, vector<16xi32> -> vector<16xf32>
        %get3A_407 = arith.constant 0 : i32
        %get3A_408 = arith.constant 0 : i32
        %get3A_409 = tpu.memref_slice %arg10[%scan3A_90, %get3A_407, %get3A_408] : memref<2x125x80xf32, #tpu.memory_space<vmem>> -> memref<1x125x80xf32, #tpu.memory_space<vmem>>
        %get3A_410 = tpu.memref_squeeze %get3A_409 : memref<1x125x80xf32, #tpu.memory_space<vmem>> -> memref<125x80xf32, #tpu.memory_space<vmem>>
        %get3A_411 = arith.index_cast %scan3A_344 : i32 to index
        %get3A_412 = arith.constant 16 : index
        %get3A_413 = tpu.vector_load %get3A_410[%get3A_411, %get3A_412] {strides = array<i32>} : memref<125x80xf32, #tpu.memory_space<vmem>>, vector<16xf32>,
        %mul3A_414 = arith.mulf %get3A_413, %gather3A_406 : vector<16xf32>
        %swap3A_415 = arith.constant 0 : i32
        %swap3A_416 = arith.constant 0 : i32
        %swap3A_417 = tpu.memref_slice %arg12[%scan3A_92, %swap3A_415, %swap3A_416] : memref<2x125x80xf32, #tpu.memory_space<vmem>> -> memref<1x125x80xf32, #tpu.memory_space<vmem>>
        %swap3A_418 = tpu.memref_squeeze %swap3A_417 : memref<1x125x80xf32, #tpu.memory_space<vmem>> -> memref<125x80xf32, #tpu.memory_space<vmem>>
        %swap3A_419 = arith.index_cast %scan3A_344 : i32 to index
        %swap3A_420 = arith.constant 16 : index
        %swap3A_421 = tpu.vector_load %swap3A_418[%swap3A_419, %swap3A_420] {strides = array<i32>} : memref<125x80xf32, #tpu.memory_space<vmem>>, vector<16xf32>,
        tpu.vector_store %swap3A_418[%swap3A_419, %swap3A_420], %mul3A_414 {strides = array<i32>} : memref<125x80xf32, #tpu.memory_space<vmem>>, vector<16xf32>,
        %lt3A_422 = arith.constant 0 : i32
        %lt3A_423 = vector.broadcast %lt3A_422 : i32 to vector<16xi32>
        %lt3A_424 = arith.cmpi slt, %broadcast_in_dim3A_7, %lt3A_423 : vector<16xi32>
        %add3A_425 = arith.constant 16 : i32
        %add3A_426 = vector.broadcast %add3A_425 : i32 to vector<16xi32>
        %add3A_427 = arith.addi %broadcast_in_dim3A_7, %add3A_426 : vector<16xi32>
        %select_n3A_428 = arith.select %lt3A_424, %add3A_427, %broadcast_in_dim3A_7 : vector<16xi1>, vector<16xi32>
        %broadcast_in_dim3A_429 = vector.shape_cast %select_n3A_428 : vector<16xi32> to vector<16x1xi32>
        %gather3A_430 = vector.shape_cast %broadcast_in_dim3A_429 : vector<16x1xi32> to vector<16xi32>
        %gather3A_431 = tpu.dynamic_gather %exp3A_364[%gather3A_430] in [0] : vector<16xf32>, vector<16xi32> -> vector<16xf32>
        %get3A_432 = arith.constant 0 : i32
        %get3A_433 = arith.constant 0 : i32
        %get3A_434 = tpu.memref_slice %arg10[%scan3A_90, %get3A_432, %get3A_433] : memref<2x125x80xf32, #tpu.memory_space<vmem>> -> memref<1x125x80xf32, #tpu.memory_space<vmem>>
        %get3A_435 = tpu.memref_squeeze %get3A_434 : memref<1x125x80xf32, #tpu.memory_space<vmem>> -> memref<125x80xf32, #tpu.memory_space<vmem>>
        %get3A_436 = arith.index_cast %scan3A_344 : i32 to index
        %get3A_437 = arith.constant 32 : index
        %get3A_438 = tpu.vector_load %get3A_435[%get3A_436, %get3A_437] {strides = array<i32>} : memref<125x80xf32, #tpu.memory_space<vmem>>, vector<16xf32>,
        %mul3A_439 = arith.mulf %get3A_438, %gather3A_431 : vector<16xf32>
        %swap3A_440 = arith.constant 0 : i32
        %swap3A_441 = arith.constant 0 : i32
        %swap3A_442 = tpu.memref_slice %arg12[%scan3A_92, %swap3A_440, %swap3A_441] : memref<2x125x80xf32, #tpu.memory_space<vmem>> -> memref<1x125x80xf32, #tpu.memory_space<vmem>>
        %swap3A_443 = tpu.memref_squeeze %swap3A_442 : memref<1x125x80xf32, #tpu.memory_space<vmem>> -> memref<125x80xf32, #tpu.memory_space<vmem>>
        %swap3A_444 = arith.index_cast %scan3A_344 : i32 to index
        %swap3A_445 = arith.constant 32 : index
        %swap3A_446 = tpu.vector_load %swap3A_443[%swap3A_444, %swap3A_445] {strides = array<i32>} : memref<125x80xf32, #tpu.memory_space<vmem>>, vector<16xf32>,
        tpu.vector_store %swap3A_443[%swap3A_444, %swap3A_445], %mul3A_439 {strides = array<i32>} : memref<125x80xf32, #tpu.memory_space<vmem>>, vector<16xf32>,
        %lt3A_447 = arith.constant 0 : i32
        %lt3A_448 = vector.broadcast %lt3A_447 : i32 to vector<16xi32>
        %lt3A_449 = arith.cmpi slt, %broadcast_in_dim3A_9, %lt3A_448 : vector<16xi32>
        %add3A_450 = arith.constant 16 : i32
        %add3A_451 = vector.broadcast %add3A_450 : i32 to vector<16xi32>
        %add3A_452 = arith.addi %broadcast_in_dim3A_9, %add3A_451 : vector<16xi32>
        %select_n3A_453 = arith.select %lt3A_449, %add3A_452, %broadcast_in_dim3A_9 : vector<16xi1>, vector<16xi32>
        %broadcast_in_dim3A_454 = vector.shape_cast %select_n3A_453 : vector<16xi32> to vector<16x1xi32>
        %gather3A_455 = vector.shape_cast %broadcast_in_dim3A_454 : vector<16x1xi32> to vector<16xi32>
        %gather3A_456 = tpu.dynamic_gather %exp3A_364[%gather3A_455] in [0] : vector<16xf32>, vector<16xi32> -> vector<16xf32>
        %get3A_457 = arith.constant 0 : i32
        %get3A_458 = arith.constant 0 : i32
        %get3A_459 = tpu.memref_slice %arg10[%scan3A_90, %get3A_457, %get3A_458] : memref<2x125x80xf32, #tpu.memory_space<vmem>> -> memref<1x125x80xf32, #tpu.memory_space<vmem>>
        %get3A_460 = tpu.memref_squeeze %get3A_459 : memref<1x125x80xf32, #tpu.memory_space<vmem>> -> memref<125x80xf32, #tpu.memory_space<vmem>>
        %get3A_461 = arith.index_cast %scan3A_344 : i32 to index
        %get3A_462 = arith.constant 48 : index
        %get3A_463 = tpu.vector_load %get3A_460[%get3A_461, %get3A_462] {strides = array<i32>} : memref<125x80xf32, #tpu.memory_space<vmem>>, vector<16xf32>,
        %mul3A_464 = arith.mulf %get3A_463, %gather3A_456 : vector<16xf32>
        %swap3A_465 = arith.constant 0 : i32
        %swap3A_466 = arith.constant 0 : i32
        %swap3A_467 = tpu.memref_slice %arg12[%scan3A_92, %swap3A_465, %swap3A_466] : memref<2x125x80xf32, #tpu.memory_space<vmem>> -> memref<1x125x80xf32, #tpu.memory_space<vmem>>
        %swap3A_468 = tpu.memref_squeeze %swap3A_467 : memref<1x125x80xf32, #tpu.memory_space<vmem>> -> memref<125x80xf32, #tpu.memory_space<vmem>>
        %swap3A_469 = arith.index_cast %scan3A_344 : i32 to index
        %swap3A_470 = arith.constant 48 : index
        %swap3A_471 = tpu.vector_load %swap3A_468[%swap3A_469, %swap3A_470] {strides = array<i32>} : memref<125x80xf32, #tpu.memory_space<vmem>>, vector<16xf32>,
        tpu.vector_store %swap3A_468[%swap3A_469, %swap3A_470], %mul3A_464 {strides = array<i32>} : memref<125x80xf32, #tpu.memory_space<vmem>>, vector<16xf32>,
        %scan3A_472 = arith.constant 2 : i32
        %scan3A_473 = arith.addi %scan3A_222, %scan3A_472 : i32
        %get3A_474 = arith.constant 0 : i32
        %get3A_475 = arith.constant 0 : i32
        %get3A_476 = tpu.memref_slice %arg10[%scan3A_90, %get3A_474, %get3A_475] : memref<2x125x80xf32, #tpu.memory_space<vmem>> -> memref<1x125x80xf32, #tpu.memory_space<vmem>>
        %get3A_477 = tpu.memref_squeeze %get3A_476 : memref<1x125x80xf32, #tpu.memory_space<vmem>> -> memref<125x80xf32, #tpu.memory_space<vmem>>
        %get3A_478 = arith.index_cast %scan3A_473 : i32 to index
        %get3A_479 = arith.constant 64 : index
        %get3A_480 = tpu.vector_load %get3A_477[%get3A_478, %get3A_479] {strides = array<i32>} : memref<125x80xf32, #tpu.memory_space<vmem>>, vector<16xf32>,
        %get3A_481 = arith.constant 0 : i32
        %get3A_482 = arith.constant 0 : i32
        %get3A_483 = tpu.memref_slice %arg11[%scan3A_91, %get3A_481, %get3A_482] : memref<2x125x16xf32, #tpu.memory_space<vmem>> -> memref<1x125x16xf32, #tpu.memory_space<vmem>>
        %get3A_484 = tpu.memref_squeeze %get3A_483 : memref<1x125x16xf32, #tpu.memory_space<vmem>> -> memref<125x16xf32, #tpu.memory_space<vmem>>
        %get3A_485 = arith.index_cast %scan3A_473 : i32 to index
        %get3A_486 = arith.constant 0 : index
        %get3A_487 = tpu.vector_load %get3A_484[%get3A_485, %get3A_486] {strides = array<i32>} : memref<125x16xf32, #tpu.memory_space<vmem>>, vector<16xf32>,
        %add3A_488 = arith.addf %get3A_480, %get3A_487 : vector<16xf32>
        %mul3A_489 = arith.constant 2.000000e-01 : f32
        %mul3A_490 = vector.broadcast %mul3A_489 : f32 to vector<16xf32>
        %mul3A_491 = arith.mulf %mul3A_490, %add3A_488 : vector<16xf32>
        %max3A_492 = arith.maximumf %add3A_488, %mul3A_491 : vector<16xf32>
        %exp3A_493 = math.exp %max3A_492 : vector<16xf32>
        %swap3A_494 = arith.constant 0 : i32
        %swap3A_495 = arith.constant 0 : i32
        %swap3A_496 = tpu.memref_slice %arg12[%scan3A_92, %swap3A_494, %swap3A_495] : memref<2x125x80xf32, #tpu.memory_space<vmem>> -> memref<1x125x80xf32, #tpu.memory_space<vmem>>
        %swap3A_497 = tpu.memref_squeeze %swap3A_496 : memref<1x125x80xf32, #tpu.memory_space<vmem>> -> memref<125x80xf32, #tpu.memory_space<vmem>>
        %swap3A_498 = arith.index_cast %scan3A_473 : i32 to index
        %swap3A_499 = arith.constant 64 : index
        %swap3A_500 = tpu.vector_load %swap3A_497[%swap3A_498, %swap3A_499] {strides = array<i32>} : memref<125x80xf32, #tpu.memory_space<vmem>>, vector<16xf32>,
        tpu.vector_store %swap3A_497[%swap3A_498, %swap3A_499], %exp3A_493 {strides = array<i32>} : memref<125x80xf32, #tpu.memory_space<vmem>>, vector<16xf32>,
        %lt3A_501 = arith.constant 0 : i32
        %lt3A_502 = vector.broadcast %lt3A_501 : i32 to vector<16xi32>
        %lt3A_503 = arith.cmpi slt, %broadcast_in_dim3A_3, %lt3A_502 : vector<16xi32>
        %add3A_504 = arith.constant 16 : i32
        %add3A_505 = vector.broadcast %add3A_504 : i32 to vector<16xi32>
        %add3A_506 = arith.addi %broadcast_in_dim3A_3, %add3A_505 : vector<16xi32>
        %select_n3A_507 = arith.select %lt3A_503, %add3A_506, %broadcast_in_dim3A_3 : vector<16xi1>, vector<16xi32>
        %broadcast_in_dim3A_508 = vector.shape_cast %select_n3A_507 : vector<16xi32> to vector<16x1xi32>
        %gather3A_509 = vector.shape_cast %broadcast_in_dim3A_508 : vector<16x1xi32> to vector<16xi32>
        %gather3A_510 = tpu.dynamic_gather %exp3A_493[%gather3A_509] in [0] : vector<16xf32>, vector<16xi32> -> vector<16xf32>
        %get3A_511 = arith.constant 0 : i32
        %get3A_512 = arith.constant 0 : i32
        %get3A_513 = tpu.memref_slice %arg10[%scan3A_90, %get3A_511, %get3A_512] : memref<2x125x80xf32, #tpu.memory_space<vmem>> -> memref<1x125x80xf32, #tpu.memory_space<vmem>>
        %get3A_514 = tpu.memref_squeeze %get3A_513 : memref<1x125x80xf32, #tpu.memory_space<vmem>> -> memref<125x80xf32, #tpu.memory_space<vmem>>
        %get3A_515 = arith.index_cast %scan3A_473 : i32 to index
        %get3A_516 = arith.constant 0 : index
        %get3A_517 = tpu.vector_load %get3A_514[%get3A_515, %get3A_516] {strides = array<i32>} : memref<125x80xf32, #tpu.memory_space<vmem>>, vector<16xf32>,
        %mul3A_518 = arith.mulf %get3A_517, %gather3A_510 : vector<16xf32>
        %swap3A_519 = arith.constant 0 : i32
        %swap3A_520 = arith.constant 0 : i32
        %swap3A_521 = tpu.memref_slice %arg12[%scan3A_92, %swap3A_519, %swap3A_520] : memref<2x125x80xf32, #tpu.memory_space<vmem>> -> memref<1x125x80xf32, #tpu.memory_space<vmem>>
        %swap3A_522 = tpu.memref_squeeze %swap3A_521 : memref<1x125x80xf32, #tpu.memory_space<vmem>> -> memref<125x80xf32, #tpu.memory_space<vmem>>
        %swap3A_523 = arith.index_cast %scan3A_473 : i32 to index
        %swap3A_524 = arith.constant 0 : index
        %swap3A_525 = tpu.vector_load %swap3A_522[%swap3A_523, %swap3A_524] {strides = array<i32>} : memref<125x80xf32, #tpu.memory_space<vmem>>, vector<16xf32>,
        tpu.vector_store %swap3A_522[%swap3A_523, %swap3A_524], %mul3A_518 {strides = array<i32>} : memref<125x80xf32, #tpu.memory_space<vmem>>, vector<16xf32>,
        %lt3A_526 = arith.constant 0 : i32
        %lt3A_527 = vector.broadcast %lt3A_526 : i32 to vector<16xi32>
        %lt3A_528 = arith.cmpi slt, %broadcast_in_dim3A_5, %lt3A_527 : vector<16xi32>
        %add3A_529 = arith.constant 16 : i32
        %add3A_530 = vector.broadcast %add3A_529 : i32 to vector<16xi32>
        %add3A_531 = arith.addi %broadcast_in_dim3A_5, %add3A_530 : vector<16xi32>
        %select_n3A_532 = arith.select %lt3A_528, %add3A_531, %broadcast_in_dim3A_5 : vector<16xi1>, vector<16xi32>
        %broadcast_in_dim3A_533 = vector.shape_cast %select_n3A_532 : vector<16xi32> to vector<16x1xi32>
        %gather3A_534 = vector.shape_cast %broadcast_in_dim3A_533 : vector<16x1xi32> to vector<16xi32>
        %gather3A_535 = tpu.dynamic_gather %exp3A_493[%gather3A_534] in [0] : vector<16xf32>, vector<16xi32> -> vector<16xf32>
        %get3A_536 = arith.constant 0 : i32
        %get3A_537 = arith.constant 0 : i32
        %get3A_538 = tpu.memref_slice %arg10[%scan3A_90, %get3A_536, %get3A_537] : memref<2x125x80xf32, #tpu.memory_space<vmem>> -> memref<1x125x80xf32, #tpu.memory_space<vmem>>
        %get3A_539 = tpu.memref_squeeze %get3A_538 : memref<1x125x80xf32, #tpu.memory_space<vmem>> -> memref<125x80xf32, #tpu.memory_space<vmem>>
        %get3A_540 = arith.index_cast %scan3A_473 : i32 to index
        %get3A_541 = arith.constant 16 : index
        %get3A_542 = tpu.vector_load %get3A_539[%get3A_540, %get3A_541] {strides = array<i32>} : memref<125x80xf32, #tpu.memory_space<vmem>>, vector<16xf32>,
        %mul3A_543 = arith.mulf %get3A_542, %gather3A_535 : vector<16xf32>
        %swap3A_544 = arith.constant 0 : i32
        %swap3A_545 = arith.constant 0 : i32
        %swap3A_546 = tpu.memref_slice %arg12[%scan3A_92, %swap3A_544, %swap3A_545] : memref<2x125x80xf32, #tpu.memory_space<vmem>> -> memref<1x125x80xf32, #tpu.memory_space<vmem>>
        %swap3A_547 = tpu.memref_squeeze %swap3A_546 : memref<1x125x80xf32, #tpu.memory_space<vmem>> -> memref<125x80xf32, #tpu.memory_space<vmem>>
        %swap3A_548 = arith.index_cast %scan3A_473 : i32 to index
        %swap3A_549 = arith.constant 16 : index
        %swap3A_550 = tpu.vector_load %swap3A_547[%swap3A_548, %swap3A_549] {strides = array<i32>} : memref<125x80xf32, #tpu.memory_space<vmem>>, vector<16xf32>,
        tpu.vector_store %swap3A_547[%swap3A_548, %swap3A_549], %mul3A_543 {strides = array<i32>} : memref<125x80xf32, #tpu.memory_space<vmem>>, vector<16xf32>,
        %lt3A_551 = arith.constant 0 : i32
        %lt3A_552 = vector.broadcast %lt3A_551 : i32 to vector<16xi32>
        %lt3A_553 = arith.cmpi slt, %broadcast_in_dim3A_7, %lt3A_552 : vector<16xi32>
        %add3A_554 = arith.constant 16 : i32
        %add3A_555 = vector.broadcast %add3A_554 : i32 to vector<16xi32>
        %add3A_556 = arith.addi %broadcast_in_dim3A_7, %add3A_555 : vector<16xi32>
        %select_n3A_557 = arith.select %lt3A_553, %add3A_556, %broadcast_in_dim3A_7 : vector<16xi1>, vector<16xi32>
        %broadcast_in_dim3A_558 = vector.shape_cast %select_n3A_557 : vector<16xi32> to vector<16x1xi32>
        %gather3A_559 = vector.shape_cast %broadcast_in_dim3A_558 : vector<16x1xi32> to vector<16xi32>
        %gather3A_560 = tpu.dynamic_gather %exp3A_493[%gather3A_559] in [0] : vector<16xf32>, vector<16xi32> -> vector<16xf32>
        %get3A_561 = arith.constant 0 : i32
        %get3A_562 = arith.constant 0 : i32
        %get3A_563 = tpu.memref_slice %arg10[%scan3A_90, %get3A_561, %get3A_562] : memref<2x125x80xf32, #tpu.memory_space<vmem>> -> memref<1x125x80xf32, #tpu.memory_space<vmem>>
        %get3A_564 = tpu.memref_squeeze %get3A_563 : memref<1x125x80xf32, #tpu.memory_space<vmem>> -> memref<125x80xf32, #tpu.memory_space<vmem>>
        %get3A_565 = arith.index_cast %scan3A_473 : i32 to index
        %get3A_566 = arith.constant 32 : index
        %get3A_567 = tpu.vector_load %get3A_564[%get3A_565, %get3A_566] {strides = array<i32>} : memref<125x80xf32, #tpu.memory_space<vmem>>, vector<16xf32>,
        %mul3A_568 = arith.mulf %get3A_567, %gather3A_560 : vector<16xf32>
        %swap3A_569 = arith.constant 0 : i32
        %swap3A_570 = arith.constant 0 : i32
        %swap3A_571 = tpu.memref_slice %arg12[%scan3A_92, %swap3A_569, %swap3A_570] : memref<2x125x80xf32, #tpu.memory_space<vmem>> -> memref<1x125x80xf32, #tpu.memory_space<vmem>>
        %swap3A_572 = tpu.memref_squeeze %swap3A_571 : memref<1x125x80xf32, #tpu.memory_space<vmem>> -> memref<125x80xf32, #tpu.memory_space<vmem>>
        %swap3A_573 = arith.index_cast %scan3A_473 : i32 to index
        %swap3A_574 = arith.constant 32 : index
        %swap3A_575 = tpu.vector_load %swap3A_572[%swap3A_573, %swap3A_574] {strides = array<i32>} : memref<125x80xf32, #tpu.memory_space<vmem>>, vector<16xf32>,
        tpu.vector_store %swap3A_572[%swap3A_573, %swap3A_574], %mul3A_568 {strides = array<i32>} : memref<125x80xf32, #tpu.memory_space<vmem>>, vector<16xf32>,
        %lt3A_576 = arith.constant 0 : i32
        %lt3A_577 = vector.broadcast %lt3A_576 : i32 to vector<16xi32>
        %lt3A_578 = arith.cmpi slt, %broadcast_in_dim3A_9, %lt3A_577 : vector<16xi32>
        %add3A_579 = arith.constant 16 : i32
        %add3A_580 = vector.broadcast %add3A_579 : i32 to vector<16xi32>
        %add3A_581 = arith.addi %broadcast_in_dim3A_9, %add3A_580 : vector<16xi32>
        %select_n3A_582 = arith.select %lt3A_578, %add3A_581, %broadcast_in_dim3A_9 : vector<16xi1>, vector<16xi32>
        %broadcast_in_dim3A_583 = vector.shape_cast %select_n3A_582 : vector<16xi32> to vector<16x1xi32>
        %gather3A_584 = vector.shape_cast %broadcast_in_dim3A_583 : vector<16x1xi32> to vector<16xi32>
        %gather3A_585 = tpu.dynamic_gather %exp3A_493[%gather3A_584] in [0] : vector<16xf32>, vector<16xi32> -> vector<16xf32>
        %get3A_586 = arith.constant 0 : i32
        %get3A_587 = arith.constant 0 : i32
        %get3A_588 = tpu.memref_slice %arg10[%scan3A_90, %get3A_586, %get3A_587] : memref<2x125x80xf32, #tpu.memory_space<vmem>> -> memref<1x125x80xf32, #tpu.memory_space<vmem>>
        %get3A_589 = tpu.memref_squeeze %get3A_588 : memref<1x125x80xf32, #tpu.memory_space<vmem>> -> memref<125x80xf32, #tpu.memory_space<vmem>>
        %get3A_590 = arith.index_cast %scan3A_473 : i32 to index
        %get3A_591 = arith.constant 48 : index
        %get3A_592 = tpu.vector_load %get3A_589[%get3A_590, %get3A_591] {strides = array<i32>} : memref<125x80xf32, #tpu.memory_space<vmem>>, vector<16xf32>,
        %mul3A_593 = arith.mulf %get3A_592, %gather3A_585 : vector<16xf32>
        %swap3A_594 = arith.constant 0 : i32
        %swap3A_595 = arith.constant 0 : i32
        %swap3A_596 = tpu.memref_slice %arg12[%scan3A_92, %swap3A_594, %swap3A_595] : memref<2x125x80xf32, #tpu.memory_space<vmem>> -> memref<1x125x80xf32, #tpu.memory_space<vmem>>
        %swap3A_597 = tpu.memref_squeeze %swap3A_596 : memref<1x125x80xf32, #tpu.memory_space<vmem>> -> memref<125x80xf32, #tpu.memory_space<vmem>>
        %swap3A_598 = arith.index_cast %scan3A_473 : i32 to index
        %swap3A_599 = arith.constant 48 : index
        %swap3A_600 = tpu.vector_load %swap3A_597[%swap3A_598, %swap3A_599] {strides = array<i32>} : memref<125x80xf32, #tpu.memory_space<vmem>>, vector<16xf32>,
        tpu.vector_store %swap3A_597[%swap3A_598, %swap3A_599], %mul3A_593 {strides = array<i32>} : memref<125x80xf32, #tpu.memory_space<vmem>>, vector<16xf32>,
        %scan3A_601 = arith.constant 3 : i32
        %scan3A_602 = arith.addi %scan3A_222, %scan3A_601 : i32
        %get3A_603 = arith.constant 0 : i32
        %get3A_604 = arith.constant 0 : i32
        %get3A_605 = tpu.memref_slice %arg10[%scan3A_90, %get3A_603, %get3A_604] : memref<2x125x80xf32, #tpu.memory_space<vmem>> -> memref<1x125x80xf32, #tpu.memory_space<vmem>>
        %get3A_606 = tpu.memref_squeeze %get3A_605 : memref<1x125x80xf32, #tpu.memory_space<vmem>> -> memref<125x80xf32, #tpu.memory_space<vmem>>
        %get3A_607 = arith.index_cast %scan3A_602 : i32 to index
        %get3A_608 = arith.constant 64 : index
        %get3A_609 = tpu.vector_load %get3A_606[%get3A_607, %get3A_608] {strides = array<i32>} : memref<125x80xf32, #tpu.memory_space<vmem>>, vector<16xf32>,
        %get3A_610 = arith.constant 0 : i32
        %get3A_611 = arith.constant 0 : i32
        %get3A_612 = tpu.memref_slice %arg11[%scan3A_91, %get3A_610, %get3A_611] : memref<2x125x16xf32, #tpu.memory_space<vmem>> -> memref<1x125x16xf32, #tpu.memory_space<vmem>>
        %get3A_613 = tpu.memref_squeeze %get3A_612 : memref<1x125x16xf32, #tpu.memory_space<vmem>> -> memref<125x16xf32, #tpu.memory_space<vmem>>
        %get3A_614 = arith.index_cast %scan3A_602 : i32 to index
        %get3A_615 = arith.constant 0 : index
        %get3A_616 = tpu.vector_load %get3A_613[%get3A_614, %get3A_615] {strides = array<i32>} : memref<125x16xf32, #tpu.memory_space<vmem>>, vector<16xf32>,
        %add3A_617 = arith.addf %get3A_609, %get3A_616 : vector<16xf32>
        %mul3A_618 = arith.constant 2.000000e-01 : f32
        %mul3A_619 = vector.broadcast %mul3A_618 : f32 to vector<16xf32>
        %mul3A_620 = arith.mulf %mul3A_619, %add3A_617 : vector<16xf32>
        %max3A_621 = arith.maximumf %add3A_617, %mul3A_620 : vector<16xf32>
        %exp3A_622 = math.exp %max3A_621 : vector<16xf32>
        %swap3A_623 = arith.constant 0 : i32
        %swap3A_624 = arith.constant 0 : i32
        %swap3A_625 = tpu.memref_slice %arg12[%scan3A_92, %swap3A_623, %swap3A_624] : memref<2x125x80xf32, #tpu.memory_space<vmem>> -> memref<1x125x80xf32, #tpu.memory_space<vmem>>
        %swap3A_626 = tpu.memref_squeeze %swap3A_625 : memref<1x125x80xf32, #tpu.memory_space<vmem>> -> memref<125x80xf32, #tpu.memory_space<vmem>>
        %swap3A_627 = arith.index_cast %scan3A_602 : i32 to index
        %swap3A_628 = arith.constant 64 : index
        %swap3A_629 = tpu.vector_load %swap3A_626[%swap3A_627, %swap3A_628] {strides = array<i32>} : memref<125x80xf32, #tpu.memory_space<vmem>>, vector<16xf32>,
        tpu.vector_store %swap3A_626[%swap3A_627, %swap3A_628], %exp3A_622 {strides = array<i32>} : memref<125x80xf32, #tpu.memory_space<vmem>>, vector<16xf32>,
        %lt3A_630 = arith.constant 0 : i32
        %lt3A_631 = vector.broadcast %lt3A_630 : i32 to vector<16xi32>
        %lt3A_632 = arith.cmpi slt, %broadcast_in_dim3A_3, %lt3A_631 : vector<16xi32>
        %add3A_633 = arith.constant 16 : i32
        %add3A_634 = vector.broadcast %add3A_633 : i32 to vector<16xi32>
        %add3A_635 = arith.addi %broadcast_in_dim3A_3, %add3A_634 : vector<16xi32>
        %select_n3A_636 = arith.select %lt3A_632, %add3A_635, %broadcast_in_dim3A_3 : vector<16xi1>, vector<16xi32>
        %broadcast_in_dim3A_637 = vector.shape_cast %select_n3A_636 : vector<16xi32> to vector<16x1xi32>
        %gather3A_638 = vector.shape_cast %broadcast_in_dim3A_637 : vector<16x1xi32> to vector<16xi32>
        %gather3A_639 = tpu.dynamic_gather %exp3A_622[%gather3A_638] in [0] : vector<16xf32>, vector<16xi32> -> vector<16xf32>
        %get3A_640 = arith.constant 0 : i32
        %get3A_641 = arith.constant 0 : i32
        %get3A_642 = tpu.memref_slice %arg10[%scan3A_90, %get3A_640, %get3A_641] : memref<2x125x80xf32, #tpu.memory_space<vmem>> -> memref<1x125x80xf32, #tpu.memory_space<vmem>>
        %get3A_643 = tpu.memref_squeeze %get3A_642 : memref<1x125x80xf32, #tpu.memory_space<vmem>> -> memref<125x80xf32, #tpu.memory_space<vmem>>
        %get3A_644 = arith.index_cast %scan3A_602 : i32 to index
        %get3A_645 = arith.constant 0 : index
        %get3A_646 = tpu.vector_load %get3A_643[%get3A_644, %get3A_645] {strides = array<i32>} : memref<125x80xf32, #tpu.memory_space<vmem>>, vector<16xf32>,
        %mul3A_647 = arith.mulf %get3A_646, %gather3A_639 : vector<16xf32>
        %swap3A_648 = arith.constant 0 : i32
        %swap3A_649 = arith.constant 0 : i32
        %swap3A_650 = tpu.memref_slice %arg12[%scan3A_92, %swap3A_648, %swap3A_649] : memref<2x125x80xf32, #tpu.memory_space<vmem>> -> memref<1x125x80xf32, #tpu.memory_space<vmem>>
        %swap3A_651 = tpu.memref_squeeze %swap3A_650 : memref<1x125x80xf32, #tpu.memory_space<vmem>> -> memref<125x80xf32, #tpu.memory_space<vmem>>
        %swap3A_652 = arith.index_cast %scan3A_602 : i32 to index
        %swap3A_653 = arith.constant 0 : index
        %swap3A_654 = tpu.vector_load %swap3A_651[%swap3A_652, %swap3A_653] {strides = array<i32>} : memref<125x80xf32, #tpu.memory_space<vmem>>, vector<16xf32>,
        tpu.vector_store %swap3A_651[%swap3A_652, %swap3A_653], %mul3A_647 {strides = array<i32>} : memref<125x80xf32, #tpu.memory_space<vmem>>, vector<16xf32>,
        %lt3A_655 = arith.constant 0 : i32
        %lt3A_656 = vector.broadcast %lt3A_655 : i32 to vector<16xi32>
        %lt3A_657 = arith.cmpi slt, %broadcast_in_dim3A_5, %lt3A_656 : vector<16xi32>
        %add3A_658 = arith.constant 16 : i32
        %add3A_659 = vector.broadcast %add3A_658 : i32 to vector<16xi32>
        %add3A_660 = arith.addi %broadcast_in_dim3A_5, %add3A_659 : vector<16xi32>
        %select_n3A_661 = arith.select %lt3A_657, %add3A_660, %broadcast_in_dim3A_5 : vector<16xi1>, vector<16xi32>
        %broadcast_in_dim3A_662 = vector.shape_cast %select_n3A_661 : vector<16xi32> to vector<16x1xi32>
        %gather3A_663 = vector.shape_cast %broadcast_in_dim3A_662 : vector<16x1xi32> to vector<16xi32>
        %gather3A_664 = tpu.dynamic_gather %exp3A_622[%gather3A_663] in [0] : vector<16xf32>, vector<16xi32> -> vector<16xf32>
        %get3A_665 = arith.constant 0 : i32
        %get3A_666 = arith.constant 0 : i32
        %get3A_667 = tpu.memref_slice %arg10[%scan3A_90, %get3A_665, %get3A_666] : memref<2x125x80xf32, #tpu.memory_space<vmem>> -> memref<1x125x80xf32, #tpu.memory_space<vmem>>
        %get3A_668 = tpu.memref_squeeze %get3A_667 : memref<1x125x80xf32, #tpu.memory_space<vmem>> -> memref<125x80xf32, #tpu.memory_space<vmem>>
        %get3A_669 = arith.index_cast %scan3A_602 : i32 to index
        %get3A_670 = arith.constant 16 : index
        %get3A_671 = tpu.vector_load %get3A_668[%get3A_669, %get3A_670] {strides = array<i32>} : memref<125x80xf32, #tpu.memory_space<vmem>>, vector<16xf32>,
        %mul3A_672 = arith.mulf %get3A_671, %gather3A_664 : vector<16xf32>
        %swap3A_673 = arith.constant 0 : i32
        %swap3A_674 = arith.constant 0 : i32
        %swap3A_675 = tpu.memref_slice %arg12[%scan3A_92, %swap3A_673, %swap3A_674] : memref<2x125x80xf32, #tpu.memory_space<vmem>> -> memref<1x125x80xf32, #tpu.memory_space<vmem>>
        %swap3A_676 = tpu.memref_squeeze %swap3A_675 : memref<1x125x80xf32, #tpu.memory_space<vmem>> -> memref<125x80xf32, #tpu.memory_space<vmem>>
        %swap3A_677 = arith.index_cast %scan3A_602 : i32 to index
        %swap3A_678 = arith.constant 16 : index
        %swap3A_679 = tpu.vector_load %swap3A_676[%swap3A_677, %swap3A_678] {strides = array<i32>} : memref<125x80xf32, #tpu.memory_space<vmem>>, vector<16xf32>,
        tpu.vector_store %swap3A_676[%swap3A_677, %swap3A_678], %mul3A_672 {strides = array<i32>} : memref<125x80xf32, #tpu.memory_space<vmem>>, vector<16xf32>,
        %lt3A_680 = arith.constant 0 : i32
        %lt3A_681 = vector.broadcast %lt3A_680 : i32 to vector<16xi32>
        %lt3A_682 = arith.cmpi slt, %broadcast_in_dim3A_7, %lt3A_681 : vector<16xi32>
        %add3A_683 = arith.constant 16 : i32
        %add3A_684 = vector.broadcast %add3A_683 : i32 to vector<16xi32>
        %add3A_685 = arith.addi %broadcast_in_dim3A_7, %add3A_684 : vector<16xi32>
        %select_n3A_686 = arith.select %lt3A_682, %add3A_685, %broadcast_in_dim3A_7 : vector<16xi1>, vector<16xi32>
        %broadcast_in_dim3A_687 = vector.shape_cast %select_n3A_686 : vector<16xi32> to vector<16x1xi32>
        %gather3A_688 = vector.shape_cast %broadcast_in_dim3A_687 : vector<16x1xi32> to vector<16xi32>
        %gather3A_689 = tpu.dynamic_gather %exp3A_622[%gather3A_688] in [0] : vector<16xf32>, vector<16xi32> -> vector<16xf32>
        %get3A_690 = arith.constant 0 : i32
        %get3A_691 = arith.constant 0 : i32
        %get3A_692 = tpu.memref_slice %arg10[%scan3A_90, %get3A_690, %get3A_691] : memref<2x125x80xf32, #tpu.memory_space<vmem>> -> memref<1x125x80xf32, #tpu.memory_space<vmem>>
        %get3A_693 = tpu.memref_squeeze %get3A_692 : memref<1x125x80xf32, #tpu.memory_space<vmem>> -> memref<125x80xf32, #tpu.memory_space<vmem>>
        %get3A_694 = arith.index_cast %scan3A_602 : i32 to index
        %get3A_695 = arith.constant 32 : index
        %get3A_696 = tpu.vector_load %get3A_693[%get3A_694, %get3A_695] {strides = array<i32>} : memref<125x80xf32, #tpu.memory_space<vmem>>, vector<16xf32>,
        %mul3A_697 = arith.mulf %get3A_696, %gather3A_689 : vector<16xf32>
        %swap3A_698 = arith.constant 0 : i32
        %swap3A_699 = arith.constant 0 : i32
        %swap3A_700 = tpu.memref_slice %arg12[%scan3A_92, %swap3A_698, %swap3A_699] : memref<2x125x80xf32, #tpu.memory_space<vmem>> -> memref<1x125x80xf32, #tpu.memory_space<vmem>>
        %swap3A_701 = tpu.memref_squeeze %swap3A_700 : memref<1x125x80xf32, #tpu.memory_space<vmem>> -> memref<125x80xf32, #tpu.memory_space<vmem>>
        %swap3A_702 = arith.index_cast %scan3A_602 : i32 to index
        %swap3A_703 = arith.constant 32 : index
        %swap3A_704 = tpu.vector_load %swap3A_701[%swap3A_702, %swap3A_703] {strides = array<i32>} : memref<125x80xf32, #tpu.memory_space<vmem>>, vector<16xf32>,
        tpu.vector_store %swap3A_701[%swap3A_702, %swap3A_703], %mul3A_697 {strides = array<i32>} : memref<125x80xf32, #tpu.memory_space<vmem>>, vector<16xf32>,
        %lt3A_705 = arith.constant 0 : i32
        %lt3A_706 = vector.broadcast %lt3A_705 : i32 to vector<16xi32>
        %lt3A_707 = arith.cmpi slt, %broadcast_in_dim3A_9, %lt3A_706 : vector<16xi32>
        %add3A_708 = arith.constant 16 : i32
        %add3A_709 = vector.broadcast %add3A_708 : i32 to vector<16xi32>
        %add3A_710 = arith.addi %broadcast_in_dim3A_9, %add3A_709 : vector<16xi32>
        %select_n3A_711 = arith.select %lt3A_707, %add3A_710, %broadcast_in_dim3A_9 : vector<16xi1>, vector<16xi32>
        %broadcast_in_dim3A_712 = vector.shape_cast %select_n3A_711 : vector<16xi32> to vector<16x1xi32>
        %gather3A_713 = vector.shape_cast %broadcast_in_dim3A_712 : vector<16x1xi32> to vector<16xi32>
        %gather3A_714 = tpu.dynamic_gather %exp3A_622[%gather3A_713] in [0] : vector<16xf32>, vector<16xi32> -> vector<16xf32>
        %get3A_715 = arith.constant 0 : i32
        %get3A_716 = arith.constant 0 : i32
        %get3A_717 = tpu.memref_slice %arg10[%scan3A_90, %get3A_715, %get3A_716] : memref<2x125x80xf32, #tpu.memory_space<vmem>> -> memref<1x125x80xf32, #tpu.memory_space<vmem>>
        %get3A_718 = tpu.memref_squeeze %get3A_717 : memref<1x125x80xf32, #tpu.memory_space<vmem>> -> memref<125x80xf32, #tpu.memory_space<vmem>>
        %get3A_719 = arith.index_cast %scan3A_602 : i32 to index
        %get3A_720 = arith.constant 48 : index
        %get3A_721 = tpu.vector_load %get3A_718[%get3A_719, %get3A_720] {strides = array<i32>} : memref<125x80xf32, #tpu.memory_space<vmem>>, vector<16xf32>,
        %mul3A_722 = arith.mulf %get3A_721, %gather3A_714 : vector<16xf32>
        %swap3A_723 = arith.constant 0 : i32
        %swap3A_724 = arith.constant 0 : i32
        %swap3A_725 = tpu.memref_slice %arg12[%scan3A_92, %swap3A_723, %swap3A_724] : memref<2x125x80xf32, #tpu.memory_space<vmem>> -> memref<1x125x80xf32, #tpu.memory_space<vmem>>
        %swap3A_726 = tpu.memref_squeeze %swap3A_725 : memref<1x125x80xf32, #tpu.memory_space<vmem>> -> memref<125x80xf32, #tpu.memory_space<vmem>>
        %swap3A_727 = arith.index_cast %scan3A_602 : i32 to index
        %swap3A_728 = arith.constant 48 : index
        %swap3A_729 = tpu.vector_load %swap3A_726[%swap3A_727, %swap3A_728] {strides = array<i32>} : memref<125x80xf32, #tpu.memory_space<vmem>>, vector<16xf32>,
        tpu.vector_store %swap3A_726[%swap3A_727, %swap3A_728], %mul3A_722 {strides = array<i32>} : memref<125x80xf32, #tpu.memory_space<vmem>>, vector<16xf32>,
        %scan3A_730 = arith.constant 4 : i32
        %scan3A_731 = arith.addi %scan3A_222, %scan3A_730 : i32
        %get3A_732 = arith.constant 0 : i32
        %get3A_733 = arith.constant 0 : i32
        %get3A_734 = tpu.memref_slice %arg10[%scan3A_90, %get3A_732, %get3A_733] : memref<2x125x80xf32, #tpu.memory_space<vmem>> -> memref<1x125x80xf32, #tpu.memory_space<vmem>>
        %get3A_735 = tpu.memref_squeeze %get3A_734 : memref<1x125x80xf32, #tpu.memory_space<vmem>> -> memref<125x80xf32, #tpu.memory_space<vmem>>
        %get3A_736 = arith.index_cast %scan3A_731 : i32 to index
        %get3A_737 = arith.constant 64 : index
        %get3A_738 = tpu.vector_load %get3A_735[%get3A_736, %get3A_737] {strides = array<i32>} : memref<125x80xf32, #tpu.memory_space<vmem>>, vector<16xf32>,
        %get3A_739 = arith.constant 0 : i32
        %get3A_740 = arith.constant 0 : i32
        %get3A_741 = tpu.memref_slice %arg11[%scan3A_91, %get3A_739, %get3A_740] : memref<2x125x16xf32, #tpu.memory_space<vmem>> -> memref<1x125x16xf32, #tpu.memory_space<vmem>>
        %get3A_742 = tpu.memref_squeeze %get3A_741 : memref<1x125x16xf32, #tpu.memory_space<vmem>> -> memref<125x16xf32, #tpu.memory_space<vmem>>
        %get3A_743 = arith.index_cast %scan3A_731 : i32 to index
        %get3A_744 = arith.constant 0 : index
        %get3A_745 = tpu.vector_load %get3A_742[%get3A_743, %get3A_744] {strides = array<i32>} : memref<125x16xf32, #tpu.memory_space<vmem>>, vector<16xf32>,
        %add3A_746 = arith.addf %get3A_738, %get3A_745 : vector<16xf32>
        %mul3A_747 = arith.constant 2.000000e-01 : f32
        %mul3A_748 = vector.broadcast %mul3A_747 : f32 to vector<16xf32>
        %mul3A_749 = arith.mulf %mul3A_748, %add3A_746 : vector<16xf32>
        %max3A_750 = arith.maximumf %add3A_746, %mul3A_749 : vector<16xf32>
        %exp3A_751 = math.exp %max3A_750 : vector<16xf32>
        %swap3A_752 = arith.constant 0 : i32
        %swap3A_753 = arith.constant 0 : i32
        %swap3A_754 = tpu.memref_slice %arg12[%scan3A_92, %swap3A_752, %swap3A_753] : memref<2x125x80xf32, #tpu.memory_space<vmem>> -> memref<1x125x80xf32, #tpu.memory_space<vmem>>
        %swap3A_755 = tpu.memref_squeeze %swap3A_754 : memref<1x125x80xf32, #tpu.memory_space<vmem>> -> memref<125x80xf32, #tpu.memory_space<vmem>>
        %swap3A_756 = arith.index_cast %scan3A_731 : i32 to index
        %swap3A_757 = arith.constant 64 : index
        %swap3A_758 = tpu.vector_load %swap3A_755[%swap3A_756, %swap3A_757] {strides = array<i32>} : memref<125x80xf32, #tpu.memory_space<vmem>>, vector<16xf32>,
        tpu.vector_store %swap3A_755[%swap3A_756, %swap3A_757], %exp3A_751 {strides = array<i32>} : memref<125x80xf32, #tpu.memory_space<vmem>>, vector<16xf32>,
        %lt3A_759 = arith.constant 0 : i32
        %lt3A_760 = vector.broadcast %lt3A_759 : i32 to vector<16xi32>
        %lt3A_761 = arith.cmpi slt, %broadcast_in_dim3A_3, %lt3A_760 : vector<16xi32>
        %add3A_762 = arith.constant 16 : i32
        %add3A_763 = vector.broadcast %add3A_762 : i32 to vector<16xi32>
        %add3A_764 = arith.addi %broadcast_in_dim3A_3, %add3A_763 : vector<16xi32>
        %select_n3A_765 = arith.select %lt3A_761, %add3A_764, %broadcast_in_dim3A_3 : vector<16xi1>, vector<16xi32>
        %broadcast_in_dim3A_766 = vector.shape_cast %select_n3A_765 : vector<16xi32> to vector<16x1xi32>
        %gather3A_767 = vector.shape_cast %broadcast_in_dim3A_766 : vector<16x1xi32> to vector<16xi32>
        %gather3A_768 = tpu.dynamic_gather %exp3A_751[%gather3A_767] in [0] : vector<16xf32>, vector<16xi32> -> vector<16xf32>
        %get3A_769 = arith.constant 0 : i32
        %get3A_770 = arith.constant 0 : i32
        %get3A_771 = tpu.memref_slice %arg10[%scan3A_90, %get3A_769, %get3A_770] : memref<2x125x80xf32, #tpu.memory_space<vmem>> -> memref<1x125x80xf32, #tpu.memory_space<vmem>>
        %get3A_772 = tpu.memref_squeeze %get3A_771 : memref<1x125x80xf32, #tpu.memory_space<vmem>> -> memref<125x80xf32, #tpu.memory_space<vmem>>
        %get3A_773 = arith.index_cast %scan3A_731 : i32 to index
        %get3A_774 = arith.constant 0 : index
        %get3A_775 = tpu.vector_load %get3A_772[%get3A_773, %get3A_774] {strides = array<i32>} : memref<125x80xf32, #tpu.memory_space<vmem>>, vector<16xf32>,
        %mul3A_776 = arith.mulf %get3A_775, %gather3A_768 : vector<16xf32>
        %swap3A_777 = arith.constant 0 : i32
        %swap3A_778 = arith.constant 0 : i32
        %swap3A_779 = tpu.memref_slice %arg12[%scan3A_92, %swap3A_777, %swap3A_778] : memref<2x125x80xf32, #tpu.memory_space<vmem>> -> memref<1x125x80xf32, #tpu.memory_space<vmem>>
        %swap3A_780 = tpu.memref_squeeze %swap3A_779 : memref<1x125x80xf32, #tpu.memory_space<vmem>> -> memref<125x80xf32, #tpu.memory_space<vmem>>
        %swap3A_781 = arith.index_cast %scan3A_731 : i32 to index
        %swap3A_782 = arith.constant 0 : index
        %swap3A_783 = tpu.vector_load %swap3A_780[%swap3A_781, %swap3A_782] {strides = array<i32>} : memref<125x80xf32, #tpu.memory_space<vmem>>, vector<16xf32>,
        tpu.vector_store %swap3A_780[%swap3A_781, %swap3A_782], %mul3A_776 {strides = array<i32>} : memref<125x80xf32, #tpu.memory_space<vmem>>, vector<16xf32>,
        %lt3A_784 = arith.constant 0 : i32
        %lt3A_785 = vector.broadcast %lt3A_784 : i32 to vector<16xi32>
        %lt3A_786 = arith.cmpi slt, %broadcast_in_dim3A_5, %lt3A_785 : vector<16xi32>
        %add3A_787 = arith.constant 16 : i32
        %add3A_788 = vector.broadcast %add3A_787 : i32 to vector<16xi32>
        %add3A_789 = arith.addi %broadcast_in_dim3A_5, %add3A_788 : vector<16xi32>
        %select_n3A_790 = arith.select %lt3A_786, %add3A_789, %broadcast_in_dim3A_5 : vector<16xi1>, vector<16xi32>
        %broadcast_in_dim3A_791 = vector.shape_cast %select_n3A_790 : vector<16xi32> to vector<16x1xi32>
        %gather3A_792 = vector.shape_cast %broadcast_in_dim3A_791 : vector<16x1xi32> to vector<16xi32>
        %gather3A_793 = tpu.dynamic_gather %exp3A_751[%gather3A_792] in [0] : vector<16xf32>, vector<16xi32> -> vector<16xf32>
        %get3A_794 = arith.constant 0 : i32
        %get3A_795 = arith.constant 0 : i32
        %get3A_796 = tpu.memref_slice %arg10[%scan3A_90, %get3A_794, %get3A_795] : memref<2x125x80xf32, #tpu.memory_space<vmem>> -> memref<1x125x80xf32, #tpu.memory_space<vmem>>
        %get3A_797 = tpu.memref_squeeze %get3A_796 : memref<1x125x80xf32, #tpu.memory_space<vmem>> -> memref<125x80xf32, #tpu.memory_space<vmem>>
        %get3A_798 = arith.index_cast %scan3A_731 : i32 to index
        %get3A_799 = arith.constant 16 : index
        %get3A_800 = tpu.vector_load %get3A_797[%get3A_798, %get3A_799] {strides = array<i32>} : memref<125x80xf32, #tpu.memory_space<vmem>>, vector<16xf32>,
        %mul3A_801 = arith.mulf %get3A_800, %gather3A_793 : vector<16xf32>
        %swap3A_802 = arith.constant 0 : i32
        %swap3A_803 = arith.constant 0 : i32
        %swap3A_804 = tpu.memref_slice %arg12[%scan3A_92, %swap3A_802, %swap3A_803] : memref<2x125x80xf32, #tpu.memory_space<vmem>> -> memref<1x125x80xf32, #tpu.memory_space<vmem>>
        %swap3A_805 = tpu.memref_squeeze %swap3A_804 : memref<1x125x80xf32, #tpu.memory_space<vmem>> -> memref<125x80xf32, #tpu.memory_space<vmem>>
        %swap3A_806 = arith.index_cast %scan3A_731 : i32 to index
        %swap3A_807 = arith.constant 16 : index
        %swap3A_808 = tpu.vector_load %swap3A_805[%swap3A_806, %swap3A_807] {strides = array<i32>} : memref<125x80xf32, #tpu.memory_space<vmem>>, vector<16xf32>,
        tpu.vector_store %swap3A_805[%swap3A_806, %swap3A_807], %mul3A_801 {strides = array<i32>} : memref<125x80xf32, #tpu.memory_space<vmem>>, vector<16xf32>,
        %lt3A_809 = arith.constant 0 : i32
        %lt3A_810 = vector.broadcast %lt3A_809 : i32 to vector<16xi32>
        %lt3A_811 = arith.cmpi slt, %broadcast_in_dim3A_7, %lt3A_810 : vector<16xi32>
        %add3A_812 = arith.constant 16 : i32
        %add3A_813 = vector.broadcast %add3A_812 : i32 to vector<16xi32>
        %add3A_814 = arith.addi %broadcast_in_dim3A_7, %add3A_813 : vector<16xi32>
        %select_n3A_815 = arith.select %lt3A_811, %add3A_814, %broadcast_in_dim3A_7 : vector<16xi1>, vector<16xi32>
        %broadcast_in_dim3A_816 = vector.shape_cast %select_n3A_815 : vector<16xi32> to vector<16x1xi32>
        %gather3A_817 = vector.shape_cast %broadcast_in_dim3A_816 : vector<16x1xi32> to vector<16xi32>
        %gather3A_818 = tpu.dynamic_gather %exp3A_751[%gather3A_817] in [0] : vector<16xf32>, vector<16xi32> -> vector<16xf32>
        %get3A_819 = arith.constant 0 : i32
        %get3A_820 = arith.constant 0 : i32
        %get3A_821 = tpu.memref_slice %arg10[%scan3A_90, %get3A_819, %get3A_820] : memref<2x125x80xf32, #tpu.memory_space<vmem>> -> memref<1x125x80xf32, #tpu.memory_space<vmem>>
        %get3A_822 = tpu.memref_squeeze %get3A_821 : memref<1x125x80xf32, #tpu.memory_space<vmem>> -> memref<125x80xf32, #tpu.memory_space<vmem>>
        %get3A_823 = arith.index_cast %scan3A_731 : i32 to index
        %get3A_824 = arith.constant 32 : index
        %get3A_825 = tpu.vector_load %get3A_822[%get3A_823, %get3A_824] {strides = array<i32>} : memref<125x80xf32, #tpu.memory_space<vmem>>, vector<16xf32>,
        %mul3A_826 = arith.mulf %get3A_825, %gather3A_818 : vector<16xf32>
        %swap3A_827 = arith.constant 0 : i32
        %swap3A_828 = arith.constant 0 : i32
        %swap3A_829 = tpu.memref_slice %arg12[%scan3A_92, %swap3A_827, %swap3A_828] : memref<2x125x80xf32, #tpu.memory_space<vmem>> -> memref<1x125x80xf32, #tpu.memory_space<vmem>>
        %swap3A_830 = tpu.memref_squeeze %swap3A_829 : memref<1x125x80xf32, #tpu.memory_space<vmem>> -> memref<125x80xf32, #tpu.memory_space<vmem>>
        %swap3A_831 = arith.index_cast %scan3A_731 : i32 to index
        %swap3A_832 = arith.constant 32 : index
        %swap3A_833 = tpu.vector_load %swap3A_830[%swap3A_831, %swap3A_832] {strides = array<i32>} : memref<125x80xf32, #tpu.memory_space<vmem>>, vector<16xf32>,
        tpu.vector_store %swap3A_830[%swap3A_831, %swap3A_832], %mul3A_826 {strides = array<i32>} : memref<125x80xf32, #tpu.memory_space<vmem>>, vector<16xf32>,
        %lt3A_834 = arith.constant 0 : i32
        %lt3A_835 = vector.broadcast %lt3A_834 : i32 to vector<16xi32>
        %lt3A_836 = arith.cmpi slt, %broadcast_in_dim3A_9, %lt3A_835 : vector<16xi32>
        %add3A_837 = arith.constant 16 : i32
        %add3A_838 = vector.broadcast %add3A_837 : i32 to vector<16xi32>
        %add3A_839 = arith.addi %broadcast_in_dim3A_9, %add3A_838 : vector<16xi32>
        %select_n3A_840 = arith.select %lt3A_836, %add3A_839, %broadcast_in_dim3A_9 : vector<16xi1>, vector<16xi32>
        %broadcast_in_dim3A_841 = vector.shape_cast %select_n3A_840 : vector<16xi32> to vector<16x1xi32>
        %gather3A_842 = vector.shape_cast %broadcast_in_dim3A_841 : vector<16x1xi32> to vector<16xi32>
        %gather3A_843 = tpu.dynamic_gather %exp3A_751[%gather3A_842] in [0] : vector<16xf32>, vector<16xi32> -> vector<16xf32>
        %get3A_844 = arith.constant 0 : i32
        %get3A_845 = arith.constant 0 : i32
        %get3A_846 = tpu.memref_slice %arg10[%scan3A_90, %get3A_844, %get3A_845] : memref<2x125x80xf32, #tpu.memory_space<vmem>> -> memref<1x125x80xf32, #tpu.memory_space<vmem>>
        %get3A_847 = tpu.memref_squeeze %get3A_846 : memref<1x125x80xf32, #tpu.memory_space<vmem>> -> memref<125x80xf32, #tpu.memory_space<vmem>>
        %get3A_848 = arith.index_cast %scan3A_731 : i32 to index
        %get3A_849 = arith.constant 48 : index
        %get3A_850 = tpu.vector_load %get3A_847[%get3A_848, %get3A_849] {strides = array<i32>} : memref<125x80xf32, #tpu.memory_space<vmem>>, vector<16xf32>,
        %mul3A_851 = arith.mulf %get3A_850, %gather3A_843 : vector<16xf32>
        %swap3A_852 = arith.constant 0 : i32
        %swap3A_853 = arith.constant 0 : i32
        %swap3A_854 = tpu.memref_slice %arg12[%scan3A_92, %swap3A_852, %swap3A_853] : memref<2x125x80xf32, #tpu.memory_space<vmem>> -> memref<1x125x80xf32, #tpu.memory_space<vmem>>
        %swap3A_855 = tpu.memref_squeeze %swap3A_854 : memref<1x125x80xf32, #tpu.memory_space<vmem>> -> memref<125x80xf32, #tpu.memory_space<vmem>>
        %swap3A_856 = arith.index_cast %scan3A_731 : i32 to index
        %swap3A_857 = arith.constant 48 : index
        %swap3A_858 = tpu.vector_load %swap3A_855[%swap3A_856, %swap3A_857] {strides = array<i32>} : memref<125x80xf32, #tpu.memory_space<vmem>>, vector<16xf32>,
        tpu.vector_store %swap3A_855[%swap3A_856, %swap3A_857], %mul3A_851 {strides = array<i32>} : memref<125x80xf32, #tpu.memory_space<vmem>>, vector<16xf32>,
      }
      %scan3A_97 = arith.constant 125 : i32
      %dma_start3A_98 = arith.constant 0 : i32
      %dma_start3A_99 = arith.constant 0 : i32
      %dma_start3A_100 = arith.constant 0 : i32
      %dma_start3A_101 = tpu.memref_slice %arg12[%dma_start3A_98, %dma_start3A_99, %dma_start3A_100] : memref<2x125x80xf32, #tpu.memory_space<vmem>> -> memref<1x125x80xf32, #tpu.memory_space<vmem>>
      %dma_start3A_102 = tpu.memref_squeeze %dma_start3A_101 : memref<1x125x80xf32, #tpu.memory_space<vmem>> -> memref<125x80xf32, #tpu.memory_space<vmem>>
      %dma_start3A_103 = arith.constant 0 : i32
      %dma_start3A_104 = tpu.memref_slice %arg9[%mul3A_64, %dma_start3A_103] : memref<80x125xi32, #tpu.memory_space<vmem>> -> memref<1x125xi32, #tpu.memory_space<vmem>>
      %dma_start3A_105 = tpu.memref_squeeze %dma_start3A_104 : memref<1x125xi32, #tpu.memory_space<vmem>> -> memref<125xi32, #tpu.memory_space<vmem>>
      %dma_start3A_106 = arith.constant 0 : i32
      %dma_start3A_107 = arith.constant 0 : i32
      %dma_start3A_108 = tpu.memref_slice %arg13[%dma_start3A_106, %dma_start3A_107] : memref<10240x80xf32, #tpu.memory_space<vmem_shared>> -> memref<10240x80xf32, #tpu.memory_space<vmem_shared>>
      tpu.enqueue_indirect_dma source(%dma_start3A_102 : memref<125x80xf32, #tpu.memory_space<vmem>>) target(%dma_start3A_108 : memref<10240x80xf32, #tpu.memory_space<vmem_shared>>) offsets(%dma_start3A_105 : memref<125xi32, #tpu.memory_space<vmem>>) semaphore(%arg16 : memref<!tpu.dma_semaphore, #tpu.memory_space<semaphore_mem>>) {add = true}
      %dma_wait3A_109 = arith.constant 1 : i32
      %dma_wait3A_110 = arith.constant 0 : i32
      %dma_wait3A_111 = arith.constant 0 : i32
      %dma_wait3A_112 = tpu.memref_slice %arg10[%dma_wait3A_109, %dma_wait3A_110, %dma_wait3A_111] : memref<2x125x80xf32, #tpu.memory_space<vmem>> -> memref<1x125x80xf32, #tpu.memory_space<vmem>>
      %dma_wait3A_113 = tpu.memref_squeeze %dma_wait3A_112 : memref<1x125x80xf32, #tpu.memory_space<vmem>> -> memref<125x80xf32, #tpu.memory_space<vmem>>
      %dma_wait3A_114 = arith.constant 0 : i32
      %dma_wait3A_115 = tpu.memref_slice %arg8[%add3A_66, %dma_wait3A_114] : memref<80x125xi32, #tpu.memory_space<vmem>> -> memref<1x125xi32, #tpu.memory_space<vmem>>
      %dma_wait3A_116 = tpu.memref_squeeze %dma_wait3A_115 : memref<1x125xi32, #tpu.memory_space<vmem>> -> memref<125xi32, #tpu.memory_space<vmem>>
      %dma_wait3A_117 = arith.constant 0 : i32
      %dma_wait3A_118 = arith.constant 0 : i32
      %dma_wait3A_119 = tpu.memref_slice %arg2[%dma_wait3A_117, %dma_wait3A_118] : memref<10000x80xf32, #tpu.memory_space<hbm>> -> memref<10000x80xf32, #tpu.memory_space<hbm>>
      tpu.wait_indirect_dma semaphore(%arg15 : memref<!tpu.dma_semaphore, #tpu.memory_space<semaphore_mem>>) src(%dma_wait3A_119 : memref<10000x80xf32, #tpu.memory_space<hbm>>) dst(%dma_wait3A_113 : memref<125x80xf32, #tpu.memory_space<vmem>>)
      %dma_wait3A_120 = arith.constant 1 : i32
      %dma_wait3A_121 = arith.constant 0 : i32
      %dma_wait3A_122 = arith.constant 0 : i32
      %dma_wait3A_123 = tpu.memref_slice %arg11[%dma_wait3A_120, %dma_wait3A_121, %dma_wait3A_122] : memref<2x125x16xf32, #tpu.memory_space<vmem>> -> memref<1x125x16xf32, #tpu.memory_space<vmem>>
      %dma_wait3A_124 = tpu.memref_squeeze %dma_wait3A_123 : memref<1x125x16xf32, #tpu.memory_space<vmem>> -> memref<125x16xf32, #tpu.memory_space<vmem>>
      %dma_wait3A_125 = arith.constant 0 : i32
      %dma_wait3A_126 = tpu.memref_slice %arg9[%add3A_66, %dma_wait3A_125] : memref<80x125xi32, #tpu.memory_space<vmem>> -> memref<1x125xi32, #tpu.memory_space<vmem>>
      %dma_wait3A_127 = tpu.memref_squeeze %dma_wait3A_126 : memref<1x125xi32, #tpu.memory_space<vmem>> -> memref<125xi32, #tpu.memory_space<vmem>>
      %dma_wait3A_128 = arith.constant 0 : i32
      %dma_wait3A_129 = arith.constant 0 : i32
      %dma_wait3A_130 = tpu.memref_slice %arg3[%dma_wait3A_128, %dma_wait3A_129] : memref<10000x16xf32, #tpu.memory_space<hbm>> -> memref<10000x16xf32, #tpu.memory_space<hbm>>
      tpu.wait_indirect_dma semaphore(%arg15 : memref<!tpu.dma_semaphore, #tpu.memory_space<semaphore_mem>>) src(%dma_wait3A_130 : memref<10000x16xf32, #tpu.memory_space<hbm>>) dst(%dma_wait3A_124 : memref<125x16xf32, #tpu.memory_space<vmem>>)
      %add3A_131 = arith.constant 2 : i32
      %add3A_132 = arith.addi %mul3A_64, %add3A_131 : i32
      %min3A = arith.constant 79 : i32
      %min3A_133 = arith.minsi %add3A_132, %min3A : i32
      %dma_start3A_134 = arith.constant 0 : i32
      %dma_start3A_135 = arith.constant 0 : i32
      %dma_start3A_136 = arith.constant 0 : i32
      %dma_start3A_137 = tpu.memref_slice %arg10[%dma_start3A_134, %dma_start3A_135, %dma_start3A_136] : memref<2x125x80xf32, #tpu.memory_space<vmem>> -> memref<1x125x80xf32, #tpu.memory_space<vmem>>
      %dma_start3A_138 = tpu.memref_squeeze %dma_start3A_137 : memref<1x125x80xf32, #tpu.memory_space<vmem>> -> memref<125x80xf32, #tpu.memory_space<vmem>>
      %dma_start3A_139 = arith.constant 0 : i32
      %dma_start3A_140 = tpu.memref_slice %arg8[%min3A_133, %dma_start3A_139] : memref<80x125xi32, #tpu.memory_space<vmem>> -> memref<1x125xi32, #tpu.memory_space<vmem>>
      %dma_start3A_141 = tpu.memref_squeeze %dma_start3A_140 : memref<1x125xi32, #tpu.memory_space<vmem>> -> memref<125xi32, #tpu.memory_space<vmem>>
      %dma_start3A_142 = arith.constant 0 : i32
      %dma_start3A_143 = arith.constant 0 : i32
      %dma_start3A_144 = tpu.memref_slice %arg2[%dma_start3A_142, %dma_start3A_143] : memref<10000x80xf32, #tpu.memory_space<hbm>> -> memref<10000x80xf32, #tpu.memory_space<hbm>>
      tpu.enqueue_indirect_dma source(%dma_start3A_144 : memref<10000x80xf32, #tpu.memory_space<hbm>>) target(%dma_start3A_138 : memref<125x80xf32, #tpu.memory_space<vmem>>) offsets(%dma_start3A_141 : memref<125xi32, #tpu.memory_space<vmem>>) semaphore(%arg14 : memref<!tpu.dma_semaphore, #tpu.memory_space<semaphore_mem>>)
      %dma_start3A_145 = arith.constant 0 : i32
      %dma_start3A_146 = arith.constant 0 : i32
      %dma_start3A_147 = arith.constant 0 : i32
      %dma_start3A_148 = tpu.memref_slice %arg11[%dma_start3A_145, %dma_start3A_146, %dma_start3A_147] : memref<2x125x16xf32, #tpu.memory_space<vmem>> -> memref<1x125x16xf32, #tpu.memory_space<vmem>>
      %dma_start3A_149 = tpu.memref_squeeze %dma_start3A_148 : memref<1x125x16xf32, #tpu.memory_space<vmem>> -> memref<125x16xf32, #tpu.memory_space<vmem>>
      %dma_start3A_150 = arith.constant 0 : i32
      %dma_start3A_151 = tpu.memref_slice %arg9[%min3A_133, %dma_start3A_150] : memref<80x125xi32, #tpu.memory_space<vmem>> -> memref<1x125xi32, #tpu.memory_space<vmem>>
      %dma_start3A_152 = tpu.memref_squeeze %dma_start3A_151 : memref<1x125xi32, #tpu.memory_space<vmem>> -> memref<125xi32, #tpu.memory_space<vmem>>
      %dma_start3A_153 = arith.constant 0 : i32
      %dma_start3A_154 = arith.constant 0 : i32
      %dma_start3A_155 = tpu.memref_slice %arg3[%dma_start3A_153, %dma_start3A_154] : memref<10000x16xf32, #tpu.memory_space<hbm>> -> memref<10000x16xf32, #tpu.memory_space<hbm>>
      tpu.enqueue_indirect_dma source(%dma_start3A_155 : memref<10000x16xf32, #tpu.memory_space<hbm>>) target(%dma_start3A_149 : memref<125x16xf32, #tpu.memory_space<vmem>>) offsets(%dma_start3A_152 : memref<125xi32, #tpu.memory_space<vmem>>) semaphore(%arg14 : memref<!tpu.dma_semaphore, #tpu.memory_space<semaphore_mem>>)
      %add3A_156 = arith.constant 1 : i32
      %add3A_157 = arith.addi %mul3A_64, %add3A_156 : i32
      %scan3A_158 = arith.constant 0 : i32
      %scan3A_159 = arith.constant 1 : i32
      %scan3A_160 = arith.constant 1 : i32
      %scan3A_161 = arith.constant 1 : i32
      %scan3A_162 = arith.constant 0 : i32
      %scan3A_163 = arith.constant 125 : i32
      %scan3A_164 = arith.addi %scan3A_162, %scan3A_163 : i32
      %scan3A_165 = arith.constant 5 : i32
      scf.for %scan3A_222 = %scan3A_162 to %scan3A_164 step %scan3A_165  : i32 {
        %get3A = arith.constant 0 : i32
        %get3A_223 = arith.constant 0 : i32
        %get3A_224 = tpu.memref_slice %arg10[%scan3A_159, %get3A, %get3A_223] : memref<2x125x80xf32, #tpu.memory_space<vmem>> -> memref<1x125x80xf32, #tpu.memory_space<vmem>>
        %get3A_225 = tpu.memref_squeeze %get3A_224 : memref<1x125x80xf32, #tpu.memory_space<vmem>> -> memref<125x80xf32, #tpu.memory_space<vmem>>
        %get3A_226 = arith.index_cast %scan3A_222 : i32 to index
        %get3A_227 = arith.constant 64 : index
        %get3A_228 = tpu.vector_load %get3A_225[%get3A_226, %get3A_227] {strides = array<i32>} : memref<125x80xf32, #tpu.memory_space<vmem>>, vector<16xf32>,
        %get3A_229 = arith.constant 0 : i32
        %get3A_230 = arith.constant 0 : i32
        %get3A_231 = tpu.memref_slice %arg11[%scan3A_160, %get3A_229, %get3A_230] : memref<2x125x16xf32, #tpu.memory_space<vmem>> -> memref<1x125x16xf32, #tpu.memory_space<vmem>>
        %get3A_232 = tpu.memref_squeeze %get3A_231 : memref<1x125x16xf32, #tpu.memory_space<vmem>> -> memref<125x16xf32, #tpu.memory_space<vmem>>
        %get3A_233 = arith.index_cast %scan3A_222 : i32 to index
        %get3A_234 = arith.constant 0 : index
        %get3A_235 = tpu.vector_load %get3A_232[%get3A_233, %get3A_234] {strides = array<i32>} : memref<125x16xf32, #tpu.memory_space<vmem>>, vector<16xf32>,
        %add3A_236 = arith.addf %get3A_228, %get3A_235 : vector<16xf32>
        %mul3A_237 = arith.constant 2.000000e-01 : f32
        %mul3A_238 = vector.broadcast %mul3A_237 : f32 to vector<16xf32>
        %mul3A_239 = arith.mulf %mul3A_238, %add3A_236 : vector<16xf32>
        %max3A = arith.maximumf %add3A_236, %mul3A_239 : vector<16xf32>
        %exp3A = math.exp %max3A : vector<16xf32>
        %swap3A = arith.constant 0 : i32
        %swap3A_240 = arith.constant 0 : i32
        %swap3A_241 = tpu.memref_slice %arg12[%scan3A_161, %swap3A, %swap3A_240] : memref<2x125x80xf32, #tpu.memory_space<vmem>> -> memref<1x125x80xf32, #tpu.memory_space<vmem>>
        %swap3A_242 = tpu.memref_squeeze %swap3A_241 : memref<1x125x80xf32, #tpu.memory_space<vmem>> -> memref<125x80xf32, #tpu.memory_space<vmem>>
        %swap3A_243 = arith.index_cast %scan3A_222 : i32 to index
        %swap3A_244 = arith.constant 64 : index
        %swap3A_245 = tpu.vector_load %swap3A_242[%swap3A_243, %swap3A_244] {strides = array<i32>} : memref<125x80xf32, #tpu.memory_space<vmem>>, vector<16xf32>,
        tpu.vector_store %swap3A_242[%swap3A_243, %swap3A_244], %exp3A {strides = array<i32>} : memref<125x80xf32, #tpu.memory_space<vmem>>, vector<16xf32>,
        %lt3A = arith.constant 0 : i32
        %lt3A_246 = vector.broadcast %lt3A : i32 to vector<16xi32>
        %lt3A_247 = arith.cmpi slt, %broadcast_in_dim3A_3, %lt3A_246 : vector<16xi32>
        %add3A_248 = arith.constant 16 : i32
        %add3A_249 = vector.broadcast %add3A_248 : i32 to vector<16xi32>
        %add3A_250 = arith.addi %broadcast_in_dim3A_3, %add3A_249 : vector<16xi32>
        %select_n3A = arith.select %lt3A_247, %add3A_250, %broadcast_in_dim3A_3 : vector<16xi1>, vector<16xi32>
        %broadcast_in_dim3A_251 = vector.shape_cast %select_n3A : vector<16xi32> to vector<16x1xi32>
        %gather3A = vector.shape_cast %broadcast_in_dim3A_251 : vector<16x1xi32> to vector<16xi32>
        %gather3A_252 = tpu.dynamic_gather %exp3A[%gather3A] in [0] : vector<16xf32>, vector<16xi32> -> vector<16xf32>
        %get3A_253 = arith.constant 0 : i32
        %get3A_254 = arith.constant 0 : i32
        %get3A_255 = tpu.memref_slice %arg10[%scan3A_159, %get3A_253, %get3A_254] : memref<2x125x80xf32, #tpu.memory_space<vmem>> -> memref<1x125x80xf32, #tpu.memory_space<vmem>>
        %get3A_256 = tpu.memref_squeeze %get3A_255 : memref<1x125x80xf32, #tpu.memory_space<vmem>> -> memref<125x80xf32, #tpu.memory_space<vmem>>
        %get3A_257 = arith.index_cast %scan3A_222 : i32 to index
        %get3A_258 = arith.constant 0 : index
        %get3A_259 = tpu.vector_load %get3A_256[%get3A_257, %get3A_258] {strides = array<i32>} : memref<125x80xf32, #tpu.memory_space<vmem>>, vector<16xf32>,
        %mul3A_260 = arith.mulf %get3A_259, %gather3A_252 : vector<16xf32>
        %swap3A_261 = arith.constant 0 : i32
        %swap3A_262 = arith.constant 0 : i32
        %swap3A_263 = tpu.memref_slice %arg12[%scan3A_161, %swap3A_261, %swap3A_262] : memref<2x125x80xf32, #tpu.memory_space<vmem>> -> memref<1x125x80xf32, #tpu.memory_space<vmem>>
        %swap3A_264 = tpu.memref_squeeze %swap3A_263 : memref<1x125x80xf32, #tpu.memory_space<vmem>> -> memref<125x80xf32, #tpu.memory_space<vmem>>
        %swap3A_265 = arith.index_cast %scan3A_222 : i32 to index
        %swap3A_266 = arith.constant 0 : index
        %swap3A_267 = tpu.vector_load %swap3A_264[%swap3A_265, %swap3A_266] {strides = array<i32>} : memref<125x80xf32, #tpu.memory_space<vmem>>, vector<16xf32>,
        tpu.vector_store %swap3A_264[%swap3A_265, %swap3A_266], %mul3A_260 {strides = array<i32>} : memref<125x80xf32, #tpu.memory_space<vmem>>, vector<16xf32>,
        %lt3A_268 = arith.constant 0 : i32
        %lt3A_269 = vector.broadcast %lt3A_268 : i32 to vector<16xi32>
        %lt3A_270 = arith.cmpi slt, %broadcast_in_dim3A_5, %lt3A_269 : vector<16xi32>
        %add3A_271 = arith.constant 16 : i32
        %add3A_272 = vector.broadcast %add3A_271 : i32 to vector<16xi32>
        %add3A_273 = arith.addi %broadcast_in_dim3A_5, %add3A_272 : vector<16xi32>
        %select_n3A_274 = arith.select %lt3A_270, %add3A_273, %broadcast_in_dim3A_5 : vector<16xi1>, vector<16xi32>
        %broadcast_in_dim3A_275 = vector.shape_cast %select_n3A_274 : vector<16xi32> to vector<16x1xi32>
        %gather3A_276 = vector.shape_cast %broadcast_in_dim3A_275 : vector<16x1xi32> to vector<16xi32>
        %gather3A_277 = tpu.dynamic_gather %exp3A[%gather3A_276] in [0] : vector<16xf32>, vector<16xi32> -> vector<16xf32>
        %get3A_278 = arith.constant 0 : i32
        %get3A_279 = arith.constant 0 : i32
        %get3A_280 = tpu.memref_slice %arg10[%scan3A_159, %get3A_278, %get3A_279] : memref<2x125x80xf32, #tpu.memory_space<vmem>> -> memref<1x125x80xf32, #tpu.memory_space<vmem>>
        %get3A_281 = tpu.memref_squeeze %get3A_280 : memref<1x125x80xf32, #tpu.memory_space<vmem>> -> memref<125x80xf32, #tpu.memory_space<vmem>>
        %get3A_282 = arith.index_cast %scan3A_222 : i32 to index
        %get3A_283 = arith.constant 16 : index
        %get3A_284 = tpu.vector_load %get3A_281[%get3A_282, %get3A_283] {strides = array<i32>} : memref<125x80xf32, #tpu.memory_space<vmem>>, vector<16xf32>,
        %mul3A_285 = arith.mulf %get3A_284, %gather3A_277 : vector<16xf32>
        %swap3A_286 = arith.constant 0 : i32
        %swap3A_287 = arith.constant 0 : i32
        %swap3A_288 = tpu.memref_slice %arg12[%scan3A_161, %swap3A_286, %swap3A_287] : memref<2x125x80xf32, #tpu.memory_space<vmem>> -> memref<1x125x80xf32, #tpu.memory_space<vmem>>
        %swap3A_289 = tpu.memref_squeeze %swap3A_288 : memref<1x125x80xf32, #tpu.memory_space<vmem>> -> memref<125x80xf32, #tpu.memory_space<vmem>>
        %swap3A_290 = arith.index_cast %scan3A_222 : i32 to index
        %swap3A_291 = arith.constant 16 : index
        %swap3A_292 = tpu.vector_load %swap3A_289[%swap3A_290, %swap3A_291] {strides = array<i32>} : memref<125x80xf32, #tpu.memory_space<vmem>>, vector<16xf32>,
        tpu.vector_store %swap3A_289[%swap3A_290, %swap3A_291], %mul3A_285 {strides = array<i32>} : memref<125x80xf32, #tpu.memory_space<vmem>>, vector<16xf32>,
        %lt3A_293 = arith.constant 0 : i32
        %lt3A_294 = vector.broadcast %lt3A_293 : i32 to vector<16xi32>
        %lt3A_295 = arith.cmpi slt, %broadcast_in_dim3A_7, %lt3A_294 : vector<16xi32>
        %add3A_296 = arith.constant 16 : i32
        %add3A_297 = vector.broadcast %add3A_296 : i32 to vector<16xi32>
        %add3A_298 = arith.addi %broadcast_in_dim3A_7, %add3A_297 : vector<16xi32>
        %select_n3A_299 = arith.select %lt3A_295, %add3A_298, %broadcast_in_dim3A_7 : vector<16xi1>, vector<16xi32>
        %broadcast_in_dim3A_300 = vector.shape_cast %select_n3A_299 : vector<16xi32> to vector<16x1xi32>
        %gather3A_301 = vector.shape_cast %broadcast_in_dim3A_300 : vector<16x1xi32> to vector<16xi32>
        %gather3A_302 = tpu.dynamic_gather %exp3A[%gather3A_301] in [0] : vector<16xf32>, vector<16xi32> -> vector<16xf32>
        %get3A_303 = arith.constant 0 : i32
        %get3A_304 = arith.constant 0 : i32
        %get3A_305 = tpu.memref_slice %arg10[%scan3A_159, %get3A_303, %get3A_304] : memref<2x125x80xf32, #tpu.memory_space<vmem>> -> memref<1x125x80xf32, #tpu.memory_space<vmem>>
        %get3A_306 = tpu.memref_squeeze %get3A_305 : memref<1x125x80xf32, #tpu.memory_space<vmem>> -> memref<125x80xf32, #tpu.memory_space<vmem>>
        %get3A_307 = arith.index_cast %scan3A_222 : i32 to index
        %get3A_308 = arith.constant 32 : index
        %get3A_309 = tpu.vector_load %get3A_306[%get3A_307, %get3A_308] {strides = array<i32>} : memref<125x80xf32, #tpu.memory_space<vmem>>, vector<16xf32>,
        %mul3A_310 = arith.mulf %get3A_309, %gather3A_302 : vector<16xf32>
        %swap3A_311 = arith.constant 0 : i32
        %swap3A_312 = arith.constant 0 : i32
        %swap3A_313 = tpu.memref_slice %arg12[%scan3A_161, %swap3A_311, %swap3A_312] : memref<2x125x80xf32, #tpu.memory_space<vmem>> -> memref<1x125x80xf32, #tpu.memory_space<vmem>>
        %swap3A_314 = tpu.memref_squeeze %swap3A_313 : memref<1x125x80xf32, #tpu.memory_space<vmem>> -> memref<125x80xf32, #tpu.memory_space<vmem>>
        %swap3A_315 = arith.index_cast %scan3A_222 : i32 to index
        %swap3A_316 = arith.constant 32 : index
        %swap3A_317 = tpu.vector_load %swap3A_314[%swap3A_315, %swap3A_316] {strides = array<i32>} : memref<125x80xf32, #tpu.memory_space<vmem>>, vector<16xf32>,
        tpu.vector_store %swap3A_314[%swap3A_315, %swap3A_316], %mul3A_310 {strides = array<i32>} : memref<125x80xf32, #tpu.memory_space<vmem>>, vector<16xf32>,
        %lt3A_318 = arith.constant 0 : i32
        %lt3A_319 = vector.broadcast %lt3A_318 : i32 to vector<16xi32>
        %lt3A_320 = arith.cmpi slt, %broadcast_in_dim3A_9, %lt3A_319 : vector<16xi32>
        %add3A_321 = arith.constant 16 : i32
        %add3A_322 = vector.broadcast %add3A_321 : i32 to vector<16xi32>
        %add3A_323 = arith.addi %broadcast_in_dim3A_9, %add3A_322 : vector<16xi32>
        %select_n3A_324 = arith.select %lt3A_320, %add3A_323, %broadcast_in_dim3A_9 : vector<16xi1>, vector<16xi32>
        %broadcast_in_dim3A_325 = vector.shape_cast %select_n3A_324 : vector<16xi32> to vector<16x1xi32>
        %gather3A_326 = vector.shape_cast %broadcast_in_dim3A_325 : vector<16x1xi32> to vector<16xi32>
        %gather3A_327 = tpu.dynamic_gather %exp3A[%gather3A_326] in [0] : vector<16xf32>, vector<16xi32> -> vector<16xf32>
        %get3A_328 = arith.constant 0 : i32
        %get3A_329 = arith.constant 0 : i32
        %get3A_330 = tpu.memref_slice %arg10[%scan3A_159, %get3A_328, %get3A_329] : memref<2x125x80xf32, #tpu.memory_space<vmem>> -> memref<1x125x80xf32, #tpu.memory_space<vmem>>
        %get3A_331 = tpu.memref_squeeze %get3A_330 : memref<1x125x80xf32, #tpu.memory_space<vmem>> -> memref<125x80xf32, #tpu.memory_space<vmem>>
        %get3A_332 = arith.index_cast %scan3A_222 : i32 to index
        %get3A_333 = arith.constant 48 : index
        %get3A_334 = tpu.vector_load %get3A_331[%get3A_332, %get3A_333] {strides = array<i32>} : memref<125x80xf32, #tpu.memory_space<vmem>>, vector<16xf32>,
        %mul3A_335 = arith.mulf %get3A_334, %gather3A_327 : vector<16xf32>
        %swap3A_336 = arith.constant 0 : i32
        %swap3A_337 = arith.constant 0 : i32
        %swap3A_338 = tpu.memref_slice %arg12[%scan3A_161, %swap3A_336, %swap3A_337] : memref<2x125x80xf32, #tpu.memory_space<vmem>> -> memref<1x125x80xf32, #tpu.memory_space<vmem>>
        %swap3A_339 = tpu.memref_squeeze %swap3A_338 : memref<1x125x80xf32, #tpu.memory_space<vmem>> -> memref<125x80xf32, #tpu.memory_space<vmem>>
        %swap3A_340 = arith.index_cast %scan3A_222 : i32 to index
        %swap3A_341 = arith.constant 48 : index
        %swap3A_342 = tpu.vector_load %swap3A_339[%swap3A_340, %swap3A_341] {strides = array<i32>} : memref<125x80xf32, #tpu.memory_space<vmem>>, vector<16xf32>,
        tpu.vector_store %swap3A_339[%swap3A_340, %swap3A_341], %mul3A_335 {strides = array<i32>} : memref<125x80xf32, #tpu.memory_space<vmem>>, vector<16xf32>,
        %scan3A_343 = arith.constant 1 : i32
        %scan3A_344 = arith.addi %scan3A_222, %scan3A_343 : i32
        %get3A_345 = arith.constant 0 : i32
        %get3A_346 = arith.constant 0 : i32
        %get3A_347 = tpu.memref_slice %arg10[%scan3A_159, %get3A_345, %get3A_346] : memref<2x125x80xf32, #tpu.memory_space<vmem>> -> memref<1x125x80xf32, #tpu.memory_space<vmem>>
        %get3A_348 = tpu.memref_squeeze %get3A_347 : memref<1x125x80xf32, #tpu.memory_space<vmem>> -> memref<125x80xf32, #tpu.memory_space<vmem>>
        %get3A_349 = arith.index_cast %scan3A_344 : i32 to index
        %get3A_350 = arith.constant 64 : index
        %get3A_351 = tpu.vector_load %get3A_348[%get3A_349, %get3A_350] {strides = array<i32>} : memref<125x80xf32, #tpu.memory_space<vmem>>, vector<16xf32>,
        %get3A_352 = arith.constant 0 : i32
        %get3A_353 = arith.constant 0 : i32
        %get3A_354 = tpu.memref_slice %arg11[%scan3A_160, %get3A_352, %get3A_353] : memref<2x125x16xf32, #tpu.memory_space<vmem>> -> memref<1x125x16xf32, #tpu.memory_space<vmem>>
        %get3A_355 = tpu.memref_squeeze %get3A_354 : memref<1x125x16xf32, #tpu.memory_space<vmem>> -> memref<125x16xf32, #tpu.memory_space<vmem>>
        %get3A_356 = arith.index_cast %scan3A_344 : i32 to index
        %get3A_357 = arith.constant 0 : index
        %get3A_358 = tpu.vector_load %get3A_355[%get3A_356, %get3A_357] {strides = array<i32>} : memref<125x16xf32, #tpu.memory_space<vmem>>, vector<16xf32>,
        %add3A_359 = arith.addf %get3A_351, %get3A_358 : vector<16xf32>
        %mul3A_360 = arith.constant 2.000000e-01 : f32
        %mul3A_361 = vector.broadcast %mul3A_360 : f32 to vector<16xf32>
        %mul3A_362 = arith.mulf %mul3A_361, %add3A_359 : vector<16xf32>
        %max3A_363 = arith.maximumf %add3A_359, %mul3A_362 : vector<16xf32>
        %exp3A_364 = math.exp %max3A_363 : vector<16xf32>
        %swap3A_365 = arith.constant 0 : i32
        %swap3A_366 = arith.constant 0 : i32
        %swap3A_367 = tpu.memref_slice %arg12[%scan3A_161, %swap3A_365, %swap3A_366] : memref<2x125x80xf32, #tpu.memory_space<vmem>> -> memref<1x125x80xf32, #tpu.memory_space<vmem>>
        %swap3A_368 = tpu.memref_squeeze %swap3A_367 : memref<1x125x80xf32, #tpu.memory_space<vmem>> -> memref<125x80xf32, #tpu.memory_space<vmem>>
        %swap3A_369 = arith.index_cast %scan3A_344 : i32 to index
        %swap3A_370 = arith.constant 64 : index
        %swap3A_371 = tpu.vector_load %swap3A_368[%swap3A_369, %swap3A_370] {strides = array<i32>} : memref<125x80xf32, #tpu.memory_space<vmem>>, vector<16xf32>,
        tpu.vector_store %swap3A_368[%swap3A_369, %swap3A_370], %exp3A_364 {strides = array<i32>} : memref<125x80xf32, #tpu.memory_space<vmem>>, vector<16xf32>,
        %lt3A_372 = arith.constant 0 : i32
        %lt3A_373 = vector.broadcast %lt3A_372 : i32 to vector<16xi32>
        %lt3A_374 = arith.cmpi slt, %broadcast_in_dim3A_3, %lt3A_373 : vector<16xi32>
        %add3A_375 = arith.constant 16 : i32
        %add3A_376 = vector.broadcast %add3A_375 : i32 to vector<16xi32>
        %add3A_377 = arith.addi %broadcast_in_dim3A_3, %add3A_376 : vector<16xi32>
        %select_n3A_378 = arith.select %lt3A_374, %add3A_377, %broadcast_in_dim3A_3 : vector<16xi1>, vector<16xi32>
        %broadcast_in_dim3A_379 = vector.shape_cast %select_n3A_378 : vector<16xi32> to vector<16x1xi32>
        %gather3A_380 = vector.shape_cast %broadcast_in_dim3A_379 : vector<16x1xi32> to vector<16xi32>
        %gather3A_381 = tpu.dynamic_gather %exp3A_364[%gather3A_380] in [0] : vector<16xf32>, vector<16xi32> -> vector<16xf32>
        %get3A_382 = arith.constant 0 : i32
        %get3A_383 = arith.constant 0 : i32
        %get3A_384 = tpu.memref_slice %arg10[%scan3A_159, %get3A_382, %get3A_383] : memref<2x125x80xf32, #tpu.memory_space<vmem>> -> memref<1x125x80xf32, #tpu.memory_space<vmem>>
        %get3A_385 = tpu.memref_squeeze %get3A_384 : memref<1x125x80xf32, #tpu.memory_space<vmem>> -> memref<125x80xf32, #tpu.memory_space<vmem>>
        %get3A_386 = arith.index_cast %scan3A_344 : i32 to index
        %get3A_387 = arith.constant 0 : index
        %get3A_388 = tpu.vector_load %get3A_385[%get3A_386, %get3A_387] {strides = array<i32>} : memref<125x80xf32, #tpu.memory_space<vmem>>, vector<16xf32>,
        %mul3A_389 = arith.mulf %get3A_388, %gather3A_381 : vector<16xf32>
        %swap3A_390 = arith.constant 0 : i32
        %swap3A_391 = arith.constant 0 : i32
        %swap3A_392 = tpu.memref_slice %arg12[%scan3A_161, %swap3A_390, %swap3A_391] : memref<2x125x80xf32, #tpu.memory_space<vmem>> -> memref<1x125x80xf32, #tpu.memory_space<vmem>>
        %swap3A_393 = tpu.memref_squeeze %swap3A_392 : memref<1x125x80xf32, #tpu.memory_space<vmem>> -> memref<125x80xf32, #tpu.memory_space<vmem>>
        %swap3A_394 = arith.index_cast %scan3A_344 : i32 to index
        %swap3A_395 = arith.constant 0 : index
        %swap3A_396 = tpu.vector_load %swap3A_393[%swap3A_394, %swap3A_395] {strides = array<i32>} : memref<125x80xf32, #tpu.memory_space<vmem>>, vector<16xf32>,
        tpu.vector_store %swap3A_393[%swap3A_394, %swap3A_395], %mul3A_389 {strides = array<i32>} : memref<125x80xf32, #tpu.memory_space<vmem>>, vector<16xf32>,
        %lt3A_397 = arith.constant 0 : i32
        %lt3A_398 = vector.broadcast %lt3A_397 : i32 to vector<16xi32>
        %lt3A_399 = arith.cmpi slt, %broadcast_in_dim3A_5, %lt3A_398 : vector<16xi32>
        %add3A_400 = arith.constant 16 : i32
        %add3A_401 = vector.broadcast %add3A_400 : i32 to vector<16xi32>
        %add3A_402 = arith.addi %broadcast_in_dim3A_5, %add3A_401 : vector<16xi32>
        %select_n3A_403 = arith.select %lt3A_399, %add3A_402, %broadcast_in_dim3A_5 : vector<16xi1>, vector<16xi32>
        %broadcast_in_dim3A_404 = vector.shape_cast %select_n3A_403 : vector<16xi32> to vector<16x1xi32>
        %gather3A_405 = vector.shape_cast %broadcast_in_dim3A_404 : vector<16x1xi32> to vector<16xi32>
        %gather3A_406 = tpu.dynamic_gather %exp3A_364[%gather3A_405] in [0] : vector<16xf32>, vector<16xi32> -> vector<16xf32>
        %get3A_407 = arith.constant 0 : i32
        %get3A_408 = arith.constant 0 : i32
        %get3A_409 = tpu.memref_slice %arg10[%scan3A_159, %get3A_407, %get3A_408] : memref<2x125x80xf32, #tpu.memory_space<vmem>> -> memref<1x125x80xf32, #tpu.memory_space<vmem>>
        %get3A_410 = tpu.memref_squeeze %get3A_409 : memref<1x125x80xf32, #tpu.memory_space<vmem>> -> memref<125x80xf32, #tpu.memory_space<vmem>>
        %get3A_411 = arith.index_cast %scan3A_344 : i32 to index
        %get3A_412 = arith.constant 16 : index
        %get3A_413 = tpu.vector_load %get3A_410[%get3A_411, %get3A_412] {strides = array<i32>} : memref<125x80xf32, #tpu.memory_space<vmem>>, vector<16xf32>,
        %mul3A_414 = arith.mulf %get3A_413, %gather3A_406 : vector<16xf32>
        %swap3A_415 = arith.constant 0 : i32
        %swap3A_416 = arith.constant 0 : i32
        %swap3A_417 = tpu.memref_slice %arg12[%scan3A_161, %swap3A_415, %swap3A_416] : memref<2x125x80xf32, #tpu.memory_space<vmem>> -> memref<1x125x80xf32, #tpu.memory_space<vmem>>
        %swap3A_418 = tpu.memref_squeeze %swap3A_417 : memref<1x125x80xf32, #tpu.memory_space<vmem>> -> memref<125x80xf32, #tpu.memory_space<vmem>>
        %swap3A_419 = arith.index_cast %scan3A_344 : i32 to index
        %swap3A_420 = arith.constant 16 : index
        %swap3A_421 = tpu.vector_load %swap3A_418[%swap3A_419, %swap3A_420] {strides = array<i32>} : memref<125x80xf32, #tpu.memory_space<vmem>>, vector<16xf32>,
        tpu.vector_store %swap3A_418[%swap3A_419, %swap3A_420], %mul3A_414 {strides = array<i32>} : memref<125x80xf32, #tpu.memory_space<vmem>>, vector<16xf32>,
        %lt3A_422 = arith.constant 0 : i32
        %lt3A_423 = vector.broadcast %lt3A_422 : i32 to vector<16xi32>
        %lt3A_424 = arith.cmpi slt, %broadcast_in_dim3A_7, %lt3A_423 : vector<16xi32>
        %add3A_425 = arith.constant 16 : i32
        %add3A_426 = vector.broadcast %add3A_425 : i32 to vector<16xi32>
        %add3A_427 = arith.addi %broadcast_in_dim3A_7, %add3A_426 : vector<16xi32>
        %select_n3A_428 = arith.select %lt3A_424, %add3A_427, %broadcast_in_dim3A_7 : vector<16xi1>, vector<16xi32>
        %broadcast_in_dim3A_429 = vector.shape_cast %select_n3A_428 : vector<16xi32> to vector<16x1xi32>
        %gather3A_430 = vector.shape_cast %broadcast_in_dim3A_429 : vector<16x1xi32> to vector<16xi32>
        %gather3A_431 = tpu.dynamic_gather %exp3A_364[%gather3A_430] in [0] : vector<16xf32>, vector<16xi32> -> vector<16xf32>
        %get3A_432 = arith.constant 0 : i32
        %get3A_433 = arith.constant 0 : i32
        %get3A_434 = tpu.memref_slice %arg10[%scan3A_159, %get3A_432, %get3A_433] : memref<2x125x80xf32, #tpu.memory_space<vmem>> -> memref<1x125x80xf32, #tpu.memory_space<vmem>>
        %get3A_435 = tpu.memref_squeeze %get3A_434 : memref<1x125x80xf32, #tpu.memory_space<vmem>> -> memref<125x80xf32, #tpu.memory_space<vmem>>
        %get3A_436 = arith.index_cast %scan3A_344 : i32 to index
        %get3A_437 = arith.constant 32 : index
        %get3A_438 = tpu.vector_load %get3A_435[%get3A_436, %get3A_437] {strides = array<i32>} : memref<125x80xf32, #tpu.memory_space<vmem>>, vector<16xf32>,
        %mul3A_439 = arith.mulf %get3A_438, %gather3A_431 : vector<16xf32>
        %swap3A_440 = arith.constant 0 : i32
        %swap3A_441 = arith.constant 0 : i32
        %swap3A_442 = tpu.memref_slice %arg12[%scan3A_161, %swap3A_440, %swap3A_441] : memref<2x125x80xf32, #tpu.memory_space<vmem>> -> memref<1x125x80xf32, #tpu.memory_space<vmem>>
        %swap3A_443 = tpu.memref_squeeze %swap3A_442 : memref<1x125x80xf32, #tpu.memory_space<vmem>> -> memref<125x80xf32, #tpu.memory_space<vmem>>
        %swap3A_444 = arith.index_cast %scan3A_344 : i32 to index
        %swap3A_445 = arith.constant 32 : index
        %swap3A_446 = tpu.vector_load %swap3A_443[%swap3A_444, %swap3A_445] {strides = array<i32>} : memref<125x80xf32, #tpu.memory_space<vmem>>, vector<16xf32>,
        tpu.vector_store %swap3A_443[%swap3A_444, %swap3A_445], %mul3A_439 {strides = array<i32>} : memref<125x80xf32, #tpu.memory_space<vmem>>, vector<16xf32>,
        %lt3A_447 = arith.constant 0 : i32
        %lt3A_448 = vector.broadcast %lt3A_447 : i32 to vector<16xi32>
        %lt3A_449 = arith.cmpi slt, %broadcast_in_dim3A_9, %lt3A_448 : vector<16xi32>
        %add3A_450 = arith.constant 16 : i32
        %add3A_451 = vector.broadcast %add3A_450 : i32 to vector<16xi32>
        %add3A_452 = arith.addi %broadcast_in_dim3A_9, %add3A_451 : vector<16xi32>
        %select_n3A_453 = arith.select %lt3A_449, %add3A_452, %broadcast_in_dim3A_9 : vector<16xi1>, vector<16xi32>
        %broadcast_in_dim3A_454 = vector.shape_cast %select_n3A_453 : vector<16xi32> to vector<16x1xi32>
        %gather3A_455 = vector.shape_cast %broadcast_in_dim3A_454 : vector<16x1xi32> to vector<16xi32>
        %gather3A_456 = tpu.dynamic_gather %exp3A_364[%gather3A_455] in [0] : vector<16xf32>, vector<16xi32> -> vector<16xf32>
        %get3A_457 = arith.constant 0 : i32
        %get3A_458 = arith.constant 0 : i32
        %get3A_459 = tpu.memref_slice %arg10[%scan3A_159, %get3A_457, %get3A_458] : memref<2x125x80xf32, #tpu.memory_space<vmem>> -> memref<1x125x80xf32, #tpu.memory_space<vmem>>
        %get3A_460 = tpu.memref_squeeze %get3A_459 : memref<1x125x80xf32, #tpu.memory_space<vmem>> -> memref<125x80xf32, #tpu.memory_space<vmem>>
        %get3A_461 = arith.index_cast %scan3A_344 : i32 to index
        %get3A_462 = arith.constant 48 : index
        %get3A_463 = tpu.vector_load %get3A_460[%get3A_461, %get3A_462] {strides = array<i32>} : memref<125x80xf32, #tpu.memory_space<vmem>>, vector<16xf32>,
        %mul3A_464 = arith.mulf %get3A_463, %gather3A_456 : vector<16xf32>
        %swap3A_465 = arith.constant 0 : i32
        %swap3A_466 = arith.constant 0 : i32
        %swap3A_467 = tpu.memref_slice %arg12[%scan3A_161, %swap3A_465, %swap3A_466] : memref<2x125x80xf32, #tpu.memory_space<vmem>> -> memref<1x125x80xf32, #tpu.memory_space<vmem>>
        %swap3A_468 = tpu.memref_squeeze %swap3A_467 : memref<1x125x80xf32, #tpu.memory_space<vmem>> -> memref<125x80xf32, #tpu.memory_space<vmem>>
        %swap3A_469 = arith.index_cast %scan3A_344 : i32 to index
        %swap3A_470 = arith.constant 48 : index
        %swap3A_471 = tpu.vector_load %swap3A_468[%swap3A_469, %swap3A_470] {strides = array<i32>} : memref<125x80xf32, #tpu.memory_space<vmem>>, vector<16xf32>,
        tpu.vector_store %swap3A_468[%swap3A_469, %swap3A_470], %mul3A_464 {strides = array<i32>} : memref<125x80xf32, #tpu.memory_space<vmem>>, vector<16xf32>,
        %scan3A_472 = arith.constant 2 : i32
        %scan3A_473 = arith.addi %scan3A_222, %scan3A_472 : i32
        %get3A_474 = arith.constant 0 : i32
        %get3A_475 = arith.constant 0 : i32
        %get3A_476 = tpu.memref_slice %arg10[%scan3A_159, %get3A_474, %get3A_475] : memref<2x125x80xf32, #tpu.memory_space<vmem>> -> memref<1x125x80xf32, #tpu.memory_space<vmem>>
        %get3A_477 = tpu.memref_squeeze %get3A_476 : memref<1x125x80xf32, #tpu.memory_space<vmem>> -> memref<125x80xf32, #tpu.memory_space<vmem>>
        %get3A_478 = arith.index_cast %scan3A_473 : i32 to index
        %get3A_479 = arith.constant 64 : index
        %get3A_480 = tpu.vector_load %get3A_477[%get3A_478, %get3A_479] {strides = array<i32>} : memref<125x80xf32, #tpu.memory_space<vmem>>, vector<16xf32>,
        %get3A_481 = arith.constant 0 : i32
        %get3A_482 = arith.constant 0 : i32
        %get3A_483 = tpu.memref_slice %arg11[%scan3A_160, %get3A_481, %get3A_482] : memref<2x125x16xf32, #tpu.memory_space<vmem>> -> memref<1x125x16xf32, #tpu.memory_space<vmem>>
        %get3A_484 = tpu.memref_squeeze %get3A_483 : memref<1x125x16xf32, #tpu.memory_space<vmem>> -> memref<125x16xf32, #tpu.memory_space<vmem>>
        %get3A_485 = arith.index_cast %scan3A_473 : i32 to index
        %get3A_486 = arith.constant 0 : index
        %get3A_487 = tpu.vector_load %get3A_484[%get3A_485, %get3A_486] {strides = array<i32>} : memref<125x16xf32, #tpu.memory_space<vmem>>, vector<16xf32>,
        %add3A_488 = arith.addf %get3A_480, %get3A_487 : vector<16xf32>
        %mul3A_489 = arith.constant 2.000000e-01 : f32
        %mul3A_490 = vector.broadcast %mul3A_489 : f32 to vector<16xf32>
        %mul3A_491 = arith.mulf %mul3A_490, %add3A_488 : vector<16xf32>
        %max3A_492 = arith.maximumf %add3A_488, %mul3A_491 : vector<16xf32>
        %exp3A_493 = math.exp %max3A_492 : vector<16xf32>
        %swap3A_494 = arith.constant 0 : i32
        %swap3A_495 = arith.constant 0 : i32
        %swap3A_496 = tpu.memref_slice %arg12[%scan3A_161, %swap3A_494, %swap3A_495] : memref<2x125x80xf32, #tpu.memory_space<vmem>> -> memref<1x125x80xf32, #tpu.memory_space<vmem>>
        %swap3A_497 = tpu.memref_squeeze %swap3A_496 : memref<1x125x80xf32, #tpu.memory_space<vmem>> -> memref<125x80xf32, #tpu.memory_space<vmem>>
        %swap3A_498 = arith.index_cast %scan3A_473 : i32 to index
        %swap3A_499 = arith.constant 64 : index
        %swap3A_500 = tpu.vector_load %swap3A_497[%swap3A_498, %swap3A_499] {strides = array<i32>} : memref<125x80xf32, #tpu.memory_space<vmem>>, vector<16xf32>,
        tpu.vector_store %swap3A_497[%swap3A_498, %swap3A_499], %exp3A_493 {strides = array<i32>} : memref<125x80xf32, #tpu.memory_space<vmem>>, vector<16xf32>,
        %lt3A_501 = arith.constant 0 : i32
        %lt3A_502 = vector.broadcast %lt3A_501 : i32 to vector<16xi32>
        %lt3A_503 = arith.cmpi slt, %broadcast_in_dim3A_3, %lt3A_502 : vector<16xi32>
        %add3A_504 = arith.constant 16 : i32
        %add3A_505 = vector.broadcast %add3A_504 : i32 to vector<16xi32>
        %add3A_506 = arith.addi %broadcast_in_dim3A_3, %add3A_505 : vector<16xi32>
        %select_n3A_507 = arith.select %lt3A_503, %add3A_506, %broadcast_in_dim3A_3 : vector<16xi1>, vector<16xi32>
        %broadcast_in_dim3A_508 = vector.shape_cast %select_n3A_507 : vector<16xi32> to vector<16x1xi32>
        %gather3A_509 = vector.shape_cast %broadcast_in_dim3A_508 : vector<16x1xi32> to vector<16xi32>
        %gather3A_510 = tpu.dynamic_gather %exp3A_493[%gather3A_509] in [0] : vector<16xf32>, vector<16xi32> -> vector<16xf32>
        %get3A_511 = arith.constant 0 : i32
        %get3A_512 = arith.constant 0 : i32
        %get3A_513 = tpu.memref_slice %arg10[%scan3A_159, %get3A_511, %get3A_512] : memref<2x125x80xf32, #tpu.memory_space<vmem>> -> memref<1x125x80xf32, #tpu.memory_space<vmem>>
        %get3A_514 = tpu.memref_squeeze %get3A_513 : memref<1x125x80xf32, #tpu.memory_space<vmem>> -> memref<125x80xf32, #tpu.memory_space<vmem>>
        %get3A_515 = arith.index_cast %scan3A_473 : i32 to index
        %get3A_516 = arith.constant 0 : index
        %get3A_517 = tpu.vector_load %get3A_514[%get3A_515, %get3A_516] {strides = array<i32>} : memref<125x80xf32, #tpu.memory_space<vmem>>, vector<16xf32>,
        %mul3A_518 = arith.mulf %get3A_517, %gather3A_510 : vector<16xf32>
        %swap3A_519 = arith.constant 0 : i32
        %swap3A_520 = arith.constant 0 : i32
        %swap3A_521 = tpu.memref_slice %arg12[%scan3A_161, %swap3A_519, %swap3A_520] : memref<2x125x80xf32, #tpu.memory_space<vmem>> -> memref<1x125x80xf32, #tpu.memory_space<vmem>>
        %swap3A_522 = tpu.memref_squeeze %swap3A_521 : memref<1x125x80xf32, #tpu.memory_space<vmem>> -> memref<125x80xf32, #tpu.memory_space<vmem>>
        %swap3A_523 = arith.index_cast %scan3A_473 : i32 to index
        %swap3A_524 = arith.constant 0 : index
        %swap3A_525 = tpu.vector_load %swap3A_522[%swap3A_523, %swap3A_524] {strides = array<i32>} : memref<125x80xf32, #tpu.memory_space<vmem>>, vector<16xf32>,
        tpu.vector_store %swap3A_522[%swap3A_523, %swap3A_524], %mul3A_518 {strides = array<i32>} : memref<125x80xf32, #tpu.memory_space<vmem>>, vector<16xf32>,
        %lt3A_526 = arith.constant 0 : i32
        %lt3A_527 = vector.broadcast %lt3A_526 : i32 to vector<16xi32>
        %lt3A_528 = arith.cmpi slt, %broadcast_in_dim3A_5, %lt3A_527 : vector<16xi32>
        %add3A_529 = arith.constant 16 : i32
        %add3A_530 = vector.broadcast %add3A_529 : i32 to vector<16xi32>
        %add3A_531 = arith.addi %broadcast_in_dim3A_5, %add3A_530 : vector<16xi32>
        %select_n3A_532 = arith.select %lt3A_528, %add3A_531, %broadcast_in_dim3A_5 : vector<16xi1>, vector<16xi32>
        %broadcast_in_dim3A_533 = vector.shape_cast %select_n3A_532 : vector<16xi32> to vector<16x1xi32>
        %gather3A_534 = vector.shape_cast %broadcast_in_dim3A_533 : vector<16x1xi32> to vector<16xi32>
        %gather3A_535 = tpu.dynamic_gather %exp3A_493[%gather3A_534] in [0] : vector<16xf32>, vector<16xi32> -> vector<16xf32>
        %get3A_536 = arith.constant 0 : i32
        %get3A_537 = arith.constant 0 : i32
        %get3A_538 = tpu.memref_slice %arg10[%scan3A_159, %get3A_536, %get3A_537] : memref<2x125x80xf32, #tpu.memory_space<vmem>> -> memref<1x125x80xf32, #tpu.memory_space<vmem>>
        %get3A_539 = tpu.memref_squeeze %get3A_538 : memref<1x125x80xf32, #tpu.memory_space<vmem>> -> memref<125x80xf32, #tpu.memory_space<vmem>>
        %get3A_540 = arith.index_cast %scan3A_473 : i32 to index
        %get3A_541 = arith.constant 16 : index
        %get3A_542 = tpu.vector_load %get3A_539[%get3A_540, %get3A_541] {strides = array<i32>} : memref<125x80xf32, #tpu.memory_space<vmem>>, vector<16xf32>,
        %mul3A_543 = arith.mulf %get3A_542, %gather3A_535 : vector<16xf32>
        %swap3A_544 = arith.constant 0 : i32
        %swap3A_545 = arith.constant 0 : i32
        %swap3A_546 = tpu.memref_slice %arg12[%scan3A_161, %swap3A_544, %swap3A_545] : memref<2x125x80xf32, #tpu.memory_space<vmem>> -> memref<1x125x80xf32, #tpu.memory_space<vmem>>
        %swap3A_547 = tpu.memref_squeeze %swap3A_546 : memref<1x125x80xf32, #tpu.memory_space<vmem>> -> memref<125x80xf32, #tpu.memory_space<vmem>>
        %swap3A_548 = arith.index_cast %scan3A_473 : i32 to index
        %swap3A_549 = arith.constant 16 : index
        %swap3A_550 = tpu.vector_load %swap3A_547[%swap3A_548, %swap3A_549] {strides = array<i32>} : memref<125x80xf32, #tpu.memory_space<vmem>>, vector<16xf32>,
        tpu.vector_store %swap3A_547[%swap3A_548, %swap3A_549], %mul3A_543 {strides = array<i32>} : memref<125x80xf32, #tpu.memory_space<vmem>>, vector<16xf32>,
        %lt3A_551 = arith.constant 0 : i32
        %lt3A_552 = vector.broadcast %lt3A_551 : i32 to vector<16xi32>
        %lt3A_553 = arith.cmpi slt, %broadcast_in_dim3A_7, %lt3A_552 : vector<16xi32>
        %add3A_554 = arith.constant 16 : i32
        %add3A_555 = vector.broadcast %add3A_554 : i32 to vector<16xi32>
        %add3A_556 = arith.addi %broadcast_in_dim3A_7, %add3A_555 : vector<16xi32>
        %select_n3A_557 = arith.select %lt3A_553, %add3A_556, %broadcast_in_dim3A_7 : vector<16xi1>, vector<16xi32>
        %broadcast_in_dim3A_558 = vector.shape_cast %select_n3A_557 : vector<16xi32> to vector<16x1xi32>
        %gather3A_559 = vector.shape_cast %broadcast_in_dim3A_558 : vector<16x1xi32> to vector<16xi32>
        %gather3A_560 = tpu.dynamic_gather %exp3A_493[%gather3A_559] in [0] : vector<16xf32>, vector<16xi32> -> vector<16xf32>
        %get3A_561 = arith.constant 0 : i32
        %get3A_562 = arith.constant 0 : i32
        %get3A_563 = tpu.memref_slice %arg10[%scan3A_159, %get3A_561, %get3A_562] : memref<2x125x80xf32, #tpu.memory_space<vmem>> -> memref<1x125x80xf32, #tpu.memory_space<vmem>>
        %get3A_564 = tpu.memref_squeeze %get3A_563 : memref<1x125x80xf32, #tpu.memory_space<vmem>> -> memref<125x80xf32, #tpu.memory_space<vmem>>
        %get3A_565 = arith.index_cast %scan3A_473 : i32 to index
        %get3A_566 = arith.constant 32 : index
        %get3A_567 = tpu.vector_load %get3A_564[%get3A_565, %get3A_566] {strides = array<i32>} : memref<125x80xf32, #tpu.memory_space<vmem>>, vector<16xf32>,
        %mul3A_568 = arith.mulf %get3A_567, %gather3A_560 : vector<16xf32>
        %swap3A_569 = arith.constant 0 : i32
        %swap3A_570 = arith.constant 0 : i32
        %swap3A_571 = tpu.memref_slice %arg12[%scan3A_161, %swap3A_569, %swap3A_570] : memref<2x125x80xf32, #tpu.memory_space<vmem>> -> memref<1x125x80xf32, #tpu.memory_space<vmem>>
        %swap3A_572 = tpu.memref_squeeze %swap3A_571 : memref<1x125x80xf32, #tpu.memory_space<vmem>> -> memref<125x80xf32, #tpu.memory_space<vmem>>
        %swap3A_573 = arith.index_cast %scan3A_473 : i32 to index
        %swap3A_574 = arith.constant 32 : index
        %swap3A_575 = tpu.vector_load %swap3A_572[%swap3A_573, %swap3A_574] {strides = array<i32>} : memref<125x80xf32, #tpu.memory_space<vmem>>, vector<16xf32>,
        tpu.vector_store %swap3A_572[%swap3A_573, %swap3A_574], %mul3A_568 {strides = array<i32>} : memref<125x80xf32, #tpu.memory_space<vmem>>, vector<16xf32>,
        %lt3A_576 = arith.constant 0 : i32
        %lt3A_577 = vector.broadcast %lt3A_576 : i32 to vector<16xi32>
        %lt3A_578 = arith.cmpi slt, %broadcast_in_dim3A_9, %lt3A_577 : vector<16xi32>
        %add3A_579 = arith.constant 16 : i32
        %add3A_580 = vector.broadcast %add3A_579 : i32 to vector<16xi32>
        %add3A_581 = arith.addi %broadcast_in_dim3A_9, %add3A_580 : vector<16xi32>
        %select_n3A_582 = arith.select %lt3A_578, %add3A_581, %broadcast_in_dim3A_9 : vector<16xi1>, vector<16xi32>
        %broadcast_in_dim3A_583 = vector.shape_cast %select_n3A_582 : vector<16xi32> to vector<16x1xi32>
        %gather3A_584 = vector.shape_cast %broadcast_in_dim3A_583 : vector<16x1xi32> to vector<16xi32>
        %gather3A_585 = tpu.dynamic_gather %exp3A_493[%gather3A_584] in [0] : vector<16xf32>, vector<16xi32> -> vector<16xf32>
        %get3A_586 = arith.constant 0 : i32
        %get3A_587 = arith.constant 0 : i32
        %get3A_588 = tpu.memref_slice %arg10[%scan3A_159, %get3A_586, %get3A_587] : memref<2x125x80xf32, #tpu.memory_space<vmem>> -> memref<1x125x80xf32, #tpu.memory_space<vmem>>
        %get3A_589 = tpu.memref_squeeze %get3A_588 : memref<1x125x80xf32, #tpu.memory_space<vmem>> -> memref<125x80xf32, #tpu.memory_space<vmem>>
        %get3A_590 = arith.index_cast %scan3A_473 : i32 to index
        %get3A_591 = arith.constant 48 : index
        %get3A_592 = tpu.vector_load %get3A_589[%get3A_590, %get3A_591] {strides = array<i32>} : memref<125x80xf32, #tpu.memory_space<vmem>>, vector<16xf32>,
        %mul3A_593 = arith.mulf %get3A_592, %gather3A_585 : vector<16xf32>
        %swap3A_594 = arith.constant 0 : i32
        %swap3A_595 = arith.constant 0 : i32
        %swap3A_596 = tpu.memref_slice %arg12[%scan3A_161, %swap3A_594, %swap3A_595] : memref<2x125x80xf32, #tpu.memory_space<vmem>> -> memref<1x125x80xf32, #tpu.memory_space<vmem>>
        %swap3A_597 = tpu.memref_squeeze %swap3A_596 : memref<1x125x80xf32, #tpu.memory_space<vmem>> -> memref<125x80xf32, #tpu.memory_space<vmem>>
        %swap3A_598 = arith.index_cast %scan3A_473 : i32 to index
        %swap3A_599 = arith.constant 48 : index
        %swap3A_600 = tpu.vector_load %swap3A_597[%swap3A_598, %swap3A_599] {strides = array<i32>} : memref<125x80xf32, #tpu.memory_space<vmem>>, vector<16xf32>,
        tpu.vector_store %swap3A_597[%swap3A_598, %swap3A_599], %mul3A_593 {strides = array<i32>} : memref<125x80xf32, #tpu.memory_space<vmem>>, vector<16xf32>,
        %scan3A_601 = arith.constant 3 : i32
        %scan3A_602 = arith.addi %scan3A_222, %scan3A_601 : i32
        %get3A_603 = arith.constant 0 : i32
        %get3A_604 = arith.constant 0 : i32
        %get3A_605 = tpu.memref_slice %arg10[%scan3A_159, %get3A_603, %get3A_604] : memref<2x125x80xf32, #tpu.memory_space<vmem>> -> memref<1x125x80xf32, #tpu.memory_space<vmem>>
        %get3A_606 = tpu.memref_squeeze %get3A_605 : memref<1x125x80xf32, #tpu.memory_space<vmem>> -> memref<125x80xf32, #tpu.memory_space<vmem>>
        %get3A_607 = arith.index_cast %scan3A_602 : i32 to index
        %get3A_608 = arith.constant 64 : index
        %get3A_609 = tpu.vector_load %get3A_606[%get3A_607, %get3A_608] {strides = array<i32>} : memref<125x80xf32, #tpu.memory_space<vmem>>, vector<16xf32>,
        %get3A_610 = arith.constant 0 : i32
        %get3A_611 = arith.constant 0 : i32
        %get3A_612 = tpu.memref_slice %arg11[%scan3A_160, %get3A_610, %get3A_611] : memref<2x125x16xf32, #tpu.memory_space<vmem>> -> memref<1x125x16xf32, #tpu.memory_space<vmem>>
        %get3A_613 = tpu.memref_squeeze %get3A_612 : memref<1x125x16xf32, #tpu.memory_space<vmem>> -> memref<125x16xf32, #tpu.memory_space<vmem>>
        %get3A_614 = arith.index_cast %scan3A_602 : i32 to index
        %get3A_615 = arith.constant 0 : index
        %get3A_616 = tpu.vector_load %get3A_613[%get3A_614, %get3A_615] {strides = array<i32>} : memref<125x16xf32, #tpu.memory_space<vmem>>, vector<16xf32>,
        %add3A_617 = arith.addf %get3A_609, %get3A_616 : vector<16xf32>
        %mul3A_618 = arith.constant 2.000000e-01 : f32
        %mul3A_619 = vector.broadcast %mul3A_618 : f32 to vector<16xf32>
        %mul3A_620 = arith.mulf %mul3A_619, %add3A_617 : vector<16xf32>
        %max3A_621 = arith.maximumf %add3A_617, %mul3A_620 : vector<16xf32>
        %exp3A_622 = math.exp %max3A_621 : vector<16xf32>
        %swap3A_623 = arith.constant 0 : i32
        %swap3A_624 = arith.constant 0 : i32
        %swap3A_625 = tpu.memref_slice %arg12[%scan3A_161, %swap3A_623, %swap3A_624] : memref<2x125x80xf32, #tpu.memory_space<vmem>> -> memref<1x125x80xf32, #tpu.memory_space<vmem>>
        %swap3A_626 = tpu.memref_squeeze %swap3A_625 : memref<1x125x80xf32, #tpu.memory_space<vmem>> -> memref<125x80xf32, #tpu.memory_space<vmem>>
        %swap3A_627 = arith.index_cast %scan3A_602 : i32 to index
        %swap3A_628 = arith.constant 64 : index
        %swap3A_629 = tpu.vector_load %swap3A_626[%swap3A_627, %swap3A_628] {strides = array<i32>} : memref<125x80xf32, #tpu.memory_space<vmem>>, vector<16xf32>,
        tpu.vector_store %swap3A_626[%swap3A_627, %swap3A_628], %exp3A_622 {strides = array<i32>} : memref<125x80xf32, #tpu.memory_space<vmem>>, vector<16xf32>,
        %lt3A_630 = arith.constant 0 : i32
        %lt3A_631 = vector.broadcast %lt3A_630 : i32 to vector<16xi32>
        %lt3A_632 = arith.cmpi slt, %broadcast_in_dim3A_3, %lt3A_631 : vector<16xi32>
        %add3A_633 = arith.constant 16 : i32
        %add3A_634 = vector.broadcast %add3A_633 : i32 to vector<16xi32>
        %add3A_635 = arith.addi %broadcast_in_dim3A_3, %add3A_634 : vector<16xi32>
        %select_n3A_636 = arith.select %lt3A_632, %add3A_635, %broadcast_in_dim3A_3 : vector<16xi1>, vector<16xi32>
        %broadcast_in_dim3A_637 = vector.shape_cast %select_n3A_636 : vector<16xi32> to vector<16x1xi32>
        %gather3A_638 = vector.shape_cast %broadcast_in_dim3A_637 : vector<16x1xi32> to vector<16xi32>
        %gather3A_639 = tpu.dynamic_gather %exp3A_622[%gather3A_638] in [0] : vector<16xf32>, vector<16xi32> -> vector<16xf32>
        %get3A_640 = arith.constant 0 : i32
        %get3A_641 = arith.constant 0 : i32
        %get3A_642 = tpu.memref_slice %arg10[%scan3A_159, %get3A_640, %get3A_641] : memref<2x125x80xf32, #tpu.memory_space<vmem>> -> memref<1x125x80xf32, #tpu.memory_space<vmem>>
        %get3A_643 = tpu.memref_squeeze %get3A_642 : memref<1x125x80xf32, #tpu.memory_space<vmem>> -> memref<125x80xf32, #tpu.memory_space<vmem>>
        %get3A_644 = arith.index_cast %scan3A_602 : i32 to index
        %get3A_645 = arith.constant 0 : index
        %get3A_646 = tpu.vector_load %get3A_643[%get3A_644, %get3A_645] {strides = array<i32>} : memref<125x80xf32, #tpu.memory_space<vmem>>, vector<16xf32>,
        %mul3A_647 = arith.mulf %get3A_646, %gather3A_639 : vector<16xf32>
        %swap3A_648 = arith.constant 0 : i32
        %swap3A_649 = arith.constant 0 : i32
        %swap3A_650 = tpu.memref_slice %arg12[%scan3A_161, %swap3A_648, %swap3A_649] : memref<2x125x80xf32, #tpu.memory_space<vmem>> -> memref<1x125x80xf32, #tpu.memory_space<vmem>>
        %swap3A_651 = tpu.memref_squeeze %swap3A_650 : memref<1x125x80xf32, #tpu.memory_space<vmem>> -> memref<125x80xf32, #tpu.memory_space<vmem>>
        %swap3A_652 = arith.index_cast %scan3A_602 : i32 to index
        %swap3A_653 = arith.constant 0 : index
        %swap3A_654 = tpu.vector_load %swap3A_651[%swap3A_652, %swap3A_653] {strides = array<i32>} : memref<125x80xf32, #tpu.memory_space<vmem>>, vector<16xf32>,
        tpu.vector_store %swap3A_651[%swap3A_652, %swap3A_653], %mul3A_647 {strides = array<i32>} : memref<125x80xf32, #tpu.memory_space<vmem>>, vector<16xf32>,
        %lt3A_655 = arith.constant 0 : i32
        %lt3A_656 = vector.broadcast %lt3A_655 : i32 to vector<16xi32>
        %lt3A_657 = arith.cmpi slt, %broadcast_in_dim3A_5, %lt3A_656 : vector<16xi32>
        %add3A_658 = arith.constant 16 : i32
        %add3A_659 = vector.broadcast %add3A_658 : i32 to vector<16xi32>
        %add3A_660 = arith.addi %broadcast_in_dim3A_5, %add3A_659 : vector<16xi32>
        %select_n3A_661 = arith.select %lt3A_657, %add3A_660, %broadcast_in_dim3A_5 : vector<16xi1>, vector<16xi32>
        %broadcast_in_dim3A_662 = vector.shape_cast %select_n3A_661 : vector<16xi32> to vector<16x1xi32>
        %gather3A_663 = vector.shape_cast %broadcast_in_dim3A_662 : vector<16x1xi32> to vector<16xi32>
        %gather3A_664 = tpu.dynamic_gather %exp3A_622[%gather3A_663] in [0] : vector<16xf32>, vector<16xi32> -> vector<16xf32>
        %get3A_665 = arith.constant 0 : i32
        %get3A_666 = arith.constant 0 : i32
        %get3A_667 = tpu.memref_slice %arg10[%scan3A_159, %get3A_665, %get3A_666] : memref<2x125x80xf32, #tpu.memory_space<vmem>> -> memref<1x125x80xf32, #tpu.memory_space<vmem>>
        %get3A_668 = tpu.memref_squeeze %get3A_667 : memref<1x125x80xf32, #tpu.memory_space<vmem>> -> memref<125x80xf32, #tpu.memory_space<vmem>>
        %get3A_669 = arith.index_cast %scan3A_602 : i32 to index
        %get3A_670 = arith.constant 16 : index
        %get3A_671 = tpu.vector_load %get3A_668[%get3A_669, %get3A_670] {strides = array<i32>} : memref<125x80xf32, #tpu.memory_space<vmem>>, vector<16xf32>,
        %mul3A_672 = arith.mulf %get3A_671, %gather3A_664 : vector<16xf32>
        %swap3A_673 = arith.constant 0 : i32
        %swap3A_674 = arith.constant 0 : i32
        %swap3A_675 = tpu.memref_slice %arg12[%scan3A_161, %swap3A_673, %swap3A_674] : memref<2x125x80xf32, #tpu.memory_space<vmem>> -> memref<1x125x80xf32, #tpu.memory_space<vmem>>
        %swap3A_676 = tpu.memref_squeeze %swap3A_675 : memref<1x125x80xf32, #tpu.memory_space<vmem>> -> memref<125x80xf32, #tpu.memory_space<vmem>>
        %swap3A_677 = arith.index_cast %scan3A_602 : i32 to index
        %swap3A_678 = arith.constant 16 : index
        %swap3A_679 = tpu.vector_load %swap3A_676[%swap3A_677, %swap3A_678] {strides = array<i32>} : memref<125x80xf32, #tpu.memory_space<vmem>>, vector<16xf32>,
        tpu.vector_store %swap3A_676[%swap3A_677, %swap3A_678], %mul3A_672 {strides = array<i32>} : memref<125x80xf32, #tpu.memory_space<vmem>>, vector<16xf32>,
        %lt3A_680 = arith.constant 0 : i32
        %lt3A_681 = vector.broadcast %lt3A_680 : i32 to vector<16xi32>
        %lt3A_682 = arith.cmpi slt, %broadcast_in_dim3A_7, %lt3A_681 : vector<16xi32>
        %add3A_683 = arith.constant 16 : i32
        %add3A_684 = vector.broadcast %add3A_683 : i32 to vector<16xi32>
        %add3A_685 = arith.addi %broadcast_in_dim3A_7, %add3A_684 : vector<16xi32>
        %select_n3A_686 = arith.select %lt3A_682, %add3A_685, %broadcast_in_dim3A_7 : vector<16xi1>, vector<16xi32>
        %broadcast_in_dim3A_687 = vector.shape_cast %select_n3A_686 : vector<16xi32> to vector<16x1xi32>
        %gather3A_688 = vector.shape_cast %broadcast_in_dim3A_687 : vector<16x1xi32> to vector<16xi32>
        %gather3A_689 = tpu.dynamic_gather %exp3A_622[%gather3A_688] in [0] : vector<16xf32>, vector<16xi32> -> vector<16xf32>
        %get3A_690 = arith.constant 0 : i32
        %get3A_691 = arith.constant 0 : i32
        %get3A_692 = tpu.memref_slice %arg10[%scan3A_159, %get3A_690, %get3A_691] : memref<2x125x80xf32, #tpu.memory_space<vmem>> -> memref<1x125x80xf32, #tpu.memory_space<vmem>>
        %get3A_693 = tpu.memref_squeeze %get3A_692 : memref<1x125x80xf32, #tpu.memory_space<vmem>> -> memref<125x80xf32, #tpu.memory_space<vmem>>
        %get3A_694 = arith.index_cast %scan3A_602 : i32 to index
        %get3A_695 = arith.constant 32 : index
        %get3A_696 = tpu.vector_load %get3A_693[%get3A_694, %get3A_695] {strides = array<i32>} : memref<125x80xf32, #tpu.memory_space<vmem>>, vector<16xf32>,
        %mul3A_697 = arith.mulf %get3A_696, %gather3A_689 : vector<16xf32>
        %swap3A_698 = arith.constant 0 : i32
        %swap3A_699 = arith.constant 0 : i32
        %swap3A_700 = tpu.memref_slice %arg12[%scan3A_161, %swap3A_698, %swap3A_699] : memref<2x125x80xf32, #tpu.memory_space<vmem>> -> memref<1x125x80xf32, #tpu.memory_space<vmem>>
        %swap3A_701 = tpu.memref_squeeze %swap3A_700 : memref<1x125x80xf32, #tpu.memory_space<vmem>> -> memref<125x80xf32, #tpu.memory_space<vmem>>
        %swap3A_702 = arith.index_cast %scan3A_602 : i32 to index
        %swap3A_703 = arith.constant 32 : index
        %swap3A_704 = tpu.vector_load %swap3A_701[%swap3A_702, %swap3A_703] {strides = array<i32>} : memref<125x80xf32, #tpu.memory_space<vmem>>, vector<16xf32>,
        tpu.vector_store %swap3A_701[%swap3A_702, %swap3A_703], %mul3A_697 {strides = array<i32>} : memref<125x80xf32, #tpu.memory_space<vmem>>, vector<16xf32>,
        %lt3A_705 = arith.constant 0 : i32
        %lt3A_706 = vector.broadcast %lt3A_705 : i32 to vector<16xi32>
        %lt3A_707 = arith.cmpi slt, %broadcast_in_dim3A_9, %lt3A_706 : vector<16xi32>
        %add3A_708 = arith.constant 16 : i32
        %add3A_709 = vector.broadcast %add3A_708 : i32 to vector<16xi32>
        %add3A_710 = arith.addi %broadcast_in_dim3A_9, %add3A_709 : vector<16xi32>
        %select_n3A_711 = arith.select %lt3A_707, %add3A_710, %broadcast_in_dim3A_9 : vector<16xi1>, vector<16xi32>
        %broadcast_in_dim3A_712 = vector.shape_cast %select_n3A_711 : vector<16xi32> to vector<16x1xi32>
        %gather3A_713 = vector.shape_cast %broadcast_in_dim3A_712 : vector<16x1xi32> to vector<16xi32>
        %gather3A_714 = tpu.dynamic_gather %exp3A_622[%gather3A_713] in [0] : vector<16xf32>, vector<16xi32> -> vector<16xf32>
        %get3A_715 = arith.constant 0 : i32
        %get3A_716 = arith.constant 0 : i32
        %get3A_717 = tpu.memref_slice %arg10[%scan3A_159, %get3A_715, %get3A_716] : memref<2x125x80xf32, #tpu.memory_space<vmem>> -> memref<1x125x80xf32, #tpu.memory_space<vmem>>
        %get3A_718 = tpu.memref_squeeze %get3A_717 : memref<1x125x80xf32, #tpu.memory_space<vmem>> -> memref<125x80xf32, #tpu.memory_space<vmem>>
        %get3A_719 = arith.index_cast %scan3A_602 : i32 to index
        %get3A_720 = arith.constant 48 : index
        %get3A_721 = tpu.vector_load %get3A_718[%get3A_719, %get3A_720] {strides = array<i32>} : memref<125x80xf32, #tpu.memory_space<vmem>>, vector<16xf32>,
        %mul3A_722 = arith.mulf %get3A_721, %gather3A_714 : vector<16xf32>
        %swap3A_723 = arith.constant 0 : i32
        %swap3A_724 = arith.constant 0 : i32
        %swap3A_725 = tpu.memref_slice %arg12[%scan3A_161, %swap3A_723, %swap3A_724] : memref<2x125x80xf32, #tpu.memory_space<vmem>> -> memref<1x125x80xf32, #tpu.memory_space<vmem>>
        %swap3A_726 = tpu.memref_squeeze %swap3A_725 : memref<1x125x80xf32, #tpu.memory_space<vmem>> -> memref<125x80xf32, #tpu.memory_space<vmem>>
        %swap3A_727 = arith.index_cast %scan3A_602 : i32 to index
        %swap3A_728 = arith.constant 48 : index
        %swap3A_729 = tpu.vector_load %swap3A_726[%swap3A_727, %swap3A_728] {strides = array<i32>} : memref<125x80xf32, #tpu.memory_space<vmem>>, vector<16xf32>,
        tpu.vector_store %swap3A_726[%swap3A_727, %swap3A_728], %mul3A_722 {strides = array<i32>} : memref<125x80xf32, #tpu.memory_space<vmem>>, vector<16xf32>,
        %scan3A_730 = arith.constant 4 : i32
        %scan3A_731 = arith.addi %scan3A_222, %scan3A_730 : i32
        %get3A_732 = arith.constant 0 : i32
        %get3A_733 = arith.constant 0 : i32
        %get3A_734 = tpu.memref_slice %arg10[%scan3A_159, %get3A_732, %get3A_733] : memref<2x125x80xf32, #tpu.memory_space<vmem>> -> memref<1x125x80xf32, #tpu.memory_space<vmem>>
        %get3A_735 = tpu.memref_squeeze %get3A_734 : memref<1x125x80xf32, #tpu.memory_space<vmem>> -> memref<125x80xf32, #tpu.memory_space<vmem>>
        %get3A_736 = arith.index_cast %scan3A_731 : i32 to index
        %get3A_737 = arith.constant 64 : index
        %get3A_738 = tpu.vector_load %get3A_735[%get3A_736, %get3A_737] {strides = array<i32>} : memref<125x80xf32, #tpu.memory_space<vmem>>, vector<16xf32>,
        %get3A_739 = arith.constant 0 : i32
        %get3A_740 = arith.constant 0 : i32
        %get3A_741 = tpu.memref_slice %arg11[%scan3A_160, %get3A_739, %get3A_740] : memref<2x125x16xf32, #tpu.memory_space<vmem>> -> memref<1x125x16xf32, #tpu.memory_space<vmem>>
        %get3A_742 = tpu.memref_squeeze %get3A_741 : memref<1x125x16xf32, #tpu.memory_space<vmem>> -> memref<125x16xf32, #tpu.memory_space<vmem>>
        %get3A_743 = arith.index_cast %scan3A_731 : i32 to index
        %get3A_744 = arith.constant 0 : index
        %get3A_745 = tpu.vector_load %get3A_742[%get3A_743, %get3A_744] {strides = array<i32>} : memref<125x16xf32, #tpu.memory_space<vmem>>, vector<16xf32>,
        %add3A_746 = arith.addf %get3A_738, %get3A_745 : vector<16xf32>
        %mul3A_747 = arith.constant 2.000000e-01 : f32
        %mul3A_748 = vector.broadcast %mul3A_747 : f32 to vector<16xf32>
        %mul3A_749 = arith.mulf %mul3A_748, %add3A_746 : vector<16xf32>
        %max3A_750 = arith.maximumf %add3A_746, %mul3A_749 : vector<16xf32>
        %exp3A_751 = math.exp %max3A_750 : vector<16xf32>
        %swap3A_752 = arith.constant 0 : i32
        %swap3A_753 = arith.constant 0 : i32
        %swap3A_754 = tpu.memref_slice %arg12[%scan3A_161, %swap3A_752, %swap3A_753] : memref<2x125x80xf32, #tpu.memory_space<vmem>> -> memref<1x125x80xf32, #tpu.memory_space<vmem>>
        %swap3A_755 = tpu.memref_squeeze %swap3A_754 : memref<1x125x80xf32, #tpu.memory_space<vmem>> -> memref<125x80xf32, #tpu.memory_space<vmem>>
        %swap3A_756 = arith.index_cast %scan3A_731 : i32 to index
        %swap3A_757 = arith.constant 64 : index
        %swap3A_758 = tpu.vector_load %swap3A_755[%swap3A_756, %swap3A_757] {strides = array<i32>} : memref<125x80xf32, #tpu.memory_space<vmem>>, vector<16xf32>,
        tpu.vector_store %swap3A_755[%swap3A_756, %swap3A_757], %exp3A_751 {strides = array<i32>} : memref<125x80xf32, #tpu.memory_space<vmem>>, vector<16xf32>,
        %lt3A_759 = arith.constant 0 : i32
        %lt3A_760 = vector.broadcast %lt3A_759 : i32 to vector<16xi32>
        %lt3A_761 = arith.cmpi slt, %broadcast_in_dim3A_3, %lt3A_760 : vector<16xi32>
        %add3A_762 = arith.constant 16 : i32
        %add3A_763 = vector.broadcast %add3A_762 : i32 to vector<16xi32>
        %add3A_764 = arith.addi %broadcast_in_dim3A_3, %add3A_763 : vector<16xi32>
        %select_n3A_765 = arith.select %lt3A_761, %add3A_764, %broadcast_in_dim3A_3 : vector<16xi1>, vector<16xi32>
        %broadcast_in_dim3A_766 = vector.shape_cast %select_n3A_765 : vector<16xi32> to vector<16x1xi32>
        %gather3A_767 = vector.shape_cast %broadcast_in_dim3A_766 : vector<16x1xi32> to vector<16xi32>
        %gather3A_768 = tpu.dynamic_gather %exp3A_751[%gather3A_767] in [0] : vector<16xf32>, vector<16xi32> -> vector<16xf32>
        %get3A_769 = arith.constant 0 : i32
        %get3A_770 = arith.constant 0 : i32
        %get3A_771 = tpu.memref_slice %arg10[%scan3A_159, %get3A_769, %get3A_770] : memref<2x125x80xf32, #tpu.memory_space<vmem>> -> memref<1x125x80xf32, #tpu.memory_space<vmem>>
        %get3A_772 = tpu.memref_squeeze %get3A_771 : memref<1x125x80xf32, #tpu.memory_space<vmem>> -> memref<125x80xf32, #tpu.memory_space<vmem>>
        %get3A_773 = arith.index_cast %scan3A_731 : i32 to index
        %get3A_774 = arith.constant 0 : index
        %get3A_775 = tpu.vector_load %get3A_772[%get3A_773, %get3A_774] {strides = array<i32>} : memref<125x80xf32, #tpu.memory_space<vmem>>, vector<16xf32>,
        %mul3A_776 = arith.mulf %get3A_775, %gather3A_768 : vector<16xf32>
        %swap3A_777 = arith.constant 0 : i32
        %swap3A_778 = arith.constant 0 : i32
        %swap3A_779 = tpu.memref_slice %arg12[%scan3A_161, %swap3A_777, %swap3A_778] : memref<2x125x80xf32, #tpu.memory_space<vmem>> -> memref<1x125x80xf32, #tpu.memory_space<vmem>>
        %swap3A_780 = tpu.memref_squeeze %swap3A_779 : memref<1x125x80xf32, #tpu.memory_space<vmem>> -> memref<125x80xf32, #tpu.memory_space<vmem>>
        %swap3A_781 = arith.index_cast %scan3A_731 : i32 to index
        %swap3A_782 = arith.constant 0 : index
        %swap3A_783 = tpu.vector_load %swap3A_780[%swap3A_781, %swap3A_782] {strides = array<i32>} : memref<125x80xf32, #tpu.memory_space<vmem>>, vector<16xf32>,
        tpu.vector_store %swap3A_780[%swap3A_781, %swap3A_782], %mul3A_776 {strides = array<i32>} : memref<125x80xf32, #tpu.memory_space<vmem>>, vector<16xf32>,
        %lt3A_784 = arith.constant 0 : i32
        %lt3A_785 = vector.broadcast %lt3A_784 : i32 to vector<16xi32>
        %lt3A_786 = arith.cmpi slt, %broadcast_in_dim3A_5, %lt3A_785 : vector<16xi32>
        %add3A_787 = arith.constant 16 : i32
        %add3A_788 = vector.broadcast %add3A_787 : i32 to vector<16xi32>
        %add3A_789 = arith.addi %broadcast_in_dim3A_5, %add3A_788 : vector<16xi32>
        %select_n3A_790 = arith.select %lt3A_786, %add3A_789, %broadcast_in_dim3A_5 : vector<16xi1>, vector<16xi32>
        %broadcast_in_dim3A_791 = vector.shape_cast %select_n3A_790 : vector<16xi32> to vector<16x1xi32>
        %gather3A_792 = vector.shape_cast %broadcast_in_dim3A_791 : vector<16x1xi32> to vector<16xi32>
        %gather3A_793 = tpu.dynamic_gather %exp3A_751[%gather3A_792] in [0] : vector<16xf32>, vector<16xi32> -> vector<16xf32>
        %get3A_794 = arith.constant 0 : i32
        %get3A_795 = arith.constant 0 : i32
        %get3A_796 = tpu.memref_slice %arg10[%scan3A_159, %get3A_794, %get3A_795] : memref<2x125x80xf32, #tpu.memory_space<vmem>> -> memref<1x125x80xf32, #tpu.memory_space<vmem>>
        %get3A_797 = tpu.memref_squeeze %get3A_796 : memref<1x125x80xf32, #tpu.memory_space<vmem>> -> memref<125x80xf32, #tpu.memory_space<vmem>>
        %get3A_798 = arith.index_cast %scan3A_731 : i32 to index
        %get3A_799 = arith.constant 16 : index
        %get3A_800 = tpu.vector_load %get3A_797[%get3A_798, %get3A_799] {strides = array<i32>} : memref<125x80xf32, #tpu.memory_space<vmem>>, vector<16xf32>,
        %mul3A_801 = arith.mulf %get3A_800, %gather3A_793 : vector<16xf32>
        %swap3A_802 = arith.constant 0 : i32
        %swap3A_803 = arith.constant 0 : i32
        %swap3A_804 = tpu.memref_slice %arg12[%scan3A_161, %swap3A_802, %swap3A_803] : memref<2x125x80xf32, #tpu.memory_space<vmem>> -> memref<1x125x80xf32, #tpu.memory_space<vmem>>
        %swap3A_805 = tpu.memref_squeeze %swap3A_804 : memref<1x125x80xf32, #tpu.memory_space<vmem>> -> memref<125x80xf32, #tpu.memory_space<vmem>>
        %swap3A_806 = arith.index_cast %scan3A_731 : i32 to index
        %swap3A_807 = arith.constant 16 : index
        %swap3A_808 = tpu.vector_load %swap3A_805[%swap3A_806, %swap3A_807] {strides = array<i32>} : memref<125x80xf32, #tpu.memory_space<vmem>>, vector<16xf32>,
        tpu.vector_store %swap3A_805[%swap3A_806, %swap3A_807], %mul3A_801 {strides = array<i32>} : memref<125x80xf32, #tpu.memory_space<vmem>>, vector<16xf32>,
        %lt3A_809 = arith.constant 0 : i32
        %lt3A_810 = vector.broadcast %lt3A_809 : i32 to vector<16xi32>
        %lt3A_811 = arith.cmpi slt, %broadcast_in_dim3A_7, %lt3A_810 : vector<16xi32>
        %add3A_812 = arith.constant 16 : i32
        %add3A_813 = vector.broadcast %add3A_812 : i32 to vector<16xi32>
        %add3A_814 = arith.addi %broadcast_in_dim3A_7, %add3A_813 : vector<16xi32>
        %select_n3A_815 = arith.select %lt3A_811, %add3A_814, %broadcast_in_dim3A_7 : vector<16xi1>, vector<16xi32>
        %broadcast_in_dim3A_816 = vector.shape_cast %select_n3A_815 : vector<16xi32> to vector<16x1xi32>
        %gather3A_817 = vector.shape_cast %broadcast_in_dim3A_816 : vector<16x1xi32> to vector<16xi32>
        %gather3A_818 = tpu.dynamic_gather %exp3A_751[%gather3A_817] in [0] : vector<16xf32>, vector<16xi32> -> vector<16xf32>
        %get3A_819 = arith.constant 0 : i32
        %get3A_820 = arith.constant 0 : i32
        %get3A_821 = tpu.memref_slice %arg10[%scan3A_159, %get3A_819, %get3A_820] : memref<2x125x80xf32, #tpu.memory_space<vmem>> -> memref<1x125x80xf32, #tpu.memory_space<vmem>>
        %get3A_822 = tpu.memref_squeeze %get3A_821 : memref<1x125x80xf32, #tpu.memory_space<vmem>> -> memref<125x80xf32, #tpu.memory_space<vmem>>
        %get3A_823 = arith.index_cast %scan3A_731 : i32 to index
        %get3A_824 = arith.constant 32 : index
        %get3A_825 = tpu.vector_load %get3A_822[%get3A_823, %get3A_824] {strides = array<i32>} : memref<125x80xf32, #tpu.memory_space<vmem>>, vector<16xf32>,
        %mul3A_826 = arith.mulf %get3A_825, %gather3A_818 : vector<16xf32>
        %swap3A_827 = arith.constant 0 : i32
        %swap3A_828 = arith.constant 0 : i32
        %swap3A_829 = tpu.memref_slice %arg12[%scan3A_161, %swap3A_827, %swap3A_828] : memref<2x125x80xf32, #tpu.memory_space<vmem>> -> memref<1x125x80xf32, #tpu.memory_space<vmem>>
        %swap3A_830 = tpu.memref_squeeze %swap3A_829 : memref<1x125x80xf32, #tpu.memory_space<vmem>> -> memref<125x80xf32, #tpu.memory_space<vmem>>
        %swap3A_831 = arith.index_cast %scan3A_731 : i32 to index
        %swap3A_832 = arith.constant 32 : index
        %swap3A_833 = tpu.vector_load %swap3A_830[%swap3A_831, %swap3A_832] {strides = array<i32>} : memref<125x80xf32, #tpu.memory_space<vmem>>, vector<16xf32>,
        tpu.vector_store %swap3A_830[%swap3A_831, %swap3A_832], %mul3A_826 {strides = array<i32>} : memref<125x80xf32, #tpu.memory_space<vmem>>, vector<16xf32>,
        %lt3A_834 = arith.constant 0 : i32
        %lt3A_835 = vector.broadcast %lt3A_834 : i32 to vector<16xi32>
        %lt3A_836 = arith.cmpi slt, %broadcast_in_dim3A_9, %lt3A_835 : vector<16xi32>
        %add3A_837 = arith.constant 16 : i32
        %add3A_838 = vector.broadcast %add3A_837 : i32 to vector<16xi32>
        %add3A_839 = arith.addi %broadcast_in_dim3A_9, %add3A_838 : vector<16xi32>
        %select_n3A_840 = arith.select %lt3A_836, %add3A_839, %broadcast_in_dim3A_9 : vector<16xi1>, vector<16xi32>
        %broadcast_in_dim3A_841 = vector.shape_cast %select_n3A_840 : vector<16xi32> to vector<16x1xi32>
        %gather3A_842 = vector.shape_cast %broadcast_in_dim3A_841 : vector<16x1xi32> to vector<16xi32>
        %gather3A_843 = tpu.dynamic_gather %exp3A_751[%gather3A_842] in [0] : vector<16xf32>, vector<16xi32> -> vector<16xf32>
        %get3A_844 = arith.constant 0 : i32
        %get3A_845 = arith.constant 0 : i32
        %get3A_846 = tpu.memref_slice %arg10[%scan3A_159, %get3A_844, %get3A_845] : memref<2x125x80xf32, #tpu.memory_space<vmem>> -> memref<1x125x80xf32, #tpu.memory_space<vmem>>
        %get3A_847 = tpu.memref_squeeze %get3A_846 : memref<1x125x80xf32, #tpu.memory_space<vmem>> -> memref<125x80xf32, #tpu.memory_space<vmem>>
        %get3A_848 = arith.index_cast %scan3A_731 : i32 to index
        %get3A_849 = arith.constant 48 : index
        %get3A_850 = tpu.vector_load %get3A_847[%get3A_848, %get3A_849] {strides = array<i32>} : memref<125x80xf32, #tpu.memory_space<vmem>>, vector<16xf32>,
        %mul3A_851 = arith.mulf %get3A_850, %gather3A_843 : vector<16xf32>
        %swap3A_852 = arith.constant 0 : i32
        %swap3A_853 = arith.constant 0 : i32
        %swap3A_854 = tpu.memref_slice %arg12[%scan3A_161, %swap3A_852, %swap3A_853] : memref<2x125x80xf32, #tpu.memory_space<vmem>> -> memref<1x125x80xf32, #tpu.memory_space<vmem>>
        %swap3A_855 = tpu.memref_squeeze %swap3A_854 : memref<1x125x80xf32, #tpu.memory_space<vmem>> -> memref<125x80xf32, #tpu.memory_space<vmem>>
        %swap3A_856 = arith.index_cast %scan3A_731 : i32 to index
        %swap3A_857 = arith.constant 48 : index
        %swap3A_858 = tpu.vector_load %swap3A_855[%swap3A_856, %swap3A_857] {strides = array<i32>} : memref<125x80xf32, #tpu.memory_space<vmem>>, vector<16xf32>,
        tpu.vector_store %swap3A_855[%swap3A_856, %swap3A_857], %mul3A_851 {strides = array<i32>} : memref<125x80xf32, #tpu.memory_space<vmem>>, vector<16xf32>,
      }
      %scan3A_166 = arith.constant 125 : i32
      %dma_start3A_167 = arith.constant 1 : i32
      %dma_start3A_168 = arith.constant 0 : i32
      %dma_start3A_169 = arith.constant 0 : i32
      %dma_start3A_170 = tpu.memref_slice %arg12[%dma_start3A_167, %dma_start3A_168, %dma_start3A_169] : memref<2x125x80xf32, #tpu.memory_space<vmem>> -> memref<1x125x80xf32, #tpu.memory_space<vmem>>
      %dma_start3A_171 = tpu.memref_squeeze %dma_start3A_170 : memref<1x125x80xf32, #tpu.memory_space<vmem>> -> memref<125x80xf32, #tpu.memory_space<vmem>>
      %dma_start3A_172 = arith.constant 0 : i32
      %dma_start3A_173 = tpu.memref_slice %arg9[%add3A_157, %dma_start3A_172] : memref<80x125xi32, #tpu.memory_space<vmem>> -> memref<1x125xi32, #tpu.memory_space<vmem>>
      %dma_start3A_174 = tpu.memref_squeeze %dma_start3A_173 : memref<1x125xi32, #tpu.memory_space<vmem>> -> memref<125xi32, #tpu.memory_space<vmem>>
      %dma_start3A_175 = arith.constant 0 : i32
      %dma_start3A_176 = arith.constant 0 : i32
      %dma_start3A_177 = tpu.memref_slice %arg13[%dma_start3A_175, %dma_start3A_176] : memref<10240x80xf32, #tpu.memory_space<vmem_shared>> -> memref<10240x80xf32, #tpu.memory_space<vmem_shared>>
      tpu.enqueue_indirect_dma source(%dma_start3A_171 : memref<125x80xf32, #tpu.memory_space<vmem>>) target(%dma_start3A_177 : memref<10240x80xf32, #tpu.memory_space<vmem_shared>>) offsets(%dma_start3A_174 : memref<125xi32, #tpu.memory_space<vmem>>) semaphore(%arg17 : memref<!tpu.dma_semaphore, #tpu.memory_space<semaphore_mem>>) {add = true}
      %dma_wait3A_178 = arith.constant 0 : i32
      %dma_wait3A_179 = arith.constant 0 : i32
      %dma_wait3A_180 = arith.constant 0 : i32
      %dma_wait3A_181 = tpu.memref_slice %arg10[%dma_wait3A_178, %dma_wait3A_179, %dma_wait3A_180] : memref<2x125x80xf32, #tpu.memory_space<vmem>> -> memref<1x125x80xf32, #tpu.memory_space<vmem>>
      %dma_wait3A_182 = tpu.memref_squeeze %dma_wait3A_181 : memref<1x125x80xf32, #tpu.memory_space<vmem>> -> memref<125x80xf32, #tpu.memory_space<vmem>>
      %dma_wait3A_183 = arith.constant 0 : i32
      %dma_wait3A_184 = tpu.memref_slice %arg8[%min3A_133, %dma_wait3A_183] : memref<80x125xi32, #tpu.memory_space<vmem>> -> memref<1x125xi32, #tpu.memory_space<vmem>>
      %dma_wait3A_185 = tpu.memref_squeeze %dma_wait3A_184 : memref<1x125xi32, #tpu.memory_space<vmem>> -> memref<125xi32, #tpu.memory_space<vmem>>
      %dma_wait3A_186 = arith.constant 0 : i32
      %dma_wait3A_187 = arith.constant 0 : i32
      %dma_wait3A_188 = tpu.memref_slice %arg2[%dma_wait3A_186, %dma_wait3A_187] : memref<10000x80xf32, #tpu.memory_space<hbm>> -> memref<10000x80xf32, #tpu.memory_space<hbm>>
      tpu.wait_indirect_dma semaphore(%arg14 : memref<!tpu.dma_semaphore, #tpu.memory_space<semaphore_mem>>) src(%dma_wait3A_188 : memref<10000x80xf32, #tpu.memory_space<hbm>>) dst(%dma_wait3A_182 : memref<125x80xf32, #tpu.memory_space<vmem>>)
      %dma_wait3A_189 = arith.constant 0 : i32
      %dma_wait3A_190 = arith.constant 0 : i32
      %dma_wait3A_191 = arith.constant 0 : i32
      %dma_wait3A_192 = tpu.memref_slice %arg11[%dma_wait3A_189, %dma_wait3A_190, %dma_wait3A_191] : memref<2x125x16xf32, #tpu.memory_space<vmem>> -> memref<1x125x16xf32, #tpu.memory_space<vmem>>
      %dma_wait3A_193 = tpu.memref_squeeze %dma_wait3A_192 : memref<1x125x16xf32, #tpu.memory_space<vmem>> -> memref<125x16xf32, #tpu.memory_space<vmem>>
      %dma_wait3A_194 = arith.constant 0 : i32
      %dma_wait3A_195 = tpu.memref_slice %arg9[%min3A_133, %dma_wait3A_194] : memref<80x125xi32, #tpu.memory_space<vmem>> -> memref<1x125xi32, #tpu.memory_space<vmem>>
      %dma_wait3A_196 = tpu.memref_squeeze %dma_wait3A_195 : memref<1x125xi32, #tpu.memory_space<vmem>> -> memref<125xi32, #tpu.memory_space<vmem>>
      %dma_wait3A_197 = arith.constant 0 : i32
      %dma_wait3A_198 = arith.constant 0 : i32
      %dma_wait3A_199 = tpu.memref_slice %arg3[%dma_wait3A_197, %dma_wait3A_198] : memref<10000x16xf32, #tpu.memory_space<hbm>> -> memref<10000x16xf32, #tpu.memory_space<hbm>>
      tpu.wait_indirect_dma semaphore(%arg14 : memref<!tpu.dma_semaphore, #tpu.memory_space<semaphore_mem>>) src(%dma_wait3A_199 : memref<10000x16xf32, #tpu.memory_space<hbm>>) dst(%dma_wait3A_193 : memref<125x16xf32, #tpu.memory_space<vmem>>)
      %dma_wait3A_200 = arith.constant 0 : i32
      %dma_wait3A_201 = arith.constant 0 : i32
      %dma_wait3A_202 = arith.constant 0 : i32
      %dma_wait3A_203 = tpu.memref_slice %arg12[%dma_wait3A_200, %dma_wait3A_201, %dma_wait3A_202] : memref<2x125x80xf32, #tpu.memory_space<vmem>> -> memref<1x125x80xf32, #tpu.memory_space<vmem>>
      %dma_wait3A_204 = tpu.memref_squeeze %dma_wait3A_203 : memref<1x125x80xf32, #tpu.memory_space<vmem>> -> memref<125x80xf32, #tpu.memory_space<vmem>>
      %dma_wait3A_205 = arith.constant 0 : i32
      %dma_wait3A_206 = tpu.memref_slice %arg9[%mul3A_64, %dma_wait3A_205] : memref<80x125xi32, #tpu.memory_space<vmem>> -> memref<1x125xi32, #tpu.memory_space<vmem>>
      %dma_wait3A_207 = tpu.memref_squeeze %dma_wait3A_206 : memref<1x125xi32, #tpu.memory_space<vmem>> -> memref<125xi32, #tpu.memory_space<vmem>>
      %dma_wait3A_208 = arith.constant 0 : i32
      %dma_wait3A_209 = arith.constant 0 : i32
      %dma_wait3A_210 = tpu.memref_slice %arg13[%dma_wait3A_208, %dma_wait3A_209] : memref<10240x80xf32, #tpu.memory_space<vmem_shared>> -> memref<10240x80xf32, #tpu.memory_space<vmem_shared>>
      tpu.wait_indirect_dma semaphore(%arg16 : memref<!tpu.dma_semaphore, #tpu.memory_space<semaphore_mem>>) src(%dma_wait3A_204 : memref<125x80xf32, #tpu.memory_space<vmem>>) dst(%dma_wait3A_210 : memref<10240x80xf32, #tpu.memory_space<vmem_shared>>)
      %dma_wait3A_211 = arith.constant 1 : i32
      %dma_wait3A_212 = arith.constant 0 : i32
      %dma_wait3A_213 = arith.constant 0 : i32
      %dma_wait3A_214 = tpu.memref_slice %arg12[%dma_wait3A_211, %dma_wait3A_212, %dma_wait3A_213] : memref<2x125x80xf32, #tpu.memory_space<vmem>> -> memref<1x125x80xf32, #tpu.memory_space<vmem>>
      %dma_wait3A_215 = tpu.memref_squeeze %dma_wait3A_214 : memref<1x125x80xf32, #tpu.memory_space<vmem>> -> memref<125x80xf32, #tpu.memory_space<vmem>>
      %dma_wait3A_216 = arith.constant 0 : i32
      %dma_wait3A_217 = tpu.memref_slice %arg9[%add3A_157, %dma_wait3A_216] : memref<80x125xi32, #tpu.memory_space<vmem>> -> memref<1x125xi32, #tpu.memory_space<vmem>>
      %dma_wait3A_218 = tpu.memref_squeeze %dma_wait3A_217 : memref<1x125xi32, #tpu.memory_space<vmem>> -> memref<125xi32, #tpu.memory_space<vmem>>
      %dma_wait3A_219 = arith.constant 0 : i32
      %dma_wait3A_220 = arith.constant 0 : i32
      %dma_wait3A_221 = tpu.memref_slice %arg13[%dma_wait3A_219, %dma_wait3A_220] : memref<10240x80xf32, #tpu.memory_space<vmem_shared>> -> memref<10240x80xf32, #tpu.memory_space<vmem_shared>>
      tpu.wait_indirect_dma semaphore(%arg17 : memref<!tpu.dma_semaphore, #tpu.memory_space<semaphore_mem>>) src(%dma_wait3A_215 : memref<125x80xf32, #tpu.memory_space<vmem>>) dst(%dma_wait3A_221 : memref<10240x80xf32, #tpu.memory_space<vmem_shared>>)
    }
    %scan3A_60 = arith.constant 40 : i32
    %barrier3A_61 = arith.constant 0 : index
    tpu.barrier barrier_id(%barrier3A_61)
    "tpu.region"() ({
      %run_scoped3A = tpu.sem_alloc : memref<!tpu.dma_semaphore, #tpu.memory_space<semaphore_mem>>
      %dma_start3A_62 = arith.constant 0 : i32
      %dma_start3A_63 = tpu.memref_slice %arg7[%arg0, %mul3A_2, %dma_start3A_62] : memref<2x10240x80xf32, #tpu.memory_space<hbm>> -> memref<1x640x80xf32, #tpu.memory_space<hbm>>
      %dma_start3A_64 = tpu.memref_squeeze %dma_start3A_63 : memref<1x640x80xf32, #tpu.memory_space<hbm>> -> memref<640x80xf32, #tpu.memory_space<hbm>>
      %dma_start3A_65 = arith.constant 0 : i32
      %dma_start3A_66 = tpu.memref_slice %arg13[%mul3A_2, %dma_start3A_65] : memref<10240x80xf32, #tpu.memory_space<vmem_shared>> -> memref<640x80xf32, #tpu.memory_space<vmem_shared>>
      tpu.enqueue_dma source(%dma_start3A_66 : memref<640x80xf32, #tpu.memory_space<vmem_shared>>) target(%dma_start3A_64 : memref<640x80xf32, #tpu.memory_space<hbm>>) target_semaphore(%run_scoped3A : memref<!tpu.dma_semaphore, #tpu.memory_space<semaphore_mem>>)
      %dma_wait3A_67 = arith.constant 0 : i32
      %dma_wait3A_68 = tpu.memref_slice %arg7[%arg0, %mul3A_2, %dma_wait3A_67] : memref<2x10240x80xf32, #tpu.memory_space<hbm>> -> memref<1x640x80xf32, #tpu.memory_space<hbm>>
      %dma_wait3A_69 = tpu.memref_squeeze %dma_wait3A_68 : memref<1x640x80xf32, #tpu.memory_space<hbm>> -> memref<640x80xf32, #tpu.memory_space<hbm>>
      %dma_wait3A_70 = arith.constant 0 : i32
      %dma_wait3A_71 = tpu.memref_slice %arg13[%mul3A_2, %dma_wait3A_70] : memref<10240x80xf32, #tpu.memory_space<vmem_shared>> -> memref<640x80xf32, #tpu.memory_space<vmem_shared>>
      tpu.wait_dma2 semaphore(%run_scoped3A : memref<!tpu.dma_semaphore, #tpu.memory_space<semaphore_mem>>) src(%dma_wait3A_71 : memref<640x80xf32, #tpu.memory_space<vmem_shared>>) dst(%dma_wait3A_69 : memref<640x80xf32, #tpu.memory_space<hbm>>)
      tpu.yield
    }) : () -> ()
    return
  }
}

#map = affine_map<(d0, d1) -> (0, 0)>
#map1 = affine_map<(d0, d1) -> (0, 0, 0)>
module attributes {stable_mosaic.version = 14 : i64} {
  func.func @k(%arg0: i32, %arg1: i32, %arg2: memref<10000x80xf32, #tpu.memory_space<hbm>>, %arg3: memref<10000x16xf32, #tpu.memory_space<hbm>>, %arg4: memref<32x80x125xi32, #tpu.memory_space<hbm>>, %arg5: memref<32x80x125xi32, #tpu.memory_space<hbm>>, %arg6: memref<10240x80xf32, #tpu.memory_space<hbm>>, %arg7: memref<2x10240x80xf32, #tpu.memory_space<hbm>>, %arg8: memref<80x125xi32, #tpu.memory_space<vmem>>, %arg9: memref<80x125xi32, #tpu.memory_space<vmem>>, %arg10: memref<2x125x80xf32, #tpu.memory_space<vmem>>, %arg11: memref<2x125x16xf32, #tpu.memory_space<vmem>>, %arg12: memref<2x125x80xf32, #tpu.memory_space<vmem>>, %arg13: memref<10240x80xf32, #tpu.memory_space<vmem_shared>>, %arg14: memref<!tpu.dma_semaphore, #tpu.memory_space<semaphore_mem>>, %arg15: memref<!tpu.dma_semaphore, #tpu.memory_space<semaphore_mem>>, %arg16: memref<!tpu.dma_semaphore, #tpu.memory_space<semaphore_mem>>, %arg17: memref<!tpu.dma_semaphore, #tpu.memory_space<semaphore_mem>>) attributes {dimension_semantics = [#tpu.dimension_semantics<core_parallel>, #tpu.dimension_semantics<subcore_parallel>], iteration_bounds = array<i64: 2, 16>, scalar_prefetch = 0 : i64, scratch_operands = 10 : i64, tpu.core_type = #tpu.core_type<sc_vector_subcore>, window_params = [{transform_indices = #map}, {transform_indices = #map}, {transform_indices = #map1}, {transform_indices = #map1}, {transform_indices = #map}, {transform_indices = #map1}]} {
    %mul3A = arith.constant 16 : i32
    %mul3A_0 = arith.muli %arg0, %mul3A : i32
    %add3A = arith.addi %mul3A_0, %arg1 : i32
    %mul3A_1 = arith.constant 640 : i32
    %mul3A_2 = arith.muli %arg1, %mul3A_1 : i32
    "tpu.region"() ({
      %run_scoped3A = tpu.sem_alloc : memref<!tpu.dma_semaphore, #tpu.memory_space<semaphore_mem>>
      %dma_start3A_78 = arith.constant 0 : i32
      %dma_start3A_79 = arith.constant 0 : i32
      %dma_start3A_80 = tpu.memref_slice %arg4[%add3A, %dma_start3A_78, %dma_start3A_79] : memref<32x80x125xi32, #tpu.memory_space<hbm>> -> memref<1x80x125xi32, #tpu.memory_space<hbm>>
      %dma_start3A_81 = tpu.memref_squeeze %dma_start3A_80 : memref<1x80x125xi32, #tpu.memory_space<hbm>> -> memref<80x125xi32, #tpu.memory_space<hbm>>
      %dma_start3A_82 = arith.constant 0 : i32
      %dma_start3A_83 = arith.constant 0 : i32
      %dma_start3A_84 = tpu.memref_slice %arg4[%add3A, %dma_start3A_82, %dma_start3A_83] : memref<32x80x125xi32, #tpu.memory_space<hbm>> -> memref<1x80x125xi32, #tpu.memory_space<hbm>>
      %dma_start3A_85 = tpu.memref_squeeze %dma_start3A_84 : memref<1x80x125xi32, #tpu.memory_space<hbm>> -> memref<80x125xi32, #tpu.memory_space<hbm>>
      tpu.enqueue_dma source(%dma_start3A_85 : memref<80x125xi32, #tpu.memory_space<hbm>>) target(%arg8 : memref<80x125xi32, #tpu.memory_space<vmem>>) target_semaphore(%run_scoped3A : memref<!tpu.dma_semaphore, #tpu.memory_space<semaphore_mem>>)
      %dma_wait3A_86 = arith.constant 0 : i32
      %dma_wait3A_87 = arith.constant 0 : i32
      %dma_wait3A_88 = tpu.memref_slice %arg4[%add3A, %dma_wait3A_86, %dma_wait3A_87] : memref<32x80x125xi32, #tpu.memory_space<hbm>> -> memref<1x80x125xi32, #tpu.memory_space<hbm>>
      %dma_wait3A_89 = tpu.memref_squeeze %dma_wait3A_88 : memref<1x80x125xi32, #tpu.memory_space<hbm>> -> memref<80x125xi32, #tpu.memory_space<hbm>>
      %dma_wait3A_90 = arith.constant 0 : i32
      %dma_wait3A_91 = arith.constant 0 : i32
      %dma_wait3A_92 = tpu.memref_slice %arg4[%add3A, %dma_wait3A_90, %dma_wait3A_91] : memref<32x80x125xi32, #tpu.memory_space<hbm>> -> memref<1x80x125xi32, #tpu.memory_space<hbm>>
      %dma_wait3A_93 = tpu.memref_squeeze %dma_wait3A_92 : memref<1x80x125xi32, #tpu.memory_space<hbm>> -> memref<80x125xi32, #tpu.memory_space<hbm>>
      tpu.wait_dma2 semaphore(%run_scoped3A : memref<!tpu.dma_semaphore, #tpu.memory_space<semaphore_mem>>) src(%dma_wait3A_93 : memref<80x125xi32, #tpu.memory_space<hbm>>) dst(%arg8 : memref<80x125xi32, #tpu.memory_space<vmem>>)
      tpu.yield
    }) : () -> ()
    "tpu.region"() ({
      %run_scoped3A = tpu.sem_alloc : memref<!tpu.dma_semaphore, #tpu.memory_space<semaphore_mem>>
      %dma_start3A_78 = arith.constant 0 : i32
      %dma_start3A_79 = arith.constant 0 : i32
      %dma_start3A_80 = tpu.memref_slice %arg5[%add3A, %dma_start3A_78, %dma_start3A_79] : memref<32x80x125xi32, #tpu.memory_space<hbm>> -> memref<1x80x125xi32, #tpu.memory_space<hbm>>
      %dma_start3A_81 = tpu.memref_squeeze %dma_start3A_80 : memref<1x80x125xi32, #tpu.memory_space<hbm>> -> memref<80x125xi32, #tpu.memory_space<hbm>>
      %dma_start3A_82 = arith.constant 0 : i32
      %dma_start3A_83 = arith.constant 0 : i32
      %dma_start3A_84 = tpu.memref_slice %arg5[%add3A, %dma_start3A_82, %dma_start3A_83] : memref<32x80x125xi32, #tpu.memory_space<hbm>> -> memref<1x80x125xi32, #tpu.memory_space<hbm>>
      %dma_start3A_85 = tpu.memref_squeeze %dma_start3A_84 : memref<1x80x125xi32, #tpu.memory_space<hbm>> -> memref<80x125xi32, #tpu.memory_space<hbm>>
      tpu.enqueue_dma source(%dma_start3A_85 : memref<80x125xi32, #tpu.memory_space<hbm>>) target(%arg9 : memref<80x125xi32, #tpu.memory_space<vmem>>) target_semaphore(%run_scoped3A : memref<!tpu.dma_semaphore, #tpu.memory_space<semaphore_mem>>)
      %dma_wait3A_86 = arith.constant 0 : i32
      %dma_wait3A_87 = arith.constant 0 : i32
      %dma_wait3A_88 = tpu.memref_slice %arg5[%add3A, %dma_wait3A_86, %dma_wait3A_87] : memref<32x80x125xi32, #tpu.memory_space<hbm>> -> memref<1x80x125xi32, #tpu.memory_space<hbm>>
      %dma_wait3A_89 = tpu.memref_squeeze %dma_wait3A_88 : memref<1x80x125xi32, #tpu.memory_space<hbm>> -> memref<80x125xi32, #tpu.memory_space<hbm>>
      %dma_wait3A_90 = arith.constant 0 : i32
      %dma_wait3A_91 = arith.constant 0 : i32
      %dma_wait3A_92 = tpu.memref_slice %arg5[%add3A, %dma_wait3A_90, %dma_wait3A_91] : memref<32x80x125xi32, #tpu.memory_space<hbm>> -> memref<1x80x125xi32, #tpu.memory_space<hbm>>
      %dma_wait3A_93 = tpu.memref_squeeze %dma_wait3A_92 : memref<1x80x125xi32, #tpu.memory_space<hbm>> -> memref<80x125xi32, #tpu.memory_space<hbm>>
      tpu.wait_dma2 semaphore(%run_scoped3A : memref<!tpu.dma_semaphore, #tpu.memory_space<semaphore_mem>>) src(%dma_wait3A_93 : memref<80x125xi32, #tpu.memory_space<hbm>>) dst(%arg9 : memref<80x125xi32, #tpu.memory_space<vmem>>)
      tpu.yield
    }) : () -> ()
    "tpu.region"() ({
      %run_scoped3A = tpu.sem_alloc : memref<!tpu.dma_semaphore, #tpu.memory_space<semaphore_mem>>
      %dma_start3A_78 = arith.constant 0 : i32
      %dma_start3A_79 = tpu.memref_slice %arg13[%mul3A_2, %dma_start3A_78] : memref<10240x80xf32, #tpu.memory_space<vmem_shared>> -> memref<640x80xf32, #tpu.memory_space<vmem_shared>>
      %dma_start3A_80 = arith.constant 0 : i32
      %dma_start3A_81 = tpu.memref_slice %arg6[%mul3A_2, %dma_start3A_80] : memref<10240x80xf32, #tpu.memory_space<hbm>> -> memref<640x80xf32, #tpu.memory_space<hbm>>
      tpu.enqueue_dma source(%dma_start3A_81 : memref<640x80xf32, #tpu.memory_space<hbm>>) target(%dma_start3A_79 : memref<640x80xf32, #tpu.memory_space<vmem_shared>>) target_semaphore(%run_scoped3A : memref<!tpu.dma_semaphore, #tpu.memory_space<semaphore_mem>>)
      %dma_wait3A_82 = arith.constant 0 : i32
      %dma_wait3A_83 = tpu.memref_slice %arg13[%mul3A_2, %dma_wait3A_82] : memref<10240x80xf32, #tpu.memory_space<vmem_shared>> -> memref<640x80xf32, #tpu.memory_space<vmem_shared>>
      %dma_wait3A_84 = arith.constant 0 : i32
      %dma_wait3A_85 = tpu.memref_slice %arg6[%mul3A_2, %dma_wait3A_84] : memref<10240x80xf32, #tpu.memory_space<hbm>> -> memref<640x80xf32, #tpu.memory_space<hbm>>
      tpu.wait_dma2 semaphore(%run_scoped3A : memref<!tpu.dma_semaphore, #tpu.memory_space<semaphore_mem>>) src(%dma_wait3A_85 : memref<640x80xf32, #tpu.memory_space<hbm>>) dst(%dma_wait3A_83 : memref<640x80xf32, #tpu.memory_space<vmem_shared>>)
      tpu.yield
    }) : () -> ()
    %barrier3A = arith.constant 0 : index
    tpu.barrier barrier_id(%barrier3A)
    %iota3A = tpu.iota {dimensions = array<i32: 0>} : vector<16xi32>
    %add3A_3 = arith.constant 0 : i32
    %add3A_4 = vector.broadcast %add3A_3 : i32 to vector<16xi32>
    %add3A_5 = arith.addi %add3A_4, %iota3A : vector<16xi32>
    %shift_right_arithmetic3A = arith.constant 3 : i32
    %shift_right_arithmetic3A_6 = vector.broadcast %shift_right_arithmetic3A : i32 to vector<16xi32>
    %shift_right_arithmetic3A_7 = arith.shrsi %add3A_5, %shift_right_arithmetic3A_6 : vector<16xi32>
    %add3A_8 = arith.constant 16 : i32
    %add3A_9 = vector.broadcast %add3A_8 : i32 to vector<16xi32>
    %add3A_10 = arith.addi %add3A_9, %iota3A : vector<16xi32>
    %shift_right_arithmetic3A_11 = arith.constant 3 : i32
    %shift_right_arithmetic3A_12 = vector.broadcast %shift_right_arithmetic3A_11 : i32 to vector<16xi32>
    %shift_right_arithmetic3A_13 = arith.shrsi %add3A_10, %shift_right_arithmetic3A_12 : vector<16xi32>
    %add3A_14 = arith.constant 32 : i32
    %add3A_15 = vector.broadcast %add3A_14 : i32 to vector<16xi32>
    %add3A_16 = arith.addi %add3A_15, %iota3A : vector<16xi32>
    %shift_right_arithmetic3A_17 = arith.constant 3 : i32
    %shift_right_arithmetic3A_18 = vector.broadcast %shift_right_arithmetic3A_17 : i32 to vector<16xi32>
    %shift_right_arithmetic3A_19 = arith.shrsi %add3A_16, %shift_right_arithmetic3A_18 : vector<16xi32>
    %add3A_20 = arith.constant 48 : i32
    %add3A_21 = vector.broadcast %add3A_20 : i32 to vector<16xi32>
    %add3A_22 = arith.addi %add3A_21, %iota3A : vector<16xi32>
    %shift_right_arithmetic3A_23 = arith.constant 3 : i32
    %shift_right_arithmetic3A_24 = vector.broadcast %shift_right_arithmetic3A_23 : i32 to vector<16xi32>
    %shift_right_arithmetic3A_25 = arith.shrsi %add3A_22, %shift_right_arithmetic3A_24 : vector<16xi32>
    %dma_start3A = arith.constant 0 : i32
    %dma_start3A_26 = arith.constant 0 : i32
    %dma_start3A_27 = arith.constant 0 : i32
    %dma_start3A_28 = arith.constant 0 : i32
    %dma_start3A_29 = tpu.memref_slice %arg10[%dma_start3A_26, %dma_start3A_27, %dma_start3A_28] : memref<2x125x80xf32, #tpu.memory_space<vmem>> -> memref<1x125x80xf32, #tpu.memory_space<vmem>>
    %dma_start3A_30 = tpu.memref_squeeze %dma_start3A_29 : memref<1x125x80xf32, #tpu.memory_space<vmem>> -> memref<125x80xf32, #tpu.memory_space<vmem>>
    %dma_start3A_31 = arith.constant 0 : i32
    %dma_start3A_32 = tpu.memref_slice %arg8[%dma_start3A, %dma_start3A_31] : memref<80x125xi32, #tpu.memory_space<vmem>> -> memref<1x125xi32, #tpu.memory_space<vmem>>
    %dma_start3A_33 = tpu.memref_squeeze %dma_start3A_32 : memref<1x125xi32, #tpu.memory_space<vmem>> -> memref<125xi32, #tpu.memory_space<vmem>>
    %dma_start3A_34 = arith.constant 0 : i32
    %dma_start3A_35 = arith.constant 0 : i32
    %dma_start3A_36 = tpu.memref_slice %arg2[%dma_start3A_34, %dma_start3A_35] : memref<10000x80xf32, #tpu.memory_space<hbm>> -> memref<10000x80xf32, #tpu.memory_space<hbm>>
    tpu.enqueue_indirect_dma source(%dma_start3A_36 : memref<10000x80xf32, #tpu.memory_space<hbm>>) target(%dma_start3A_30 : memref<125x80xf32, #tpu.memory_space<vmem>>) offsets(%dma_start3A_33 : memref<125xi32, #tpu.memory_space<vmem>>) semaphore(%arg14 : memref<!tpu.dma_semaphore, #tpu.memory_space<semaphore_mem>>)
    %dma_start3A_37 = arith.constant 0 : i32
    %dma_start3A_38 = arith.constant 0 : i32
    %dma_start3A_39 = arith.constant 0 : i32
    %dma_start3A_40 = arith.constant 0 : i32
    %dma_start3A_41 = tpu.memref_slice %arg11[%dma_start3A_38, %dma_start3A_39, %dma_start3A_40] : memref<2x125x16xf32, #tpu.memory_space<vmem>> -> memref<1x125x16xf32, #tpu.memory_space<vmem>>
    %dma_start3A_42 = tpu.memref_squeeze %dma_start3A_41 : memref<1x125x16xf32, #tpu.memory_space<vmem>> -> memref<125x16xf32, #tpu.memory_space<vmem>>
    %dma_start3A_43 = arith.constant 0 : i32
    %dma_start3A_44 = tpu.memref_slice %arg9[%dma_start3A_37, %dma_start3A_43] : memref<80x125xi32, #tpu.memory_space<vmem>> -> memref<1x125xi32, #tpu.memory_space<vmem>>
    %dma_start3A_45 = tpu.memref_squeeze %dma_start3A_44 : memref<1x125xi32, #tpu.memory_space<vmem>> -> memref<125xi32, #tpu.memory_space<vmem>>
    %dma_start3A_46 = arith.constant 0 : i32
    %dma_start3A_47 = arith.constant 0 : i32
    %dma_start3A_48 = tpu.memref_slice %arg3[%dma_start3A_46, %dma_start3A_47] : memref<10000x16xf32, #tpu.memory_space<hbm>> -> memref<10000x16xf32, #tpu.memory_space<hbm>>
    tpu.enqueue_indirect_dma source(%dma_start3A_48 : memref<10000x16xf32, #tpu.memory_space<hbm>>) target(%dma_start3A_42 : memref<125x16xf32, #tpu.memory_space<vmem>>) offsets(%dma_start3A_45 : memref<125xi32, #tpu.memory_space<vmem>>) semaphore(%arg14 : memref<!tpu.dma_semaphore, #tpu.memory_space<semaphore_mem>>)
    %dma_wait3A = arith.constant 0 : i32
    %dma_wait3A_49 = arith.constant 0 : i32
    %dma_wait3A_50 = arith.constant 0 : i32
    %dma_wait3A_51 = arith.constant 0 : i32
    %dma_wait3A_52 = tpu.memref_slice %arg10[%dma_wait3A_49, %dma_wait3A_50, %dma_wait3A_51] : memref<2x125x80xf32, #tpu.memory_space<vmem>> -> memref<1x125x80xf32, #tpu.memory_space<vmem>>
    %dma_wait3A_53 = tpu.memref_squeeze %dma_wait3A_52 : memref<1x125x80xf32, #tpu.memory_space<vmem>> -> memref<125x80xf32, #tpu.memory_space<vmem>>
    %dma_wait3A_54 = arith.constant 0 : i32
    %dma_wait3A_55 = tpu.memref_slice %arg8[%dma_wait3A, %dma_wait3A_54] : memref<80x125xi32, #tpu.memory_space<vmem>> -> memref<1x125xi32, #tpu.memory_space<vmem>>
    %dma_wait3A_56 = tpu.memref_squeeze %dma_wait3A_55 : memref<1x125xi32, #tpu.memory_space<vmem>> -> memref<125xi32, #tpu.memory_space<vmem>>
    %dma_wait3A_57 = arith.constant 0 : i32
    %dma_wait3A_58 = arith.constant 0 : i32
    %dma_wait3A_59 = tpu.memref_slice %arg2[%dma_wait3A_57, %dma_wait3A_58] : memref<10000x80xf32, #tpu.memory_space<hbm>> -> memref<10000x80xf32, #tpu.memory_space<hbm>>
    tpu.wait_indirect_dma semaphore(%arg14 : memref<!tpu.dma_semaphore, #tpu.memory_space<semaphore_mem>>) src(%dma_wait3A_59 : memref<10000x80xf32, #tpu.memory_space<hbm>>) dst(%dma_wait3A_53 : memref<125x80xf32, #tpu.memory_space<vmem>>)
    %dma_wait3A_60 = arith.constant 0 : i32
    %dma_wait3A_61 = arith.constant 0 : i32
    %dma_wait3A_62 = arith.constant 0 : i32
    %dma_wait3A_63 = arith.constant 0 : i32
    %dma_wait3A_64 = tpu.memref_slice %arg11[%dma_wait3A_61, %dma_wait3A_62, %dma_wait3A_63] : memref<2x125x16xf32, #tpu.memory_space<vmem>> -> memref<1x125x16xf32, #tpu.memory_space<vmem>>
    %dma_wait3A_65 = tpu.memref_squeeze %dma_wait3A_64 : memref<1x125x16xf32, #tpu.memory_space<vmem>> -> memref<125x16xf32, #tpu.memory_space<vmem>>
    %dma_wait3A_66 = arith.constant 0 : i32
    %dma_wait3A_67 = tpu.memref_slice %arg9[%dma_wait3A_60, %dma_wait3A_66] : memref<80x125xi32, #tpu.memory_space<vmem>> -> memref<1x125xi32, #tpu.memory_space<vmem>>
    %dma_wait3A_68 = tpu.memref_squeeze %dma_wait3A_67 : memref<1x125xi32, #tpu.memory_space<vmem>> -> memref<125xi32, #tpu.memory_space<vmem>>
    %dma_wait3A_69 = arith.constant 0 : i32
    %dma_wait3A_70 = arith.constant 0 : i32
    %dma_wait3A_71 = tpu.memref_slice %arg3[%dma_wait3A_69, %dma_wait3A_70] : memref<10000x16xf32, #tpu.memory_space<hbm>> -> memref<10000x16xf32, #tpu.memory_space<hbm>>
    tpu.wait_indirect_dma semaphore(%arg14 : memref<!tpu.dma_semaphore, #tpu.memory_space<semaphore_mem>>) src(%dma_wait3A_71 : memref<10000x16xf32, #tpu.memory_space<hbm>>) dst(%dma_wait3A_65 : memref<125x16xf32, #tpu.memory_space<vmem>>)
    %scan3A = arith.constant 0 : i32
    %scan3A_72 = arith.constant 0 : i32
    %scan3A_73 = arith.constant 40 : i32
    %scan3A_74 = arith.addi %scan3A_72, %scan3A_73 : i32
    %scan3A_75 = arith.constant 1 : i32
    scf.for %scan3A_78 = %scan3A_72 to %scan3A_74 step %scan3A_75  : i32 {
      %mul3A_79 = arith.constant 2 : i32
      %mul3A_80 = arith.muli %mul3A_79, %scan3A_78 : i32
      %add3A_81 = arith.constant 1 : i32
      %add3A_82 = arith.addi %mul3A_80, %add3A_81 : i32
      %dma_start3A_83 = arith.constant 1 : i32
      %dma_start3A_84 = arith.constant 0 : i32
      %dma_start3A_85 = arith.constant 0 : i32
      %dma_start3A_86 = tpu.memref_slice %arg10[%dma_start3A_83, %dma_start3A_84, %dma_start3A_85] : memref<2x125x80xf32, #tpu.memory_space<vmem>> -> memref<1x125x80xf32, #tpu.memory_space<vmem>>
      %dma_start3A_87 = tpu.memref_squeeze %dma_start3A_86 : memref<1x125x80xf32, #tpu.memory_space<vmem>> -> memref<125x80xf32, #tpu.memory_space<vmem>>
      %dma_start3A_88 = arith.constant 0 : i32
      %dma_start3A_89 = tpu.memref_slice %arg8[%add3A_82, %dma_start3A_88] : memref<80x125xi32, #tpu.memory_space<vmem>> -> memref<1x125xi32, #tpu.memory_space<vmem>>
      %dma_start3A_90 = tpu.memref_squeeze %dma_start3A_89 : memref<1x125xi32, #tpu.memory_space<vmem>> -> memref<125xi32, #tpu.memory_space<vmem>>
      %dma_start3A_91 = arith.constant 0 : i32
      %dma_start3A_92 = arith.constant 0 : i32
      %dma_start3A_93 = tpu.memref_slice %arg2[%dma_start3A_91, %dma_start3A_92] : memref<10000x80xf32, #tpu.memory_space<hbm>> -> memref<10000x80xf32, #tpu.memory_space<hbm>>
      tpu.enqueue_indirect_dma source(%dma_start3A_93 : memref<10000x80xf32, #tpu.memory_space<hbm>>) target(%dma_start3A_87 : memref<125x80xf32, #tpu.memory_space<vmem>>) offsets(%dma_start3A_90 : memref<125xi32, #tpu.memory_space<vmem>>) semaphore(%arg15 : memref<!tpu.dma_semaphore, #tpu.memory_space<semaphore_mem>>)
      %dma_start3A_94 = arith.constant 1 : i32
      %dma_start3A_95 = arith.constant 0 : i32
      %dma_start3A_96 = arith.constant 0 : i32
      %dma_start3A_97 = tpu.memref_slice %arg11[%dma_start3A_94, %dma_start3A_95, %dma_start3A_96] : memref<2x125x16xf32, #tpu.memory_space<vmem>> -> memref<1x125x16xf32, #tpu.memory_space<vmem>>
      %dma_start3A_98 = tpu.memref_squeeze %dma_start3A_97 : memref<1x125x16xf32, #tpu.memory_space<vmem>> -> memref<125x16xf32, #tpu.memory_space<vmem>>
      %dma_start3A_99 = arith.constant 0 : i32
      %dma_start3A_100 = tpu.memref_slice %arg9[%add3A_82, %dma_start3A_99] : memref<80x125xi32, #tpu.memory_space<vmem>> -> memref<1x125xi32, #tpu.memory_space<vmem>>
      %dma_start3A_101 = tpu.memref_squeeze %dma_start3A_100 : memref<1x125xi32, #tpu.memory_space<vmem>> -> memref<125xi32, #tpu.memory_space<vmem>>
      %dma_start3A_102 = arith.constant 0 : i32
      %dma_start3A_103 = arith.constant 0 : i32
      %dma_start3A_104 = tpu.memref_slice %arg3[%dma_start3A_102, %dma_start3A_103] : memref<10000x16xf32, #tpu.memory_space<hbm>> -> memref<10000x16xf32, #tpu.memory_space<hbm>>
      tpu.enqueue_indirect_dma source(%dma_start3A_104 : memref<10000x16xf32, #tpu.memory_space<hbm>>) target(%dma_start3A_98 : memref<125x16xf32, #tpu.memory_space<vmem>>) offsets(%dma_start3A_101 : memref<125xi32, #tpu.memory_space<vmem>>) semaphore(%arg15 : memref<!tpu.dma_semaphore, #tpu.memory_space<semaphore_mem>>)
      %scan3A_105 = arith.constant 0 : i32
      %scan3A_106 = arith.constant 0 : i32
      %scan3A_107 = arith.constant 0 : i32
      %scan3A_108 = arith.constant 0 : i32
      %scan3A_109 = arith.constant 0 : i32
      %scan3A_110 = arith.constant 125 : i32
      %scan3A_111 = arith.addi %scan3A_109, %scan3A_110 : i32
      %scan3A_112 = arith.constant 5 : i32
      scf.for %scan3A_238 = %scan3A_109 to %scan3A_111 step %scan3A_112  : i32 {
        %get3A = arith.constant 0 : i32
        %get3A_239 = arith.constant 0 : i32
        %get3A_240 = tpu.memref_slice %arg10[%scan3A_106, %get3A, %get3A_239] : memref<2x125x80xf32, #tpu.memory_space<vmem>> -> memref<1x125x80xf32, #tpu.memory_space<vmem>>
        %get3A_241 = tpu.memref_squeeze %get3A_240 : memref<1x125x80xf32, #tpu.memory_space<vmem>> -> memref<125x80xf32, #tpu.memory_space<vmem>>
        %get3A_242 = arith.index_cast %scan3A_238 : i32 to index
        %get3A_243 = arith.constant 64 : index
        %get3A_244 = tpu.vector_load %get3A_241[%get3A_242, %get3A_243] {strides = array<i32>} : memref<125x80xf32, #tpu.memory_space<vmem>>, vector<16xf32>,
        %get3A_245 = arith.constant 0 : i32
        %get3A_246 = arith.constant 0 : i32
        %get3A_247 = tpu.memref_slice %arg11[%scan3A_107, %get3A_245, %get3A_246] : memref<2x125x16xf32, #tpu.memory_space<vmem>> -> memref<1x125x16xf32, #tpu.memory_space<vmem>>
        %get3A_248 = tpu.memref_squeeze %get3A_247 : memref<1x125x16xf32, #tpu.memory_space<vmem>> -> memref<125x16xf32, #tpu.memory_space<vmem>>
        %get3A_249 = arith.index_cast %scan3A_238 : i32 to index
        %get3A_250 = arith.constant 0 : index
        %get3A_251 = tpu.vector_load %get3A_248[%get3A_249, %get3A_250] {strides = array<i32>} : memref<125x16xf32, #tpu.memory_space<vmem>>, vector<16xf32>,
        %add3A_252 = arith.addf %get3A_244, %get3A_251 : vector<16xf32>
        %mul3A_253 = arith.constant 2.000000e-01 : f32
        %mul3A_254 = vector.broadcast %mul3A_253 : f32 to vector<16xf32>
        %mul3A_255 = arith.mulf %mul3A_254, %add3A_252 : vector<16xf32>
        %max3A = arith.maximumf %add3A_252, %mul3A_255 : vector<16xf32>
        %exp3A = math.exp %max3A : vector<16xf32>
        %swap3A = arith.constant 0 : i32
        %swap3A_256 = arith.constant 0 : i32
        %swap3A_257 = tpu.memref_slice %arg12[%scan3A_108, %swap3A, %swap3A_256] : memref<2x125x80xf32, #tpu.memory_space<vmem>> -> memref<1x125x80xf32, #tpu.memory_space<vmem>>
        %swap3A_258 = tpu.memref_squeeze %swap3A_257 : memref<1x125x80xf32, #tpu.memory_space<vmem>> -> memref<125x80xf32, #tpu.memory_space<vmem>>
        %swap3A_259 = arith.index_cast %scan3A_238 : i32 to index
        %swap3A_260 = arith.constant 64 : index
        %swap3A_261 = tpu.vector_load %swap3A_258[%swap3A_259, %swap3A_260] {strides = array<i32>} : memref<125x80xf32, #tpu.memory_space<vmem>>, vector<16xf32>,
        tpu.vector_store %swap3A_258[%swap3A_259, %swap3A_260], %exp3A {strides = array<i32>} : memref<125x80xf32, #tpu.memory_space<vmem>>, vector<16xf32>,
        %lt3A = arith.constant 0 : i32
        %lt3A_262 = vector.broadcast %lt3A : i32 to vector<16xi32>
        %lt3A_263 = arith.cmpi slt, %shift_right_arithmetic3A_7, %lt3A_262 : vector<16xi32>
        %add3A_264 = arith.constant 16 : i32
        %add3A_265 = vector.broadcast %add3A_264 : i32 to vector<16xi32>
        %add3A_266 = arith.addi %shift_right_arithmetic3A_7, %add3A_265 : vector<16xi32>
        %select_n3A = arith.select %lt3A_263, %add3A_266, %shift_right_arithmetic3A_7 : vector<16xi1>, vector<16xi32>
        %broadcast_in_dim3A = vector.shape_cast %select_n3A : vector<16xi32> to vector<16x1xi32>
        %gather3A = vector.shape_cast %broadcast_in_dim3A : vector<16x1xi32> to vector<16xi32>
        %gather3A_267 = tpu.dynamic_gather %exp3A[%gather3A] in [0] : vector<16xf32>, vector<16xi32> -> vector<16xf32>
        %get3A_268 = arith.constant 0 : i32
        %get3A_269 = arith.constant 0 : i32
        %get3A_270 = tpu.memref_slice %arg10[%scan3A_106, %get3A_268, %get3A_269] : memref<2x125x80xf32, #tpu.memory_space<vmem>> -> memref<1x125x80xf32, #tpu.memory_space<vmem>>
        %get3A_271 = tpu.memref_squeeze %get3A_270 : memref<1x125x80xf32, #tpu.memory_space<vmem>> -> memref<125x80xf32, #tpu.memory_space<vmem>>
        %get3A_272 = arith.index_cast %scan3A_238 : i32 to index
        %get3A_273 = arith.constant 0 : index
        %get3A_274 = tpu.vector_load %get3A_271[%get3A_272, %get3A_273] {strides = array<i32>} : memref<125x80xf32, #tpu.memory_space<vmem>>, vector<16xf32>,
        %mul3A_275 = arith.mulf %get3A_274, %gather3A_267 : vector<16xf32>
        %swap3A_276 = arith.constant 0 : i32
        %swap3A_277 = arith.constant 0 : i32
        %swap3A_278 = tpu.memref_slice %arg12[%scan3A_108, %swap3A_276, %swap3A_277] : memref<2x125x80xf32, #tpu.memory_space<vmem>> -> memref<1x125x80xf32, #tpu.memory_space<vmem>>
        %swap3A_279 = tpu.memref_squeeze %swap3A_278 : memref<1x125x80xf32, #tpu.memory_space<vmem>> -> memref<125x80xf32, #tpu.memory_space<vmem>>
        %swap3A_280 = arith.index_cast %scan3A_238 : i32 to index
        %swap3A_281 = arith.constant 0 : index
        %swap3A_282 = tpu.vector_load %swap3A_279[%swap3A_280, %swap3A_281] {strides = array<i32>} : memref<125x80xf32, #tpu.memory_space<vmem>>, vector<16xf32>,
        tpu.vector_store %swap3A_279[%swap3A_280, %swap3A_281], %mul3A_275 {strides = array<i32>} : memref<125x80xf32, #tpu.memory_space<vmem>>, vector<16xf32>,
        %lt3A_283 = arith.constant 0 : i32
        %lt3A_284 = vector.broadcast %lt3A_283 : i32 to vector<16xi32>
        %lt3A_285 = arith.cmpi slt, %shift_right_arithmetic3A_13, %lt3A_284 : vector<16xi32>
        %add3A_286 = arith.constant 16 : i32
        %add3A_287 = vector.broadcast %add3A_286 : i32 to vector<16xi32>
        %add3A_288 = arith.addi %shift_right_arithmetic3A_13, %add3A_287 : vector<16xi32>
        %select_n3A_289 = arith.select %lt3A_285, %add3A_288, %shift_right_arithmetic3A_13 : vector<16xi1>, vector<16xi32>
        %broadcast_in_dim3A_290 = vector.shape_cast %select_n3A_289 : vector<16xi32> to vector<16x1xi32>
        %gather3A_291 = vector.shape_cast %broadcast_in_dim3A_290 : vector<16x1xi32> to vector<16xi32>
        %gather3A_292 = tpu.dynamic_gather %exp3A[%gather3A_291] in [0] : vector<16xf32>, vector<16xi32> -> vector<16xf32>
        %get3A_293 = arith.constant 0 : i32
        %get3A_294 = arith.constant 0 : i32
        %get3A_295 = tpu.memref_slice %arg10[%scan3A_106, %get3A_293, %get3A_294] : memref<2x125x80xf32, #tpu.memory_space<vmem>> -> memref<1x125x80xf32, #tpu.memory_space<vmem>>
        %get3A_296 = tpu.memref_squeeze %get3A_295 : memref<1x125x80xf32, #tpu.memory_space<vmem>> -> memref<125x80xf32, #tpu.memory_space<vmem>>
        %get3A_297 = arith.index_cast %scan3A_238 : i32 to index
        %get3A_298 = arith.constant 16 : index
        %get3A_299 = tpu.vector_load %get3A_296[%get3A_297, %get3A_298] {strides = array<i32>} : memref<125x80xf32, #tpu.memory_space<vmem>>, vector<16xf32>,
        %mul3A_300 = arith.mulf %get3A_299, %gather3A_292 : vector<16xf32>
        %swap3A_301 = arith.constant 0 : i32
        %swap3A_302 = arith.constant 0 : i32
        %swap3A_303 = tpu.memref_slice %arg12[%scan3A_108, %swap3A_301, %swap3A_302] : memref<2x125x80xf32, #tpu.memory_space<vmem>> -> memref<1x125x80xf32, #tpu.memory_space<vmem>>
        %swap3A_304 = tpu.memref_squeeze %swap3A_303 : memref<1x125x80xf32, #tpu.memory_space<vmem>> -> memref<125x80xf32, #tpu.memory_space<vmem>>
        %swap3A_305 = arith.index_cast %scan3A_238 : i32 to index
        %swap3A_306 = arith.constant 16 : index
        %swap3A_307 = tpu.vector_load %swap3A_304[%swap3A_305, %swap3A_306] {strides = array<i32>} : memref<125x80xf32, #tpu.memory_space<vmem>>, vector<16xf32>,
        tpu.vector_store %swap3A_304[%swap3A_305, %swap3A_306], %mul3A_300 {strides = array<i32>} : memref<125x80xf32, #tpu.memory_space<vmem>>, vector<16xf32>,
        %lt3A_308 = arith.constant 0 : i32
        %lt3A_309 = vector.broadcast %lt3A_308 : i32 to vector<16xi32>
        %lt3A_310 = arith.cmpi slt, %shift_right_arithmetic3A_19, %lt3A_309 : vector<16xi32>
        %add3A_311 = arith.constant 16 : i32
        %add3A_312 = vector.broadcast %add3A_311 : i32 to vector<16xi32>
        %add3A_313 = arith.addi %shift_right_arithmetic3A_19, %add3A_312 : vector<16xi32>
        %select_n3A_314 = arith.select %lt3A_310, %add3A_313, %shift_right_arithmetic3A_19 : vector<16xi1>, vector<16xi32>
        %broadcast_in_dim3A_315 = vector.shape_cast %select_n3A_314 : vector<16xi32> to vector<16x1xi32>
        %gather3A_316 = vector.shape_cast %broadcast_in_dim3A_315 : vector<16x1xi32> to vector<16xi32>
        %gather3A_317 = tpu.dynamic_gather %exp3A[%gather3A_316] in [0] : vector<16xf32>, vector<16xi32> -> vector<16xf32>
        %get3A_318 = arith.constant 0 : i32
        %get3A_319 = arith.constant 0 : i32
        %get3A_320 = tpu.memref_slice %arg10[%scan3A_106, %get3A_318, %get3A_319] : memref<2x125x80xf32, #tpu.memory_space<vmem>> -> memref<1x125x80xf32, #tpu.memory_space<vmem>>
        %get3A_321 = tpu.memref_squeeze %get3A_320 : memref<1x125x80xf32, #tpu.memory_space<vmem>> -> memref<125x80xf32, #tpu.memory_space<vmem>>
        %get3A_322 = arith.index_cast %scan3A_238 : i32 to index
        %get3A_323 = arith.constant 32 : index
        %get3A_324 = tpu.vector_load %get3A_321[%get3A_322, %get3A_323] {strides = array<i32>} : memref<125x80xf32, #tpu.memory_space<vmem>>, vector<16xf32>,
        %mul3A_325 = arith.mulf %get3A_324, %gather3A_317 : vector<16xf32>
        %swap3A_326 = arith.constant 0 : i32
        %swap3A_327 = arith.constant 0 : i32
        %swap3A_328 = tpu.memref_slice %arg12[%scan3A_108, %swap3A_326, %swap3A_327] : memref<2x125x80xf32, #tpu.memory_space<vmem>> -> memref<1x125x80xf32, #tpu.memory_space<vmem>>
        %swap3A_329 = tpu.memref_squeeze %swap3A_328 : memref<1x125x80xf32, #tpu.memory_space<vmem>> -> memref<125x80xf32, #tpu.memory_space<vmem>>
        %swap3A_330 = arith.index_cast %scan3A_238 : i32 to index
        %swap3A_331 = arith.constant 32 : index
        %swap3A_332 = tpu.vector_load %swap3A_329[%swap3A_330, %swap3A_331] {strides = array<i32>} : memref<125x80xf32, #tpu.memory_space<vmem>>, vector<16xf32>,
        tpu.vector_store %swap3A_329[%swap3A_330, %swap3A_331], %mul3A_325 {strides = array<i32>} : memref<125x80xf32, #tpu.memory_space<vmem>>, vector<16xf32>,
        %lt3A_333 = arith.constant 0 : i32
        %lt3A_334 = vector.broadcast %lt3A_333 : i32 to vector<16xi32>
        %lt3A_335 = arith.cmpi slt, %shift_right_arithmetic3A_25, %lt3A_334 : vector<16xi32>
        %add3A_336 = arith.constant 16 : i32
        %add3A_337 = vector.broadcast %add3A_336 : i32 to vector<16xi32>
        %add3A_338 = arith.addi %shift_right_arithmetic3A_25, %add3A_337 : vector<16xi32>
        %select_n3A_339 = arith.select %lt3A_335, %add3A_338, %shift_right_arithmetic3A_25 : vector<16xi1>, vector<16xi32>
        %broadcast_in_dim3A_340 = vector.shape_cast %select_n3A_339 : vector<16xi32> to vector<16x1xi32>
        %gather3A_341 = vector.shape_cast %broadcast_in_dim3A_340 : vector<16x1xi32> to vector<16xi32>
        %gather3A_342 = tpu.dynamic_gather %exp3A[%gather3A_341] in [0] : vector<16xf32>, vector<16xi32> -> vector<16xf32>
        %get3A_343 = arith.constant 0 : i32
        %get3A_344 = arith.constant 0 : i32
        %get3A_345 = tpu.memref_slice %arg10[%scan3A_106, %get3A_343, %get3A_344] : memref<2x125x80xf32, #tpu.memory_space<vmem>> -> memref<1x125x80xf32, #tpu.memory_space<vmem>>
        %get3A_346 = tpu.memref_squeeze %get3A_345 : memref<1x125x80xf32, #tpu.memory_space<vmem>> -> memref<125x80xf32, #tpu.memory_space<vmem>>
        %get3A_347 = arith.index_cast %scan3A_238 : i32 to index
        %get3A_348 = arith.constant 48 : index
        %get3A_349 = tpu.vector_load %get3A_346[%get3A_347, %get3A_348] {strides = array<i32>} : memref<125x80xf32, #tpu.memory_space<vmem>>, vector<16xf32>,
        %mul3A_350 = arith.mulf %get3A_349, %gather3A_342 : vector<16xf32>
        %swap3A_351 = arith.constant 0 : i32
        %swap3A_352 = arith.constant 0 : i32
        %swap3A_353 = tpu.memref_slice %arg12[%scan3A_108, %swap3A_351, %swap3A_352] : memref<2x125x80xf32, #tpu.memory_space<vmem>> -> memref<1x125x80xf32, #tpu.memory_space<vmem>>
        %swap3A_354 = tpu.memref_squeeze %swap3A_353 : memref<1x125x80xf32, #tpu.memory_space<vmem>> -> memref<125x80xf32, #tpu.memory_space<vmem>>
        %swap3A_355 = arith.index_cast %scan3A_238 : i32 to index
        %swap3A_356 = arith.constant 48 : index
        %swap3A_357 = tpu.vector_load %swap3A_354[%swap3A_355, %swap3A_356] {strides = array<i32>} : memref<125x80xf32, #tpu.memory_space<vmem>>, vector<16xf32>,
        tpu.vector_store %swap3A_354[%swap3A_355, %swap3A_356], %mul3A_350 {strides = array<i32>} : memref<125x80xf32, #tpu.memory_space<vmem>>, vector<16xf32>,
        %scan3A_358 = arith.constant 1 : i32
        %scan3A_359 = arith.addi %scan3A_238, %scan3A_358 : i32
        %get3A_360 = arith.constant 0 : i32
        %get3A_361 = arith.constant 0 : i32
        %get3A_362 = tpu.memref_slice %arg10[%scan3A_106, %get3A_360, %get3A_361] : memref<2x125x80xf32, #tpu.memory_space<vmem>> -> memref<1x125x80xf32, #tpu.memory_space<vmem>>
        %get3A_363 = tpu.memref_squeeze %get3A_362 : memref<1x125x80xf32, #tpu.memory_space<vmem>> -> memref<125x80xf32, #tpu.memory_space<vmem>>
        %get3A_364 = arith.index_cast %scan3A_359 : i32 to index
        %get3A_365 = arith.constant 64 : index
        %get3A_366 = tpu.vector_load %get3A_363[%get3A_364, %get3A_365] {strides = array<i32>} : memref<125x80xf32, #tpu.memory_space<vmem>>, vector<16xf32>,
        %get3A_367 = arith.constant 0 : i32
        %get3A_368 = arith.constant 0 : i32
        %get3A_369 = tpu.memref_slice %arg11[%scan3A_107, %get3A_367, %get3A_368] : memref<2x125x16xf32, #tpu.memory_space<vmem>> -> memref<1x125x16xf32, #tpu.memory_space<vmem>>
        %get3A_370 = tpu.memref_squeeze %get3A_369 : memref<1x125x16xf32, #tpu.memory_space<vmem>> -> memref<125x16xf32, #tpu.memory_space<vmem>>
        %get3A_371 = arith.index_cast %scan3A_359 : i32 to index
        %get3A_372 = arith.constant 0 : index
        %get3A_373 = tpu.vector_load %get3A_370[%get3A_371, %get3A_372] {strides = array<i32>} : memref<125x16xf32, #tpu.memory_space<vmem>>, vector<16xf32>,
        %add3A_374 = arith.addf %get3A_366, %get3A_373 : vector<16xf32>
        %mul3A_375 = arith.constant 2.000000e-01 : f32
        %mul3A_376 = vector.broadcast %mul3A_375 : f32 to vector<16xf32>
        %mul3A_377 = arith.mulf %mul3A_376, %add3A_374 : vector<16xf32>
        %max3A_378 = arith.maximumf %add3A_374, %mul3A_377 : vector<16xf32>
        %exp3A_379 = math.exp %max3A_378 : vector<16xf32>
        %swap3A_380 = arith.constant 0 : i32
        %swap3A_381 = arith.constant 0 : i32
        %swap3A_382 = tpu.memref_slice %arg12[%scan3A_108, %swap3A_380, %swap3A_381] : memref<2x125x80xf32, #tpu.memory_space<vmem>> -> memref<1x125x80xf32, #tpu.memory_space<vmem>>
        %swap3A_383 = tpu.memref_squeeze %swap3A_382 : memref<1x125x80xf32, #tpu.memory_space<vmem>> -> memref<125x80xf32, #tpu.memory_space<vmem>>
        %swap3A_384 = arith.index_cast %scan3A_359 : i32 to index
        %swap3A_385 = arith.constant 64 : index
        %swap3A_386 = tpu.vector_load %swap3A_383[%swap3A_384, %swap3A_385] {strides = array<i32>} : memref<125x80xf32, #tpu.memory_space<vmem>>, vector<16xf32>,
        tpu.vector_store %swap3A_383[%swap3A_384, %swap3A_385], %exp3A_379 {strides = array<i32>} : memref<125x80xf32, #tpu.memory_space<vmem>>, vector<16xf32>,
        %lt3A_387 = arith.constant 0 : i32
        %lt3A_388 = vector.broadcast %lt3A_387 : i32 to vector<16xi32>
        %lt3A_389 = arith.cmpi slt, %shift_right_arithmetic3A_7, %lt3A_388 : vector<16xi32>
        %add3A_390 = arith.constant 16 : i32
        %add3A_391 = vector.broadcast %add3A_390 : i32 to vector<16xi32>
        %add3A_392 = arith.addi %shift_right_arithmetic3A_7, %add3A_391 : vector<16xi32>
        %select_n3A_393 = arith.select %lt3A_389, %add3A_392, %shift_right_arithmetic3A_7 : vector<16xi1>, vector<16xi32>
        %broadcast_in_dim3A_394 = vector.shape_cast %select_n3A_393 : vector<16xi32> to vector<16x1xi32>
        %gather3A_395 = vector.shape_cast %broadcast_in_dim3A_394 : vector<16x1xi32> to vector<16xi32>
        %gather3A_396 = tpu.dynamic_gather %exp3A_379[%gather3A_395] in [0] : vector<16xf32>, vector<16xi32> -> vector<16xf32>
        %get3A_397 = arith.constant 0 : i32
        %get3A_398 = arith.constant 0 : i32
        %get3A_399 = tpu.memref_slice %arg10[%scan3A_106, %get3A_397, %get3A_398] : memref<2x125x80xf32, #tpu.memory_space<vmem>> -> memref<1x125x80xf32, #tpu.memory_space<vmem>>
        %get3A_400 = tpu.memref_squeeze %get3A_399 : memref<1x125x80xf32, #tpu.memory_space<vmem>> -> memref<125x80xf32, #tpu.memory_space<vmem>>
        %get3A_401 = arith.index_cast %scan3A_359 : i32 to index
        %get3A_402 = arith.constant 0 : index
        %get3A_403 = tpu.vector_load %get3A_400[%get3A_401, %get3A_402] {strides = array<i32>} : memref<125x80xf32, #tpu.memory_space<vmem>>, vector<16xf32>,
        %mul3A_404 = arith.mulf %get3A_403, %gather3A_396 : vector<16xf32>
        %swap3A_405 = arith.constant 0 : i32
        %swap3A_406 = arith.constant 0 : i32
        %swap3A_407 = tpu.memref_slice %arg12[%scan3A_108, %swap3A_405, %swap3A_406] : memref<2x125x80xf32, #tpu.memory_space<vmem>> -> memref<1x125x80xf32, #tpu.memory_space<vmem>>
        %swap3A_408 = tpu.memref_squeeze %swap3A_407 : memref<1x125x80xf32, #tpu.memory_space<vmem>> -> memref<125x80xf32, #tpu.memory_space<vmem>>
        %swap3A_409 = arith.index_cast %scan3A_359 : i32 to index
        %swap3A_410 = arith.constant 0 : index
        %swap3A_411 = tpu.vector_load %swap3A_408[%swap3A_409, %swap3A_410] {strides = array<i32>} : memref<125x80xf32, #tpu.memory_space<vmem>>, vector<16xf32>,
        tpu.vector_store %swap3A_408[%swap3A_409, %swap3A_410], %mul3A_404 {strides = array<i32>} : memref<125x80xf32, #tpu.memory_space<vmem>>, vector<16xf32>,
        %lt3A_412 = arith.constant 0 : i32
        %lt3A_413 = vector.broadcast %lt3A_412 : i32 to vector<16xi32>
        %lt3A_414 = arith.cmpi slt, %shift_right_arithmetic3A_13, %lt3A_413 : vector<16xi32>
        %add3A_415 = arith.constant 16 : i32
        %add3A_416 = vector.broadcast %add3A_415 : i32 to vector<16xi32>
        %add3A_417 = arith.addi %shift_right_arithmetic3A_13, %add3A_416 : vector<16xi32>
        %select_n3A_418 = arith.select %lt3A_414, %add3A_417, %shift_right_arithmetic3A_13 : vector<16xi1>, vector<16xi32>
        %broadcast_in_dim3A_419 = vector.shape_cast %select_n3A_418 : vector<16xi32> to vector<16x1xi32>
        %gather3A_420 = vector.shape_cast %broadcast_in_dim3A_419 : vector<16x1xi32> to vector<16xi32>
        %gather3A_421 = tpu.dynamic_gather %exp3A_379[%gather3A_420] in [0] : vector<16xf32>, vector<16xi32> -> vector<16xf32>
        %get3A_422 = arith.constant 0 : i32
        %get3A_423 = arith.constant 0 : i32
        %get3A_424 = tpu.memref_slice %arg10[%scan3A_106, %get3A_422, %get3A_423] : memref<2x125x80xf32, #tpu.memory_space<vmem>> -> memref<1x125x80xf32, #tpu.memory_space<vmem>>
        %get3A_425 = tpu.memref_squeeze %get3A_424 : memref<1x125x80xf32, #tpu.memory_space<vmem>> -> memref<125x80xf32, #tpu.memory_space<vmem>>
        %get3A_426 = arith.index_cast %scan3A_359 : i32 to index
        %get3A_427 = arith.constant 16 : index
        %get3A_428 = tpu.vector_load %get3A_425[%get3A_426, %get3A_427] {strides = array<i32>} : memref<125x80xf32, #tpu.memory_space<vmem>>, vector<16xf32>,
        %mul3A_429 = arith.mulf %get3A_428, %gather3A_421 : vector<16xf32>
        %swap3A_430 = arith.constant 0 : i32
        %swap3A_431 = arith.constant 0 : i32
        %swap3A_432 = tpu.memref_slice %arg12[%scan3A_108, %swap3A_430, %swap3A_431] : memref<2x125x80xf32, #tpu.memory_space<vmem>> -> memref<1x125x80xf32, #tpu.memory_space<vmem>>
        %swap3A_433 = tpu.memref_squeeze %swap3A_432 : memref<1x125x80xf32, #tpu.memory_space<vmem>> -> memref<125x80xf32, #tpu.memory_space<vmem>>
        %swap3A_434 = arith.index_cast %scan3A_359 : i32 to index
        %swap3A_435 = arith.constant 16 : index
        %swap3A_436 = tpu.vector_load %swap3A_433[%swap3A_434, %swap3A_435] {strides = array<i32>} : memref<125x80xf32, #tpu.memory_space<vmem>>, vector<16xf32>,
        tpu.vector_store %swap3A_433[%swap3A_434, %swap3A_435], %mul3A_429 {strides = array<i32>} : memref<125x80xf32, #tpu.memory_space<vmem>>, vector<16xf32>,
        %lt3A_437 = arith.constant 0 : i32
        %lt3A_438 = vector.broadcast %lt3A_437 : i32 to vector<16xi32>
        %lt3A_439 = arith.cmpi slt, %shift_right_arithmetic3A_19, %lt3A_438 : vector<16xi32>
        %add3A_440 = arith.constant 16 : i32
        %add3A_441 = vector.broadcast %add3A_440 : i32 to vector<16xi32>
        %add3A_442 = arith.addi %shift_right_arithmetic3A_19, %add3A_441 : vector<16xi32>
        %select_n3A_443 = arith.select %lt3A_439, %add3A_442, %shift_right_arithmetic3A_19 : vector<16xi1>, vector<16xi32>
        %broadcast_in_dim3A_444 = vector.shape_cast %select_n3A_443 : vector<16xi32> to vector<16x1xi32>
        %gather3A_445 = vector.shape_cast %broadcast_in_dim3A_444 : vector<16x1xi32> to vector<16xi32>
        %gather3A_446 = tpu.dynamic_gather %exp3A_379[%gather3A_445] in [0] : vector<16xf32>, vector<16xi32> -> vector<16xf32>
        %get3A_447 = arith.constant 0 : i32
        %get3A_448 = arith.constant 0 : i32
        %get3A_449 = tpu.memref_slice %arg10[%scan3A_106, %get3A_447, %get3A_448] : memref<2x125x80xf32, #tpu.memory_space<vmem>> -> memref<1x125x80xf32, #tpu.memory_space<vmem>>
        %get3A_450 = tpu.memref_squeeze %get3A_449 : memref<1x125x80xf32, #tpu.memory_space<vmem>> -> memref<125x80xf32, #tpu.memory_space<vmem>>
        %get3A_451 = arith.index_cast %scan3A_359 : i32 to index
        %get3A_452 = arith.constant 32 : index
        %get3A_453 = tpu.vector_load %get3A_450[%get3A_451, %get3A_452] {strides = array<i32>} : memref<125x80xf32, #tpu.memory_space<vmem>>, vector<16xf32>,
        %mul3A_454 = arith.mulf %get3A_453, %gather3A_446 : vector<16xf32>
        %swap3A_455 = arith.constant 0 : i32
        %swap3A_456 = arith.constant 0 : i32
        %swap3A_457 = tpu.memref_slice %arg12[%scan3A_108, %swap3A_455, %swap3A_456] : memref<2x125x80xf32, #tpu.memory_space<vmem>> -> memref<1x125x80xf32, #tpu.memory_space<vmem>>
        %swap3A_458 = tpu.memref_squeeze %swap3A_457 : memref<1x125x80xf32, #tpu.memory_space<vmem>> -> memref<125x80xf32, #tpu.memory_space<vmem>>
        %swap3A_459 = arith.index_cast %scan3A_359 : i32 to index
        %swap3A_460 = arith.constant 32 : index
        %swap3A_461 = tpu.vector_load %swap3A_458[%swap3A_459, %swap3A_460] {strides = array<i32>} : memref<125x80xf32, #tpu.memory_space<vmem>>, vector<16xf32>,
        tpu.vector_store %swap3A_458[%swap3A_459, %swap3A_460], %mul3A_454 {strides = array<i32>} : memref<125x80xf32, #tpu.memory_space<vmem>>, vector<16xf32>,
        %lt3A_462 = arith.constant 0 : i32
        %lt3A_463 = vector.broadcast %lt3A_462 : i32 to vector<16xi32>
        %lt3A_464 = arith.cmpi slt, %shift_right_arithmetic3A_25, %lt3A_463 : vector<16xi32>
        %add3A_465 = arith.constant 16 : i32
        %add3A_466 = vector.broadcast %add3A_465 : i32 to vector<16xi32>
        %add3A_467 = arith.addi %shift_right_arithmetic3A_25, %add3A_466 : vector<16xi32>
        %select_n3A_468 = arith.select %lt3A_464, %add3A_467, %shift_right_arithmetic3A_25 : vector<16xi1>, vector<16xi32>
        %broadcast_in_dim3A_469 = vector.shape_cast %select_n3A_468 : vector<16xi32> to vector<16x1xi32>
        %gather3A_470 = vector.shape_cast %broadcast_in_dim3A_469 : vector<16x1xi32> to vector<16xi32>
        %gather3A_471 = tpu.dynamic_gather %exp3A_379[%gather3A_470] in [0] : vector<16xf32>, vector<16xi32> -> vector<16xf32>
        %get3A_472 = arith.constant 0 : i32
        %get3A_473 = arith.constant 0 : i32
        %get3A_474 = tpu.memref_slice %arg10[%scan3A_106, %get3A_472, %get3A_473] : memref<2x125x80xf32, #tpu.memory_space<vmem>> -> memref<1x125x80xf32, #tpu.memory_space<vmem>>
        %get3A_475 = tpu.memref_squeeze %get3A_474 : memref<1x125x80xf32, #tpu.memory_space<vmem>> -> memref<125x80xf32, #tpu.memory_space<vmem>>
        %get3A_476 = arith.index_cast %scan3A_359 : i32 to index
        %get3A_477 = arith.constant 48 : index
        %get3A_478 = tpu.vector_load %get3A_475[%get3A_476, %get3A_477] {strides = array<i32>} : memref<125x80xf32, #tpu.memory_space<vmem>>, vector<16xf32>,
        %mul3A_479 = arith.mulf %get3A_478, %gather3A_471 : vector<16xf32>
        %swap3A_480 = arith.constant 0 : i32
        %swap3A_481 = arith.constant 0 : i32
        %swap3A_482 = tpu.memref_slice %arg12[%scan3A_108, %swap3A_480, %swap3A_481] : memref<2x125x80xf32, #tpu.memory_space<vmem>> -> memref<1x125x80xf32, #tpu.memory_space<vmem>>
        %swap3A_483 = tpu.memref_squeeze %swap3A_482 : memref<1x125x80xf32, #tpu.memory_space<vmem>> -> memref<125x80xf32, #tpu.memory_space<vmem>>
        %swap3A_484 = arith.index_cast %scan3A_359 : i32 to index
        %swap3A_485 = arith.constant 48 : index
        %swap3A_486 = tpu.vector_load %swap3A_483[%swap3A_484, %swap3A_485] {strides = array<i32>} : memref<125x80xf32, #tpu.memory_space<vmem>>, vector<16xf32>,
        tpu.vector_store %swap3A_483[%swap3A_484, %swap3A_485], %mul3A_479 {strides = array<i32>} : memref<125x80xf32, #tpu.memory_space<vmem>>, vector<16xf32>,
        %scan3A_487 = arith.constant 2 : i32
        %scan3A_488 = arith.addi %scan3A_238, %scan3A_487 : i32
        %get3A_489 = arith.constant 0 : i32
        %get3A_490 = arith.constant 0 : i32
        %get3A_491 = tpu.memref_slice %arg10[%scan3A_106, %get3A_489, %get3A_490] : memref<2x125x80xf32, #tpu.memory_space<vmem>> -> memref<1x125x80xf32, #tpu.memory_space<vmem>>
        %get3A_492 = tpu.memref_squeeze %get3A_491 : memref<1x125x80xf32, #tpu.memory_space<vmem>> -> memref<125x80xf32, #tpu.memory_space<vmem>>
        %get3A_493 = arith.index_cast %scan3A_488 : i32 to index
        %get3A_494 = arith.constant 64 : index
        %get3A_495 = tpu.vector_load %get3A_492[%get3A_493, %get3A_494] {strides = array<i32>} : memref<125x80xf32, #tpu.memory_space<vmem>>, vector<16xf32>,
        %get3A_496 = arith.constant 0 : i32
        %get3A_497 = arith.constant 0 : i32
        %get3A_498 = tpu.memref_slice %arg11[%scan3A_107, %get3A_496, %get3A_497] : memref<2x125x16xf32, #tpu.memory_space<vmem>> -> memref<1x125x16xf32, #tpu.memory_space<vmem>>
        %get3A_499 = tpu.memref_squeeze %get3A_498 : memref<1x125x16xf32, #tpu.memory_space<vmem>> -> memref<125x16xf32, #tpu.memory_space<vmem>>
        %get3A_500 = arith.index_cast %scan3A_488 : i32 to index
        %get3A_501 = arith.constant 0 : index
        %get3A_502 = tpu.vector_load %get3A_499[%get3A_500, %get3A_501] {strides = array<i32>} : memref<125x16xf32, #tpu.memory_space<vmem>>, vector<16xf32>,
        %add3A_503 = arith.addf %get3A_495, %get3A_502 : vector<16xf32>
        %mul3A_504 = arith.constant 2.000000e-01 : f32
        %mul3A_505 = vector.broadcast %mul3A_504 : f32 to vector<16xf32>
        %mul3A_506 = arith.mulf %mul3A_505, %add3A_503 : vector<16xf32>
        %max3A_507 = arith.maximumf %add3A_503, %mul3A_506 : vector<16xf32>
        %exp3A_508 = math.exp %max3A_507 : vector<16xf32>
        %swap3A_509 = arith.constant 0 : i32
        %swap3A_510 = arith.constant 0 : i32
        %swap3A_511 = tpu.memref_slice %arg12[%scan3A_108, %swap3A_509, %swap3A_510] : memref<2x125x80xf32, #tpu.memory_space<vmem>> -> memref<1x125x80xf32, #tpu.memory_space<vmem>>
        %swap3A_512 = tpu.memref_squeeze %swap3A_511 : memref<1x125x80xf32, #tpu.memory_space<vmem>> -> memref<125x80xf32, #tpu.memory_space<vmem>>
        %swap3A_513 = arith.index_cast %scan3A_488 : i32 to index
        %swap3A_514 = arith.constant 64 : index
        %swap3A_515 = tpu.vector_load %swap3A_512[%swap3A_513, %swap3A_514] {strides = array<i32>} : memref<125x80xf32, #tpu.memory_space<vmem>>, vector<16xf32>,
        tpu.vector_store %swap3A_512[%swap3A_513, %swap3A_514], %exp3A_508 {strides = array<i32>} : memref<125x80xf32, #tpu.memory_space<vmem>>, vector<16xf32>,
        %lt3A_516 = arith.constant 0 : i32
        %lt3A_517 = vector.broadcast %lt3A_516 : i32 to vector<16xi32>
        %lt3A_518 = arith.cmpi slt, %shift_right_arithmetic3A_7, %lt3A_517 : vector<16xi32>
        %add3A_519 = arith.constant 16 : i32
        %add3A_520 = vector.broadcast %add3A_519 : i32 to vector<16xi32>
        %add3A_521 = arith.addi %shift_right_arithmetic3A_7, %add3A_520 : vector<16xi32>
        %select_n3A_522 = arith.select %lt3A_518, %add3A_521, %shift_right_arithmetic3A_7 : vector<16xi1>, vector<16xi32>
        %broadcast_in_dim3A_523 = vector.shape_cast %select_n3A_522 : vector<16xi32> to vector<16x1xi32>
        %gather3A_524 = vector.shape_cast %broadcast_in_dim3A_523 : vector<16x1xi32> to vector<16xi32>
        %gather3A_525 = tpu.dynamic_gather %exp3A_508[%gather3A_524] in [0] : vector<16xf32>, vector<16xi32> -> vector<16xf32>
        %get3A_526 = arith.constant 0 : i32
        %get3A_527 = arith.constant 0 : i32
        %get3A_528 = tpu.memref_slice %arg10[%scan3A_106, %get3A_526, %get3A_527] : memref<2x125x80xf32, #tpu.memory_space<vmem>> -> memref<1x125x80xf32, #tpu.memory_space<vmem>>
        %get3A_529 = tpu.memref_squeeze %get3A_528 : memref<1x125x80xf32, #tpu.memory_space<vmem>> -> memref<125x80xf32, #tpu.memory_space<vmem>>
        %get3A_530 = arith.index_cast %scan3A_488 : i32 to index
        %get3A_531 = arith.constant 0 : index
        %get3A_532 = tpu.vector_load %get3A_529[%get3A_530, %get3A_531] {strides = array<i32>} : memref<125x80xf32, #tpu.memory_space<vmem>>, vector<16xf32>,
        %mul3A_533 = arith.mulf %get3A_532, %gather3A_525 : vector<16xf32>
        %swap3A_534 = arith.constant 0 : i32
        %swap3A_535 = arith.constant 0 : i32
        %swap3A_536 = tpu.memref_slice %arg12[%scan3A_108, %swap3A_534, %swap3A_535] : memref<2x125x80xf32, #tpu.memory_space<vmem>> -> memref<1x125x80xf32, #tpu.memory_space<vmem>>
        %swap3A_537 = tpu.memref_squeeze %swap3A_536 : memref<1x125x80xf32, #tpu.memory_space<vmem>> -> memref<125x80xf32, #tpu.memory_space<vmem>>
        %swap3A_538 = arith.index_cast %scan3A_488 : i32 to index
        %swap3A_539 = arith.constant 0 : index
        %swap3A_540 = tpu.vector_load %swap3A_537[%swap3A_538, %swap3A_539] {strides = array<i32>} : memref<125x80xf32, #tpu.memory_space<vmem>>, vector<16xf32>,
        tpu.vector_store %swap3A_537[%swap3A_538, %swap3A_539], %mul3A_533 {strides = array<i32>} : memref<125x80xf32, #tpu.memory_space<vmem>>, vector<16xf32>,
        %lt3A_541 = arith.constant 0 : i32
        %lt3A_542 = vector.broadcast %lt3A_541 : i32 to vector<16xi32>
        %lt3A_543 = arith.cmpi slt, %shift_right_arithmetic3A_13, %lt3A_542 : vector<16xi32>
        %add3A_544 = arith.constant 16 : i32
        %add3A_545 = vector.broadcast %add3A_544 : i32 to vector<16xi32>
        %add3A_546 = arith.addi %shift_right_arithmetic3A_13, %add3A_545 : vector<16xi32>
        %select_n3A_547 = arith.select %lt3A_543, %add3A_546, %shift_right_arithmetic3A_13 : vector<16xi1>, vector<16xi32>
        %broadcast_in_dim3A_548 = vector.shape_cast %select_n3A_547 : vector<16xi32> to vector<16x1xi32>
        %gather3A_549 = vector.shape_cast %broadcast_in_dim3A_548 : vector<16x1xi32> to vector<16xi32>
        %gather3A_550 = tpu.dynamic_gather %exp3A_508[%gather3A_549] in [0] : vector<16xf32>, vector<16xi32> -> vector<16xf32>
        %get3A_551 = arith.constant 0 : i32
        %get3A_552 = arith.constant 0 : i32
        %get3A_553 = tpu.memref_slice %arg10[%scan3A_106, %get3A_551, %get3A_552] : memref<2x125x80xf32, #tpu.memory_space<vmem>> -> memref<1x125x80xf32, #tpu.memory_space<vmem>>
        %get3A_554 = tpu.memref_squeeze %get3A_553 : memref<1x125x80xf32, #tpu.memory_space<vmem>> -> memref<125x80xf32, #tpu.memory_space<vmem>>
        %get3A_555 = arith.index_cast %scan3A_488 : i32 to index
        %get3A_556 = arith.constant 16 : index
        %get3A_557 = tpu.vector_load %get3A_554[%get3A_555, %get3A_556] {strides = array<i32>} : memref<125x80xf32, #tpu.memory_space<vmem>>, vector<16xf32>,
        %mul3A_558 = arith.mulf %get3A_557, %gather3A_550 : vector<16xf32>
        %swap3A_559 = arith.constant 0 : i32
        %swap3A_560 = arith.constant 0 : i32
        %swap3A_561 = tpu.memref_slice %arg12[%scan3A_108, %swap3A_559, %swap3A_560] : memref<2x125x80xf32, #tpu.memory_space<vmem>> -> memref<1x125x80xf32, #tpu.memory_space<vmem>>
        %swap3A_562 = tpu.memref_squeeze %swap3A_561 : memref<1x125x80xf32, #tpu.memory_space<vmem>> -> memref<125x80xf32, #tpu.memory_space<vmem>>
        %swap3A_563 = arith.index_cast %scan3A_488 : i32 to index
        %swap3A_564 = arith.constant 16 : index
        %swap3A_565 = tpu.vector_load %swap3A_562[%swap3A_563, %swap3A_564] {strides = array<i32>} : memref<125x80xf32, #tpu.memory_space<vmem>>, vector<16xf32>,
        tpu.vector_store %swap3A_562[%swap3A_563, %swap3A_564], %mul3A_558 {strides = array<i32>} : memref<125x80xf32, #tpu.memory_space<vmem>>, vector<16xf32>,
        %lt3A_566 = arith.constant 0 : i32
        %lt3A_567 = vector.broadcast %lt3A_566 : i32 to vector<16xi32>
        %lt3A_568 = arith.cmpi slt, %shift_right_arithmetic3A_19, %lt3A_567 : vector<16xi32>
        %add3A_569 = arith.constant 16 : i32
        %add3A_570 = vector.broadcast %add3A_569 : i32 to vector<16xi32>
        %add3A_571 = arith.addi %shift_right_arithmetic3A_19, %add3A_570 : vector<16xi32>
        %select_n3A_572 = arith.select %lt3A_568, %add3A_571, %shift_right_arithmetic3A_19 : vector<16xi1>, vector<16xi32>
        %broadcast_in_dim3A_573 = vector.shape_cast %select_n3A_572 : vector<16xi32> to vector<16x1xi32>
        %gather3A_574 = vector.shape_cast %broadcast_in_dim3A_573 : vector<16x1xi32> to vector<16xi32>
        %gather3A_575 = tpu.dynamic_gather %exp3A_508[%gather3A_574] in [0] : vector<16xf32>, vector<16xi32> -> vector<16xf32>
        %get3A_576 = arith.constant 0 : i32
        %get3A_577 = arith.constant 0 : i32
        %get3A_578 = tpu.memref_slice %arg10[%scan3A_106, %get3A_576, %get3A_577] : memref<2x125x80xf32, #tpu.memory_space<vmem>> -> memref<1x125x80xf32, #tpu.memory_space<vmem>>
        %get3A_579 = tpu.memref_squeeze %get3A_578 : memref<1x125x80xf32, #tpu.memory_space<vmem>> -> memref<125x80xf32, #tpu.memory_space<vmem>>
        %get3A_580 = arith.index_cast %scan3A_488 : i32 to index
        %get3A_581 = arith.constant 32 : index
        %get3A_582 = tpu.vector_load %get3A_579[%get3A_580, %get3A_581] {strides = array<i32>} : memref<125x80xf32, #tpu.memory_space<vmem>>, vector<16xf32>,
        %mul3A_583 = arith.mulf %get3A_582, %gather3A_575 : vector<16xf32>
        %swap3A_584 = arith.constant 0 : i32
        %swap3A_585 = arith.constant 0 : i32
        %swap3A_586 = tpu.memref_slice %arg12[%scan3A_108, %swap3A_584, %swap3A_585] : memref<2x125x80xf32, #tpu.memory_space<vmem>> -> memref<1x125x80xf32, #tpu.memory_space<vmem>>
        %swap3A_587 = tpu.memref_squeeze %swap3A_586 : memref<1x125x80xf32, #tpu.memory_space<vmem>> -> memref<125x80xf32, #tpu.memory_space<vmem>>
        %swap3A_588 = arith.index_cast %scan3A_488 : i32 to index
        %swap3A_589 = arith.constant 32 : index
        %swap3A_590 = tpu.vector_load %swap3A_587[%swap3A_588, %swap3A_589] {strides = array<i32>} : memref<125x80xf32, #tpu.memory_space<vmem>>, vector<16xf32>,
        tpu.vector_store %swap3A_587[%swap3A_588, %swap3A_589], %mul3A_583 {strides = array<i32>} : memref<125x80xf32, #tpu.memory_space<vmem>>, vector<16xf32>,
        %lt3A_591 = arith.constant 0 : i32
        %lt3A_592 = vector.broadcast %lt3A_591 : i32 to vector<16xi32>
        %lt3A_593 = arith.cmpi slt, %shift_right_arithmetic3A_25, %lt3A_592 : vector<16xi32>
        %add3A_594 = arith.constant 16 : i32
        %add3A_595 = vector.broadcast %add3A_594 : i32 to vector<16xi32>
        %add3A_596 = arith.addi %shift_right_arithmetic3A_25, %add3A_595 : vector<16xi32>
        %select_n3A_597 = arith.select %lt3A_593, %add3A_596, %shift_right_arithmetic3A_25 : vector<16xi1>, vector<16xi32>
        %broadcast_in_dim3A_598 = vector.shape_cast %select_n3A_597 : vector<16xi32> to vector<16x1xi32>
        %gather3A_599 = vector.shape_cast %broadcast_in_dim3A_598 : vector<16x1xi32> to vector<16xi32>
        %gather3A_600 = tpu.dynamic_gather %exp3A_508[%gather3A_599] in [0] : vector<16xf32>, vector<16xi32> -> vector<16xf32>
        %get3A_601 = arith.constant 0 : i32
        %get3A_602 = arith.constant 0 : i32
        %get3A_603 = tpu.memref_slice %arg10[%scan3A_106, %get3A_601, %get3A_602] : memref<2x125x80xf32, #tpu.memory_space<vmem>> -> memref<1x125x80xf32, #tpu.memory_space<vmem>>
        %get3A_604 = tpu.memref_squeeze %get3A_603 : memref<1x125x80xf32, #tpu.memory_space<vmem>> -> memref<125x80xf32, #tpu.memory_space<vmem>>
        %get3A_605 = arith.index_cast %scan3A_488 : i32 to index
        %get3A_606 = arith.constant 48 : index
        %get3A_607 = tpu.vector_load %get3A_604[%get3A_605, %get3A_606] {strides = array<i32>} : memref<125x80xf32, #tpu.memory_space<vmem>>, vector<16xf32>,
        %mul3A_608 = arith.mulf %get3A_607, %gather3A_600 : vector<16xf32>
        %swap3A_609 = arith.constant 0 : i32
        %swap3A_610 = arith.constant 0 : i32
        %swap3A_611 = tpu.memref_slice %arg12[%scan3A_108, %swap3A_609, %swap3A_610] : memref<2x125x80xf32, #tpu.memory_space<vmem>> -> memref<1x125x80xf32, #tpu.memory_space<vmem>>
        %swap3A_612 = tpu.memref_squeeze %swap3A_611 : memref<1x125x80xf32, #tpu.memory_space<vmem>> -> memref<125x80xf32, #tpu.memory_space<vmem>>
        %swap3A_613 = arith.index_cast %scan3A_488 : i32 to index
        %swap3A_614 = arith.constant 48 : index
        %swap3A_615 = tpu.vector_load %swap3A_612[%swap3A_613, %swap3A_614] {strides = array<i32>} : memref<125x80xf32, #tpu.memory_space<vmem>>, vector<16xf32>,
        tpu.vector_store %swap3A_612[%swap3A_613, %swap3A_614], %mul3A_608 {strides = array<i32>} : memref<125x80xf32, #tpu.memory_space<vmem>>, vector<16xf32>,
        %scan3A_616 = arith.constant 3 : i32
        %scan3A_617 = arith.addi %scan3A_238, %scan3A_616 : i32
        %get3A_618 = arith.constant 0 : i32
        %get3A_619 = arith.constant 0 : i32
        %get3A_620 = tpu.memref_slice %arg10[%scan3A_106, %get3A_618, %get3A_619] : memref<2x125x80xf32, #tpu.memory_space<vmem>> -> memref<1x125x80xf32, #tpu.memory_space<vmem>>
        %get3A_621 = tpu.memref_squeeze %get3A_620 : memref<1x125x80xf32, #tpu.memory_space<vmem>> -> memref<125x80xf32, #tpu.memory_space<vmem>>
        %get3A_622 = arith.index_cast %scan3A_617 : i32 to index
        %get3A_623 = arith.constant 64 : index
        %get3A_624 = tpu.vector_load %get3A_621[%get3A_622, %get3A_623] {strides = array<i32>} : memref<125x80xf32, #tpu.memory_space<vmem>>, vector<16xf32>,
        %get3A_625 = arith.constant 0 : i32
        %get3A_626 = arith.constant 0 : i32
        %get3A_627 = tpu.memref_slice %arg11[%scan3A_107, %get3A_625, %get3A_626] : memref<2x125x16xf32, #tpu.memory_space<vmem>> -> memref<1x125x16xf32, #tpu.memory_space<vmem>>
        %get3A_628 = tpu.memref_squeeze %get3A_627 : memref<1x125x16xf32, #tpu.memory_space<vmem>> -> memref<125x16xf32, #tpu.memory_space<vmem>>
        %get3A_629 = arith.index_cast %scan3A_617 : i32 to index
        %get3A_630 = arith.constant 0 : index
        %get3A_631 = tpu.vector_load %get3A_628[%get3A_629, %get3A_630] {strides = array<i32>} : memref<125x16xf32, #tpu.memory_space<vmem>>, vector<16xf32>,
        %add3A_632 = arith.addf %get3A_624, %get3A_631 : vector<16xf32>
        %mul3A_633 = arith.constant 2.000000e-01 : f32
        %mul3A_634 = vector.broadcast %mul3A_633 : f32 to vector<16xf32>
        %mul3A_635 = arith.mulf %mul3A_634, %add3A_632 : vector<16xf32>
        %max3A_636 = arith.maximumf %add3A_632, %mul3A_635 : vector<16xf32>
        %exp3A_637 = math.exp %max3A_636 : vector<16xf32>
        %swap3A_638 = arith.constant 0 : i32
        %swap3A_639 = arith.constant 0 : i32
        %swap3A_640 = tpu.memref_slice %arg12[%scan3A_108, %swap3A_638, %swap3A_639] : memref<2x125x80xf32, #tpu.memory_space<vmem>> -> memref<1x125x80xf32, #tpu.memory_space<vmem>>
        %swap3A_641 = tpu.memref_squeeze %swap3A_640 : memref<1x125x80xf32, #tpu.memory_space<vmem>> -> memref<125x80xf32, #tpu.memory_space<vmem>>
        %swap3A_642 = arith.index_cast %scan3A_617 : i32 to index
        %swap3A_643 = arith.constant 64 : index
        %swap3A_644 = tpu.vector_load %swap3A_641[%swap3A_642, %swap3A_643] {strides = array<i32>} : memref<125x80xf32, #tpu.memory_space<vmem>>, vector<16xf32>,
        tpu.vector_store %swap3A_641[%swap3A_642, %swap3A_643], %exp3A_637 {strides = array<i32>} : memref<125x80xf32, #tpu.memory_space<vmem>>, vector<16xf32>,
        %lt3A_645 = arith.constant 0 : i32
        %lt3A_646 = vector.broadcast %lt3A_645 : i32 to vector<16xi32>
        %lt3A_647 = arith.cmpi slt, %shift_right_arithmetic3A_7, %lt3A_646 : vector<16xi32>
        %add3A_648 = arith.constant 16 : i32
        %add3A_649 = vector.broadcast %add3A_648 : i32 to vector<16xi32>
        %add3A_650 = arith.addi %shift_right_arithmetic3A_7, %add3A_649 : vector<16xi32>
        %select_n3A_651 = arith.select %lt3A_647, %add3A_650, %shift_right_arithmetic3A_7 : vector<16xi1>, vector<16xi32>
        %broadcast_in_dim3A_652 = vector.shape_cast %select_n3A_651 : vector<16xi32> to vector<16x1xi32>
        %gather3A_653 = vector.shape_cast %broadcast_in_dim3A_652 : vector<16x1xi32> to vector<16xi32>
        %gather3A_654 = tpu.dynamic_gather %exp3A_637[%gather3A_653] in [0] : vector<16xf32>, vector<16xi32> -> vector<16xf32>
        %get3A_655 = arith.constant 0 : i32
        %get3A_656 = arith.constant 0 : i32
        %get3A_657 = tpu.memref_slice %arg10[%scan3A_106, %get3A_655, %get3A_656] : memref<2x125x80xf32, #tpu.memory_space<vmem>> -> memref<1x125x80xf32, #tpu.memory_space<vmem>>
        %get3A_658 = tpu.memref_squeeze %get3A_657 : memref<1x125x80xf32, #tpu.memory_space<vmem>> -> memref<125x80xf32, #tpu.memory_space<vmem>>
        %get3A_659 = arith.index_cast %scan3A_617 : i32 to index
        %get3A_660 = arith.constant 0 : index
        %get3A_661 = tpu.vector_load %get3A_658[%get3A_659, %get3A_660] {strides = array<i32>} : memref<125x80xf32, #tpu.memory_space<vmem>>, vector<16xf32>,
        %mul3A_662 = arith.mulf %get3A_661, %gather3A_654 : vector<16xf32>
        %swap3A_663 = arith.constant 0 : i32
        %swap3A_664 = arith.constant 0 : i32
        %swap3A_665 = tpu.memref_slice %arg12[%scan3A_108, %swap3A_663, %swap3A_664] : memref<2x125x80xf32, #tpu.memory_space<vmem>> -> memref<1x125x80xf32, #tpu.memory_space<vmem>>
        %swap3A_666 = tpu.memref_squeeze %swap3A_665 : memref<1x125x80xf32, #tpu.memory_space<vmem>> -> memref<125x80xf32, #tpu.memory_space<vmem>>
        %swap3A_667 = arith.index_cast %scan3A_617 : i32 to index
        %swap3A_668 = arith.constant 0 : index
        %swap3A_669 = tpu.vector_load %swap3A_666[%swap3A_667, %swap3A_668] {strides = array<i32>} : memref<125x80xf32, #tpu.memory_space<vmem>>, vector<16xf32>,
        tpu.vector_store %swap3A_666[%swap3A_667, %swap3A_668], %mul3A_662 {strides = array<i32>} : memref<125x80xf32, #tpu.memory_space<vmem>>, vector<16xf32>,
        %lt3A_670 = arith.constant 0 : i32
        %lt3A_671 = vector.broadcast %lt3A_670 : i32 to vector<16xi32>
        %lt3A_672 = arith.cmpi slt, %shift_right_arithmetic3A_13, %lt3A_671 : vector<16xi32>
        %add3A_673 = arith.constant 16 : i32
        %add3A_674 = vector.broadcast %add3A_673 : i32 to vector<16xi32>
        %add3A_675 = arith.addi %shift_right_arithmetic3A_13, %add3A_674 : vector<16xi32>
        %select_n3A_676 = arith.select %lt3A_672, %add3A_675, %shift_right_arithmetic3A_13 : vector<16xi1>, vector<16xi32>
        %broadcast_in_dim3A_677 = vector.shape_cast %select_n3A_676 : vector<16xi32> to vector<16x1xi32>
        %gather3A_678 = vector.shape_cast %broadcast_in_dim3A_677 : vector<16x1xi32> to vector<16xi32>
        %gather3A_679 = tpu.dynamic_gather %exp3A_637[%gather3A_678] in [0] : vector<16xf32>, vector<16xi32> -> vector<16xf32>
        %get3A_680 = arith.constant 0 : i32
        %get3A_681 = arith.constant 0 : i32
        %get3A_682 = tpu.memref_slice %arg10[%scan3A_106, %get3A_680, %get3A_681] : memref<2x125x80xf32, #tpu.memory_space<vmem>> -> memref<1x125x80xf32, #tpu.memory_space<vmem>>
        %get3A_683 = tpu.memref_squeeze %get3A_682 : memref<1x125x80xf32, #tpu.memory_space<vmem>> -> memref<125x80xf32, #tpu.memory_space<vmem>>
        %get3A_684 = arith.index_cast %scan3A_617 : i32 to index
        %get3A_685 = arith.constant 16 : index
        %get3A_686 = tpu.vector_load %get3A_683[%get3A_684, %get3A_685] {strides = array<i32>} : memref<125x80xf32, #tpu.memory_space<vmem>>, vector<16xf32>,
        %mul3A_687 = arith.mulf %get3A_686, %gather3A_679 : vector<16xf32>
        %swap3A_688 = arith.constant 0 : i32
        %swap3A_689 = arith.constant 0 : i32
        %swap3A_690 = tpu.memref_slice %arg12[%scan3A_108, %swap3A_688, %swap3A_689] : memref<2x125x80xf32, #tpu.memory_space<vmem>> -> memref<1x125x80xf32, #tpu.memory_space<vmem>>
        %swap3A_691 = tpu.memref_squeeze %swap3A_690 : memref<1x125x80xf32, #tpu.memory_space<vmem>> -> memref<125x80xf32, #tpu.memory_space<vmem>>
        %swap3A_692 = arith.index_cast %scan3A_617 : i32 to index
        %swap3A_693 = arith.constant 16 : index
        %swap3A_694 = tpu.vector_load %swap3A_691[%swap3A_692, %swap3A_693] {strides = array<i32>} : memref<125x80xf32, #tpu.memory_space<vmem>>, vector<16xf32>,
        tpu.vector_store %swap3A_691[%swap3A_692, %swap3A_693], %mul3A_687 {strides = array<i32>} : memref<125x80xf32, #tpu.memory_space<vmem>>, vector<16xf32>,
        %lt3A_695 = arith.constant 0 : i32
        %lt3A_696 = vector.broadcast %lt3A_695 : i32 to vector<16xi32>
        %lt3A_697 = arith.cmpi slt, %shift_right_arithmetic3A_19, %lt3A_696 : vector<16xi32>
        %add3A_698 = arith.constant 16 : i32
        %add3A_699 = vector.broadcast %add3A_698 : i32 to vector<16xi32>
        %add3A_700 = arith.addi %shift_right_arithmetic3A_19, %add3A_699 : vector<16xi32>
        %select_n3A_701 = arith.select %lt3A_697, %add3A_700, %shift_right_arithmetic3A_19 : vector<16xi1>, vector<16xi32>
        %broadcast_in_dim3A_702 = vector.shape_cast %select_n3A_701 : vector<16xi32> to vector<16x1xi32>
        %gather3A_703 = vector.shape_cast %broadcast_in_dim3A_702 : vector<16x1xi32> to vector<16xi32>
        %gather3A_704 = tpu.dynamic_gather %exp3A_637[%gather3A_703] in [0] : vector<16xf32>, vector<16xi32> -> vector<16xf32>
        %get3A_705 = arith.constant 0 : i32
        %get3A_706 = arith.constant 0 : i32
        %get3A_707 = tpu.memref_slice %arg10[%scan3A_106, %get3A_705, %get3A_706] : memref<2x125x80xf32, #tpu.memory_space<vmem>> -> memref<1x125x80xf32, #tpu.memory_space<vmem>>
        %get3A_708 = tpu.memref_squeeze %get3A_707 : memref<1x125x80xf32, #tpu.memory_space<vmem>> -> memref<125x80xf32, #tpu.memory_space<vmem>>
        %get3A_709 = arith.index_cast %scan3A_617 : i32 to index
        %get3A_710 = arith.constant 32 : index
        %get3A_711 = tpu.vector_load %get3A_708[%get3A_709, %get3A_710] {strides = array<i32>} : memref<125x80xf32, #tpu.memory_space<vmem>>, vector<16xf32>,
        %mul3A_712 = arith.mulf %get3A_711, %gather3A_704 : vector<16xf32>
        %swap3A_713 = arith.constant 0 : i32
        %swap3A_714 = arith.constant 0 : i32
        %swap3A_715 = tpu.memref_slice %arg12[%scan3A_108, %swap3A_713, %swap3A_714] : memref<2x125x80xf32, #tpu.memory_space<vmem>> -> memref<1x125x80xf32, #tpu.memory_space<vmem>>
        %swap3A_716 = tpu.memref_squeeze %swap3A_715 : memref<1x125x80xf32, #tpu.memory_space<vmem>> -> memref<125x80xf32, #tpu.memory_space<vmem>>
        %swap3A_717 = arith.index_cast %scan3A_617 : i32 to index
        %swap3A_718 = arith.constant 32 : index
        %swap3A_719 = tpu.vector_load %swap3A_716[%swap3A_717, %swap3A_718] {strides = array<i32>} : memref<125x80xf32, #tpu.memory_space<vmem>>, vector<16xf32>,
        tpu.vector_store %swap3A_716[%swap3A_717, %swap3A_718], %mul3A_712 {strides = array<i32>} : memref<125x80xf32, #tpu.memory_space<vmem>>, vector<16xf32>,
        %lt3A_720 = arith.constant 0 : i32
        %lt3A_721 = vector.broadcast %lt3A_720 : i32 to vector<16xi32>
        %lt3A_722 = arith.cmpi slt, %shift_right_arithmetic3A_25, %lt3A_721 : vector<16xi32>
        %add3A_723 = arith.constant 16 : i32
        %add3A_724 = vector.broadcast %add3A_723 : i32 to vector<16xi32>
        %add3A_725 = arith.addi %shift_right_arithmetic3A_25, %add3A_724 : vector<16xi32>
        %select_n3A_726 = arith.select %lt3A_722, %add3A_725, %shift_right_arithmetic3A_25 : vector<16xi1>, vector<16xi32>
        %broadcast_in_dim3A_727 = vector.shape_cast %select_n3A_726 : vector<16xi32> to vector<16x1xi32>
        %gather3A_728 = vector.shape_cast %broadcast_in_dim3A_727 : vector<16x1xi32> to vector<16xi32>
        %gather3A_729 = tpu.dynamic_gather %exp3A_637[%gather3A_728] in [0] : vector<16xf32>, vector<16xi32> -> vector<16xf32>
        %get3A_730 = arith.constant 0 : i32
        %get3A_731 = arith.constant 0 : i32
        %get3A_732 = tpu.memref_slice %arg10[%scan3A_106, %get3A_730, %get3A_731] : memref<2x125x80xf32, #tpu.memory_space<vmem>> -> memref<1x125x80xf32, #tpu.memory_space<vmem>>
        %get3A_733 = tpu.memref_squeeze %get3A_732 : memref<1x125x80xf32, #tpu.memory_space<vmem>> -> memref<125x80xf32, #tpu.memory_space<vmem>>
        %get3A_734 = arith.index_cast %scan3A_617 : i32 to index
        %get3A_735 = arith.constant 48 : index
        %get3A_736 = tpu.vector_load %get3A_733[%get3A_734, %get3A_735] {strides = array<i32>} : memref<125x80xf32, #tpu.memory_space<vmem>>, vector<16xf32>,
        %mul3A_737 = arith.mulf %get3A_736, %gather3A_729 : vector<16xf32>
        %swap3A_738 = arith.constant 0 : i32
        %swap3A_739 = arith.constant 0 : i32
        %swap3A_740 = tpu.memref_slice %arg12[%scan3A_108, %swap3A_738, %swap3A_739] : memref<2x125x80xf32, #tpu.memory_space<vmem>> -> memref<1x125x80xf32, #tpu.memory_space<vmem>>
        %swap3A_741 = tpu.memref_squeeze %swap3A_740 : memref<1x125x80xf32, #tpu.memory_space<vmem>> -> memref<125x80xf32, #tpu.memory_space<vmem>>
        %swap3A_742 = arith.index_cast %scan3A_617 : i32 to index
        %swap3A_743 = arith.constant 48 : index
        %swap3A_744 = tpu.vector_load %swap3A_741[%swap3A_742, %swap3A_743] {strides = array<i32>} : memref<125x80xf32, #tpu.memory_space<vmem>>, vector<16xf32>,
        tpu.vector_store %swap3A_741[%swap3A_742, %swap3A_743], %mul3A_737 {strides = array<i32>} : memref<125x80xf32, #tpu.memory_space<vmem>>, vector<16xf32>,
        %scan3A_745 = arith.constant 4 : i32
        %scan3A_746 = arith.addi %scan3A_238, %scan3A_745 : i32
        %get3A_747 = arith.constant 0 : i32
        %get3A_748 = arith.constant 0 : i32
        %get3A_749 = tpu.memref_slice %arg10[%scan3A_106, %get3A_747, %get3A_748] : memref<2x125x80xf32, #tpu.memory_space<vmem>> -> memref<1x125x80xf32, #tpu.memory_space<vmem>>
        %get3A_750 = tpu.memref_squeeze %get3A_749 : memref<1x125x80xf32, #tpu.memory_space<vmem>> -> memref<125x80xf32, #tpu.memory_space<vmem>>
        %get3A_751 = arith.index_cast %scan3A_746 : i32 to index
        %get3A_752 = arith.constant 64 : index
        %get3A_753 = tpu.vector_load %get3A_750[%get3A_751, %get3A_752] {strides = array<i32>} : memref<125x80xf32, #tpu.memory_space<vmem>>, vector<16xf32>,
        %get3A_754 = arith.constant 0 : i32
        %get3A_755 = arith.constant 0 : i32
        %get3A_756 = tpu.memref_slice %arg11[%scan3A_107, %get3A_754, %get3A_755] : memref<2x125x16xf32, #tpu.memory_space<vmem>> -> memref<1x125x16xf32, #tpu.memory_space<vmem>>
        %get3A_757 = tpu.memref_squeeze %get3A_756 : memref<1x125x16xf32, #tpu.memory_space<vmem>> -> memref<125x16xf32, #tpu.memory_space<vmem>>
        %get3A_758 = arith.index_cast %scan3A_746 : i32 to index
        %get3A_759 = arith.constant 0 : index
        %get3A_760 = tpu.vector_load %get3A_757[%get3A_758, %get3A_759] {strides = array<i32>} : memref<125x16xf32, #tpu.memory_space<vmem>>, vector<16xf32>,
        %add3A_761 = arith.addf %get3A_753, %get3A_760 : vector<16xf32>
        %mul3A_762 = arith.constant 2.000000e-01 : f32
        %mul3A_763 = vector.broadcast %mul3A_762 : f32 to vector<16xf32>
        %mul3A_764 = arith.mulf %mul3A_763, %add3A_761 : vector<16xf32>
        %max3A_765 = arith.maximumf %add3A_761, %mul3A_764 : vector<16xf32>
        %exp3A_766 = math.exp %max3A_765 : vector<16xf32>
        %swap3A_767 = arith.constant 0 : i32
        %swap3A_768 = arith.constant 0 : i32
        %swap3A_769 = tpu.memref_slice %arg12[%scan3A_108, %swap3A_767, %swap3A_768] : memref<2x125x80xf32, #tpu.memory_space<vmem>> -> memref<1x125x80xf32, #tpu.memory_space<vmem>>
        %swap3A_770 = tpu.memref_squeeze %swap3A_769 : memref<1x125x80xf32, #tpu.memory_space<vmem>> -> memref<125x80xf32, #tpu.memory_space<vmem>>
        %swap3A_771 = arith.index_cast %scan3A_746 : i32 to index
        %swap3A_772 = arith.constant 64 : index
        %swap3A_773 = tpu.vector_load %swap3A_770[%swap3A_771, %swap3A_772] {strides = array<i32>} : memref<125x80xf32, #tpu.memory_space<vmem>>, vector<16xf32>,
        tpu.vector_store %swap3A_770[%swap3A_771, %swap3A_772], %exp3A_766 {strides = array<i32>} : memref<125x80xf32, #tpu.memory_space<vmem>>, vector<16xf32>,
        %lt3A_774 = arith.constant 0 : i32
        %lt3A_775 = vector.broadcast %lt3A_774 : i32 to vector<16xi32>
        %lt3A_776 = arith.cmpi slt, %shift_right_arithmetic3A_7, %lt3A_775 : vector<16xi32>
        %add3A_777 = arith.constant 16 : i32
        %add3A_778 = vector.broadcast %add3A_777 : i32 to vector<16xi32>
        %add3A_779 = arith.addi %shift_right_arithmetic3A_7, %add3A_778 : vector<16xi32>
        %select_n3A_780 = arith.select %lt3A_776, %add3A_779, %shift_right_arithmetic3A_7 : vector<16xi1>, vector<16xi32>
        %broadcast_in_dim3A_781 = vector.shape_cast %select_n3A_780 : vector<16xi32> to vector<16x1xi32>
        %gather3A_782 = vector.shape_cast %broadcast_in_dim3A_781 : vector<16x1xi32> to vector<16xi32>
        %gather3A_783 = tpu.dynamic_gather %exp3A_766[%gather3A_782] in [0] : vector<16xf32>, vector<16xi32> -> vector<16xf32>
        %get3A_784 = arith.constant 0 : i32
        %get3A_785 = arith.constant 0 : i32
        %get3A_786 = tpu.memref_slice %arg10[%scan3A_106, %get3A_784, %get3A_785] : memref<2x125x80xf32, #tpu.memory_space<vmem>> -> memref<1x125x80xf32, #tpu.memory_space<vmem>>
        %get3A_787 = tpu.memref_squeeze %get3A_786 : memref<1x125x80xf32, #tpu.memory_space<vmem>> -> memref<125x80xf32, #tpu.memory_space<vmem>>
        %get3A_788 = arith.index_cast %scan3A_746 : i32 to index
        %get3A_789 = arith.constant 0 : index
        %get3A_790 = tpu.vector_load %get3A_787[%get3A_788, %get3A_789] {strides = array<i32>} : memref<125x80xf32, #tpu.memory_space<vmem>>, vector<16xf32>,
        %mul3A_791 = arith.mulf %get3A_790, %gather3A_783 : vector<16xf32>
        %swap3A_792 = arith.constant 0 : i32
        %swap3A_793 = arith.constant 0 : i32
        %swap3A_794 = tpu.memref_slice %arg12[%scan3A_108, %swap3A_792, %swap3A_793] : memref<2x125x80xf32, #tpu.memory_space<vmem>> -> memref<1x125x80xf32, #tpu.memory_space<vmem>>
        %swap3A_795 = tpu.memref_squeeze %swap3A_794 : memref<1x125x80xf32, #tpu.memory_space<vmem>> -> memref<125x80xf32, #tpu.memory_space<vmem>>
        %swap3A_796 = arith.index_cast %scan3A_746 : i32 to index
        %swap3A_797 = arith.constant 0 : index
        %swap3A_798 = tpu.vector_load %swap3A_795[%swap3A_796, %swap3A_797] {strides = array<i32>} : memref<125x80xf32, #tpu.memory_space<vmem>>, vector<16xf32>,
        tpu.vector_store %swap3A_795[%swap3A_796, %swap3A_797], %mul3A_791 {strides = array<i32>} : memref<125x80xf32, #tpu.memory_space<vmem>>, vector<16xf32>,
        %lt3A_799 = arith.constant 0 : i32
        %lt3A_800 = vector.broadcast %lt3A_799 : i32 to vector<16xi32>
        %lt3A_801 = arith.cmpi slt, %shift_right_arithmetic3A_13, %lt3A_800 : vector<16xi32>
        %add3A_802 = arith.constant 16 : i32
        %add3A_803 = vector.broadcast %add3A_802 : i32 to vector<16xi32>
        %add3A_804 = arith.addi %shift_right_arithmetic3A_13, %add3A_803 : vector<16xi32>
        %select_n3A_805 = arith.select %lt3A_801, %add3A_804, %shift_right_arithmetic3A_13 : vector<16xi1>, vector<16xi32>
        %broadcast_in_dim3A_806 = vector.shape_cast %select_n3A_805 : vector<16xi32> to vector<16x1xi32>
        %gather3A_807 = vector.shape_cast %broadcast_in_dim3A_806 : vector<16x1xi32> to vector<16xi32>
        %gather3A_808 = tpu.dynamic_gather %exp3A_766[%gather3A_807] in [0] : vector<16xf32>, vector<16xi32> -> vector<16xf32>
        %get3A_809 = arith.constant 0 : i32
        %get3A_810 = arith.constant 0 : i32
        %get3A_811 = tpu.memref_slice %arg10[%scan3A_106, %get3A_809, %get3A_810] : memref<2x125x80xf32, #tpu.memory_space<vmem>> -> memref<1x125x80xf32, #tpu.memory_space<vmem>>
        %get3A_812 = tpu.memref_squeeze %get3A_811 : memref<1x125x80xf32, #tpu.memory_space<vmem>> -> memref<125x80xf32, #tpu.memory_space<vmem>>
        %get3A_813 = arith.index_cast %scan3A_746 : i32 to index
        %get3A_814 = arith.constant 16 : index
        %get3A_815 = tpu.vector_load %get3A_812[%get3A_813, %get3A_814] {strides = array<i32>} : memref<125x80xf32, #tpu.memory_space<vmem>>, vector<16xf32>,
        %mul3A_816 = arith.mulf %get3A_815, %gather3A_808 : vector<16xf32>
        %swap3A_817 = arith.constant 0 : i32
        %swap3A_818 = arith.constant 0 : i32
        %swap3A_819 = tpu.memref_slice %arg12[%scan3A_108, %swap3A_817, %swap3A_818] : memref<2x125x80xf32, #tpu.memory_space<vmem>> -> memref<1x125x80xf32, #tpu.memory_space<vmem>>
        %swap3A_820 = tpu.memref_squeeze %swap3A_819 : memref<1x125x80xf32, #tpu.memory_space<vmem>> -> memref<125x80xf32, #tpu.memory_space<vmem>>
        %swap3A_821 = arith.index_cast %scan3A_746 : i32 to index
        %swap3A_822 = arith.constant 16 : index
        %swap3A_823 = tpu.vector_load %swap3A_820[%swap3A_821, %swap3A_822] {strides = array<i32>} : memref<125x80xf32, #tpu.memory_space<vmem>>, vector<16xf32>,
        tpu.vector_store %swap3A_820[%swap3A_821, %swap3A_822], %mul3A_816 {strides = array<i32>} : memref<125x80xf32, #tpu.memory_space<vmem>>, vector<16xf32>,
        %lt3A_824 = arith.constant 0 : i32
        %lt3A_825 = vector.broadcast %lt3A_824 : i32 to vector<16xi32>
        %lt3A_826 = arith.cmpi slt, %shift_right_arithmetic3A_19, %lt3A_825 : vector<16xi32>
        %add3A_827 = arith.constant 16 : i32
        %add3A_828 = vector.broadcast %add3A_827 : i32 to vector<16xi32>
        %add3A_829 = arith.addi %shift_right_arithmetic3A_19, %add3A_828 : vector<16xi32>
        %select_n3A_830 = arith.select %lt3A_826, %add3A_829, %shift_right_arithmetic3A_19 : vector<16xi1>, vector<16xi32>
        %broadcast_in_dim3A_831 = vector.shape_cast %select_n3A_830 : vector<16xi32> to vector<16x1xi32>
        %gather3A_832 = vector.shape_cast %broadcast_in_dim3A_831 : vector<16x1xi32> to vector<16xi32>
        %gather3A_833 = tpu.dynamic_gather %exp3A_766[%gather3A_832] in [0] : vector<16xf32>, vector<16xi32> -> vector<16xf32>
        %get3A_834 = arith.constant 0 : i32
        %get3A_835 = arith.constant 0 : i32
        %get3A_836 = tpu.memref_slice %arg10[%scan3A_106, %get3A_834, %get3A_835] : memref<2x125x80xf32, #tpu.memory_space<vmem>> -> memref<1x125x80xf32, #tpu.memory_space<vmem>>
        %get3A_837 = tpu.memref_squeeze %get3A_836 : memref<1x125x80xf32, #tpu.memory_space<vmem>> -> memref<125x80xf32, #tpu.memory_space<vmem>>
        %get3A_838 = arith.index_cast %scan3A_746 : i32 to index
        %get3A_839 = arith.constant 32 : index
        %get3A_840 = tpu.vector_load %get3A_837[%get3A_838, %get3A_839] {strides = array<i32>} : memref<125x80xf32, #tpu.memory_space<vmem>>, vector<16xf32>,
        %mul3A_841 = arith.mulf %get3A_840, %gather3A_833 : vector<16xf32>
        %swap3A_842 = arith.constant 0 : i32
        %swap3A_843 = arith.constant 0 : i32
        %swap3A_844 = tpu.memref_slice %arg12[%scan3A_108, %swap3A_842, %swap3A_843] : memref<2x125x80xf32, #tpu.memory_space<vmem>> -> memref<1x125x80xf32, #tpu.memory_space<vmem>>
        %swap3A_845 = tpu.memref_squeeze %swap3A_844 : memref<1x125x80xf32, #tpu.memory_space<vmem>> -> memref<125x80xf32, #tpu.memory_space<vmem>>
        %swap3A_846 = arith.index_cast %scan3A_746 : i32 to index
        %swap3A_847 = arith.constant 32 : index
        %swap3A_848 = tpu.vector_load %swap3A_845[%swap3A_846, %swap3A_847] {strides = array<i32>} : memref<125x80xf32, #tpu.memory_space<vmem>>, vector<16xf32>,
        tpu.vector_store %swap3A_845[%swap3A_846, %swap3A_847], %mul3A_841 {strides = array<i32>} : memref<125x80xf32, #tpu.memory_space<vmem>>, vector<16xf32>,
        %lt3A_849 = arith.constant 0 : i32
        %lt3A_850 = vector.broadcast %lt3A_849 : i32 to vector<16xi32>
        %lt3A_851 = arith.cmpi slt, %shift_right_arithmetic3A_25, %lt3A_850 : vector<16xi32>
        %add3A_852 = arith.constant 16 : i32
        %add3A_853 = vector.broadcast %add3A_852 : i32 to vector<16xi32>
        %add3A_854 = arith.addi %shift_right_arithmetic3A_25, %add3A_853 : vector<16xi32>
        %select_n3A_855 = arith.select %lt3A_851, %add3A_854, %shift_right_arithmetic3A_25 : vector<16xi1>, vector<16xi32>
        %broadcast_in_dim3A_856 = vector.shape_cast %select_n3A_855 : vector<16xi32> to vector<16x1xi32>
        %gather3A_857 = vector.shape_cast %broadcast_in_dim3A_856 : vector<16x1xi32> to vector<16xi32>
        %gather3A_858 = tpu.dynamic_gather %exp3A_766[%gather3A_857] in [0] : vector<16xf32>, vector<16xi32> -> vector<16xf32>
        %get3A_859 = arith.constant 0 : i32
        %get3A_860 = arith.constant 0 : i32
        %get3A_861 = tpu.memref_slice %arg10[%scan3A_106, %get3A_859, %get3A_860] : memref<2x125x80xf32, #tpu.memory_space<vmem>> -> memref<1x125x80xf32, #tpu.memory_space<vmem>>
        %get3A_862 = tpu.memref_squeeze %get3A_861 : memref<1x125x80xf32, #tpu.memory_space<vmem>> -> memref<125x80xf32, #tpu.memory_space<vmem>>
        %get3A_863 = arith.index_cast %scan3A_746 : i32 to index
        %get3A_864 = arith.constant 48 : index
        %get3A_865 = tpu.vector_load %get3A_862[%get3A_863, %get3A_864] {strides = array<i32>} : memref<125x80xf32, #tpu.memory_space<vmem>>, vector<16xf32>,
        %mul3A_866 = arith.mulf %get3A_865, %gather3A_858 : vector<16xf32>
        %swap3A_867 = arith.constant 0 : i32
        %swap3A_868 = arith.constant 0 : i32
        %swap3A_869 = tpu.memref_slice %arg12[%scan3A_108, %swap3A_867, %swap3A_868] : memref<2x125x80xf32, #tpu.memory_space<vmem>> -> memref<1x125x80xf32, #tpu.memory_space<vmem>>
        %swap3A_870 = tpu.memref_squeeze %swap3A_869 : memref<1x125x80xf32, #tpu.memory_space<vmem>> -> memref<125x80xf32, #tpu.memory_space<vmem>>
        %swap3A_871 = arith.index_cast %scan3A_746 : i32 to index
        %swap3A_872 = arith.constant 48 : index
        %swap3A_873 = tpu.vector_load %swap3A_870[%swap3A_871, %swap3A_872] {strides = array<i32>} : memref<125x80xf32, #tpu.memory_space<vmem>>, vector<16xf32>,
        tpu.vector_store %swap3A_870[%swap3A_871, %swap3A_872], %mul3A_866 {strides = array<i32>} : memref<125x80xf32, #tpu.memory_space<vmem>>, vector<16xf32>,
      }
      %scan3A_113 = arith.constant 125 : i32
      %dma_start3A_114 = arith.constant 0 : i32
      %dma_start3A_115 = arith.constant 0 : i32
      %dma_start3A_116 = arith.constant 0 : i32
      %dma_start3A_117 = tpu.memref_slice %arg12[%dma_start3A_114, %dma_start3A_115, %dma_start3A_116] : memref<2x125x80xf32, #tpu.memory_space<vmem>> -> memref<1x125x80xf32, #tpu.memory_space<vmem>>
      %dma_start3A_118 = tpu.memref_squeeze %dma_start3A_117 : memref<1x125x80xf32, #tpu.memory_space<vmem>> -> memref<125x80xf32, #tpu.memory_space<vmem>>
      %dma_start3A_119 = arith.constant 0 : i32
      %dma_start3A_120 = tpu.memref_slice %arg9[%mul3A_80, %dma_start3A_119] : memref<80x125xi32, #tpu.memory_space<vmem>> -> memref<1x125xi32, #tpu.memory_space<vmem>>
      %dma_start3A_121 = tpu.memref_squeeze %dma_start3A_120 : memref<1x125xi32, #tpu.memory_space<vmem>> -> memref<125xi32, #tpu.memory_space<vmem>>
      %dma_start3A_122 = arith.constant 0 : i32
      %dma_start3A_123 = arith.constant 0 : i32
      %dma_start3A_124 = tpu.memref_slice %arg13[%dma_start3A_122, %dma_start3A_123] : memref<10240x80xf32, #tpu.memory_space<vmem_shared>> -> memref<10240x80xf32, #tpu.memory_space<vmem_shared>>
      tpu.enqueue_indirect_dma source(%dma_start3A_118 : memref<125x80xf32, #tpu.memory_space<vmem>>) target(%dma_start3A_124 : memref<10240x80xf32, #tpu.memory_space<vmem_shared>>) offsets(%dma_start3A_121 : memref<125xi32, #tpu.memory_space<vmem>>) semaphore(%arg16 : memref<!tpu.dma_semaphore, #tpu.memory_space<semaphore_mem>>) {add = true}
      %dma_wait3A_125 = arith.constant 1 : i32
      %dma_wait3A_126 = arith.constant 0 : i32
      %dma_wait3A_127 = arith.constant 0 : i32
      %dma_wait3A_128 = tpu.memref_slice %arg10[%dma_wait3A_125, %dma_wait3A_126, %dma_wait3A_127] : memref<2x125x80xf32, #tpu.memory_space<vmem>> -> memref<1x125x80xf32, #tpu.memory_space<vmem>>
      %dma_wait3A_129 = tpu.memref_squeeze %dma_wait3A_128 : memref<1x125x80xf32, #tpu.memory_space<vmem>> -> memref<125x80xf32, #tpu.memory_space<vmem>>
      %dma_wait3A_130 = arith.constant 0 : i32
      %dma_wait3A_131 = tpu.memref_slice %arg8[%add3A_82, %dma_wait3A_130] : memref<80x125xi32, #tpu.memory_space<vmem>> -> memref<1x125xi32, #tpu.memory_space<vmem>>
      %dma_wait3A_132 = tpu.memref_squeeze %dma_wait3A_131 : memref<1x125xi32, #tpu.memory_space<vmem>> -> memref<125xi32, #tpu.memory_space<vmem>>
      %dma_wait3A_133 = arith.constant 0 : i32
      %dma_wait3A_134 = arith.constant 0 : i32
      %dma_wait3A_135 = tpu.memref_slice %arg2[%dma_wait3A_133, %dma_wait3A_134] : memref<10000x80xf32, #tpu.memory_space<hbm>> -> memref<10000x80xf32, #tpu.memory_space<hbm>>
      tpu.wait_indirect_dma semaphore(%arg15 : memref<!tpu.dma_semaphore, #tpu.memory_space<semaphore_mem>>) src(%dma_wait3A_135 : memref<10000x80xf32, #tpu.memory_space<hbm>>) dst(%dma_wait3A_129 : memref<125x80xf32, #tpu.memory_space<vmem>>)
      %dma_wait3A_136 = arith.constant 1 : i32
      %dma_wait3A_137 = arith.constant 0 : i32
      %dma_wait3A_138 = arith.constant 0 : i32
      %dma_wait3A_139 = tpu.memref_slice %arg11[%dma_wait3A_136, %dma_wait3A_137, %dma_wait3A_138] : memref<2x125x16xf32, #tpu.memory_space<vmem>> -> memref<1x125x16xf32, #tpu.memory_space<vmem>>
      %dma_wait3A_140 = tpu.memref_squeeze %dma_wait3A_139 : memref<1x125x16xf32, #tpu.memory_space<vmem>> -> memref<125x16xf32, #tpu.memory_space<vmem>>
      %dma_wait3A_141 = arith.constant 0 : i32
      %dma_wait3A_142 = tpu.memref_slice %arg9[%add3A_82, %dma_wait3A_141] : memref<80x125xi32, #tpu.memory_space<vmem>> -> memref<1x125xi32, #tpu.memory_space<vmem>>
      %dma_wait3A_143 = tpu.memref_squeeze %dma_wait3A_142 : memref<1x125xi32, #tpu.memory_space<vmem>> -> memref<125xi32, #tpu.memory_space<vmem>>
      %dma_wait3A_144 = arith.constant 0 : i32
      %dma_wait3A_145 = arith.constant 0 : i32
      %dma_wait3A_146 = tpu.memref_slice %arg3[%dma_wait3A_144, %dma_wait3A_145] : memref<10000x16xf32, #tpu.memory_space<hbm>> -> memref<10000x16xf32, #tpu.memory_space<hbm>>
      tpu.wait_indirect_dma semaphore(%arg15 : memref<!tpu.dma_semaphore, #tpu.memory_space<semaphore_mem>>) src(%dma_wait3A_146 : memref<10000x16xf32, #tpu.memory_space<hbm>>) dst(%dma_wait3A_140 : memref<125x16xf32, #tpu.memory_space<vmem>>)
      %add3A_147 = arith.constant 2 : i32
      %add3A_148 = arith.addi %mul3A_80, %add3A_147 : i32
      %min3A = arith.constant 79 : i32
      %min3A_149 = arith.minsi %add3A_148, %min3A : i32
      %dma_start3A_150 = arith.constant 0 : i32
      %dma_start3A_151 = arith.constant 0 : i32
      %dma_start3A_152 = arith.constant 0 : i32
      %dma_start3A_153 = tpu.memref_slice %arg10[%dma_start3A_150, %dma_start3A_151, %dma_start3A_152] : memref<2x125x80xf32, #tpu.memory_space<vmem>> -> memref<1x125x80xf32, #tpu.memory_space<vmem>>
      %dma_start3A_154 = tpu.memref_squeeze %dma_start3A_153 : memref<1x125x80xf32, #tpu.memory_space<vmem>> -> memref<125x80xf32, #tpu.memory_space<vmem>>
      %dma_start3A_155 = arith.constant 0 : i32
      %dma_start3A_156 = tpu.memref_slice %arg8[%min3A_149, %dma_start3A_155] : memref<80x125xi32, #tpu.memory_space<vmem>> -> memref<1x125xi32, #tpu.memory_space<vmem>>
      %dma_start3A_157 = tpu.memref_squeeze %dma_start3A_156 : memref<1x125xi32, #tpu.memory_space<vmem>> -> memref<125xi32, #tpu.memory_space<vmem>>
      %dma_start3A_158 = arith.constant 0 : i32
      %dma_start3A_159 = arith.constant 0 : i32
      %dma_start3A_160 = tpu.memref_slice %arg2[%dma_start3A_158, %dma_start3A_159] : memref<10000x80xf32, #tpu.memory_space<hbm>> -> memref<10000x80xf32, #tpu.memory_space<hbm>>
      tpu.enqueue_indirect_dma source(%dma_start3A_160 : memref<10000x80xf32, #tpu.memory_space<hbm>>) target(%dma_start3A_154 : memref<125x80xf32, #tpu.memory_space<vmem>>) offsets(%dma_start3A_157 : memref<125xi32, #tpu.memory_space<vmem>>) semaphore(%arg14 : memref<!tpu.dma_semaphore, #tpu.memory_space<semaphore_mem>>)
      %dma_start3A_161 = arith.constant 0 : i32
      %dma_start3A_162 = arith.constant 0 : i32
      %dma_start3A_163 = arith.constant 0 : i32
      %dma_start3A_164 = tpu.memref_slice %arg11[%dma_start3A_161, %dma_start3A_162, %dma_start3A_163] : memref<2x125x16xf32, #tpu.memory_space<vmem>> -> memref<1x125x16xf32, #tpu.memory_space<vmem>>
      %dma_start3A_165 = tpu.memref_squeeze %dma_start3A_164 : memref<1x125x16xf32, #tpu.memory_space<vmem>> -> memref<125x16xf32, #tpu.memory_space<vmem>>
      %dma_start3A_166 = arith.constant 0 : i32
      %dma_start3A_167 = tpu.memref_slice %arg9[%min3A_149, %dma_start3A_166] : memref<80x125xi32, #tpu.memory_space<vmem>> -> memref<1x125xi32, #tpu.memory_space<vmem>>
      %dma_start3A_168 = tpu.memref_squeeze %dma_start3A_167 : memref<1x125xi32, #tpu.memory_space<vmem>> -> memref<125xi32, #tpu.memory_space<vmem>>
      %dma_start3A_169 = arith.constant 0 : i32
      %dma_start3A_170 = arith.constant 0 : i32
      %dma_start3A_171 = tpu.memref_slice %arg3[%dma_start3A_169, %dma_start3A_170] : memref<10000x16xf32, #tpu.memory_space<hbm>> -> memref<10000x16xf32, #tpu.memory_space<hbm>>
      tpu.enqueue_indirect_dma source(%dma_start3A_171 : memref<10000x16xf32, #tpu.memory_space<hbm>>) target(%dma_start3A_165 : memref<125x16xf32, #tpu.memory_space<vmem>>) offsets(%dma_start3A_168 : memref<125xi32, #tpu.memory_space<vmem>>) semaphore(%arg14 : memref<!tpu.dma_semaphore, #tpu.memory_space<semaphore_mem>>)
      %add3A_172 = arith.constant 1 : i32
      %add3A_173 = arith.addi %mul3A_80, %add3A_172 : i32
      %scan3A_174 = arith.constant 0 : i32
      %scan3A_175 = arith.constant 1 : i32
      %scan3A_176 = arith.constant 1 : i32
      %scan3A_177 = arith.constant 1 : i32
      %scan3A_178 = arith.constant 0 : i32
      %scan3A_179 = arith.constant 125 : i32
      %scan3A_180 = arith.addi %scan3A_178, %scan3A_179 : i32
      %scan3A_181 = arith.constant 5 : i32
      scf.for %scan3A_238 = %scan3A_178 to %scan3A_180 step %scan3A_181  : i32 {
        %get3A = arith.constant 0 : i32
        %get3A_239 = arith.constant 0 : i32
        %get3A_240 = tpu.memref_slice %arg10[%scan3A_175, %get3A, %get3A_239] : memref<2x125x80xf32, #tpu.memory_space<vmem>> -> memref<1x125x80xf32, #tpu.memory_space<vmem>>
        %get3A_241 = tpu.memref_squeeze %get3A_240 : memref<1x125x80xf32, #tpu.memory_space<vmem>> -> memref<125x80xf32, #tpu.memory_space<vmem>>
        %get3A_242 = arith.index_cast %scan3A_238 : i32 to index
        %get3A_243 = arith.constant 64 : index
        %get3A_244 = tpu.vector_load %get3A_241[%get3A_242, %get3A_243] {strides = array<i32>} : memref<125x80xf32, #tpu.memory_space<vmem>>, vector<16xf32>,
        %get3A_245 = arith.constant 0 : i32
        %get3A_246 = arith.constant 0 : i32
        %get3A_247 = tpu.memref_slice %arg11[%scan3A_176, %get3A_245, %get3A_246] : memref<2x125x16xf32, #tpu.memory_space<vmem>> -> memref<1x125x16xf32, #tpu.memory_space<vmem>>
        %get3A_248 = tpu.memref_squeeze %get3A_247 : memref<1x125x16xf32, #tpu.memory_space<vmem>> -> memref<125x16xf32, #tpu.memory_space<vmem>>
        %get3A_249 = arith.index_cast %scan3A_238 : i32 to index
        %get3A_250 = arith.constant 0 : index
        %get3A_251 = tpu.vector_load %get3A_248[%get3A_249, %get3A_250] {strides = array<i32>} : memref<125x16xf32, #tpu.memory_space<vmem>>, vector<16xf32>,
        %add3A_252 = arith.addf %get3A_244, %get3A_251 : vector<16xf32>
        %mul3A_253 = arith.constant 2.000000e-01 : f32
        %mul3A_254 = vector.broadcast %mul3A_253 : f32 to vector<16xf32>
        %mul3A_255 = arith.mulf %mul3A_254, %add3A_252 : vector<16xf32>
        %max3A = arith.maximumf %add3A_252, %mul3A_255 : vector<16xf32>
        %exp3A = math.exp %max3A : vector<16xf32>
        %swap3A = arith.constant 0 : i32
        %swap3A_256 = arith.constant 0 : i32
        %swap3A_257 = tpu.memref_slice %arg12[%scan3A_177, %swap3A, %swap3A_256] : memref<2x125x80xf32, #tpu.memory_space<vmem>> -> memref<1x125x80xf32, #tpu.memory_space<vmem>>
        %swap3A_258 = tpu.memref_squeeze %swap3A_257 : memref<1x125x80xf32, #tpu.memory_space<vmem>> -> memref<125x80xf32, #tpu.memory_space<vmem>>
        %swap3A_259 = arith.index_cast %scan3A_238 : i32 to index
        %swap3A_260 = arith.constant 64 : index
        %swap3A_261 = tpu.vector_load %swap3A_258[%swap3A_259, %swap3A_260] {strides = array<i32>} : memref<125x80xf32, #tpu.memory_space<vmem>>, vector<16xf32>,
        tpu.vector_store %swap3A_258[%swap3A_259, %swap3A_260], %exp3A {strides = array<i32>} : memref<125x80xf32, #tpu.memory_space<vmem>>, vector<16xf32>,
        %lt3A = arith.constant 0 : i32
        %lt3A_262 = vector.broadcast %lt3A : i32 to vector<16xi32>
        %lt3A_263 = arith.cmpi slt, %shift_right_arithmetic3A_7, %lt3A_262 : vector<16xi32>
        %add3A_264 = arith.constant 16 : i32
        %add3A_265 = vector.broadcast %add3A_264 : i32 to vector<16xi32>
        %add3A_266 = arith.addi %shift_right_arithmetic3A_7, %add3A_265 : vector<16xi32>
        %select_n3A = arith.select %lt3A_263, %add3A_266, %shift_right_arithmetic3A_7 : vector<16xi1>, vector<16xi32>
        %broadcast_in_dim3A = vector.shape_cast %select_n3A : vector<16xi32> to vector<16x1xi32>
        %gather3A = vector.shape_cast %broadcast_in_dim3A : vector<16x1xi32> to vector<16xi32>
        %gather3A_267 = tpu.dynamic_gather %exp3A[%gather3A] in [0] : vector<16xf32>, vector<16xi32> -> vector<16xf32>
        %get3A_268 = arith.constant 0 : i32
        %get3A_269 = arith.constant 0 : i32
        %get3A_270 = tpu.memref_slice %arg10[%scan3A_175, %get3A_268, %get3A_269] : memref<2x125x80xf32, #tpu.memory_space<vmem>> -> memref<1x125x80xf32, #tpu.memory_space<vmem>>
        %get3A_271 = tpu.memref_squeeze %get3A_270 : memref<1x125x80xf32, #tpu.memory_space<vmem>> -> memref<125x80xf32, #tpu.memory_space<vmem>>
        %get3A_272 = arith.index_cast %scan3A_238 : i32 to index
        %get3A_273 = arith.constant 0 : index
        %get3A_274 = tpu.vector_load %get3A_271[%get3A_272, %get3A_273] {strides = array<i32>} : memref<125x80xf32, #tpu.memory_space<vmem>>, vector<16xf32>,
        %mul3A_275 = arith.mulf %get3A_274, %gather3A_267 : vector<16xf32>
        %swap3A_276 = arith.constant 0 : i32
        %swap3A_277 = arith.constant 0 : i32
        %swap3A_278 = tpu.memref_slice %arg12[%scan3A_177, %swap3A_276, %swap3A_277] : memref<2x125x80xf32, #tpu.memory_space<vmem>> -> memref<1x125x80xf32, #tpu.memory_space<vmem>>
        %swap3A_279 = tpu.memref_squeeze %swap3A_278 : memref<1x125x80xf32, #tpu.memory_space<vmem>> -> memref<125x80xf32, #tpu.memory_space<vmem>>
        %swap3A_280 = arith.index_cast %scan3A_238 : i32 to index
        %swap3A_281 = arith.constant 0 : index
        %swap3A_282 = tpu.vector_load %swap3A_279[%swap3A_280, %swap3A_281] {strides = array<i32>} : memref<125x80xf32, #tpu.memory_space<vmem>>, vector<16xf32>,
        tpu.vector_store %swap3A_279[%swap3A_280, %swap3A_281], %mul3A_275 {strides = array<i32>} : memref<125x80xf32, #tpu.memory_space<vmem>>, vector<16xf32>,
        %lt3A_283 = arith.constant 0 : i32
        %lt3A_284 = vector.broadcast %lt3A_283 : i32 to vector<16xi32>
        %lt3A_285 = arith.cmpi slt, %shift_right_arithmetic3A_13, %lt3A_284 : vector<16xi32>
        %add3A_286 = arith.constant 16 : i32
        %add3A_287 = vector.broadcast %add3A_286 : i32 to vector<16xi32>
        %add3A_288 = arith.addi %shift_right_arithmetic3A_13, %add3A_287 : vector<16xi32>
        %select_n3A_289 = arith.select %lt3A_285, %add3A_288, %shift_right_arithmetic3A_13 : vector<16xi1>, vector<16xi32>
        %broadcast_in_dim3A_290 = vector.shape_cast %select_n3A_289 : vector<16xi32> to vector<16x1xi32>
        %gather3A_291 = vector.shape_cast %broadcast_in_dim3A_290 : vector<16x1xi32> to vector<16xi32>
        %gather3A_292 = tpu.dynamic_gather %exp3A[%gather3A_291] in [0] : vector<16xf32>, vector<16xi32> -> vector<16xf32>
        %get3A_293 = arith.constant 0 : i32
        %get3A_294 = arith.constant 0 : i32
        %get3A_295 = tpu.memref_slice %arg10[%scan3A_175, %get3A_293, %get3A_294] : memref<2x125x80xf32, #tpu.memory_space<vmem>> -> memref<1x125x80xf32, #tpu.memory_space<vmem>>
        %get3A_296 = tpu.memref_squeeze %get3A_295 : memref<1x125x80xf32, #tpu.memory_space<vmem>> -> memref<125x80xf32, #tpu.memory_space<vmem>>
        %get3A_297 = arith.index_cast %scan3A_238 : i32 to index
        %get3A_298 = arith.constant 16 : index
        %get3A_299 = tpu.vector_load %get3A_296[%get3A_297, %get3A_298] {strides = array<i32>} : memref<125x80xf32, #tpu.memory_space<vmem>>, vector<16xf32>,
        %mul3A_300 = arith.mulf %get3A_299, %gather3A_292 : vector<16xf32>
        %swap3A_301 = arith.constant 0 : i32
        %swap3A_302 = arith.constant 0 : i32
        %swap3A_303 = tpu.memref_slice %arg12[%scan3A_177, %swap3A_301, %swap3A_302] : memref<2x125x80xf32, #tpu.memory_space<vmem>> -> memref<1x125x80xf32, #tpu.memory_space<vmem>>
        %swap3A_304 = tpu.memref_squeeze %swap3A_303 : memref<1x125x80xf32, #tpu.memory_space<vmem>> -> memref<125x80xf32, #tpu.memory_space<vmem>>
        %swap3A_305 = arith.index_cast %scan3A_238 : i32 to index
        %swap3A_306 = arith.constant 16 : index
        %swap3A_307 = tpu.vector_load %swap3A_304[%swap3A_305, %swap3A_306] {strides = array<i32>} : memref<125x80xf32, #tpu.memory_space<vmem>>, vector<16xf32>,
        tpu.vector_store %swap3A_304[%swap3A_305, %swap3A_306], %mul3A_300 {strides = array<i32>} : memref<125x80xf32, #tpu.memory_space<vmem>>, vector<16xf32>,
        %lt3A_308 = arith.constant 0 : i32
        %lt3A_309 = vector.broadcast %lt3A_308 : i32 to vector<16xi32>
        %lt3A_310 = arith.cmpi slt, %shift_right_arithmetic3A_19, %lt3A_309 : vector<16xi32>
        %add3A_311 = arith.constant 16 : i32
        %add3A_312 = vector.broadcast %add3A_311 : i32 to vector<16xi32>
        %add3A_313 = arith.addi %shift_right_arithmetic3A_19, %add3A_312 : vector<16xi32>
        %select_n3A_314 = arith.select %lt3A_310, %add3A_313, %shift_right_arithmetic3A_19 : vector<16xi1>, vector<16xi32>
        %broadcast_in_dim3A_315 = vector.shape_cast %select_n3A_314 : vector<16xi32> to vector<16x1xi32>
        %gather3A_316 = vector.shape_cast %broadcast_in_dim3A_315 : vector<16x1xi32> to vector<16xi32>
        %gather3A_317 = tpu.dynamic_gather %exp3A[%gather3A_316] in [0] : vector<16xf32>, vector<16xi32> -> vector<16xf32>
        %get3A_318 = arith.constant 0 : i32
        %get3A_319 = arith.constant 0 : i32
        %get3A_320 = tpu.memref_slice %arg10[%scan3A_175, %get3A_318, %get3A_319] : memref<2x125x80xf32, #tpu.memory_space<vmem>> -> memref<1x125x80xf32, #tpu.memory_space<vmem>>
        %get3A_321 = tpu.memref_squeeze %get3A_320 : memref<1x125x80xf32, #tpu.memory_space<vmem>> -> memref<125x80xf32, #tpu.memory_space<vmem>>
        %get3A_322 = arith.index_cast %scan3A_238 : i32 to index
        %get3A_323 = arith.constant 32 : index
        %get3A_324 = tpu.vector_load %get3A_321[%get3A_322, %get3A_323] {strides = array<i32>} : memref<125x80xf32, #tpu.memory_space<vmem>>, vector<16xf32>,
        %mul3A_325 = arith.mulf %get3A_324, %gather3A_317 : vector<16xf32>
        %swap3A_326 = arith.constant 0 : i32
        %swap3A_327 = arith.constant 0 : i32
        %swap3A_328 = tpu.memref_slice %arg12[%scan3A_177, %swap3A_326, %swap3A_327] : memref<2x125x80xf32, #tpu.memory_space<vmem>> -> memref<1x125x80xf32, #tpu.memory_space<vmem>>
        %swap3A_329 = tpu.memref_squeeze %swap3A_328 : memref<1x125x80xf32, #tpu.memory_space<vmem>> -> memref<125x80xf32, #tpu.memory_space<vmem>>
        %swap3A_330 = arith.index_cast %scan3A_238 : i32 to index
        %swap3A_331 = arith.constant 32 : index
        %swap3A_332 = tpu.vector_load %swap3A_329[%swap3A_330, %swap3A_331] {strides = array<i32>} : memref<125x80xf32, #tpu.memory_space<vmem>>, vector<16xf32>,
        tpu.vector_store %swap3A_329[%swap3A_330, %swap3A_331], %mul3A_325 {strides = array<i32>} : memref<125x80xf32, #tpu.memory_space<vmem>>, vector<16xf32>,
        %lt3A_333 = arith.constant 0 : i32
        %lt3A_334 = vector.broadcast %lt3A_333 : i32 to vector<16xi32>
        %lt3A_335 = arith.cmpi slt, %shift_right_arithmetic3A_25, %lt3A_334 : vector<16xi32>
        %add3A_336 = arith.constant 16 : i32
        %add3A_337 = vector.broadcast %add3A_336 : i32 to vector<16xi32>
        %add3A_338 = arith.addi %shift_right_arithmetic3A_25, %add3A_337 : vector<16xi32>
        %select_n3A_339 = arith.select %lt3A_335, %add3A_338, %shift_right_arithmetic3A_25 : vector<16xi1>, vector<16xi32>
        %broadcast_in_dim3A_340 = vector.shape_cast %select_n3A_339 : vector<16xi32> to vector<16x1xi32>
        %gather3A_341 = vector.shape_cast %broadcast_in_dim3A_340 : vector<16x1xi32> to vector<16xi32>
        %gather3A_342 = tpu.dynamic_gather %exp3A[%gather3A_341] in [0] : vector<16xf32>, vector<16xi32> -> vector<16xf32>
        %get3A_343 = arith.constant 0 : i32
        %get3A_344 = arith.constant 0 : i32
        %get3A_345 = tpu.memref_slice %arg10[%scan3A_175, %get3A_343, %get3A_344] : memref<2x125x80xf32, #tpu.memory_space<vmem>> -> memref<1x125x80xf32, #tpu.memory_space<vmem>>
        %get3A_346 = tpu.memref_squeeze %get3A_345 : memref<1x125x80xf32, #tpu.memory_space<vmem>> -> memref<125x80xf32, #tpu.memory_space<vmem>>
        %get3A_347 = arith.index_cast %scan3A_238 : i32 to index
        %get3A_348 = arith.constant 48 : index
        %get3A_349 = tpu.vector_load %get3A_346[%get3A_347, %get3A_348] {strides = array<i32>} : memref<125x80xf32, #tpu.memory_space<vmem>>, vector<16xf32>,
        %mul3A_350 = arith.mulf %get3A_349, %gather3A_342 : vector<16xf32>
        %swap3A_351 = arith.constant 0 : i32
        %swap3A_352 = arith.constant 0 : i32
        %swap3A_353 = tpu.memref_slice %arg12[%scan3A_177, %swap3A_351, %swap3A_352] : memref<2x125x80xf32, #tpu.memory_space<vmem>> -> memref<1x125x80xf32, #tpu.memory_space<vmem>>
        %swap3A_354 = tpu.memref_squeeze %swap3A_353 : memref<1x125x80xf32, #tpu.memory_space<vmem>> -> memref<125x80xf32, #tpu.memory_space<vmem>>
        %swap3A_355 = arith.index_cast %scan3A_238 : i32 to index
        %swap3A_356 = arith.constant 48 : index
        %swap3A_357 = tpu.vector_load %swap3A_354[%swap3A_355, %swap3A_356] {strides = array<i32>} : memref<125x80xf32, #tpu.memory_space<vmem>>, vector<16xf32>,
        tpu.vector_store %swap3A_354[%swap3A_355, %swap3A_356], %mul3A_350 {strides = array<i32>} : memref<125x80xf32, #tpu.memory_space<vmem>>, vector<16xf32>,
        %scan3A_358 = arith.constant 1 : i32
        %scan3A_359 = arith.addi %scan3A_238, %scan3A_358 : i32
        %get3A_360 = arith.constant 0 : i32
        %get3A_361 = arith.constant 0 : i32
        %get3A_362 = tpu.memref_slice %arg10[%scan3A_175, %get3A_360, %get3A_361] : memref<2x125x80xf32, #tpu.memory_space<vmem>> -> memref<1x125x80xf32, #tpu.memory_space<vmem>>
        %get3A_363 = tpu.memref_squeeze %get3A_362 : memref<1x125x80xf32, #tpu.memory_space<vmem>> -> memref<125x80xf32, #tpu.memory_space<vmem>>
        %get3A_364 = arith.index_cast %scan3A_359 : i32 to index
        %get3A_365 = arith.constant 64 : index
        %get3A_366 = tpu.vector_load %get3A_363[%get3A_364, %get3A_365] {strides = array<i32>} : memref<125x80xf32, #tpu.memory_space<vmem>>, vector<16xf32>,
        %get3A_367 = arith.constant 0 : i32
        %get3A_368 = arith.constant 0 : i32
        %get3A_369 = tpu.memref_slice %arg11[%scan3A_176, %get3A_367, %get3A_368] : memref<2x125x16xf32, #tpu.memory_space<vmem>> -> memref<1x125x16xf32, #tpu.memory_space<vmem>>
        %get3A_370 = tpu.memref_squeeze %get3A_369 : memref<1x125x16xf32, #tpu.memory_space<vmem>> -> memref<125x16xf32, #tpu.memory_space<vmem>>
        %get3A_371 = arith.index_cast %scan3A_359 : i32 to index
        %get3A_372 = arith.constant 0 : index
        %get3A_373 = tpu.vector_load %get3A_370[%get3A_371, %get3A_372] {strides = array<i32>} : memref<125x16xf32, #tpu.memory_space<vmem>>, vector<16xf32>,
        %add3A_374 = arith.addf %get3A_366, %get3A_373 : vector<16xf32>
        %mul3A_375 = arith.constant 2.000000e-01 : f32
        %mul3A_376 = vector.broadcast %mul3A_375 : f32 to vector<16xf32>
        %mul3A_377 = arith.mulf %mul3A_376, %add3A_374 : vector<16xf32>
        %max3A_378 = arith.maximumf %add3A_374, %mul3A_377 : vector<16xf32>
        %exp3A_379 = math.exp %max3A_378 : vector<16xf32>
        %swap3A_380 = arith.constant 0 : i32
        %swap3A_381 = arith.constant 0 : i32
        %swap3A_382 = tpu.memref_slice %arg12[%scan3A_177, %swap3A_380, %swap3A_381] : memref<2x125x80xf32, #tpu.memory_space<vmem>> -> memref<1x125x80xf32, #tpu.memory_space<vmem>>
        %swap3A_383 = tpu.memref_squeeze %swap3A_382 : memref<1x125x80xf32, #tpu.memory_space<vmem>> -> memref<125x80xf32, #tpu.memory_space<vmem>>
        %swap3A_384 = arith.index_cast %scan3A_359 : i32 to index
        %swap3A_385 = arith.constant 64 : index
        %swap3A_386 = tpu.vector_load %swap3A_383[%swap3A_384, %swap3A_385] {strides = array<i32>} : memref<125x80xf32, #tpu.memory_space<vmem>>, vector<16xf32>,
        tpu.vector_store %swap3A_383[%swap3A_384, %swap3A_385], %exp3A_379 {strides = array<i32>} : memref<125x80xf32, #tpu.memory_space<vmem>>, vector<16xf32>,
        %lt3A_387 = arith.constant 0 : i32
        %lt3A_388 = vector.broadcast %lt3A_387 : i32 to vector<16xi32>
        %lt3A_389 = arith.cmpi slt, %shift_right_arithmetic3A_7, %lt3A_388 : vector<16xi32>
        %add3A_390 = arith.constant 16 : i32
        %add3A_391 = vector.broadcast %add3A_390 : i32 to vector<16xi32>
        %add3A_392 = arith.addi %shift_right_arithmetic3A_7, %add3A_391 : vector<16xi32>
        %select_n3A_393 = arith.select %lt3A_389, %add3A_392, %shift_right_arithmetic3A_7 : vector<16xi1>, vector<16xi32>
        %broadcast_in_dim3A_394 = vector.shape_cast %select_n3A_393 : vector<16xi32> to vector<16x1xi32>
        %gather3A_395 = vector.shape_cast %broadcast_in_dim3A_394 : vector<16x1xi32> to vector<16xi32>
        %gather3A_396 = tpu.dynamic_gather %exp3A_379[%gather3A_395] in [0] : vector<16xf32>, vector<16xi32> -> vector<16xf32>
        %get3A_397 = arith.constant 0 : i32
        %get3A_398 = arith.constant 0 : i32
        %get3A_399 = tpu.memref_slice %arg10[%scan3A_175, %get3A_397, %get3A_398] : memref<2x125x80xf32, #tpu.memory_space<vmem>> -> memref<1x125x80xf32, #tpu.memory_space<vmem>>
        %get3A_400 = tpu.memref_squeeze %get3A_399 : memref<1x125x80xf32, #tpu.memory_space<vmem>> -> memref<125x80xf32, #tpu.memory_space<vmem>>
        %get3A_401 = arith.index_cast %scan3A_359 : i32 to index
        %get3A_402 = arith.constant 0 : index
        %get3A_403 = tpu.vector_load %get3A_400[%get3A_401, %get3A_402] {strides = array<i32>} : memref<125x80xf32, #tpu.memory_space<vmem>>, vector<16xf32>,
        %mul3A_404 = arith.mulf %get3A_403, %gather3A_396 : vector<16xf32>
        %swap3A_405 = arith.constant 0 : i32
        %swap3A_406 = arith.constant 0 : i32
        %swap3A_407 = tpu.memref_slice %arg12[%scan3A_177, %swap3A_405, %swap3A_406] : memref<2x125x80xf32, #tpu.memory_space<vmem>> -> memref<1x125x80xf32, #tpu.memory_space<vmem>>
        %swap3A_408 = tpu.memref_squeeze %swap3A_407 : memref<1x125x80xf32, #tpu.memory_space<vmem>> -> memref<125x80xf32, #tpu.memory_space<vmem>>
        %swap3A_409 = arith.index_cast %scan3A_359 : i32 to index
        %swap3A_410 = arith.constant 0 : index
        %swap3A_411 = tpu.vector_load %swap3A_408[%swap3A_409, %swap3A_410] {strides = array<i32>} : memref<125x80xf32, #tpu.memory_space<vmem>>, vector<16xf32>,
        tpu.vector_store %swap3A_408[%swap3A_409, %swap3A_410], %mul3A_404 {strides = array<i32>} : memref<125x80xf32, #tpu.memory_space<vmem>>, vector<16xf32>,
        %lt3A_412 = arith.constant 0 : i32
        %lt3A_413 = vector.broadcast %lt3A_412 : i32 to vector<16xi32>
        %lt3A_414 = arith.cmpi slt, %shift_right_arithmetic3A_13, %lt3A_413 : vector<16xi32>
        %add3A_415 = arith.constant 16 : i32
        %add3A_416 = vector.broadcast %add3A_415 : i32 to vector<16xi32>
        %add3A_417 = arith.addi %shift_right_arithmetic3A_13, %add3A_416 : vector<16xi32>
        %select_n3A_418 = arith.select %lt3A_414, %add3A_417, %shift_right_arithmetic3A_13 : vector<16xi1>, vector<16xi32>
        %broadcast_in_dim3A_419 = vector.shape_cast %select_n3A_418 : vector<16xi32> to vector<16x1xi32>
        %gather3A_420 = vector.shape_cast %broadcast_in_dim3A_419 : vector<16x1xi32> to vector<16xi32>
        %gather3A_421 = tpu.dynamic_gather %exp3A_379[%gather3A_420] in [0] : vector<16xf32>, vector<16xi32> -> vector<16xf32>
        %get3A_422 = arith.constant 0 : i32
        %get3A_423 = arith.constant 0 : i32
        %get3A_424 = tpu.memref_slice %arg10[%scan3A_175, %get3A_422, %get3A_423] : memref<2x125x80xf32, #tpu.memory_space<vmem>> -> memref<1x125x80xf32, #tpu.memory_space<vmem>>
        %get3A_425 = tpu.memref_squeeze %get3A_424 : memref<1x125x80xf32, #tpu.memory_space<vmem>> -> memref<125x80xf32, #tpu.memory_space<vmem>>
        %get3A_426 = arith.index_cast %scan3A_359 : i32 to index
        %get3A_427 = arith.constant 16 : index
        %get3A_428 = tpu.vector_load %get3A_425[%get3A_426, %get3A_427] {strides = array<i32>} : memref<125x80xf32, #tpu.memory_space<vmem>>, vector<16xf32>,
        %mul3A_429 = arith.mulf %get3A_428, %gather3A_421 : vector<16xf32>
        %swap3A_430 = arith.constant 0 : i32
        %swap3A_431 = arith.constant 0 : i32
        %swap3A_432 = tpu.memref_slice %arg12[%scan3A_177, %swap3A_430, %swap3A_431] : memref<2x125x80xf32, #tpu.memory_space<vmem>> -> memref<1x125x80xf32, #tpu.memory_space<vmem>>
        %swap3A_433 = tpu.memref_squeeze %swap3A_432 : memref<1x125x80xf32, #tpu.memory_space<vmem>> -> memref<125x80xf32, #tpu.memory_space<vmem>>
        %swap3A_434 = arith.index_cast %scan3A_359 : i32 to index
        %swap3A_435 = arith.constant 16 : index
        %swap3A_436 = tpu.vector_load %swap3A_433[%swap3A_434, %swap3A_435] {strides = array<i32>} : memref<125x80xf32, #tpu.memory_space<vmem>>, vector<16xf32>,
        tpu.vector_store %swap3A_433[%swap3A_434, %swap3A_435], %mul3A_429 {strides = array<i32>} : memref<125x80xf32, #tpu.memory_space<vmem>>, vector<16xf32>,
        %lt3A_437 = arith.constant 0 : i32
        %lt3A_438 = vector.broadcast %lt3A_437 : i32 to vector<16xi32>
        %lt3A_439 = arith.cmpi slt, %shift_right_arithmetic3A_19, %lt3A_438 : vector<16xi32>
        %add3A_440 = arith.constant 16 : i32
        %add3A_441 = vector.broadcast %add3A_440 : i32 to vector<16xi32>
        %add3A_442 = arith.addi %shift_right_arithmetic3A_19, %add3A_441 : vector<16xi32>
        %select_n3A_443 = arith.select %lt3A_439, %add3A_442, %shift_right_arithmetic3A_19 : vector<16xi1>, vector<16xi32>
        %broadcast_in_dim3A_444 = vector.shape_cast %select_n3A_443 : vector<16xi32> to vector<16x1xi32>
        %gather3A_445 = vector.shape_cast %broadcast_in_dim3A_444 : vector<16x1xi32> to vector<16xi32>
        %gather3A_446 = tpu.dynamic_gather %exp3A_379[%gather3A_445] in [0] : vector<16xf32>, vector<16xi32> -> vector<16xf32>
        %get3A_447 = arith.constant 0 : i32
        %get3A_448 = arith.constant 0 : i32
        %get3A_449 = tpu.memref_slice %arg10[%scan3A_175, %get3A_447, %get3A_448] : memref<2x125x80xf32, #tpu.memory_space<vmem>> -> memref<1x125x80xf32, #tpu.memory_space<vmem>>
        %get3A_450 = tpu.memref_squeeze %get3A_449 : memref<1x125x80xf32, #tpu.memory_space<vmem>> -> memref<125x80xf32, #tpu.memory_space<vmem>>
        %get3A_451 = arith.index_cast %scan3A_359 : i32 to index
        %get3A_452 = arith.constant 32 : index
        %get3A_453 = tpu.vector_load %get3A_450[%get3A_451, %get3A_452] {strides = array<i32>} : memref<125x80xf32, #tpu.memory_space<vmem>>, vector<16xf32>,
        %mul3A_454 = arith.mulf %get3A_453, %gather3A_446 : vector<16xf32>
        %swap3A_455 = arith.constant 0 : i32
        %swap3A_456 = arith.constant 0 : i32
        %swap3A_457 = tpu.memref_slice %arg12[%scan3A_177, %swap3A_455, %swap3A_456] : memref<2x125x80xf32, #tpu.memory_space<vmem>> -> memref<1x125x80xf32, #tpu.memory_space<vmem>>
        %swap3A_458 = tpu.memref_squeeze %swap3A_457 : memref<1x125x80xf32, #tpu.memory_space<vmem>> -> memref<125x80xf32, #tpu.memory_space<vmem>>
        %swap3A_459 = arith.index_cast %scan3A_359 : i32 to index
        %swap3A_460 = arith.constant 32 : index
        %swap3A_461 = tpu.vector_load %swap3A_458[%swap3A_459, %swap3A_460] {strides = array<i32>} : memref<125x80xf32, #tpu.memory_space<vmem>>, vector<16xf32>,
        tpu.vector_store %swap3A_458[%swap3A_459, %swap3A_460], %mul3A_454 {strides = array<i32>} : memref<125x80xf32, #tpu.memory_space<vmem>>, vector<16xf32>,
        %lt3A_462 = arith.constant 0 : i32
        %lt3A_463 = vector.broadcast %lt3A_462 : i32 to vector<16xi32>
        %lt3A_464 = arith.cmpi slt, %shift_right_arithmetic3A_25, %lt3A_463 : vector<16xi32>
        %add3A_465 = arith.constant 16 : i32
        %add3A_466 = vector.broadcast %add3A_465 : i32 to vector<16xi32>
        %add3A_467 = arith.addi %shift_right_arithmetic3A_25, %add3A_466 : vector<16xi32>
        %select_n3A_468 = arith.select %lt3A_464, %add3A_467, %shift_right_arithmetic3A_25 : vector<16xi1>, vector<16xi32>
        %broadcast_in_dim3A_469 = vector.shape_cast %select_n3A_468 : vector<16xi32> to vector<16x1xi32>
        %gather3A_470 = vector.shape_cast %broadcast_in_dim3A_469 : vector<16x1xi32> to vector<16xi32>
        %gather3A_471 = tpu.dynamic_gather %exp3A_379[%gather3A_470] in [0] : vector<16xf32>, vector<16xi32> -> vector<16xf32>
        %get3A_472 = arith.constant 0 : i32
        %get3A_473 = arith.constant 0 : i32
        %get3A_474 = tpu.memref_slice %arg10[%scan3A_175, %get3A_472, %get3A_473] : memref<2x125x80xf32, #tpu.memory_space<vmem>> -> memref<1x125x80xf32, #tpu.memory_space<vmem>>
        %get3A_475 = tpu.memref_squeeze %get3A_474 : memref<1x125x80xf32, #tpu.memory_space<vmem>> -> memref<125x80xf32, #tpu.memory_space<vmem>>
        %get3A_476 = arith.index_cast %scan3A_359 : i32 to index
        %get3A_477 = arith.constant 48 : index
        %get3A_478 = tpu.vector_load %get3A_475[%get3A_476, %get3A_477] {strides = array<i32>} : memref<125x80xf32, #tpu.memory_space<vmem>>, vector<16xf32>,
        %mul3A_479 = arith.mulf %get3A_478, %gather3A_471 : vector<16xf32>
        %swap3A_480 = arith.constant 0 : i32
        %swap3A_481 = arith.constant 0 : i32
        %swap3A_482 = tpu.memref_slice %arg12[%scan3A_177, %swap3A_480, %swap3A_481] : memref<2x125x80xf32, #tpu.memory_space<vmem>> -> memref<1x125x80xf32, #tpu.memory_space<vmem>>
        %swap3A_483 = tpu.memref_squeeze %swap3A_482 : memref<1x125x80xf32, #tpu.memory_space<vmem>> -> memref<125x80xf32, #tpu.memory_space<vmem>>
        %swap3A_484 = arith.index_cast %scan3A_359 : i32 to index
        %swap3A_485 = arith.constant 48 : index
        %swap3A_486 = tpu.vector_load %swap3A_483[%swap3A_484, %swap3A_485] {strides = array<i32>} : memref<125x80xf32, #tpu.memory_space<vmem>>, vector<16xf32>,
        tpu.vector_store %swap3A_483[%swap3A_484, %swap3A_485], %mul3A_479 {strides = array<i32>} : memref<125x80xf32, #tpu.memory_space<vmem>>, vector<16xf32>,
        %scan3A_487 = arith.constant 2 : i32
        %scan3A_488 = arith.addi %scan3A_238, %scan3A_487 : i32
        %get3A_489 = arith.constant 0 : i32
        %get3A_490 = arith.constant 0 : i32
        %get3A_491 = tpu.memref_slice %arg10[%scan3A_175, %get3A_489, %get3A_490] : memref<2x125x80xf32, #tpu.memory_space<vmem>> -> memref<1x125x80xf32, #tpu.memory_space<vmem>>
        %get3A_492 = tpu.memref_squeeze %get3A_491 : memref<1x125x80xf32, #tpu.memory_space<vmem>> -> memref<125x80xf32, #tpu.memory_space<vmem>>
        %get3A_493 = arith.index_cast %scan3A_488 : i32 to index
        %get3A_494 = arith.constant 64 : index
        %get3A_495 = tpu.vector_load %get3A_492[%get3A_493, %get3A_494] {strides = array<i32>} : memref<125x80xf32, #tpu.memory_space<vmem>>, vector<16xf32>,
        %get3A_496 = arith.constant 0 : i32
        %get3A_497 = arith.constant 0 : i32
        %get3A_498 = tpu.memref_slice %arg11[%scan3A_176, %get3A_496, %get3A_497] : memref<2x125x16xf32, #tpu.memory_space<vmem>> -> memref<1x125x16xf32, #tpu.memory_space<vmem>>
        %get3A_499 = tpu.memref_squeeze %get3A_498 : memref<1x125x16xf32, #tpu.memory_space<vmem>> -> memref<125x16xf32, #tpu.memory_space<vmem>>
        %get3A_500 = arith.index_cast %scan3A_488 : i32 to index
        %get3A_501 = arith.constant 0 : index
        %get3A_502 = tpu.vector_load %get3A_499[%get3A_500, %get3A_501] {strides = array<i32>} : memref<125x16xf32, #tpu.memory_space<vmem>>, vector<16xf32>,
        %add3A_503 = arith.addf %get3A_495, %get3A_502 : vector<16xf32>
        %mul3A_504 = arith.constant 2.000000e-01 : f32
        %mul3A_505 = vector.broadcast %mul3A_504 : f32 to vector<16xf32>
        %mul3A_506 = arith.mulf %mul3A_505, %add3A_503 : vector<16xf32>
        %max3A_507 = arith.maximumf %add3A_503, %mul3A_506 : vector<16xf32>
        %exp3A_508 = math.exp %max3A_507 : vector<16xf32>
        %swap3A_509 = arith.constant 0 : i32
        %swap3A_510 = arith.constant 0 : i32
        %swap3A_511 = tpu.memref_slice %arg12[%scan3A_177, %swap3A_509, %swap3A_510] : memref<2x125x80xf32, #tpu.memory_space<vmem>> -> memref<1x125x80xf32, #tpu.memory_space<vmem>>
        %swap3A_512 = tpu.memref_squeeze %swap3A_511 : memref<1x125x80xf32, #tpu.memory_space<vmem>> -> memref<125x80xf32, #tpu.memory_space<vmem>>
        %swap3A_513 = arith.index_cast %scan3A_488 : i32 to index
        %swap3A_514 = arith.constant 64 : index
        %swap3A_515 = tpu.vector_load %swap3A_512[%swap3A_513, %swap3A_514] {strides = array<i32>} : memref<125x80xf32, #tpu.memory_space<vmem>>, vector<16xf32>,
        tpu.vector_store %swap3A_512[%swap3A_513, %swap3A_514], %exp3A_508 {strides = array<i32>} : memref<125x80xf32, #tpu.memory_space<vmem>>, vector<16xf32>,
        %lt3A_516 = arith.constant 0 : i32
        %lt3A_517 = vector.broadcast %lt3A_516 : i32 to vector<16xi32>
        %lt3A_518 = arith.cmpi slt, %shift_right_arithmetic3A_7, %lt3A_517 : vector<16xi32>
        %add3A_519 = arith.constant 16 : i32
        %add3A_520 = vector.broadcast %add3A_519 : i32 to vector<16xi32>
        %add3A_521 = arith.addi %shift_right_arithmetic3A_7, %add3A_520 : vector<16xi32>
        %select_n3A_522 = arith.select %lt3A_518, %add3A_521, %shift_right_arithmetic3A_7 : vector<16xi1>, vector<16xi32>
        %broadcast_in_dim3A_523 = vector.shape_cast %select_n3A_522 : vector<16xi32> to vector<16x1xi32>
        %gather3A_524 = vector.shape_cast %broadcast_in_dim3A_523 : vector<16x1xi32> to vector<16xi32>
        %gather3A_525 = tpu.dynamic_gather %exp3A_508[%gather3A_524] in [0] : vector<16xf32>, vector<16xi32> -> vector<16xf32>
        %get3A_526 = arith.constant 0 : i32
        %get3A_527 = arith.constant 0 : i32
        %get3A_528 = tpu.memref_slice %arg10[%scan3A_175, %get3A_526, %get3A_527] : memref<2x125x80xf32, #tpu.memory_space<vmem>> -> memref<1x125x80xf32, #tpu.memory_space<vmem>>
        %get3A_529 = tpu.memref_squeeze %get3A_528 : memref<1x125x80xf32, #tpu.memory_space<vmem>> -> memref<125x80xf32, #tpu.memory_space<vmem>>
        %get3A_530 = arith.index_cast %scan3A_488 : i32 to index
        %get3A_531 = arith.constant 0 : index
        %get3A_532 = tpu.vector_load %get3A_529[%get3A_530, %get3A_531] {strides = array<i32>} : memref<125x80xf32, #tpu.memory_space<vmem>>, vector<16xf32>,
        %mul3A_533 = arith.mulf %get3A_532, %gather3A_525 : vector<16xf32>
        %swap3A_534 = arith.constant 0 : i32
        %swap3A_535 = arith.constant 0 : i32
        %swap3A_536 = tpu.memref_slice %arg12[%scan3A_177, %swap3A_534, %swap3A_535] : memref<2x125x80xf32, #tpu.memory_space<vmem>> -> memref<1x125x80xf32, #tpu.memory_space<vmem>>
        %swap3A_537 = tpu.memref_squeeze %swap3A_536 : memref<1x125x80xf32, #tpu.memory_space<vmem>> -> memref<125x80xf32, #tpu.memory_space<vmem>>
        %swap3A_538 = arith.index_cast %scan3A_488 : i32 to index
        %swap3A_539 = arith.constant 0 : index
        %swap3A_540 = tpu.vector_load %swap3A_537[%swap3A_538, %swap3A_539] {strides = array<i32>} : memref<125x80xf32, #tpu.memory_space<vmem>>, vector<16xf32>,
        tpu.vector_store %swap3A_537[%swap3A_538, %swap3A_539], %mul3A_533 {strides = array<i32>} : memref<125x80xf32, #tpu.memory_space<vmem>>, vector<16xf32>,
        %lt3A_541 = arith.constant 0 : i32
        %lt3A_542 = vector.broadcast %lt3A_541 : i32 to vector<16xi32>
        %lt3A_543 = arith.cmpi slt, %shift_right_arithmetic3A_13, %lt3A_542 : vector<16xi32>
        %add3A_544 = arith.constant 16 : i32
        %add3A_545 = vector.broadcast %add3A_544 : i32 to vector<16xi32>
        %add3A_546 = arith.addi %shift_right_arithmetic3A_13, %add3A_545 : vector<16xi32>
        %select_n3A_547 = arith.select %lt3A_543, %add3A_546, %shift_right_arithmetic3A_13 : vector<16xi1>, vector<16xi32>
        %broadcast_in_dim3A_548 = vector.shape_cast %select_n3A_547 : vector<16xi32> to vector<16x1xi32>
        %gather3A_549 = vector.shape_cast %broadcast_in_dim3A_548 : vector<16x1xi32> to vector<16xi32>
        %gather3A_550 = tpu.dynamic_gather %exp3A_508[%gather3A_549] in [0] : vector<16xf32>, vector<16xi32> -> vector<16xf32>
        %get3A_551 = arith.constant 0 : i32
        %get3A_552 = arith.constant 0 : i32
        %get3A_553 = tpu.memref_slice %arg10[%scan3A_175, %get3A_551, %get3A_552] : memref<2x125x80xf32, #tpu.memory_space<vmem>> -> memref<1x125x80xf32, #tpu.memory_space<vmem>>
        %get3A_554 = tpu.memref_squeeze %get3A_553 : memref<1x125x80xf32, #tpu.memory_space<vmem>> -> memref<125x80xf32, #tpu.memory_space<vmem>>
        %get3A_555 = arith.index_cast %scan3A_488 : i32 to index
        %get3A_556 = arith.constant 16 : index
        %get3A_557 = tpu.vector_load %get3A_554[%get3A_555, %get3A_556] {strides = array<i32>} : memref<125x80xf32, #tpu.memory_space<vmem>>, vector<16xf32>,
        %mul3A_558 = arith.mulf %get3A_557, %gather3A_550 : vector<16xf32>
        %swap3A_559 = arith.constant 0 : i32
        %swap3A_560 = arith.constant 0 : i32
        %swap3A_561 = tpu.memref_slice %arg12[%scan3A_177, %swap3A_559, %swap3A_560] : memref<2x125x80xf32, #tpu.memory_space<vmem>> -> memref<1x125x80xf32, #tpu.memory_space<vmem>>
        %swap3A_562 = tpu.memref_squeeze %swap3A_561 : memref<1x125x80xf32, #tpu.memory_space<vmem>> -> memref<125x80xf32, #tpu.memory_space<vmem>>
        %swap3A_563 = arith.index_cast %scan3A_488 : i32 to index
        %swap3A_564 = arith.constant 16 : index
        %swap3A_565 = tpu.vector_load %swap3A_562[%swap3A_563, %swap3A_564] {strides = array<i32>} : memref<125x80xf32, #tpu.memory_space<vmem>>, vector<16xf32>,
        tpu.vector_store %swap3A_562[%swap3A_563, %swap3A_564], %mul3A_558 {strides = array<i32>} : memref<125x80xf32, #tpu.memory_space<vmem>>, vector<16xf32>,
        %lt3A_566 = arith.constant 0 : i32
        %lt3A_567 = vector.broadcast %lt3A_566 : i32 to vector<16xi32>
        %lt3A_568 = arith.cmpi slt, %shift_right_arithmetic3A_19, %lt3A_567 : vector<16xi32>
        %add3A_569 = arith.constant 16 : i32
        %add3A_570 = vector.broadcast %add3A_569 : i32 to vector<16xi32>
        %add3A_571 = arith.addi %shift_right_arithmetic3A_19, %add3A_570 : vector<16xi32>
        %select_n3A_572 = arith.select %lt3A_568, %add3A_571, %shift_right_arithmetic3A_19 : vector<16xi1>, vector<16xi32>
        %broadcast_in_dim3A_573 = vector.shape_cast %select_n3A_572 : vector<16xi32> to vector<16x1xi32>
        %gather3A_574 = vector.shape_cast %broadcast_in_dim3A_573 : vector<16x1xi32> to vector<16xi32>
        %gather3A_575 = tpu.dynamic_gather %exp3A_508[%gather3A_574] in [0] : vector<16xf32>, vector<16xi32> -> vector<16xf32>
        %get3A_576 = arith.constant 0 : i32
        %get3A_577 = arith.constant 0 : i32
        %get3A_578 = tpu.memref_slice %arg10[%scan3A_175, %get3A_576, %get3A_577] : memref<2x125x80xf32, #tpu.memory_space<vmem>> -> memref<1x125x80xf32, #tpu.memory_space<vmem>>
        %get3A_579 = tpu.memref_squeeze %get3A_578 : memref<1x125x80xf32, #tpu.memory_space<vmem>> -> memref<125x80xf32, #tpu.memory_space<vmem>>
        %get3A_580 = arith.index_cast %scan3A_488 : i32 to index
        %get3A_581 = arith.constant 32 : index
        %get3A_582 = tpu.vector_load %get3A_579[%get3A_580, %get3A_581] {strides = array<i32>} : memref<125x80xf32, #tpu.memory_space<vmem>>, vector<16xf32>,
        %mul3A_583 = arith.mulf %get3A_582, %gather3A_575 : vector<16xf32>
        %swap3A_584 = arith.constant 0 : i32
        %swap3A_585 = arith.constant 0 : i32
        %swap3A_586 = tpu.memref_slice %arg12[%scan3A_177, %swap3A_584, %swap3A_585] : memref<2x125x80xf32, #tpu.memory_space<vmem>> -> memref<1x125x80xf32, #tpu.memory_space<vmem>>
        %swap3A_587 = tpu.memref_squeeze %swap3A_586 : memref<1x125x80xf32, #tpu.memory_space<vmem>> -> memref<125x80xf32, #tpu.memory_space<vmem>>
        %swap3A_588 = arith.index_cast %scan3A_488 : i32 to index
        %swap3A_589 = arith.constant 32 : index
        %swap3A_590 = tpu.vector_load %swap3A_587[%swap3A_588, %swap3A_589] {strides = array<i32>} : memref<125x80xf32, #tpu.memory_space<vmem>>, vector<16xf32>,
        tpu.vector_store %swap3A_587[%swap3A_588, %swap3A_589], %mul3A_583 {strides = array<i32>} : memref<125x80xf32, #tpu.memory_space<vmem>>, vector<16xf32>,
        %lt3A_591 = arith.constant 0 : i32
        %lt3A_592 = vector.broadcast %lt3A_591 : i32 to vector<16xi32>
        %lt3A_593 = arith.cmpi slt, %shift_right_arithmetic3A_25, %lt3A_592 : vector<16xi32>
        %add3A_594 = arith.constant 16 : i32
        %add3A_595 = vector.broadcast %add3A_594 : i32 to vector<16xi32>
        %add3A_596 = arith.addi %shift_right_arithmetic3A_25, %add3A_595 : vector<16xi32>
        %select_n3A_597 = arith.select %lt3A_593, %add3A_596, %shift_right_arithmetic3A_25 : vector<16xi1>, vector<16xi32>
        %broadcast_in_dim3A_598 = vector.shape_cast %select_n3A_597 : vector<16xi32> to vector<16x1xi32>
        %gather3A_599 = vector.shape_cast %broadcast_in_dim3A_598 : vector<16x1xi32> to vector<16xi32>
        %gather3A_600 = tpu.dynamic_gather %exp3A_508[%gather3A_599] in [0] : vector<16xf32>, vector<16xi32> -> vector<16xf32>
        %get3A_601 = arith.constant 0 : i32
        %get3A_602 = arith.constant 0 : i32
        %get3A_603 = tpu.memref_slice %arg10[%scan3A_175, %get3A_601, %get3A_602] : memref<2x125x80xf32, #tpu.memory_space<vmem>> -> memref<1x125x80xf32, #tpu.memory_space<vmem>>
        %get3A_604 = tpu.memref_squeeze %get3A_603 : memref<1x125x80xf32, #tpu.memory_space<vmem>> -> memref<125x80xf32, #tpu.memory_space<vmem>>
        %get3A_605 = arith.index_cast %scan3A_488 : i32 to index
        %get3A_606 = arith.constant 48 : index
        %get3A_607 = tpu.vector_load %get3A_604[%get3A_605, %get3A_606] {strides = array<i32>} : memref<125x80xf32, #tpu.memory_space<vmem>>, vector<16xf32>,
        %mul3A_608 = arith.mulf %get3A_607, %gather3A_600 : vector<16xf32>
        %swap3A_609 = arith.constant 0 : i32
        %swap3A_610 = arith.constant 0 : i32
        %swap3A_611 = tpu.memref_slice %arg12[%scan3A_177, %swap3A_609, %swap3A_610] : memref<2x125x80xf32, #tpu.memory_space<vmem>> -> memref<1x125x80xf32, #tpu.memory_space<vmem>>
        %swap3A_612 = tpu.memref_squeeze %swap3A_611 : memref<1x125x80xf32, #tpu.memory_space<vmem>> -> memref<125x80xf32, #tpu.memory_space<vmem>>
        %swap3A_613 = arith.index_cast %scan3A_488 : i32 to index
        %swap3A_614 = arith.constant 48 : index
        %swap3A_615 = tpu.vector_load %swap3A_612[%swap3A_613, %swap3A_614] {strides = array<i32>} : memref<125x80xf32, #tpu.memory_space<vmem>>, vector<16xf32>,
        tpu.vector_store %swap3A_612[%swap3A_613, %swap3A_614], %mul3A_608 {strides = array<i32>} : memref<125x80xf32, #tpu.memory_space<vmem>>, vector<16xf32>,
        %scan3A_616 = arith.constant 3 : i32
        %scan3A_617 = arith.addi %scan3A_238, %scan3A_616 : i32
        %get3A_618 = arith.constant 0 : i32
        %get3A_619 = arith.constant 0 : i32
        %get3A_620 = tpu.memref_slice %arg10[%scan3A_175, %get3A_618, %get3A_619] : memref<2x125x80xf32, #tpu.memory_space<vmem>> -> memref<1x125x80xf32, #tpu.memory_space<vmem>>
        %get3A_621 = tpu.memref_squeeze %get3A_620 : memref<1x125x80xf32, #tpu.memory_space<vmem>> -> memref<125x80xf32, #tpu.memory_space<vmem>>
        %get3A_622 = arith.index_cast %scan3A_617 : i32 to index
        %get3A_623 = arith.constant 64 : index
        %get3A_624 = tpu.vector_load %get3A_621[%get3A_622, %get3A_623] {strides = array<i32>} : memref<125x80xf32, #tpu.memory_space<vmem>>, vector<16xf32>,
        %get3A_625 = arith.constant 0 : i32
        %get3A_626 = arith.constant 0 : i32
        %get3A_627 = tpu.memref_slice %arg11[%scan3A_176, %get3A_625, %get3A_626] : memref<2x125x16xf32, #tpu.memory_space<vmem>> -> memref<1x125x16xf32, #tpu.memory_space<vmem>>
        %get3A_628 = tpu.memref_squeeze %get3A_627 : memref<1x125x16xf32, #tpu.memory_space<vmem>> -> memref<125x16xf32, #tpu.memory_space<vmem>>
        %get3A_629 = arith.index_cast %scan3A_617 : i32 to index
        %get3A_630 = arith.constant 0 : index
        %get3A_631 = tpu.vector_load %get3A_628[%get3A_629, %get3A_630] {strides = array<i32>} : memref<125x16xf32, #tpu.memory_space<vmem>>, vector<16xf32>,
        %add3A_632 = arith.addf %get3A_624, %get3A_631 : vector<16xf32>
        %mul3A_633 = arith.constant 2.000000e-01 : f32
        %mul3A_634 = vector.broadcast %mul3A_633 : f32 to vector<16xf32>
        %mul3A_635 = arith.mulf %mul3A_634, %add3A_632 : vector<16xf32>
        %max3A_636 = arith.maximumf %add3A_632, %mul3A_635 : vector<16xf32>
        %exp3A_637 = math.exp %max3A_636 : vector<16xf32>
        %swap3A_638 = arith.constant 0 : i32
        %swap3A_639 = arith.constant 0 : i32
        %swap3A_640 = tpu.memref_slice %arg12[%scan3A_177, %swap3A_638, %swap3A_639] : memref<2x125x80xf32, #tpu.memory_space<vmem>> -> memref<1x125x80xf32, #tpu.memory_space<vmem>>
        %swap3A_641 = tpu.memref_squeeze %swap3A_640 : memref<1x125x80xf32, #tpu.memory_space<vmem>> -> memref<125x80xf32, #tpu.memory_space<vmem>>
        %swap3A_642 = arith.index_cast %scan3A_617 : i32 to index
        %swap3A_643 = arith.constant 64 : index
        %swap3A_644 = tpu.vector_load %swap3A_641[%swap3A_642, %swap3A_643] {strides = array<i32>} : memref<125x80xf32, #tpu.memory_space<vmem>>, vector<16xf32>,
        tpu.vector_store %swap3A_641[%swap3A_642, %swap3A_643], %exp3A_637 {strides = array<i32>} : memref<125x80xf32, #tpu.memory_space<vmem>>, vector<16xf32>,
        %lt3A_645 = arith.constant 0 : i32
        %lt3A_646 = vector.broadcast %lt3A_645 : i32 to vector<16xi32>
        %lt3A_647 = arith.cmpi slt, %shift_right_arithmetic3A_7, %lt3A_646 : vector<16xi32>
        %add3A_648 = arith.constant 16 : i32
        %add3A_649 = vector.broadcast %add3A_648 : i32 to vector<16xi32>
        %add3A_650 = arith.addi %shift_right_arithmetic3A_7, %add3A_649 : vector<16xi32>
        %select_n3A_651 = arith.select %lt3A_647, %add3A_650, %shift_right_arithmetic3A_7 : vector<16xi1>, vector<16xi32>
        %broadcast_in_dim3A_652 = vector.shape_cast %select_n3A_651 : vector<16xi32> to vector<16x1xi32>
        %gather3A_653 = vector.shape_cast %broadcast_in_dim3A_652 : vector<16x1xi32> to vector<16xi32>
        %gather3A_654 = tpu.dynamic_gather %exp3A_637[%gather3A_653] in [0] : vector<16xf32>, vector<16xi32> -> vector<16xf32>
        %get3A_655 = arith.constant 0 : i32
        %get3A_656 = arith.constant 0 : i32
        %get3A_657 = tpu.memref_slice %arg10[%scan3A_175, %get3A_655, %get3A_656] : memref<2x125x80xf32, #tpu.memory_space<vmem>> -> memref<1x125x80xf32, #tpu.memory_space<vmem>>
        %get3A_658 = tpu.memref_squeeze %get3A_657 : memref<1x125x80xf32, #tpu.memory_space<vmem>> -> memref<125x80xf32, #tpu.memory_space<vmem>>
        %get3A_659 = arith.index_cast %scan3A_617 : i32 to index
        %get3A_660 = arith.constant 0 : index
        %get3A_661 = tpu.vector_load %get3A_658[%get3A_659, %get3A_660] {strides = array<i32>} : memref<125x80xf32, #tpu.memory_space<vmem>>, vector<16xf32>,
        %mul3A_662 = arith.mulf %get3A_661, %gather3A_654 : vector<16xf32>
        %swap3A_663 = arith.constant 0 : i32
        %swap3A_664 = arith.constant 0 : i32
        %swap3A_665 = tpu.memref_slice %arg12[%scan3A_177, %swap3A_663, %swap3A_664] : memref<2x125x80xf32, #tpu.memory_space<vmem>> -> memref<1x125x80xf32, #tpu.memory_space<vmem>>
        %swap3A_666 = tpu.memref_squeeze %swap3A_665 : memref<1x125x80xf32, #tpu.memory_space<vmem>> -> memref<125x80xf32, #tpu.memory_space<vmem>>
        %swap3A_667 = arith.index_cast %scan3A_617 : i32 to index
        %swap3A_668 = arith.constant 0 : index
        %swap3A_669 = tpu.vector_load %swap3A_666[%swap3A_667, %swap3A_668] {strides = array<i32>} : memref<125x80xf32, #tpu.memory_space<vmem>>, vector<16xf32>,
        tpu.vector_store %swap3A_666[%swap3A_667, %swap3A_668], %mul3A_662 {strides = array<i32>} : memref<125x80xf32, #tpu.memory_space<vmem>>, vector<16xf32>,
        %lt3A_670 = arith.constant 0 : i32
        %lt3A_671 = vector.broadcast %lt3A_670 : i32 to vector<16xi32>
        %lt3A_672 = arith.cmpi slt, %shift_right_arithmetic3A_13, %lt3A_671 : vector<16xi32>
        %add3A_673 = arith.constant 16 : i32
        %add3A_674 = vector.broadcast %add3A_673 : i32 to vector<16xi32>
        %add3A_675 = arith.addi %shift_right_arithmetic3A_13, %add3A_674 : vector<16xi32>
        %select_n3A_676 = arith.select %lt3A_672, %add3A_675, %shift_right_arithmetic3A_13 : vector<16xi1>, vector<16xi32>
        %broadcast_in_dim3A_677 = vector.shape_cast %select_n3A_676 : vector<16xi32> to vector<16x1xi32>
        %gather3A_678 = vector.shape_cast %broadcast_in_dim3A_677 : vector<16x1xi32> to vector<16xi32>
        %gather3A_679 = tpu.dynamic_gather %exp3A_637[%gather3A_678] in [0] : vector<16xf32>, vector<16xi32> -> vector<16xf32>
        %get3A_680 = arith.constant 0 : i32
        %get3A_681 = arith.constant 0 : i32
        %get3A_682 = tpu.memref_slice %arg10[%scan3A_175, %get3A_680, %get3A_681] : memref<2x125x80xf32, #tpu.memory_space<vmem>> -> memref<1x125x80xf32, #tpu.memory_space<vmem>>
        %get3A_683 = tpu.memref_squeeze %get3A_682 : memref<1x125x80xf32, #tpu.memory_space<vmem>> -> memref<125x80xf32, #tpu.memory_space<vmem>>
        %get3A_684 = arith.index_cast %scan3A_617 : i32 to index
        %get3A_685 = arith.constant 16 : index
        %get3A_686 = tpu.vector_load %get3A_683[%get3A_684, %get3A_685] {strides = array<i32>} : memref<125x80xf32, #tpu.memory_space<vmem>>, vector<16xf32>,
        %mul3A_687 = arith.mulf %get3A_686, %gather3A_679 : vector<16xf32>
        %swap3A_688 = arith.constant 0 : i32
        %swap3A_689 = arith.constant 0 : i32
        %swap3A_690 = tpu.memref_slice %arg12[%scan3A_177, %swap3A_688, %swap3A_689] : memref<2x125x80xf32, #tpu.memory_space<vmem>> -> memref<1x125x80xf32, #tpu.memory_space<vmem>>
        %swap3A_691 = tpu.memref_squeeze %swap3A_690 : memref<1x125x80xf32, #tpu.memory_space<vmem>> -> memref<125x80xf32, #tpu.memory_space<vmem>>
        %swap3A_692 = arith.index_cast %scan3A_617 : i32 to index
        %swap3A_693 = arith.constant 16 : index
        %swap3A_694 = tpu.vector_load %swap3A_691[%swap3A_692, %swap3A_693] {strides = array<i32>} : memref<125x80xf32, #tpu.memory_space<vmem>>, vector<16xf32>,
        tpu.vector_store %swap3A_691[%swap3A_692, %swap3A_693], %mul3A_687 {strides = array<i32>} : memref<125x80xf32, #tpu.memory_space<vmem>>, vector<16xf32>,
        %lt3A_695 = arith.constant 0 : i32
        %lt3A_696 = vector.broadcast %lt3A_695 : i32 to vector<16xi32>
        %lt3A_697 = arith.cmpi slt, %shift_right_arithmetic3A_19, %lt3A_696 : vector<16xi32>
        %add3A_698 = arith.constant 16 : i32
        %add3A_699 = vector.broadcast %add3A_698 : i32 to vector<16xi32>
        %add3A_700 = arith.addi %shift_right_arithmetic3A_19, %add3A_699 : vector<16xi32>
        %select_n3A_701 = arith.select %lt3A_697, %add3A_700, %shift_right_arithmetic3A_19 : vector<16xi1>, vector<16xi32>
        %broadcast_in_dim3A_702 = vector.shape_cast %select_n3A_701 : vector<16xi32> to vector<16x1xi32>
        %gather3A_703 = vector.shape_cast %broadcast_in_dim3A_702 : vector<16x1xi32> to vector<16xi32>
        %gather3A_704 = tpu.dynamic_gather %exp3A_637[%gather3A_703] in [0] : vector<16xf32>, vector<16xi32> -> vector<16xf32>
        %get3A_705 = arith.constant 0 : i32
        %get3A_706 = arith.constant 0 : i32
        %get3A_707 = tpu.memref_slice %arg10[%scan3A_175, %get3A_705, %get3A_706] : memref<2x125x80xf32, #tpu.memory_space<vmem>> -> memref<1x125x80xf32, #tpu.memory_space<vmem>>
        %get3A_708 = tpu.memref_squeeze %get3A_707 : memref<1x125x80xf32, #tpu.memory_space<vmem>> -> memref<125x80xf32, #tpu.memory_space<vmem>>
        %get3A_709 = arith.index_cast %scan3A_617 : i32 to index
        %get3A_710 = arith.constant 32 : index
        %get3A_711 = tpu.vector_load %get3A_708[%get3A_709, %get3A_710] {strides = array<i32>} : memref<125x80xf32, #tpu.memory_space<vmem>>, vector<16xf32>,
        %mul3A_712 = arith.mulf %get3A_711, %gather3A_704 : vector<16xf32>
        %swap3A_713 = arith.constant 0 : i32
        %swap3A_714 = arith.constant 0 : i32
        %swap3A_715 = tpu.memref_slice %arg12[%scan3A_177, %swap3A_713, %swap3A_714] : memref<2x125x80xf32, #tpu.memory_space<vmem>> -> memref<1x125x80xf32, #tpu.memory_space<vmem>>
        %swap3A_716 = tpu.memref_squeeze %swap3A_715 : memref<1x125x80xf32, #tpu.memory_space<vmem>> -> memref<125x80xf32, #tpu.memory_space<vmem>>
        %swap3A_717 = arith.index_cast %scan3A_617 : i32 to index
        %swap3A_718 = arith.constant 32 : index
        %swap3A_719 = tpu.vector_load %swap3A_716[%swap3A_717, %swap3A_718] {strides = array<i32>} : memref<125x80xf32, #tpu.memory_space<vmem>>, vector<16xf32>,
        tpu.vector_store %swap3A_716[%swap3A_717, %swap3A_718], %mul3A_712 {strides = array<i32>} : memref<125x80xf32, #tpu.memory_space<vmem>>, vector<16xf32>,
        %lt3A_720 = arith.constant 0 : i32
        %lt3A_721 = vector.broadcast %lt3A_720 : i32 to vector<16xi32>
        %lt3A_722 = arith.cmpi slt, %shift_right_arithmetic3A_25, %lt3A_721 : vector<16xi32>
        %add3A_723 = arith.constant 16 : i32
        %add3A_724 = vector.broadcast %add3A_723 : i32 to vector<16xi32>
        %add3A_725 = arith.addi %shift_right_arithmetic3A_25, %add3A_724 : vector<16xi32>
        %select_n3A_726 = arith.select %lt3A_722, %add3A_725, %shift_right_arithmetic3A_25 : vector<16xi1>, vector<16xi32>
        %broadcast_in_dim3A_727 = vector.shape_cast %select_n3A_726 : vector<16xi32> to vector<16x1xi32>
        %gather3A_728 = vector.shape_cast %broadcast_in_dim3A_727 : vector<16x1xi32> to vector<16xi32>
        %gather3A_729 = tpu.dynamic_gather %exp3A_637[%gather3A_728] in [0] : vector<16xf32>, vector<16xi32> -> vector<16xf32>
        %get3A_730 = arith.constant 0 : i32
        %get3A_731 = arith.constant 0 : i32
        %get3A_732 = tpu.memref_slice %arg10[%scan3A_175, %get3A_730, %get3A_731] : memref<2x125x80xf32, #tpu.memory_space<vmem>> -> memref<1x125x80xf32, #tpu.memory_space<vmem>>
        %get3A_733 = tpu.memref_squeeze %get3A_732 : memref<1x125x80xf32, #tpu.memory_space<vmem>> -> memref<125x80xf32, #tpu.memory_space<vmem>>
        %get3A_734 = arith.index_cast %scan3A_617 : i32 to index
        %get3A_735 = arith.constant 48 : index
        %get3A_736 = tpu.vector_load %get3A_733[%get3A_734, %get3A_735] {strides = array<i32>} : memref<125x80xf32, #tpu.memory_space<vmem>>, vector<16xf32>,
        %mul3A_737 = arith.mulf %get3A_736, %gather3A_729 : vector<16xf32>
        %swap3A_738 = arith.constant 0 : i32
        %swap3A_739 = arith.constant 0 : i32
        %swap3A_740 = tpu.memref_slice %arg12[%scan3A_177, %swap3A_738, %swap3A_739] : memref<2x125x80xf32, #tpu.memory_space<vmem>> -> memref<1x125x80xf32, #tpu.memory_space<vmem>>
        %swap3A_741 = tpu.memref_squeeze %swap3A_740 : memref<1x125x80xf32, #tpu.memory_space<vmem>> -> memref<125x80xf32, #tpu.memory_space<vmem>>
        %swap3A_742 = arith.index_cast %scan3A_617 : i32 to index
        %swap3A_743 = arith.constant 48 : index
        %swap3A_744 = tpu.vector_load %swap3A_741[%swap3A_742, %swap3A_743] {strides = array<i32>} : memref<125x80xf32, #tpu.memory_space<vmem>>, vector<16xf32>,
        tpu.vector_store %swap3A_741[%swap3A_742, %swap3A_743], %mul3A_737 {strides = array<i32>} : memref<125x80xf32, #tpu.memory_space<vmem>>, vector<16xf32>,
        %scan3A_745 = arith.constant 4 : i32
        %scan3A_746 = arith.addi %scan3A_238, %scan3A_745 : i32
        %get3A_747 = arith.constant 0 : i32
        %get3A_748 = arith.constant 0 : i32
        %get3A_749 = tpu.memref_slice %arg10[%scan3A_175, %get3A_747, %get3A_748] : memref<2x125x80xf32, #tpu.memory_space<vmem>> -> memref<1x125x80xf32, #tpu.memory_space<vmem>>
        %get3A_750 = tpu.memref_squeeze %get3A_749 : memref<1x125x80xf32, #tpu.memory_space<vmem>> -> memref<125x80xf32, #tpu.memory_space<vmem>>
        %get3A_751 = arith.index_cast %scan3A_746 : i32 to index
        %get3A_752 = arith.constant 64 : index
        %get3A_753 = tpu.vector_load %get3A_750[%get3A_751, %get3A_752] {strides = array<i32>} : memref<125x80xf32, #tpu.memory_space<vmem>>, vector<16xf32>,
        %get3A_754 = arith.constant 0 : i32
        %get3A_755 = arith.constant 0 : i32
        %get3A_756 = tpu.memref_slice %arg11[%scan3A_176, %get3A_754, %get3A_755] : memref<2x125x16xf32, #tpu.memory_space<vmem>> -> memref<1x125x16xf32, #tpu.memory_space<vmem>>
        %get3A_757 = tpu.memref_squeeze %get3A_756 : memref<1x125x16xf32, #tpu.memory_space<vmem>> -> memref<125x16xf32, #tpu.memory_space<vmem>>
        %get3A_758 = arith.index_cast %scan3A_746 : i32 to index
        %get3A_759 = arith.constant 0 : index
        %get3A_760 = tpu.vector_load %get3A_757[%get3A_758, %get3A_759] {strides = array<i32>} : memref<125x16xf32, #tpu.memory_space<vmem>>, vector<16xf32>,
        %add3A_761 = arith.addf %get3A_753, %get3A_760 : vector<16xf32>
        %mul3A_762 = arith.constant 2.000000e-01 : f32
        %mul3A_763 = vector.broadcast %mul3A_762 : f32 to vector<16xf32>
        %mul3A_764 = arith.mulf %mul3A_763, %add3A_761 : vector<16xf32>
        %max3A_765 = arith.maximumf %add3A_761, %mul3A_764 : vector<16xf32>
        %exp3A_766 = math.exp %max3A_765 : vector<16xf32>
        %swap3A_767 = arith.constant 0 : i32
        %swap3A_768 = arith.constant 0 : i32
        %swap3A_769 = tpu.memref_slice %arg12[%scan3A_177, %swap3A_767, %swap3A_768] : memref<2x125x80xf32, #tpu.memory_space<vmem>> -> memref<1x125x80xf32, #tpu.memory_space<vmem>>
        %swap3A_770 = tpu.memref_squeeze %swap3A_769 : memref<1x125x80xf32, #tpu.memory_space<vmem>> -> memref<125x80xf32, #tpu.memory_space<vmem>>
        %swap3A_771 = arith.index_cast %scan3A_746 : i32 to index
        %swap3A_772 = arith.constant 64 : index
        %swap3A_773 = tpu.vector_load %swap3A_770[%swap3A_771, %swap3A_772] {strides = array<i32>} : memref<125x80xf32, #tpu.memory_space<vmem>>, vector<16xf32>,
        tpu.vector_store %swap3A_770[%swap3A_771, %swap3A_772], %exp3A_766 {strides = array<i32>} : memref<125x80xf32, #tpu.memory_space<vmem>>, vector<16xf32>,
        %lt3A_774 = arith.constant 0 : i32
        %lt3A_775 = vector.broadcast %lt3A_774 : i32 to vector<16xi32>
        %lt3A_776 = arith.cmpi slt, %shift_right_arithmetic3A_7, %lt3A_775 : vector<16xi32>
        %add3A_777 = arith.constant 16 : i32
        %add3A_778 = vector.broadcast %add3A_777 : i32 to vector<16xi32>
        %add3A_779 = arith.addi %shift_right_arithmetic3A_7, %add3A_778 : vector<16xi32>
        %select_n3A_780 = arith.select %lt3A_776, %add3A_779, %shift_right_arithmetic3A_7 : vector<16xi1>, vector<16xi32>
        %broadcast_in_dim3A_781 = vector.shape_cast %select_n3A_780 : vector<16xi32> to vector<16x1xi32>
        %gather3A_782 = vector.shape_cast %broadcast_in_dim3A_781 : vector<16x1xi32> to vector<16xi32>
        %gather3A_783 = tpu.dynamic_gather %exp3A_766[%gather3A_782] in [0] : vector<16xf32>, vector<16xi32> -> vector<16xf32>
        %get3A_784 = arith.constant 0 : i32
        %get3A_785 = arith.constant 0 : i32
        %get3A_786 = tpu.memref_slice %arg10[%scan3A_175, %get3A_784, %get3A_785] : memref<2x125x80xf32, #tpu.memory_space<vmem>> -> memref<1x125x80xf32, #tpu.memory_space<vmem>>
        %get3A_787 = tpu.memref_squeeze %get3A_786 : memref<1x125x80xf32, #tpu.memory_space<vmem>> -> memref<125x80xf32, #tpu.memory_space<vmem>>
        %get3A_788 = arith.index_cast %scan3A_746 : i32 to index
        %get3A_789 = arith.constant 0 : index
        %get3A_790 = tpu.vector_load %get3A_787[%get3A_788, %get3A_789] {strides = array<i32>} : memref<125x80xf32, #tpu.memory_space<vmem>>, vector<16xf32>,
        %mul3A_791 = arith.mulf %get3A_790, %gather3A_783 : vector<16xf32>
        %swap3A_792 = arith.constant 0 : i32
        %swap3A_793 = arith.constant 0 : i32
        %swap3A_794 = tpu.memref_slice %arg12[%scan3A_177, %swap3A_792, %swap3A_793] : memref<2x125x80xf32, #tpu.memory_space<vmem>> -> memref<1x125x80xf32, #tpu.memory_space<vmem>>
        %swap3A_795 = tpu.memref_squeeze %swap3A_794 : memref<1x125x80xf32, #tpu.memory_space<vmem>> -> memref<125x80xf32, #tpu.memory_space<vmem>>
        %swap3A_796 = arith.index_cast %scan3A_746 : i32 to index
        %swap3A_797 = arith.constant 0 : index
        %swap3A_798 = tpu.vector_load %swap3A_795[%swap3A_796, %swap3A_797] {strides = array<i32>} : memref<125x80xf32, #tpu.memory_space<vmem>>, vector<16xf32>,
        tpu.vector_store %swap3A_795[%swap3A_796, %swap3A_797], %mul3A_791 {strides = array<i32>} : memref<125x80xf32, #tpu.memory_space<vmem>>, vector<16xf32>,
        %lt3A_799 = arith.constant 0 : i32
        %lt3A_800 = vector.broadcast %lt3A_799 : i32 to vector<16xi32>
        %lt3A_801 = arith.cmpi slt, %shift_right_arithmetic3A_13, %lt3A_800 : vector<16xi32>
        %add3A_802 = arith.constant 16 : i32
        %add3A_803 = vector.broadcast %add3A_802 : i32 to vector<16xi32>
        %add3A_804 = arith.addi %shift_right_arithmetic3A_13, %add3A_803 : vector<16xi32>
        %select_n3A_805 = arith.select %lt3A_801, %add3A_804, %shift_right_arithmetic3A_13 : vector<16xi1>, vector<16xi32>
        %broadcast_in_dim3A_806 = vector.shape_cast %select_n3A_805 : vector<16xi32> to vector<16x1xi32>
        %gather3A_807 = vector.shape_cast %broadcast_in_dim3A_806 : vector<16x1xi32> to vector<16xi32>
        %gather3A_808 = tpu.dynamic_gather %exp3A_766[%gather3A_807] in [0] : vector<16xf32>, vector<16xi32> -> vector<16xf32>
        %get3A_809 = arith.constant 0 : i32
        %get3A_810 = arith.constant 0 : i32
        %get3A_811 = tpu.memref_slice %arg10[%scan3A_175, %get3A_809, %get3A_810] : memref<2x125x80xf32, #tpu.memory_space<vmem>> -> memref<1x125x80xf32, #tpu.memory_space<vmem>>
        %get3A_812 = tpu.memref_squeeze %get3A_811 : memref<1x125x80xf32, #tpu.memory_space<vmem>> -> memref<125x80xf32, #tpu.memory_space<vmem>>
        %get3A_813 = arith.index_cast %scan3A_746 : i32 to index
        %get3A_814 = arith.constant 16 : index
        %get3A_815 = tpu.vector_load %get3A_812[%get3A_813, %get3A_814] {strides = array<i32>} : memref<125x80xf32, #tpu.memory_space<vmem>>, vector<16xf32>,
        %mul3A_816 = arith.mulf %get3A_815, %gather3A_808 : vector<16xf32>
        %swap3A_817 = arith.constant 0 : i32
        %swap3A_818 = arith.constant 0 : i32
        %swap3A_819 = tpu.memref_slice %arg12[%scan3A_177, %swap3A_817, %swap3A_818] : memref<2x125x80xf32, #tpu.memory_space<vmem>> -> memref<1x125x80xf32, #tpu.memory_space<vmem>>
        %swap3A_820 = tpu.memref_squeeze %swap3A_819 : memref<1x125x80xf32, #tpu.memory_space<vmem>> -> memref<125x80xf32, #tpu.memory_space<vmem>>
        %swap3A_821 = arith.index_cast %scan3A_746 : i32 to index
        %swap3A_822 = arith.constant 16 : index
        %swap3A_823 = tpu.vector_load %swap3A_820[%swap3A_821, %swap3A_822] {strides = array<i32>} : memref<125x80xf32, #tpu.memory_space<vmem>>, vector<16xf32>,
        tpu.vector_store %swap3A_820[%swap3A_821, %swap3A_822], %mul3A_816 {strides = array<i32>} : memref<125x80xf32, #tpu.memory_space<vmem>>, vector<16xf32>,
        %lt3A_824 = arith.constant 0 : i32
        %lt3A_825 = vector.broadcast %lt3A_824 : i32 to vector<16xi32>
        %lt3A_826 = arith.cmpi slt, %shift_right_arithmetic3A_19, %lt3A_825 : vector<16xi32>
        %add3A_827 = arith.constant 16 : i32
        %add3A_828 = vector.broadcast %add3A_827 : i32 to vector<16xi32>
        %add3A_829 = arith.addi %shift_right_arithmetic3A_19, %add3A_828 : vector<16xi32>
        %select_n3A_830 = arith.select %lt3A_826, %add3A_829, %shift_right_arithmetic3A_19 : vector<16xi1>, vector<16xi32>
        %broadcast_in_dim3A_831 = vector.shape_cast %select_n3A_830 : vector<16xi32> to vector<16x1xi32>
        %gather3A_832 = vector.shape_cast %broadcast_in_dim3A_831 : vector<16x1xi32> to vector<16xi32>
        %gather3A_833 = tpu.dynamic_gather %exp3A_766[%gather3A_832] in [0] : vector<16xf32>, vector<16xi32> -> vector<16xf32>
        %get3A_834 = arith.constant 0 : i32
        %get3A_835 = arith.constant 0 : i32
        %get3A_836 = tpu.memref_slice %arg10[%scan3A_175, %get3A_834, %get3A_835] : memref<2x125x80xf32, #tpu.memory_space<vmem>> -> memref<1x125x80xf32, #tpu.memory_space<vmem>>
        %get3A_837 = tpu.memref_squeeze %get3A_836 : memref<1x125x80xf32, #tpu.memory_space<vmem>> -> memref<125x80xf32, #tpu.memory_space<vmem>>
        %get3A_838 = arith.index_cast %scan3A_746 : i32 to index
        %get3A_839 = arith.constant 32 : index
        %get3A_840 = tpu.vector_load %get3A_837[%get3A_838, %get3A_839] {strides = array<i32>} : memref<125x80xf32, #tpu.memory_space<vmem>>, vector<16xf32>,
        %mul3A_841 = arith.mulf %get3A_840, %gather3A_833 : vector<16xf32>
        %swap3A_842 = arith.constant 0 : i32
        %swap3A_843 = arith.constant 0 : i32
        %swap3A_844 = tpu.memref_slice %arg12[%scan3A_177, %swap3A_842, %swap3A_843] : memref<2x125x80xf32, #tpu.memory_space<vmem>> -> memref<1x125x80xf32, #tpu.memory_space<vmem>>
        %swap3A_845 = tpu.memref_squeeze %swap3A_844 : memref<1x125x80xf32, #tpu.memory_space<vmem>> -> memref<125x80xf32, #tpu.memory_space<vmem>>
        %swap3A_846 = arith.index_cast %scan3A_746 : i32 to index
        %swap3A_847 = arith.constant 32 : index
        %swap3A_848 = tpu.vector_load %swap3A_845[%swap3A_846, %swap3A_847] {strides = array<i32>} : memref<125x80xf32, #tpu.memory_space<vmem>>, vector<16xf32>,
        tpu.vector_store %swap3A_845[%swap3A_846, %swap3A_847], %mul3A_841 {strides = array<i32>} : memref<125x80xf32, #tpu.memory_space<vmem>>, vector<16xf32>,
        %lt3A_849 = arith.constant 0 : i32
        %lt3A_850 = vector.broadcast %lt3A_849 : i32 to vector<16xi32>
        %lt3A_851 = arith.cmpi slt, %shift_right_arithmetic3A_25, %lt3A_850 : vector<16xi32>
        %add3A_852 = arith.constant 16 : i32
        %add3A_853 = vector.broadcast %add3A_852 : i32 to vector<16xi32>
        %add3A_854 = arith.addi %shift_right_arithmetic3A_25, %add3A_853 : vector<16xi32>
        %select_n3A_855 = arith.select %lt3A_851, %add3A_854, %shift_right_arithmetic3A_25 : vector<16xi1>, vector<16xi32>
        %broadcast_in_dim3A_856 = vector.shape_cast %select_n3A_855 : vector<16xi32> to vector<16x1xi32>
        %gather3A_857 = vector.shape_cast %broadcast_in_dim3A_856 : vector<16x1xi32> to vector<16xi32>
        %gather3A_858 = tpu.dynamic_gather %exp3A_766[%gather3A_857] in [0] : vector<16xf32>, vector<16xi32> -> vector<16xf32>
        %get3A_859 = arith.constant 0 : i32
        %get3A_860 = arith.constant 0 : i32
        %get3A_861 = tpu.memref_slice %arg10[%scan3A_175, %get3A_859, %get3A_860] : memref<2x125x80xf32, #tpu.memory_space<vmem>> -> memref<1x125x80xf32, #tpu.memory_space<vmem>>
        %get3A_862 = tpu.memref_squeeze %get3A_861 : memref<1x125x80xf32, #tpu.memory_space<vmem>> -> memref<125x80xf32, #tpu.memory_space<vmem>>
        %get3A_863 = arith.index_cast %scan3A_746 : i32 to index
        %get3A_864 = arith.constant 48 : index
        %get3A_865 = tpu.vector_load %get3A_862[%get3A_863, %get3A_864] {strides = array<i32>} : memref<125x80xf32, #tpu.memory_space<vmem>>, vector<16xf32>,
        %mul3A_866 = arith.mulf %get3A_865, %gather3A_858 : vector<16xf32>
        %swap3A_867 = arith.constant 0 : i32
        %swap3A_868 = arith.constant 0 : i32
        %swap3A_869 = tpu.memref_slice %arg12[%scan3A_177, %swap3A_867, %swap3A_868] : memref<2x125x80xf32, #tpu.memory_space<vmem>> -> memref<1x125x80xf32, #tpu.memory_space<vmem>>
        %swap3A_870 = tpu.memref_squeeze %swap3A_869 : memref<1x125x80xf32, #tpu.memory_space<vmem>> -> memref<125x80xf32, #tpu.memory_space<vmem>>
        %swap3A_871 = arith.index_cast %scan3A_746 : i32 to index
        %swap3A_872 = arith.constant 48 : index
        %swap3A_873 = tpu.vector_load %swap3A_870[%swap3A_871, %swap3A_872] {strides = array<i32>} : memref<125x80xf32, #tpu.memory_space<vmem>>, vector<16xf32>,
        tpu.vector_store %swap3A_870[%swap3A_871, %swap3A_872], %mul3A_866 {strides = array<i32>} : memref<125x80xf32, #tpu.memory_space<vmem>>, vector<16xf32>,
      }
      %scan3A_182 = arith.constant 125 : i32
      %dma_start3A_183 = arith.constant 1 : i32
      %dma_start3A_184 = arith.constant 0 : i32
      %dma_start3A_185 = arith.constant 0 : i32
      %dma_start3A_186 = tpu.memref_slice %arg12[%dma_start3A_183, %dma_start3A_184, %dma_start3A_185] : memref<2x125x80xf32, #tpu.memory_space<vmem>> -> memref<1x125x80xf32, #tpu.memory_space<vmem>>
      %dma_start3A_187 = tpu.memref_squeeze %dma_start3A_186 : memref<1x125x80xf32, #tpu.memory_space<vmem>> -> memref<125x80xf32, #tpu.memory_space<vmem>>
      %dma_start3A_188 = arith.constant 0 : i32
      %dma_start3A_189 = tpu.memref_slice %arg9[%add3A_173, %dma_start3A_188] : memref<80x125xi32, #tpu.memory_space<vmem>> -> memref<1x125xi32, #tpu.memory_space<vmem>>
      %dma_start3A_190 = tpu.memref_squeeze %dma_start3A_189 : memref<1x125xi32, #tpu.memory_space<vmem>> -> memref<125xi32, #tpu.memory_space<vmem>>
      %dma_start3A_191 = arith.constant 0 : i32
      %dma_start3A_192 = arith.constant 0 : i32
      %dma_start3A_193 = tpu.memref_slice %arg13[%dma_start3A_191, %dma_start3A_192] : memref<10240x80xf32, #tpu.memory_space<vmem_shared>> -> memref<10240x80xf32, #tpu.memory_space<vmem_shared>>
      tpu.enqueue_indirect_dma source(%dma_start3A_187 : memref<125x80xf32, #tpu.memory_space<vmem>>) target(%dma_start3A_193 : memref<10240x80xf32, #tpu.memory_space<vmem_shared>>) offsets(%dma_start3A_190 : memref<125xi32, #tpu.memory_space<vmem>>) semaphore(%arg17 : memref<!tpu.dma_semaphore, #tpu.memory_space<semaphore_mem>>) {add = true}
      %dma_wait3A_194 = arith.constant 0 : i32
      %dma_wait3A_195 = arith.constant 0 : i32
      %dma_wait3A_196 = arith.constant 0 : i32
      %dma_wait3A_197 = tpu.memref_slice %arg10[%dma_wait3A_194, %dma_wait3A_195, %dma_wait3A_196] : memref<2x125x80xf32, #tpu.memory_space<vmem>> -> memref<1x125x80xf32, #tpu.memory_space<vmem>>
      %dma_wait3A_198 = tpu.memref_squeeze %dma_wait3A_197 : memref<1x125x80xf32, #tpu.memory_space<vmem>> -> memref<125x80xf32, #tpu.memory_space<vmem>>
      %dma_wait3A_199 = arith.constant 0 : i32
      %dma_wait3A_200 = tpu.memref_slice %arg8[%min3A_149, %dma_wait3A_199] : memref<80x125xi32, #tpu.memory_space<vmem>> -> memref<1x125xi32, #tpu.memory_space<vmem>>
      %dma_wait3A_201 = tpu.memref_squeeze %dma_wait3A_200 : memref<1x125xi32, #tpu.memory_space<vmem>> -> memref<125xi32, #tpu.memory_space<vmem>>
      %dma_wait3A_202 = arith.constant 0 : i32
      %dma_wait3A_203 = arith.constant 0 : i32
      %dma_wait3A_204 = tpu.memref_slice %arg2[%dma_wait3A_202, %dma_wait3A_203] : memref<10000x80xf32, #tpu.memory_space<hbm>> -> memref<10000x80xf32, #tpu.memory_space<hbm>>
      tpu.wait_indirect_dma semaphore(%arg14 : memref<!tpu.dma_semaphore, #tpu.memory_space<semaphore_mem>>) src(%dma_wait3A_204 : memref<10000x80xf32, #tpu.memory_space<hbm>>) dst(%dma_wait3A_198 : memref<125x80xf32, #tpu.memory_space<vmem>>)
      %dma_wait3A_205 = arith.constant 0 : i32
      %dma_wait3A_206 = arith.constant 0 : i32
      %dma_wait3A_207 = arith.constant 0 : i32
      %dma_wait3A_208 = tpu.memref_slice %arg11[%dma_wait3A_205, %dma_wait3A_206, %dma_wait3A_207] : memref<2x125x16xf32, #tpu.memory_space<vmem>> -> memref<1x125x16xf32, #tpu.memory_space<vmem>>
      %dma_wait3A_209 = tpu.memref_squeeze %dma_wait3A_208 : memref<1x125x16xf32, #tpu.memory_space<vmem>> -> memref<125x16xf32, #tpu.memory_space<vmem>>
      %dma_wait3A_210 = arith.constant 0 : i32
      %dma_wait3A_211 = tpu.memref_slice %arg9[%min3A_149, %dma_wait3A_210] : memref<80x125xi32, #tpu.memory_space<vmem>> -> memref<1x125xi32, #tpu.memory_space<vmem>>
      %dma_wait3A_212 = tpu.memref_squeeze %dma_wait3A_211 : memref<1x125xi32, #tpu.memory_space<vmem>> -> memref<125xi32, #tpu.memory_space<vmem>>
      %dma_wait3A_213 = arith.constant 0 : i32
      %dma_wait3A_214 = arith.constant 0 : i32
      %dma_wait3A_215 = tpu.memref_slice %arg3[%dma_wait3A_213, %dma_wait3A_214] : memref<10000x16xf32, #tpu.memory_space<hbm>> -> memref<10000x16xf32, #tpu.memory_space<hbm>>
      tpu.wait_indirect_dma semaphore(%arg14 : memref<!tpu.dma_semaphore, #tpu.memory_space<semaphore_mem>>) src(%dma_wait3A_215 : memref<10000x16xf32, #tpu.memory_space<hbm>>) dst(%dma_wait3A_209 : memref<125x16xf32, #tpu.memory_space<vmem>>)
      %dma_wait3A_216 = arith.constant 0 : i32
      %dma_wait3A_217 = arith.constant 0 : i32
      %dma_wait3A_218 = arith.constant 0 : i32
      %dma_wait3A_219 = tpu.memref_slice %arg12[%dma_wait3A_216, %dma_wait3A_217, %dma_wait3A_218] : memref<2x125x80xf32, #tpu.memory_space<vmem>> -> memref<1x125x80xf32, #tpu.memory_space<vmem>>
      %dma_wait3A_220 = tpu.memref_squeeze %dma_wait3A_219 : memref<1x125x80xf32, #tpu.memory_space<vmem>> -> memref<125x80xf32, #tpu.memory_space<vmem>>
      %dma_wait3A_221 = arith.constant 0 : i32
      %dma_wait3A_222 = tpu.memref_slice %arg9[%mul3A_80, %dma_wait3A_221] : memref<80x125xi32, #tpu.memory_space<vmem>> -> memref<1x125xi32, #tpu.memory_space<vmem>>
      %dma_wait3A_223 = tpu.memref_squeeze %dma_wait3A_222 : memref<1x125xi32, #tpu.memory_space<vmem>> -> memref<125xi32, #tpu.memory_space<vmem>>
      %dma_wait3A_224 = arith.constant 0 : i32
      %dma_wait3A_225 = arith.constant 0 : i32
      %dma_wait3A_226 = tpu.memref_slice %arg13[%dma_wait3A_224, %dma_wait3A_225] : memref<10240x80xf32, #tpu.memory_space<vmem_shared>> -> memref<10240x80xf32, #tpu.memory_space<vmem_shared>>
      tpu.wait_indirect_dma semaphore(%arg16 : memref<!tpu.dma_semaphore, #tpu.memory_space<semaphore_mem>>) src(%dma_wait3A_220 : memref<125x80xf32, #tpu.memory_space<vmem>>) dst(%dma_wait3A_226 : memref<10240x80xf32, #tpu.memory_space<vmem_shared>>)
      %dma_wait3A_227 = arith.constant 1 : i32
      %dma_wait3A_228 = arith.constant 0 : i32
      %dma_wait3A_229 = arith.constant 0 : i32
      %dma_wait3A_230 = tpu.memref_slice %arg12[%dma_wait3A_227, %dma_wait3A_228, %dma_wait3A_229] : memref<2x125x80xf32, #tpu.memory_space<vmem>> -> memref<1x125x80xf32, #tpu.memory_space<vmem>>
      %dma_wait3A_231 = tpu.memref_squeeze %dma_wait3A_230 : memref<1x125x80xf32, #tpu.memory_space<vmem>> -> memref<125x80xf32, #tpu.memory_space<vmem>>
      %dma_wait3A_232 = arith.constant 0 : i32
      %dma_wait3A_233 = tpu.memref_slice %arg9[%add3A_173, %dma_wait3A_232] : memref<80x125xi32, #tpu.memory_space<vmem>> -> memref<1x125xi32, #tpu.memory_space<vmem>>
      %dma_wait3A_234 = tpu.memref_squeeze %dma_wait3A_233 : memref<1x125xi32, #tpu.memory_space<vmem>> -> memref<125xi32, #tpu.memory_space<vmem>>
      %dma_wait3A_235 = arith.constant 0 : i32
      %dma_wait3A_236 = arith.constant 0 : i32
      %dma_wait3A_237 = tpu.memref_slice %arg13[%dma_wait3A_235, %dma_wait3A_236] : memref<10240x80xf32, #tpu.memory_space<vmem_shared>> -> memref<10240x80xf32, #tpu.memory_space<vmem_shared>>
      tpu.wait_indirect_dma semaphore(%arg17 : memref<!tpu.dma_semaphore, #tpu.memory_space<semaphore_mem>>) src(%dma_wait3A_231 : memref<125x80xf32, #tpu.memory_space<vmem>>) dst(%dma_wait3A_237 : memref<10240x80xf32, #tpu.memory_space<vmem_shared>>)
    }
    %scan3A_76 = arith.constant 40 : i32
    %barrier3A_77 = arith.constant 0 : index
    tpu.barrier barrier_id(%barrier3A_77)
    "tpu.region"() ({
      %run_scoped3A = tpu.sem_alloc : memref<!tpu.dma_semaphore, #tpu.memory_space<semaphore_mem>>
      %dma_start3A_78 = arith.constant 0 : i32
      %dma_start3A_79 = tpu.memref_slice %arg7[%arg0, %mul3A_2, %dma_start3A_78] : memref<2x10240x80xf32, #tpu.memory_space<hbm>> -> memref<1x640x80xf32, #tpu.memory_space<hbm>>
      %dma_start3A_80 = tpu.memref_squeeze %dma_start3A_79 : memref<1x640x80xf32, #tpu.memory_space<hbm>> -> memref<640x80xf32, #tpu.memory_space<hbm>>
      %dma_start3A_81 = arith.constant 0 : i32
      %dma_start3A_82 = tpu.memref_slice %arg13[%mul3A_2, %dma_start3A_81] : memref<10240x80xf32, #tpu.memory_space<vmem_shared>> -> memref<640x80xf32, #tpu.memory_space<vmem_shared>>
      tpu.enqueue_dma source(%dma_start3A_82 : memref<640x80xf32, #tpu.memory_space<vmem_shared>>) target(%dma_start3A_80 : memref<640x80xf32, #tpu.memory_space<hbm>>) target_semaphore(%run_scoped3A : memref<!tpu.dma_semaphore, #tpu.memory_space<semaphore_mem>>)
      %dma_wait3A_83 = arith.constant 0 : i32
      %dma_wait3A_84 = tpu.memref_slice %arg7[%arg0, %mul3A_2, %dma_wait3A_83] : memref<2x10240x80xf32, #tpu.memory_space<hbm>> -> memref<1x640x80xf32, #tpu.memory_space<hbm>>
      %dma_wait3A_85 = tpu.memref_squeeze %dma_wait3A_84 : memref<1x640x80xf32, #tpu.memory_space<hbm>> -> memref<640x80xf32, #tpu.memory_space<hbm>>
      %dma_wait3A_86 = arith.constant 0 : i32
      %dma_wait3A_87 = tpu.memref_slice %arg13[%mul3A_2, %dma_wait3A_86] : memref<10240x80xf32, #tpu.memory_space<vmem_shared>> -> memref<640x80xf32, #tpu.memory_space<vmem_shared>>
      tpu.wait_dma2 semaphore(%run_scoped3A : memref<!tpu.dma_semaphore, #tpu.memory_space<semaphore_mem>>) src(%dma_wait3A_87 : memref<640x80xf32, #tpu.memory_space<vmem_shared>>) dst(%dma_wait3A_85 : memref<640x80xf32, #tpu.memory_space<hbm>>)
      tpu.yield
    }) : () -> ()
    return
  }
}

module attributes {stable_mosaic.version = 14 : i64} {
  func.func @_prep1_body(%arg0: memref<10000x128xf32, #tpu.memory_space<vmem>>, %arg1: memref<128x64xf32, #tpu.memory_space<vmem>>, %arg2: memref<64x8xf32, #tpu.memory_space<vmem>>, %arg3: memref<64x8xf32, #tpu.memory_space<vmem>>, %arg4: memref<10000x64xf32, #tpu.memory_space<vmem>>, %arg5: memref<10000x8xf32, #tpu.memory_space<vmem>>, %arg6: memref<10000x8xf32, #tpu.memory_space<vmem>>) attributes {dimension_semantics = [], scalar_prefetch = 0 : i64, scratch_operands = 0 : i64, tpu.core_type = #tpu.core_type<tc>} {
    %get3A = arith.constant 0 : index
    %get3A_0 = arith.constant 0 : index
    %get3A_1 = vector.load %arg0[%get3A, %get3A_0] : memref<10000x128xf32, #tpu.memory_space<vmem>>, vector<10000x128xf32>
    %get3A_2 = arith.constant 0 : index
    %get3A_3 = arith.constant 0 : index
    %get3A_4 = vector.load %arg1[%get3A_2, %get3A_3] : memref<128x64xf32, #tpu.memory_space<vmem>>, vector<128x64xf32>
    %dot_general3A = arith.constant dense<0.000000e+00> : vector<10000x64xf32>
    %dot_general3A_5 = tpu.matmul %get3A_1, %get3A_4, %dot_general3A {dimension_numbers = #tpu.dot_dimension_numbers<[1], [0], [0], [1], [0, 0, 1, 1], [], []>, transpose_lhs_hint = false} : vector<10000x128xf32>, vector<128x64xf32>, vector<10000x64xf32> -> vector<10000x64xf32>
    %swap3A = arith.constant 0 : index
    %swap3A_6 = arith.constant 0 : index
    %swap3A_7 = vector.load %arg4[%swap3A, %swap3A_6] : memref<10000x64xf32, #tpu.memory_space<vmem>>, vector<10000x64xf32>
    tpu.vector_store %arg4[%swap3A, %swap3A_6], %dot_general3A_5 {strides = array<i32>} : memref<10000x64xf32, #tpu.memory_space<vmem>>, vector<10000x64xf32>,
    %get3A_8 = arith.constant 0 : index
    %get3A_9 = arith.constant 0 : index
    %get3A_10 = vector.load %arg2[%get3A_8, %get3A_9] : memref<64x8xf32, #tpu.memory_space<vmem>>, vector<64x8xf32>
    %dot_general3A_11 = arith.constant dense<0.000000e+00> : vector<10000x8xf32>
    %dot_general3A_12 = tpu.matmul %dot_general3A_5, %get3A_10, %dot_general3A_11 {dimension_numbers = #tpu.dot_dimension_numbers<[1], [0], [0], [1], [0, 0, 1, 1], [], []>, transpose_lhs_hint = false} : vector<10000x64xf32>, vector<64x8xf32>, vector<10000x8xf32> -> vector<10000x8xf32>
    %swap3A_13 = arith.constant 0 : index
    %swap3A_14 = arith.constant 0 : index
    %swap3A_15 = vector.load %arg5[%swap3A_13, %swap3A_14] : memref<10000x8xf32, #tpu.memory_space<vmem>>, vector<10000x8xf32>
    tpu.vector_store %arg5[%swap3A_13, %swap3A_14], %dot_general3A_12 {strides = array<i32>} : memref<10000x8xf32, #tpu.memory_space<vmem>>, vector<10000x8xf32>,
    %get3A_16 = arith.constant 0 : index
    %get3A_17 = arith.constant 0 : index
    %get3A_18 = vector.load %arg3[%get3A_16, %get3A_17] : memref<64x8xf32, #tpu.memory_space<vmem>>, vector<64x8xf32>
    %dot_general3A_19 = arith.constant dense<0.000000e+00> : vector<10000x8xf32>
    %dot_general3A_20 = tpu.matmul %dot_general3A_5, %get3A_18, %dot_general3A_19 {dimension_numbers = #tpu.dot_dimension_numbers<[1], [0], [0], [1], [0, 0, 1, 1], [], []>, transpose_lhs_hint = false} : vector<10000x64xf32>, vector<64x8xf32>, vector<10000x8xf32> -> vector<10000x8xf32>
    %swap3A_21 = arith.constant 0 : index
    %swap3A_22 = arith.constant 0 : index
    %swap3A_23 = vector.load %arg6[%swap3A_21, %swap3A_22] : memref<10000x8xf32, #tpu.memory_space<vmem>>, vector<10000x8xf32>
    tpu.vector_store %arg6[%swap3A_21, %swap3A_22], %dot_general3A_20 {strides = array<i32>} : memref<10000x8xf32, #tpu.memory_space<vmem>>, vector<10000x8xf32>,
    return
  }
}

module attributes {stable_mosaic.version = 14 : i64} {
  func.func @_mid_body(%arg0: memref<10000x80xf32, #tpu.memory_space<vmem>>, %arg1: memref<10000x80xf32, #tpu.memory_space<vmem>>, %arg2: memref<8x64xf32, #tpu.memory_space<vmem>>, %arg3: memref<1x64xf32, #tpu.memory_space<vmem>>, %arg4: memref<64x64xf32, #tpu.memory_space<vmem>>, %arg5: memref<64x8xf32, #tpu.memory_space<vmem>>, %arg6: memref<64x8xf32, #tpu.memory_space<vmem>>, %arg7: memref<10000x64xf32, #tpu.memory_space<vmem>>, %arg8: memref<10000x8xf32, #tpu.memory_space<vmem>>, %arg9: memref<10000x8xf32, #tpu.memory_space<vmem>>) attributes {dimension_semantics = [], scalar_prefetch = 0 : i64, scratch_operands = 0 : i64, tpu.core_type = #tpu.core_type<tc>} {
    %get3A = arith.constant 0 : index
    %get3A_0 = arith.constant 0 : index
    %get3A_1 = vector.load %arg0[%get3A, %get3A_0] : memref<10000x80xf32, #tpu.memory_space<vmem>>, vector<10000x80xf32>
    %get3A_2 = arith.constant 0 : index
    %get3A_3 = arith.constant 0 : index
    %get3A_4 = vector.load %arg1[%get3A_2, %get3A_3] : memref<10000x80xf32, #tpu.memory_space<vmem>>, vector<10000x80xf32>
    %add3A = arith.addf %get3A_1, %get3A_4 : vector<10000x80xf32>
    %slice3A = vector.extract_strided_slice %add3A {offsets = [0, 64], sizes = [10000, 8], strides = [1, 1]} : vector<10000x80xf32> to vector<10000x8xf32>
    %get3A_5 = arith.constant 0 : index
    %get3A_6 = arith.constant 0 : index
    %get3A_7 = vector.load %arg2[%get3A_5, %get3A_6] : memref<8x64xf32, #tpu.memory_space<vmem>>, vector<8x64xf32>
    %dot_general3A = arith.constant dense<0.000000e+00> : vector<10000x64xf32>
    %dot_general3A_8 = tpu.matmul %slice3A, %get3A_7, %dot_general3A {dimension_numbers = #tpu.dot_dimension_numbers<[1], [0], [0], [1], [0, 0, 1, 1], [], []>, transpose_lhs_hint = false} : vector<10000x8xf32>, vector<8x64xf32>, vector<10000x64xf32> -> vector<10000x64xf32>
    %slice3A_9 = vector.extract_strided_slice %add3A {offsets = [0, 0], sizes = [10000, 64], strides = [1, 1]} : vector<10000x80xf32> to vector<10000x64xf32>
    %add3A_10 = arith.constant 1.000000e-16 : f32
    %add3A_11 = vector.broadcast %add3A_10 : f32 to vector<10000x64xf32>
    %add3A_12 = arith.addf %dot_general3A_8, %add3A_11 : vector<10000x64xf32>
    %div3A = arith.divf %slice3A_9, %add3A_12 : vector<10000x64xf32>
    %get3A_13 = arith.constant 0 : index
    %get3A_14 = arith.constant 0 : index
    %get3A_15 = vector.load %arg3[%get3A_13, %get3A_14] : memref<1x64xf32, #tpu.memory_space<vmem>>, vector<1x64xf32>
    %add3A_16 = vector.broadcast %get3A_15 : vector<1x64xf32> to vector<10000x64xf32>
    %add3A_17 = arith.addf %div3A, %add3A_16 : vector<10000x64xf32>
    %gt3A = arith.constant 0.000000e+00 : f32
    %gt3A_18 = vector.broadcast %gt3A : f32 to vector<10000x64xf32>
    %gt3A_19 = arith.cmpf ogt, %add3A_17, %gt3A_18 : vector<10000x64xf32>
    %exp3A = math.exp %add3A_17 : vector<10000x64xf32>
    %sub3A = arith.constant 1.000000e+00 : f32
    %sub3A_20 = vector.broadcast %sub3A : f32 to vector<10000x64xf32>
    %sub3A_21 = arith.subf %exp3A, %sub3A_20 : vector<10000x64xf32>
    %select_n3A = arith.select %gt3A_19, %add3A_17, %sub3A_21 : vector<10000x64xi1>, vector<10000x64xf32>
    %get3A_22 = arith.constant 0 : index
    %get3A_23 = arith.constant 0 : index
    %get3A_24 = vector.load %arg4[%get3A_22, %get3A_23] : memref<64x64xf32, #tpu.memory_space<vmem>>, vector<64x64xf32>
    %dot_general3A_25 = arith.constant dense<0.000000e+00> : vector<10000x64xf32>
    %dot_general3A_26 = tpu.matmul %select_n3A, %get3A_24, %dot_general3A_25 {dimension_numbers = #tpu.dot_dimension_numbers<[1], [0], [0], [1], [0, 0, 1, 1], [], []>, transpose_lhs_hint = false} : vector<10000x64xf32>, vector<64x64xf32>, vector<10000x64xf32> -> vector<10000x64xf32>
    %swap3A = arith.constant 0 : index
    %swap3A_27 = arith.constant 0 : index
    %swap3A_28 = vector.load %arg7[%swap3A, %swap3A_27] : memref<10000x64xf32, #tpu.memory_space<vmem>>, vector<10000x64xf32>
    tpu.vector_store %arg7[%swap3A, %swap3A_27], %dot_general3A_26 {strides = array<i32>} : memref<10000x64xf32, #tpu.memory_space<vmem>>, vector<10000x64xf32>,
    %get3A_29 = arith.constant 0 : index
    %get3A_30 = arith.constant 0 : index
    %get3A_31 = vector.load %arg5[%get3A_29, %get3A_30] : memref<64x8xf32, #tpu.memory_space<vmem>>, vector<64x8xf32>
    %dot_general3A_32 = arith.constant dense<0.000000e+00> : vector<10000x8xf32>
    %dot_general3A_33 = tpu.matmul %dot_general3A_26, %get3A_31, %dot_general3A_32 {dimension_numbers = #tpu.dot_dimension_numbers<[1], [0], [0], [1], [0, 0, 1, 1], [], []>, transpose_lhs_hint = false} : vector<10000x64xf32>, vector<64x8xf32>, vector<10000x8xf32> -> vector<10000x8xf32>
    %swap3A_34 = arith.constant 0 : index
    %swap3A_35 = arith.constant 0 : index
    %swap3A_36 = vector.load %arg8[%swap3A_34, %swap3A_35] : memref<10000x8xf32, #tpu.memory_space<vmem>>, vector<10000x8xf32>
    tpu.vector_store %arg8[%swap3A_34, %swap3A_35], %dot_general3A_33 {strides = array<i32>} : memref<10000x8xf32, #tpu.memory_space<vmem>>, vector<10000x8xf32>,
    %get3A_37 = arith.constant 0 : index
    %get3A_38 = arith.constant 0 : index
    %get3A_39 = vector.load %arg6[%get3A_37, %get3A_38] : memref<64x8xf32, #tpu.memory_space<vmem>>, vector<64x8xf32>
    %dot_general3A_40 = arith.constant dense<0.000000e+00> : vector<10000x8xf32>
    %dot_general3A_41 = tpu.matmul %dot_general3A_26, %get3A_39, %dot_general3A_40 {dimension_numbers = #tpu.dot_dimension_numbers<[1], [0], [0], [1], [0, 0, 1, 1], [], []>, transpose_lhs_hint = false} : vector<10000x64xf32>, vector<64x8xf32>, vector<10000x8xf32> -> vector<10000x8xf32>
    %swap3A_42 = arith.constant 0 : index
    %swap3A_43 = arith.constant 0 : index
    %swap3A_44 = vector.load %arg9[%swap3A_42, %swap3A_43] : memref<10000x8xf32, #tpu.memory_space<vmem>>, vector<10000x8xf32>
    tpu.vector_store %arg9[%swap3A_42, %swap3A_43], %dot_general3A_41 {strides = array<i32>} : memref<10000x8xf32, #tpu.memory_space<vmem>>, vector<10000x8xf32>,
    return
  }
}

module attributes {stable_mosaic.version = 14 : i64} {
  func.func @_final_body(%arg0: memref<10000x80xf32, #tpu.memory_space<vmem>>, %arg1: memref<10000x80xf32, #tpu.memory_space<vmem>>, %arg2: memref<1x64xf32, #tpu.memory_space<vmem>>, %arg3: memref<10000x64xf32, #tpu.memory_space<vmem>>) attributes {dimension_semantics = [], scalar_prefetch = 0 : i64, scratch_operands = 0 : i64, tpu.core_type = #tpu.core_type<tc>} {
    %get3A = arith.constant 0 : index
    %get3A_0 = arith.constant 0 : index
    %get3A_1 = vector.load %arg0[%get3A, %get3A_0] : memref<10000x80xf32, #tpu.memory_space<vmem>>, vector<10000x80xf32>
    %get3A_2 = arith.constant 0 : index
    %get3A_3 = arith.constant 0 : index
    %get3A_4 = vector.load %arg1[%get3A_2, %get3A_3] : memref<10000x80xf32, #tpu.memory_space<vmem>>, vector<10000x80xf32>
    %add3A = arith.addf %get3A_1, %get3A_4 : vector<10000x80xf32>
    %slice3A = vector.extract_strided_slice %add3A {offsets = [0, 64], sizes = [10000, 1], strides = [1, 1]} : vector<10000x80xf32> to vector<10000x1xf32>
    %slice3A_5 = vector.extract_strided_slice %add3A {offsets = [0, 0], sizes = [10000, 64], strides = [1, 1]} : vector<10000x80xf32> to vector<10000x64xf32>
    %add3A_6 = arith.constant 1.000000e-16 : f32
    %add3A_7 = vector.broadcast %add3A_6 : f32 to vector<10000x1xf32>
    %add3A_8 = arith.addf %slice3A, %add3A_7 : vector<10000x1xf32>
    %div3A = vector.broadcast %add3A_8 : vector<10000x1xf32> to vector<10000x64xf32>
    %div3A_9 = arith.divf %slice3A_5, %div3A : vector<10000x64xf32>
    %get3A_10 = arith.constant 0 : index
    %get3A_11 = arith.constant 0 : index
    %get3A_12 = vector.load %arg2[%get3A_10, %get3A_11] : memref<1x64xf32, #tpu.memory_space<vmem>>, vector<1x64xf32>
    %add3A_13 = vector.broadcast %get3A_12 : vector<1x64xf32> to vector<10000x64xf32>
    %add3A_14 = arith.addf %div3A_9, %add3A_13 : vector<10000x64xf32>
    %swap3A = arith.constant 0 : index
    %swap3A_15 = arith.constant 0 : index
    %swap3A_16 = vector.load %arg3[%swap3A, %swap3A_15] : memref<10000x64xf32, #tpu.memory_space<vmem>>, vector<10000x64xf32>
    tpu.vector_store %arg3[%swap3A, %swap3A_15], %add3A_14 {strides = array<i32>} : memref<10000x64xf32, #tpu.memory_space<vmem>>, vector<10000x64xf32>,
    return
  }
}

</mosaic_0001>

<sc_bundles>
// kernel: kernel.10.cloned.1.call-start
scs
__scs_entry_jumppad:
0x0: {  	(pc) =	sbr.rel $0x88, $3  }
0x1: {  	(tag) =	ssettag $0x0;
	lr =	simm.s32 $0x1  }
0x2: {  	[smem:$0x3F97] =	sst lr;
	_ =	strace $0xD0000000  }
0x3: {  	_ = 	snop  }
0x4: {  	_ = 	snop  }
0x5: {  	_ = 	snop  }
0x6: {  	_ = 	snop  }
0x7: {  	_ = 	snop  }
__scs_overlays_trampoline_lowered:
0x8: {  	[smem:$0x3FA6] =	sst s0  }
0x9: {  	[smem:$0x3FA7] =	sst s1  }
0xa: {  	[smem:$0x3FA8] =	sst s2  }
0xb: {  	[smem:$0x3FA9] =	sst s3  }
0xc: {  	[smem:$0x3FAA] =	sst s4  }
0xd: {  	[smem:$0x3FAB] =	sst s5  }
0xe: {  	[smem:$0x3FAC] =	sst s6  }
0xf: {  	[smem:$0x3FAD] =	sst s7  }
0x10: {  	[smem:$0x3FAE] =	sst s8  }
0x11: {  	[smem:$0x3FAF] =	sst s9;
	s0 =	simm.s32 @!p0 $0x0  }
0x12: {  	s1 =	sld [smem:$0x3F95];
	s0 =	simm.s32 @p0 $0x1  }
0x13: {  	[smem:$0x3FB0] =	sst s0;
	s0 =	simm.s32 @!p1 $0x0  }
0x14: {  	s2 =	sld [smem:$0x3F94];
	s0 =	simm.s32 @p1 $0x1  }
0x15: {  	[smem:$0x3FB1] =	sst s0;
	s0 =	simm.s32 @!p2 $0x0  }
0x16: {  	s3 =	sld [smem:$0x3FDB];
	s0 =	simm.s32 @p2 $0x1  }
0x17: {  	s4 =	simm.s32 $0x1BF5;
	[smem:$0x3FB3] =	sst s0  }
0x18: {  	s0 =	sld [smem:$0x3F96];
	_ =	swait.ge [sflag:s4], $0x0  }
0x19: {  	s7 =	sld [smem:$0x3F97]  }
0x1a: {  	s8 =	sadd.s32 $0xFFFFE003, lr  }
0x1b: {  	s9 =	sadd.s32 $0xFFFFFEF7, lr;
	s5 =	simm.s32 $0xFFFFFFFF;
	p2 =	slt.u32 s8, $0xFFFFF086  }
0x1c: {  	p1 =	slt.u32 s9, $0xF7A;
	s5 =	simm.s32 @!p2 $0x0  }
0x1d: {  	s5 =	simm.s32 @p1 $0x1;
	p0 =	seq.s32 s7, s2  }
0x1e: {  	s7 =	smul.u32 @!p0 $0xF7A, s2;
	p2 =	seq.s32 @!p0 s5, $0x0  }
0x1f: {  	s9 =	smul.u32 $0xF7A, s1;
	s8 =	simm.s32 @!p0 $0x1BF5;
	p2 =	por !p2, p0  }
0x20: {  	[sflag:s8] =	ssyncset.s32 @!p0 $0xFFFFF086;
	s6 =	sadd.s32 @!p0 s3, s7;
	s7 =	simm.s32 @!p0 $0x108  }
0x21: {  	s3 =	sadd.s32 s3, s9;
	s6 =	sadd.s32 @!p0 $0x88, s6;
	s7 =	simm.s32 @p2 $0x1082  }
0x22: {  	[simem:s7], [sflag:s8] =	dma.local @!p0 [hbm:s6], $0xF7A  }
0x23: {  	s9 =	sor.u32 $0xD0000000, s2;
	s6 =	simm.s32 $0x108;
	_ =	swait.ge @!p0 [sflag:s8], $0x0  }
0x24: {  	s3 =	sadd.s32 $0x88, s3;
	s6 =	simm.s32 @!p1 $0x1082;
	[sflag:s4] =	ssyncset.s32 $0xFFFFF086  }
0x25: {  	[simem:s6], [sflag:s4] =	dma.local [hbm:s3], $0xF7A  }
0x26: {  	[smem:$0x3F97] =	sst s1;
	(tag) =	ssettag s2;
	_ =	strace s9  }
0x27: {  	s1 =	sld [smem:$0x3FA7]  }
0x28: {  	s2 =	sld [smem:$0x3FA8]  }
0x29: {  	s4 =	sld [smem:$0x3FAA]  }
0x2a: {  	p0 =	seq.s32 s5, $0x0;
	s5 =	sld [smem:$0x3FAB]  }
0x2b: {  	s6 =	sld [smem:$0x3FAC]  }
0x2c: {  	s7 =	sld [smem:$0x3FAD]  }
0x2d: {  	s3 =	simm.s32 $0x108;
	s8 =	sld [smem:$0x3FAE]  }
0x2e: {  	s3 =	simm.s32 @!p0 $0x1082;
	s9 =	sld [smem:$0x3FAF]  }
0x2f: {  	lr =	sadd.s32 s0, s3;
	s0 =	sld [smem:$0x3FA6]  }
0x30: {  	s3 =	sld [smem:$0x3FA9]  }
0x31: {  	[smem:$0x3FB2] =	sst s10  }
0x32: {  	s10 =	sld [smem:$0x3FB0];
	_ =	sdelay $0x3  }
0x33: {  	p0 =	seq.s32 s10, $0x1;
	s10 =	sld [smem:$0x3FB2];
	_ =	sdelay $0x3  }
0x34: {  	[smem:$0x3FB2] =	sst s10  }
0x35: {  	s10 =	sld [smem:$0x3FB1];
	_ =	sdelay $0x3  }
0x36: {  	p1 =	seq.s32 s10, $0x1;
	s10 =	sld [smem:$0x3FB2];
	_ =	sdelay $0x3  }
0x37: {  	[smem:$0x3FB2] =	sst s10  }
0x38: {  	s10 =	sld [smem:$0x3FB3]  }
0x39: {  	_ = 	snop;
	(pc) =	sbr.ind lr, $3  }
0x3a: {  	_ = 	snop  }
0x3b: {  	_ = 	snop  }
0x3c: {  	p2 =	seq.s32 s10, $0x1;
	s10 =	sld [smem:$0x3FB2]  }
0x3d: {  	_ =	shalt  }
0x3e: {  	_ =	shalt  }
0x3f: {  	_ =	shalt  }
0x40: {  	_ =	shalt  }
0x41: {  	_ =	shalt  }
0x42: {  	_ =	shalt  }
0x43: {  	_ =	shalt  }
0x44: {  	_ =	shalt  }
0x45: {  	_ =	shalt  }
0x46: {  	_ =	shalt  }
0x47: {  	_ =	shalt  }
0x48: {  	_ =	shalt  }
0x49: {  	_ =	shalt  }
0x4a: {  	_ =	shalt  }
0x4b: {  	_ =	shalt  }
0x4c: {  	_ =	shalt  }
0x4d: {  	_ =	shalt  }
0x4e: {  	_ =	shalt  }
0x4f: {  	_ =	shalt  }
0x50: {  	_ =	shalt  }
0x51: {  	_ =	shalt  }
0x52: {  	_ =	shalt  }
0x53: {  	_ =	shalt  }
0x54: {  	_ =	shalt  }
0x55: {  	_ =	shalt  }
0x56: {  	_ =	shalt  }
0x57: {  	_ =	shalt  }
0x58: {  	_ =	shalt  }
0x59: {  	_ =	shalt  }
0x5a: {  	_ =	shalt  }
0x5b: {  	_ =	shalt  }
0x5c: {  	_ =	shalt  }
0x5d: {  	_ =	shalt  }
0x5e: {  	_ =	shalt  }
0x5f: {  	_ =	shalt  }
0x60: {  	_ =	shalt  }
0x61: {  	_ =	shalt  }
0x62: {  	_ =	shalt  }
0x63: {  	_ =	shalt  }
0x64: {  	_ =	shalt  }
0x65: {  	_ =	shalt  }
0x66: {  	_ =	shalt  }
0x67: {  	_ =	shalt  }
0x68: {  	_ =	shalt  }
0x69: {  	_ =	shalt  }
0x6a: {  	_ =	shalt  }
0x6b: {  	_ =	shalt  }
0x6c: {  	_ =	shalt  }
0x6d: {  	_ =	shalt  }
0x6e: {  	_ =	shalt  }
0x6f: {  	_ =	shalt  }
0x70: {  	_ =	shalt  }
0x71: {  	_ =	shalt  }
0x72: {  	_ =	shalt  }
0x73: {  	_ =	shalt  }
0x74: {  	_ =	shalt  }
0x75: {  	_ =	shalt  }
0x76: {  	_ =	shalt  }
0x77: {  	_ =	shalt  }
0x78: {  	_ =	shalt  }
0x79: {  	_ =	shalt  }
0x7a: {  	_ =	shalt  }
0x7b: {  	_ =	shalt  }
0x7c: {  	_ =	shalt  }
0x7d: {  	_ =	shalt  }
0x7e: {  	_ =	shalt  }
0x7f: {  	_ =	shalt  }
0x80: {  	_ =	shalt  }
0x81: {  	_ =	shalt  }
0x82: {  	_ =	shalt  }
0x83: {  	_ =	shalt  }
0x84: {  	_ =	shalt  }
0x85: {  	_ =	shalt  }
0x86: {  	_ =	shalt  }
0x87: {  	_ =	shalt  }
.Lfunc_end0:
.L_simem_size_0:
called_computation.1_lowered:
.L_overlay_start_0:
0x88: {  	s2 =	sld [smem:$0x3FD9]  }
0x89: {  	s3 =	sld [smem:$0x3FFE];
	_ =	sdelay $0x1  }
0x8a: {  	s1 =	srdreg.scid  }
0x8b: {  	s0 =	sand.u32 $0x1, s1  }
0x8c: {  	s17 =	sshll.u32 s0, $0xA;
	s2 =	sadd.s32 s3, s2  }
0x8d: {  	s2 =	sadd.s32 s2, s17  }
0x8e: {  	[smem:$0x3FBE] =	sst s2  }
0x8f: {  	_ = 	snop  }
0x90: {  	s2 =	sld [smem:$0x3FD0];
	(tm) =	ssettm $0x1  }
0x91: {  	s18 =	sld [smem:$0x3FFB];
	_ =	sdelay $0x3  }
0x92: {  	_ =	strace s18  }
0x93: {  	s3 =	sld [smem:$0x3FFC];
	_ =	sdelay $0x3  }
0x94: {  	_ =	strace s3  }
0x95: {  	s3 =	sld [smem:$0x3FFD];
	_ =	sdelay $0x3  }
0x96: {  	_ =	strace s3  }
0x97: {  	_ =	strace $0x8FFFFFFF  }
0x98: {  	s19 =	sld [smem:$0x3FDB];
	_ =	sdelay $0x1  }
0x99: {  	s4 =	simm.s32 $_scs_section_size  }
0x9a: {  	s5 =	simm.s32 $_size__tile_overlayer_lowered;
	s6 =	simm.s32 $_tile_overlayer_lowered  }
0x9b: {  	s22 =	simm.s32 $0x1BFF;
	s21 =	sshll.u32 s6, $0x1;
	s3 =	sadd.s32 s4, s19  }
0x9c: {  	s7 =	simm.s32 $0x0;
	s20 =	sshll.u32 s5, $0x1;
	s5 =	sadd.s32 s21, s3  }
0x9d: {  	[timem:s7], [sflag:s22] =	dma.local [hbm:s5], s20  }
0x9e: {  	_ =	swait.ge [sflag:s22], s20  }
0x9f: {  	s4 =	ssub.s32 $0x0, s20;
	[sflag:s22] =	ssyncset.done $0x0  }
0xa0: {  	[sflag:s22] =	ssyncadd.s32 s4;
	_ =	sdelay $0x1  }
0xa1: {  	s23 =	simm.s32 $0x1B8B  }
0xa2: {  	_ =	swait.ge [sflag:s23], $0x1  }
0xa3: {  	[sflag:s23] =	ssyncset.done $0x0  }
0xa4: {  	s25 =	simm.s32 $0x1B8E;
	s24 =	sld [smem:$0x3FFE];
	[sflag:s23] =	ssyncadd.s32 $0xFFFFFFFF  }
0xa5: {  	s26 =	simm.s32 $execute0_lowered;
	[smem:$0x3FD2] =	sst s25  }
0xa6: {  	s5 =	sshll.u32 s26, $0x1;
	_ =	strace $0x80000049;
	[dreg:$0x1] =	wrdreg $0xFFFFFFFF  }
0xa7: {  	s28 =	simm.s32 $_size_execute0_lowered;
	s3 =	sadd.s32 s3, s5;
	[dreg:$0x0] =	wrdreg $0x0  }
0xa8: {  	s5 =	sshll.u32 s28, $0x1;
	[dreg:$0x2] =	wrdreg s3  }
0xa9: {  	[dreg:$0x3] =	wrdreg s5  }
0xaa: {  	[dreg:$0x4] =	wrdreg $0xC0  }
0xab: {  	_ =	task [dreg:s7], $0x5FFFF  }
0xac: {  	[dreg:$0x1] =	wrdreg $0xFFFFFFFF  }
0xad: {  	[dreg:$0x0] =	wrdreg $0x60  }
0xae: {  	[dreg:$0x2] =	wrdreg s24  }
0xaf: {  	[dreg:$0x3] =	wrdreg s2  }
0xb0: {  	[dreg:$0x4] =	wrdreg $0xFBE00  }
0xb1: {  	[dreg:$0x5] =	wrdreg $0x9  }
0xb2: {  	_ =	task.clear_ibuf [dreg:s7], $0x6FFFF;
	_ =	strace $0x90000049  }
0xb3: {  	s29 =	simm.s32 $0x9;
	_ =	strace $0x8000004B  }
0xb4: {  	_ =	swait.ge [sflag:s29], $0x1  }
0xb5: {  	[sflag:s29] =	ssyncadd.s32 $0xFFFFFFFF  }
0xb6: {  	_ =	strace $0x9000004B  }
0xb7: {  	_ =	sfence  }
0xb8: {  	s30 =	sld [smem:$0x0];
	_ =	sdelay $0x2  }
0xb9: {  	s31 =	sshll.u32 s1, $0xD;
	s1 =	sshrl.u32 s1, $0x2  }
0xba: {  	s3 =	sand.u32 $0x4000, s31;
	s1 =	sadd.s32 s1, s30  }
0xbb: {  	s0 =	sor.u32 s3, s0;
	s1 =	sshll.u32 s1, $0x11  }
0xbc: {  	s0 =	sor.u32 s1, s0  }
0xbd: {  	s0 =	sadd.s32 $0x8F2B, s0  }
0xbe: {  	[sflag:s0] =	ssyncadd.remote.s32 $0x1  }
0xbf: {  	_ =	sfence.sel $0xFFFF  }
0xc0: {  	[dreg:$0x0] =	wrdreg $0xFFFFFFFF;
	(pc) =	sbr.abs _section_cstart, $3  }
0xc1: {  	[dreg:$0x1] =	wrdreg $0xFFFFFFFF  }
0xc2: {  	_ =	task.clear_ibuf [dreg:s7], $0x2FFFF;
	_ =	strace $0x9FFFFFFF  }
0xc3: {  	(tm) =	ssettm $0x7FFFFFFF  }
tec
execute0_lowered:
.L_overlay_start_1:
0x0: {  	(tag) =	ssettag $0x1  }
0x1: {  	s0 =	srdreg.scid  }
0x2: {  	s1 =	rddreg [dreg:$0x0];
	s12 =	stileid.u32  }
0x3: {  	s6 =	rddreg [dreg:$0x1];
	s15 =	simm.s32 $0x7D;
	s16 =	simm.s32 $0x5000  }
0x4: {  	s17 =	simm.s32 $0x9E20;
	s18 =	simm.s32 $0x1;
	s19 =	simm.s32 $0x7710  }
0x5: {  	s20 =	simm.s32 $0xA5F0;
	s21 =	simm.s32 $0xADC0;
	s22 =	simm.s32 $0x2  }
0x6: {  	s23 =	simm.s32 $0xD4D0;
	s24 =	simm.s32 $0x3;
	s25 =	simm.s32 $0x4  }
0x7: {  	s26 =	simm.s32 $0x0;
	s0 =	sand.u32 $0x1, s0;
	s8 =	smul.u32 $0xC800, s12  }
0x8: {  	s4 =	sadd.s32 $0x1400, s1;
	s5 =	sadd.s32 $0x19C00, s1;
	s31 =	sshll.u32 s12, $0x6  }
0x9: {  	s2 =	sshll.u32 s0, $0x4;
	s9 =	smul.u32 $0xC8000, s0;
	s0 =	ssub.s32 $0x2, s0  }
0xa: {  	s13 =	sor.u32 $0x1C05, s31;
	s3 =	sor.u32 s12, s2;
	s2 =	rddreg [dreg:$0x2]  }
0xb: {  	s11 =	sshrl.u32 s8, $0x3;
	s29 =	sshrl.u32 s0, $0x1;
	s7 =	smul.u32 $0x500, s3  }
0xc: {  	s3 =	simm.s32 $0x0;
	s9 =	sadd.s32 s8, s9;
	s11 =	sadd.s32 s11, s1  }
0xd: {  	s0 =	ssub.s32 s0, s29;
	s30 =	sadd.s32 s8, s2;
	[smem:$0x7FF] =	sst s3  }
0xe: {  	s9 =	sshrl.u32 s9, $0x3;
	s8 =	sadd.s32 $0x28C00, s11;
	s11 =	simm.s32 $0x5  }
0xf: {  	s14 =	sshrl.u32 s30, $0x3;
	_ =	strace $0x8000004A;
	s6 =	sadd.s32 s6, s7  }
0x10: {  	s10 =	sadd.s32 s7, s1;
	s1 =	sadd.s32 s9, s1;
	[dreg:$0x4] =	wrdreg s6  }
0x11: {  	v0 =	vimm.s32 $0x0;
	s7 =	sadd.s32 $0x1EC00, s10;
	s9 =	sadd.s32 $0x41C00, s1;
	s10 =	smax.u32 s0, $0x1  }
.LBB2_1:
0x12: {  	s0 =	rddreg [dreg:$0x4]  }
0x13: {  	[tilespmem:s3], [sflag:$0x5] =	stream.linear.gather [hbm4b:s0+s3], $0x2800, $0x38;
	[tilespmem:$0x1C3E0] =	vst v63  }
0x14: {  	_ =	swait.ge [sflag:s11], $0x2800  }
0x15: {  	[sflag:s11] =	ssyncset.done $0x0  }
0x16: {  	s31 =	simm.s32 $0x2800;
	[sflag:s11] =	ssyncadd.s32 $0xFFFFD800  }
0x17: {  	[tilespmem:s31], [sflag:$0x5] =	stream.linear.gather [hbm4b:s7+s3], $0x2800, $0x38;
	[tilespmem:$0x1C3E0] =	vst v63  }
0x18: {  	_ =	swait.ge [sflag:s11], $0x2800  }
0x19: {  	[sflag:s11] =	ssyncset.done $0x0  }
0x1a: {  	[sflag:s11] =	ssyncadd.s32 $0xFFFFD800  }
0x1b: {  	[spmem:s14], [sflag:s13] =	dma.local [hbm:s8], $0x1900  }
0x1c: {  	_ =	swait.ge [sflag:s11], $0x1900  }
0x1d: {  	[sflag:s11] =	ssyncset.done $0x0  }
0x1e: {  	[sflag:s11] =	ssyncadd.s32 $0xFFFFE700  }
0x1f: {  	[bflag:$0x0] =	sbarrier.arrive $0xFFFF  }
0x20: {  	[tilespmem:s16], [sflag:$0x1] =	stream.indirect.gather [hbm4b:s4+s15], $0x50, s3, s15, $0xb8;
	[tilespmem:$0x1C3E0] =	vst v63  }
0x21: {  	_ = 	snop  }
0x22: {  	[tilespmem:s17], [sflag:$0x1] =	stream.indirect.gather [hbm4b:s5+s15], $0x10, s31, s15, $0xb8;
	[tilespmem:$0x1C3E0] =	vst v63  }
0x23: {  	_ =	swait.ge [sflag:s18], $0x2710  }
0x24: {  	[sflag:s18] =	ssyncset.done $0x0  }
0x25: {  	[sflag:s18] =	ssyncadd.s32 $0xFFFFD8F0  }
0x26: {  	_ =	swait.ge [sflag:s18], $0x7D0  }
0x27: {  	[sflag:s18] =	ssyncset.done $0x0  }
0x28: {  	s28 =	simm.s32 $0x0;
	[sflag:s18] =	ssyncadd.s32 $0xFFFFF830  }
.LBB2_2:
0x29: {  	s30 =	sshll.u32 s28, $0x8  }
0x2a: {  	s0 =	sor.u32 $0x80, s30  }
0x2b: {  	[tilespmem:s19], [sflag:$0x2] =	stream.indirect.gather [hbm4b:s4+s15], $0x50, s0, s15, $0xb8;
	[tilespmem:$0x1C3E0] =	vst v63  }
0x2c: {  	s31 =	simm.s32 $0x50C0;
	s29 =	sadd.s32 $0x2880, s30  }
0x2d: {  	[tilespmem:s20], [sflag:$0x2] =	stream.indirect.gather [hbm4b:s5+s15], $0x10, s29, s15, $0xb8;
	[tilespmem:$0x1C3E0] =	vst v63  }
0x2e: {  	s1 =	simm.s32 $0x9E40;
	v1 =	vld [tilespmem:s31+$0xFFFFFF80]  }
0x2f: {  	v2 =	vld [tilespmem:s1+$0xFFFFFFE0];
	_ =	sdelay $0x4  }
0x30: {  	v1 =	vadd.f32 v2, v1;
	_ =	sdelay $0x1  }
0x31: {  	v2 =	vmul.f32 $2.000000030e-01, v1;
	_ =	sdelay $0x1  }
0x32: {  	v1 =	vmax.f32 v1, v2  }
0x33: {  	v1 =	vmul.f32 $1.442695020e+00, v1;
	_ =	sdelay $0x1  }
0x34: {  	(erf) = vpow2.f32 v1;
	_ =	sdelay $0x8  }
0x35: {  	s0 =	simm.s32 $0xAE80;
	v1 =	vpop (erf)  }
0x36: {  	[tilespmem:s0+$0xFFFFFF80] =	vst v1  }
0x37: {  	v2 =	vld [tilespmem:s31+$0xFFFFFF40];
	_ =	sdelay $0x2  }
0x38: {  	v1 =	vperm.xlane v1, v0;
	_ =	sdelay $0x1  }
0x39: {  	v2 =	vmul.f32 v2, v1;
	_ =	sdelay $0x1  }
0x3a: {  	[tilespmem:s0+$0xFFFFFF40] =	vst v2  }
0x3b: {  	v2 =	vld [tilespmem:s31+$0xFFFFFF50];
	_ =	sdelay $0x4  }
0x3c: {  	v2 =	vmul.f32 v2, v1;
	_ =	sdelay $0x1  }
0x3d: {  	[tilespmem:s0+$0xFFFFFF50] =	vst v2  }
0x3e: {  	v2 =	vld [tilespmem:s31+$0xFFFFFF60];
	_ =	sdelay $0x4  }
0x3f: {  	v2 =	vmul.f32 v2, v1;
	_ =	sdelay $0x1  }
0x40: {  	[tilespmem:s0+$0xFFFFFF60] =	vst v2  }
0x41: {  	v2 =	vld [tilespmem:s31+$0xFFFFFF70];
	_ =	sdelay $0x4  }
0x42: {  	v1 =	vmul.f32 v2, v1;
	_ =	sdelay $0x1  }
0x43: {  	[tilespmem:s0+$0xFFFFFF70] =	vst v1  }
0x44: {  	v1 =	vld [tilespmem:s31+$0xFFFFFFD0]  }
0x45: {  	v2 =	vld [tilespmem:s1+$0xFFFFFFF0];
	_ =	sdelay $0x4  }
0x46: {  	v1 =	vadd.f32 v2, v1;
	_ =	sdelay $0x1  }
0x47: {  	v2 =	vmul.f32 $2.000000030e-01, v1;
	_ =	sdelay $0x1  }
0x48: {  	v1 =	vmax.f32 v1, v2  }
0x49: {  	v1 =	vmul.f32 $1.442695020e+00, v1;
	_ =	sdelay $0x1  }
0x4a: {  	(erf) = vpow2.f32 v1;
	_ =	sdelay $0x8  }
0x4b: {  	v1 =	vpop (erf)  }
0x4c: {  	[tilespmem:s0+$0xFFFFFFD0] =	vst v1  }
0x4d: {  	v2 =	vld [tilespmem:s31+$0xFFFFFF90];
	_ =	sdelay $0x2  }
0x4e: {  	v1 =	vperm.xlane v1, v0;
	_ =	sdelay $0x1  }
0x4f: {  	v2 =	vmul.f32 v2, v1;
	_ =	sdelay $0x1  }
0x50: {  	[tilespmem:s0+$0xFFFFFF90] =	vst v2  }
0x51: {  	v2 =	vld [tilespmem:s31+$0xFFFFFFA0];
	_ =	sdelay $0x4  }
0x52: {  	v2 =	vmul.f32 v2, v1;
	_ =	sdelay $0x1  }
0x53: {  	[tilespmem:s0+$0xFFFFFFA0] =	vst v2  }
0x54: {  	v2 =	vld [tilespmem:s31+$0xFFFFFFB0];
	_ =	sdelay $0x4  }
0x55: {  	v2 =	vmul.f32 v2, v1;
	_ =	sdelay $0x1  }
0x56: {  	[tilespmem:s0+$0xFFFFFFB0] =	vst v2  }
0x57: {  	v2 =	vld [tilespmem:s31+$0xFFFFFFC0];
	_ =	sdelay $0x4  }
0x58: {  	v1 =	vmul.f32 v2, v1;
	_ =	sdelay $0x1  }
0x59: {  	[tilespmem:s0+$0xFFFFFFC0] =	vst v1  }
0x5a: {  	v1 =	vld [tilespmem:s31+$0x20]  }
0x5b: {  	v2 =	vld [tilespmem:s1+$0x0];
	_ =	sdelay $0x4  }
0x5c: {  	v1 =	vadd.f32 v2, v1;
	_ =	sdelay $0x1  }
0x5d: {  	v2 =	vmul.f32 $2.000000030e-01, v1;
	_ =	sdelay $0x1  }
0x5e: {  	v1 =	vmax.f32 v1, v2  }
0x5f: {  	v1 =	vmul.f32 $1.442695020e+00, v1;
	_ =	sdelay $0x1  }
0x60: {  	(erf) = vpow2.f32 v1;
	_ =	sdelay $0x8  }
0x61: {  	v1 =	vpop (erf)  }
0x62: {  	[tilespmem:s0+$0x20] =	vst v1  }
0x63: {  	v2 =	vld [tilespmem:s31+$0xFFFFFFE0];
	_ =	sdelay $0x2  }
0x64: {  	v1 =	vperm.xlane v1, v0;
	_ =	sdelay $0x1  }
0x65: {  	v2 =	vmul.f32 v2, v1;
	_ =	sdelay $0x1  }
0x66: {  	[tilespmem:s0+$0xFFFFFFE0] =	vst v2  }
0x67: {  	v2 =	vld [tilespmem:s31+$0xFFFFFFF0];
	_ =	sdelay $0x4  }
0x68: {  	v2 =	vmul.f32 v2, v1;
	_ =	sdelay $0x1  }
0x69: {  	[tilespmem:s0+$0xFFFFFFF0] =	vst v2  }
0x6a: {  	v2 =	vld [tilespmem:s31+$0x0];
	_ =	sdelay $0x4  }
0x6b: {  	v2 =	vmul.f32 v2, v1;
	_ =	sdelay $0x1  }
0x6c: {  	[tilespmem:s0+$0x0] =	vst v2  }
0x6d: {  	v2 =	vld [tilespmem:s31+$0x10];
	_ =	sdelay $0x4  }
0x6e: {  	v1 =	vmul.f32 v2, v1;
	_ =	sdelay $0x1  }
0x6f: {  	[tilespmem:s0+$0x10] =	vst v1  }
0x70: {  	v1 =	vld [tilespmem:s31+$0x70]  }
0x71: {  	v2 =	vld [tilespmem:s1+$0x10];
	_ =	sdelay $0x4  }
0x72: {  	v1 =	vadd.f32 v2, v1;
	_ =	sdelay $0x1  }
0x73: {  	v2 =	vmul.f32 $2.000000030e-01, v1;
	_ =	sdelay $0x1  }
0x74: {  	v1 =	vmax.f32 v1, v2  }
0x75: {  	v1 =	vmul.f32 $1.442695020e+00, v1;
	_ =	sdelay $0x1  }
0x76: {  	(erf) = vpow2.f32 v1;
	_ =	sdelay $0x8  }
0x77: {  	v1 =	vpop (erf)  }
0x78: {  	[tilespmem:s0+$0x70] =	vst v1  }
0x79: {  	v2 =	vld [tilespmem:s31+$0x30];
	_ =	sdelay $0x2  }
0x7a: {  	v1 =	vperm.xlane v1, v0;
	_ =	sdelay $0x1  }
0x7b: {  	v2 =	vmul.f32 v2, v1;
	_ =	sdelay $0x1  }
0x7c: {  	[tilespmem:s0+$0x30] =	vst v2  }
0x7d: {  	v2 =	vld [tilespmem:s31+$0x40];
	_ =	sdelay $0x4  }
0x7e: {  	v2 =	vmul.f32 v2, v1;
	_ =	sdelay $0x1  }
0x7f: {  	[tilespmem:s0+$0x40] =	vst v2  }
0x80: {  	v2 =	vld [tilespmem:s31+$0x50];
	_ =	sdelay $0x4  }
0x81: {  	v2 =	vmul.f32 v2, v1;
	_ =	sdelay $0x1  }
0x82: {  	[tilespmem:s0+$0x50] =	vst v2  }
0x83: {  	v2 =	vld [tilespmem:s31+$0x60];
	_ =	sdelay $0x4  }
0x84: {  	v1 =	vmul.f32 v2, v1;
	_ =	sdelay $0x1  }
0x85: {  	[tilespmem:s0+$0x60] =	vst v1  }
0x86: {  	v1 =	vld [tilespmem:s31+$0xC0]  }
0x87: {  	v2 =	vld [tilespmem:s1+$0x20];
	_ =	sdelay $0x4  }
0x88: {  	v1 =	vadd.f32 v2, v1;
	_ =	sdelay $0x1  }
0x89: {  	v2 =	vmul.f32 $2.000000030e-01, v1;
	_ =	sdelay $0x1  }
0x8a: {  	v1 =	vmax.f32 v1, v2  }
0x8b: {  	v1 =	vmul.f32 $1.442695020e+00, v1;
	_ =	sdelay $0x1  }
0x8c: {  	(erf) = vpow2.f32 v1;
	_ =	sdelay $0x8  }
0x8d: {  	v1 =	vpop (erf)  }
0x8e: {  	[tilespmem:s0+$0xC0] =	vst v1  }
0x8f: {  	v2 =	vld [tilespmem:s31+$0x80];
	_ =	sdelay $0x2  }
0x90: {  	v1 =	vperm.xlane v1, v0;
	_ =	sdelay $0x1  }
0x91: {  	v2 =	vmul.f32 v2, v1;
	_ =	sdelay $0x1  }
0x92: {  	[tilespmem:s0+$0x80] =	vst v2  }
0x93: {  	v2 =	vld [tilespmem:s31+$0x90];
	_ =	sdelay $0x4  }
0x94: {  	v2 =	vmul.f32 v2, v1;
	_ =	sdelay $0x1  }
0x95: {  	[tilespmem:s0+$0x90] =	vst v2  }
0x96: {  	v2 =	vld [tilespmem:s31+$0xA0];
	_ =	sdelay $0x4  }
0x97: {  	v2 =	vmul.f32 v2, v1;
	_ =	sdelay $0x1  }
0x98: {  	[tilespmem:s0+$0xA0] =	vst v2  }
0x99: {  	v2 =	vld [tilespmem:s31+$0xB0];
	_ =	sdelay $0x1  }
0x9a: {  	s12 =	simm.s32 $0x0;
	s6 =	simm.s32 $0xB010  }
.LBB2_3:
0x9b: {  	s12 =	sadd.s32 $0x5, s12;
	s1 =	sadd.s32 $0x50, s1;
	s31 =	sadd.s32 $0x190, s31  }
0x9c: {  	p0 =	slt.u32 s12, $0x78  }
0x9d: {  	v1 =	vmul.f32 v2, v1;
	_ =	sdelay $0x1  }
0x9e: {  	[tilespmem:s0+$0xB0] =	vst v1;
	s0 =	smov.u32 s6  }
0x9f: {  	v1 =	vld [tilespmem:s31+$0xFFFFFF80]  }
0xa0: {  	v2 =	vld [tilespmem:s1+$0xFFFFFFE0];
	_ =	sdelay $0x4  }
0xa1: {  	v1 =	vadd.f32 v2, v1;
	_ =	sdelay $0x1  }
0xa2: {  	v2 =	vmul.f32 $2.000000030e-01, v1;
	_ =	sdelay $0x1  }
0xa3: {  	v1 =	vmax.f32 v1, v2  }
0xa4: {  	v1 =	vmul.f32 $1.442695020e+00, v1;
	_ =	sdelay $0x1  }
0xa5: {  	(erf) = vpow2.f32 v1;
	_ =	sdelay $0x8  }
0xa6: {  	v1 =	vpop (erf)  }
0xa7: {  	[tilespmem:s6+$0xFFFFFF80] =	vst v1  }
0xa8: {  	v2 =	vld [tilespmem:s31+$0xFFFFFF40];
	_ =	sdelay $0x2  }
0xa9: {  	v1 =	vperm.xlane v1, v0;
	_ =	sdelay $0x1  }
0xaa: {  	v2 =	vmul.f32 v2, v1;
	_ =	sdelay $0x1  }
0xab: {  	[tilespmem:s6+$0xFFFFFF40] =	vst v2  }
0xac: {  	v2 =	vld [tilespmem:s31+$0xFFFFFF50];
	_ =	sdelay $0x4  }
0xad: {  	v2 =	vmul.f32 v2, v1;
	_ =	sdelay $0x1  }
0xae: {  	[tilespmem:s6+$0xFFFFFF50] =	vst v2  }
0xaf: {  	v2 =	vld [tilespmem:s31+$0xFFFFFF60];
	_ =	sdelay $0x4  }
0xb0: {  	v2 =	vmul.f32 v2, v1;
	_ =	sdelay $0x1  }
0xb1: {  	[tilespmem:s6+$0xFFFFFF60] =	vst v2  }
0xb2: {  	v2 =	vld [tilespmem:s31+$0xFFFFFF70];
	_ =	sdelay $0x4  }
0xb3: {  	v1 =	vmul.f32 v2, v1;
	_ =	sdelay $0x1  }
0xb4: {  	[tilespmem:s6+$0xFFFFFF70] =	vst v1  }
0xb5: {  	v1 =	vld [tilespmem:s31+$0xFFFFFFD0]  }
0xb6: {  	v2 =	vld [tilespmem:s1+$0xFFFFFFF0];
	_ =	sdelay $0x4  }
0xb7: {  	v1 =	vadd.f32 v2, v1;
	_ =	sdelay $0x1  }
0xb8: {  	v2 =	vmul.f32 $2.000000030e-01, v1;
	_ =	sdelay $0x1  }
0xb9: {  	v1 =	vmax.f32 v1, v2  }
0xba: {  	v1 =	vmul.f32 $1.442695020e+00, v1;
	_ =	sdelay $0x1  }
0xbb: {  	(erf) = vpow2.f32 v1;
	_ =	sdelay $0x8  }
0xbc: {  	v1 =	vpop (erf)  }
0xbd: {  	[tilespmem:s6+$0xFFFFFFD0] =	vst v1  }
0xbe: {  	v2 =	vld [tilespmem:s31+$0xFFFFFF90];
	_ =	sdelay $0x1  }
0xbf: {  	v1 =	vperm.xlane v1, v0;
	_ =	sdelay $0x2  }
0xc0: {  	v2 =	vmul.f32 v2, v1;
	_ =	sdelay $0x1  }
0xc1: {  	[tilespmem:s6+$0xFFFFFF90] =	vst v2  }
0xc2: {  	v2 =	vld [tilespmem:s31+$0xFFFFFFA0];
	_ =	sdelay $0x4  }
0xc3: {  	v2 =	vmul.f32 v2, v1;
	_ =	sdelay $0x1  }
0xc4: {  	[tilespmem:s6+$0xFFFFFFA0] =	vst v2  }
0xc5: {  	v2 =	vld [tilespmem:s31+$0xFFFFFFB0];
	_ =	sdelay $0x4  }
0xc6: {  	v2 =	vmul.f32 v2, v1;
	_ =	sdelay $0x1  }
0xc7: {  	[tilespmem:s6+$0xFFFFFFB0] =	vst v2  }
0xc8: {  	v2 =	vld [tilespmem:s31+$0xFFFFFFC0];
	_ =	sdelay $0x4  }
0xc9: {  	v1 =	vmul.f32 v2, v1;
	_ =	sdelay $0x1  }
0xca: {  	[tilespmem:s6+$0xFFFFFFC0] =	vst v1  }
0xcb: {  	v1 =	vld [tilespmem:s31+$0x20]  }
0xcc: {  	v2 =	vld [tilespmem:s1+$0x0];
	_ =	sdelay $0x4  }
0xcd: {  	v1 =	vadd.f32 v2, v1;
	_ =	sdelay $0x1  }
0xce: {  	v2 =	vmul.f32 $2.000000030e-01, v1;
	_ =	sdelay $0x1  }
0xcf: {  	v1 =	vmax.f32 v1, v2  }
0xd0: {  	v1 =	vmul.f32 $1.442695020e+00, v1;
	_ =	sdelay $0x1  }
0xd1: {  	(erf) = vpow2.f32 v1;
	_ =	sdelay $0x8  }
0xd2: {  	v1 =	vpop (erf)  }
0xd3: {  	[tilespmem:s6+$0x20] =	vst v1  }
0xd4: {  	v2 =	vld [tilespmem:s31+$0xFFFFFFE0]  }
0xd5: {  	v1 =	vperm.xlane v1, v0;
	_ =	sdelay $0x3  }
0xd6: {  	v2 =	vmul.f32 v2, v1;
	_ =	sdelay $0x1  }
0xd7: {  	[tilespmem:s6+$0xFFFFFFE0] =	vst v2  }
0xd8: {  	v2 =	vld [tilespmem:s31+$0xFFFFFFF0];
	_ =	sdelay $0x4  }
0xd9: {  	v2 =	vmul.f32 v2, v1;
	_ =	sdelay $0x1  }
0xda: {  	[tilespmem:s6+$0xFFFFFFF0] =	vst v2  }
0xdb: {  	v2 =	vld [tilespmem:s31+$0x0];
	_ =	sdelay $0x4  }
0xdc: {  	v2 =	vmul.f32 v2, v1;
	_ =	sdelay $0x1  }
0xdd: {  	[tilespmem:s6+$0x0] =	vst v2  }
0xde: {  	v2 =	vld [tilespmem:s31+$0x10];
	_ =	sdelay $0x4  }
0xdf: {  	v1 =	vmul.f32 v2, v1;
	_ =	sdelay $0x1  }
0xe0: {  	[tilespmem:s6+$0x10] =	vst v1  }
0xe1: {  	v1 =	vld [tilespmem:s31+$0x70]  }
0xe2: {  	v2 =	vld [tilespmem:s1+$0x10];
	_ =	sdelay $0x4  }
0xe3: {  	v1 =	vadd.f32 v2, v1;
	_ =	sdelay $0x1  }
0xe4: {  	v2 =	vmul.f32 $2.000000030e-01, v1;
	_ =	sdelay $0x1  }
0xe5: {  	v1 =	vmax.f32 v1, v2  }
0xe6: {  	v1 =	vmul.f32 $1.442695020e+00, v1;
	_ =	sdelay $0x1  }
0xe7: {  	(erf) = vpow2.f32 v1;
	_ =	sdelay $0x8  }
0xe8: {  	v1 =	vpop (erf)  }
0xe9: {  	[tilespmem:s6+$0x70] =	vst v1  }
0xea: {  	v1 =	vperm.xlane v1, v0;
	v2 =	vld [tilespmem:s31+$0x30];
	_ =	sdelay $0x4  }
0xeb: {  	v2 =	vmul.f32 v2, v1;
	_ =	sdelay $0x1  }
0xec: {  	[tilespmem:s6+$0x30] =	vst v2  }
0xed: {  	v2 =	vld [tilespmem:s31+$0x40];
	_ =	sdelay $0x4  }
0xee: {  	v2 =	vmul.f32 v2, v1;
	_ =	sdelay $0x1  }
0xef: {  	[tilespmem:s6+$0x40] =	vst v2  }
0xf0: {  	v2 =	vld [tilespmem:s31+$0x50];
	_ =	sdelay $0x4  }
0xf1: {  	v2 =	vmul.f32 v2, v1;
	_ =	sdelay $0x1  }
0xf2: {  	[tilespmem:s6+$0x50] =	vst v2  }
0xf3: {  	v2 =	vld [tilespmem:s31+$0x60];
	_ =	sdelay $0x4  }
0xf4: {  	v1 =	vmul.f32 v2, v1;
	_ =	sdelay $0x1  }
0xf5: {  	[tilespmem:s6+$0x60] =	vst v1  }
0xf6: {  	v1 =	vld [tilespmem:s31+$0xC0]  }
0xf7: {  	v2 =	vld [tilespmem:s1+$0x20];
	_ =	sdelay $0x4  }
0xf8: {  	v1 =	vadd.f32 v2, v1;
	_ =	sdelay $0x1  }
0xf9: {  	v2 =	vmul.f32 $2.000000030e-01, v1;
	_ =	sdelay $0x1  }
0xfa: {  	v1 =	vmax.f32 v1, v2  }
0xfb: {  	v1 =	vmul.f32 $1.442695020e+00, v1;
	_ =	sdelay $0x1  }
0xfc: {  	(erf) = vpow2.f32 v1;
	_ =	sdelay $0x8  }
0xfd: {  	v1 =	vpop (erf)  }
0xfe: {  	[tilespmem:s6+$0xC0] =	vst v1;
	v1 =	vperm.xlane v1, v0  }
0xff: {  	v2 =	vld [tilespmem:s31+$0x80];
	_ =	sdelay $0x4  }
0x100: {  	v2 =	vmul.f32 v2, v1;
	_ =	sdelay $0x1  }
0x101: {  	[tilespmem:s6+$0x80] =	vst v2  }
0x102: {  	v2 =	vld [tilespmem:s31+$0x90];
	_ =	sdelay $0x4  }
0x103: {  	v2 =	vmul.f32 v2, v1;
	_ =	sdelay $0x1  }
0x104: {  	[tilespmem:s6+$0x90] =	vst v2  }
0x105: {  	v2 =	vld [tilespmem:s31+$0xA0];
	_ =	sdelay $0x4  }
0x106: {  	v2 =	vmul.f32 v2, v1  }
.Ltmp0:
0x107: {  	(pc) =	sbr.rel @p0 .LBB2_3-.Ltmp0, $3  }
0x108: {  	[tilespmem:s6+$0xA0] =	vst v2  }
0x109: {  	v2 =	vld [tilespmem:s31+$0xB0];
	_ =	sdelay $0x1  }
0x10a: {  	s6 =	sadd.s32 $0x190, s6  }
0x10b: {  	_ =	sdelay $0x1  }
0x10c: {  	v1 =	vmul.f32 v2, v1  }
0x10d: {  	s1 =	sand.u32 $0x3FFFFF00, s30  }
0x10e: {  	s6 =	sadd.s32 $0x2800, s1;
	[tilespmem:s0+$0xB0] =	vst v1  }
0x10f: {  	[spmem:s2] =	stream.indirect.scatter.add.f32 [tilespmem:s21], [sflag:$0x3], $0x50, s6, s15, $0xb8;
	[tilespmem:$0x1C3E0] =	vst v63  }
0x110: {  	_ =	swait.ge [sflag:s22], $0x2710  }
0x111: {  	[sflag:s22] =	ssyncset.done $0x0  }
0x112: {  	s12 =	sshll.u32 s28, $0x1;
	[sflag:s22] =	ssyncadd.s32 $0xFFFFD8F0  }
0x113: {  	s0 =	smin.u32 s12, $0x4D;
	_ =	swait.ge [sflag:s22], $0x7D0  }
0x114: {  	s0 =	sshll.u32 s0, $0x7;
	[sflag:s22] =	ssyncset.done $0x0  }
0x115: {  	s31 =	sadd.s32 $0x100, s0;
	[sflag:s22] =	ssyncadd.s32 $0xFFFFF830  }
0x116: {  	[tilespmem:s16], [sflag:$0x1] =	stream.indirect.gather [hbm4b:s4+s15], $0x50, s31, s15, $0xb8;
	[tilespmem:$0x1C3E0] =	vst v63  }
0x117: {  	s30 =	simm.s32 $0x7890;
	s0 =	sadd.s32 $0x2900, s0  }
0x118: {  	[tilespmem:s17], [sflag:$0x1] =	stream.indirect.gather [hbm4b:s5+s15], $0x10, s0, s15, $0xb8;
	[tilespmem:$0x1C3E0] =	vst v63  }
0x119: {  	s1 =	simm.s32 $0xA630;
	v1 =	vld [tilespmem:s30+$0xFFFFFEC0]  }
0x11a: {  	v2 =	vld [tilespmem:s1+$0xFFFFFFC0];
	_ =	sdelay $0x4  }
0x11b: {  	v1 =	vadd.f32 v2, v1;
	_ =	sdelay $0x1  }
0x11c: {  	v2 =	vmul.f32 $2.000000030e-01, v1;
	_ =	sdelay $0x1  }
0x11d: {  	v1 =	vmax.f32 v1, v2  }
0x11e: {  	v1 =	vmul.f32 $1.442695020e+00, v1;
	_ =	sdelay $0x1  }
0x11f: {  	(erf) = vpow2.f32 v1;
	_ =	sdelay $0x8  }
0x120: {  	s0 =	simm.s32 $0xD650;
	v1 =	vpop (erf)  }
0x121: {  	[tilespmem:s0+$0xFFFFFEC0] =	vst v1  }
0x122: {  	v2 =	vld [tilespmem:s30+$0xFFFFFE80];
	_ =	sdelay $0x2  }
0x123: {  	v1 =	vperm.xlane v1, v0;
	_ =	sdelay $0x1  }
0x124: {  	v2 =	vmul.f32 v2, v1;
	_ =	sdelay $0x1  }
0x125: {  	[tilespmem:s0+$0xFFFFFE80] =	vst v2  }
0x126: {  	v2 =	vld [tilespmem:s30+$0xFFFFFE90];
	_ =	sdelay $0x4  }
0x127: {  	v2 =	vmul.f32 v2, v1;
	_ =	sdelay $0x1  }
0x128: {  	[tilespmem:s0+$0xFFFFFE90] =	vst v2  }
0x129: {  	v2 =	vld [tilespmem:s30+$0xFFFFFEA0];
	_ =	sdelay $0x4  }
0x12a: {  	v2 =	vmul.f32 v2, v1;
	_ =	sdelay $0x1  }
0x12b: {  	[tilespmem:s0+$0xFFFFFEA0] =	vst v2  }
0x12c: {  	v2 =	vld [tilespmem:s30+$0xFFFFFEB0];
	_ =	sdelay $0x4  }
0x12d: {  	v1 =	vmul.f32 v2, v1;
	_ =	sdelay $0x1  }
0x12e: {  	[tilespmem:s0+$0xFFFFFEB0] =	vst v1  }
0x12f: {  	v1 =	vld [tilespmem:s30+$0xFFFFFF10]  }
0x130: {  	v2 =	vld [tilespmem:s1+$0xFFFFFFD0];
	_ =	sdelay $0x4  }
0x131: {  	v1 =	vadd.f32 v2, v1;
	_ =	sdelay $0x1  }
0x132: {  	v2 =	vmul.f32 $2.000000030e-01, v1;
	_ =	sdelay $0x1  }
0x133: {  	v1 =	vmax.f32 v1, v2  }
0x134: {  	v1 =	vmul.f32 $1.442695020e+00, v1;
	_ =	sdelay $0x1  }
0x135: {  	(erf) = vpow2.f32 v1;
	_ =	sdelay $0x8  }
0x136: {  	v1 =	vpop (erf)  }
0x137: {  	[tilespmem:s0+$0xFFFFFF10] =	vst v1  }
0x138: {  	v2 =	vld [tilespmem:s30+$0xFFFFFED0];
	_ =	sdelay $0x2  }
0x139: {  	v1 =	vperm.xlane v1, v0;
	_ =	sdelay $0x1  }
0x13a: {  	v2 =	vmul.f32 v2, v1;
	_ =	sdelay $0x1  }
0x13b: {  	[tilespmem:s0+$0xFFFFFED0] =	vst v2  }
0x13c: {  	v2 =	vld [tilespmem:s30+$0xFFFFFEE0];
	_ =	sdelay $0x4  }
0x13d: {  	v2 =	vmul.f32 v2, v1;
	_ =	sdelay $0x1  }
0x13e: {  	[tilespmem:s0+$0xFFFFFEE0] =	vst v2  }
0x13f: {  	v2 =	vld [tilespmem:s30+$0xFFFFFEF0];
	_ =	sdelay $0x4  }
0x140: {  	v2 =	vmul.f32 v2, v1;
	_ =	sdelay $0x1  }
0x141: {  	[tilespmem:s0+$0xFFFFFEF0] =	vst v2  }
0x142: {  	v2 =	vld [tilespmem:s30+$0xFFFFFF00];
	_ =	sdelay $0x4  }
0x143: {  	v1 =	vmul.f32 v2, v1;
	_ =	sdelay $0x1  }
0x144: {  	[tilespmem:s0+$0xFFFFFF00] =	vst v1  }
0x145: {  	v1 =	vld [tilespmem:s30+$0xFFFFFF60]  }
0x146: {  	v2 =	vld [tilespmem:s1+$0xFFFFFFE0];
	_ =	sdelay $0x4  }
0x147: {  	v1 =	vadd.f32 v2, v1;
	_ =	sdelay $0x1  }
0x148: {  	v2 =	vmul.f32 $2.000000030e-01, v1;
	_ =	sdelay $0x1  }
0x149: {  	v1 =	vmax.f32 v1, v2  }
0x14a: {  	v1 =	vmul.f32 $1.442695020e+00, v1;
	_ =	sdelay $0x1  }
0x14b: {  	(erf) = vpow2.f32 v1;
	_ =	sdelay $0x8  }
0x14c: {  	v1 =	vpop (erf)  }
0x14d: {  	[tilespmem:s0+$0xFFFFFF60] =	vst v1  }
0x14e: {  	v2 =	vld [tilespmem:s30+$0xFFFFFF20];
	_ =	sdelay $0x2  }
0x14f: {  	v1 =	vperm.xlane v1, v0;
	_ =	sdelay $0x1  }
0x150: {  	v2 =	vmul.f32 v2, v1;
	_ =	sdelay $0x1  }
0x151: {  	[tilespmem:s0+$0xFFFFFF20] =	vst v2  }
0x152: {  	v2 =	vld [tilespmem:s30+$0xFFFFFF30];
	_ =	sdelay $0x4  }
0x153: {  	v2 =	vmul.f32 v2, v1;
	_ =	sdelay $0x1  }
0x154: {  	[tilespmem:s0+$0xFFFFFF30] =	vst v2  }
0x155: {  	v2 =	vld [tilespmem:s30+$0xFFFFFF40];
	_ =	sdelay $0x4  }
0x156: {  	v2 =	vmul.f32 v2, v1;
	_ =	sdelay $0x1  }
0x157: {  	[tilespmem:s0+$0xFFFFFF40] =	vst v2  }
0x158: {  	v2 =	vld [tilespmem:s30+$0xFFFFFF50];
	_ =	sdelay $0x4  }
0x159: {  	v1 =	vmul.f32 v2, v1;
	_ =	sdelay $0x1  }
0x15a: {  	[tilespmem:s0+$0xFFFFFF50] =	vst v1  }
0x15b: {  	v1 =	vld [tilespmem:s30+$0xFFFFFFB0]  }
0x15c: {  	v2 =	vld [tilespmem:s1+$0xFFFFFFF0];
	_ =	sdelay $0x4  }
0x15d: {  	v1 =	vadd.f32 v2, v1;
	_ =	sdelay $0x1  }
0x15e: {  	v2 =	vmul.f32 $2.000000030e-01, v1;
	_ =	sdelay $0x1  }
0x15f: {  	v1 =	vmax.f32 v1, v2  }
0x160: {  	v1 =	vmul.f32 $1.442695020e+00, v1;
	_ =	sdelay $0x1  }
0x161: {  	(erf) = vpow2.f32 v1;
	_ =	sdelay $0x8  }
0x162: {  	v1 =	vpop (erf)  }
0x163: {  	[tilespmem:s0+$0xFFFFFFB0] =	vst v1  }
0x164: {  	v2 =	vld [tilespmem:s30+$0xFFFFFF70];
	_ =	sdelay $0x2  }
0x165: {  	v1 =	vperm.xlane v1, v0;
	_ =	sdelay $0x1  }
0x166: {  	v2 =	vmul.f32 v2, v1;
	_ =	sdelay $0x1  }
0x167: {  	[tilespmem:s0+$0xFFFFFF70] =	vst v2  }
0x168: {  	v2 =	vld [tilespmem:s30+$0xFFFFFF80];
	_ =	sdelay $0x4  }
0x169: {  	v2 =	vmul.f32 v2, v1;
	_ =	sdelay $0x1  }
0x16a: {  	[tilespmem:s0+$0xFFFFFF80] =	vst v2  }
0x16b: {  	v2 =	vld [tilespmem:s30+$0xFFFFFF90];
	_ =	sdelay $0x4  }
0x16c: {  	v2 =	vmul.f32 v2, v1;
	_ =	sdelay $0x1  }
0x16d: {  	[tilespmem:s0+$0xFFFFFF90] =	vst v2  }
0x16e: {  	v2 =	vld [tilespmem:s30+$0xFFFFFFA0];
	_ =	sdelay $0x4  }
0x16f: {  	v1 =	vmul.f32 v2, v1;
	_ =	sdelay $0x1  }
0x170: {  	[tilespmem:s0+$0xFFFFFFA0] =	vst v1  }
0x171: {  	v1 =	vld [tilespmem:s30+$0x0]  }
0x172: {  	v2 =	vld [tilespmem:s1+$0x0];
	_ =	sdelay $0x4  }
0x173: {  	v1 =	vadd.f32 v2, v1;
	_ =	sdelay $0x1  }
0x174: {  	v2 =	vmul.f32 $2.000000030e-01, v1;
	_ =	sdelay $0x1  }
0x175: {  	v1 =	vmax.f32 v1, v2  }
0x176: {  	v1 =	vmul.f32 $1.442695020e+00, v1;
	_ =	sdelay $0x1  }
0x177: {  	(erf) = vpow2.f32 v1;
	_ =	sdelay $0x8  }
0x178: {  	v1 =	vpop (erf)  }
0x179: {  	[tilespmem:s0+$0x0] =	vst v1  }
0x17a: {  	v2 =	vld [tilespmem:s30+$0xFFFFFFC0];
	_ =	sdelay $0x2  }
0x17b: {  	v1 =	vperm.xlane v1, v0;
	_ =	sdelay $0x1  }
0x17c: {  	v2 =	vmul.f32 v2, v1;
	_ =	sdelay $0x1  }
0x17d: {  	[tilespmem:s0+$0xFFFFFFC0] =	vst v2  }
0x17e: {  	v2 =	vld [tilespmem:s30+$0xFFFFFFD0];
	_ =	sdelay $0x4  }
0x17f: {  	v2 =	vmul.f32 v2, v1;
	_ =	sdelay $0x1  }
0x180: {  	[tilespmem:s0+$0xFFFFFFD0] =	vst v2  }
0x181: {  	v2 =	vld [tilespmem:s30+$0xFFFFFFE0];
	_ =	sdelay $0x4  }
0x182: {  	v2 =	vmul.f32 v2, v1;
	_ =	sdelay $0x1  }
0x183: {  	[tilespmem:s0+$0xFFFFFFE0] =	vst v2  }
0x184: {  	v2 =	vld [tilespmem:s30+$0xFFFFFFF0];
	_ =	sdelay $0x1  }
0x185: {  	s12 =	simm.s32 $0x0;
	s6 =	simm.s32 $0xD7E0  }
.LBB2_5:
0x186: {  	s12 =	sadd.s32 $0x5, s12;
	s1 =	sadd.s32 $0x50, s1;
	s30 =	sadd.s32 $0x190, s30  }
0x187: {  	p0 =	slt.u32 s12, $0x78  }
0x188: {  	v1 =	vmul.f32 v2, v1;
	_ =	sdelay $0x1  }
0x189: {  	[tilespmem:s0+$0xFFFFFFF0] =	vst v1;
	s0 =	smov.u32 s6  }
0x18a: {  	v1 =	vld [tilespmem:s30+$0xFFFFFEC0]  }
0x18b: {  	v2 =	vld [tilespmem:s1+$0xFFFFFFC0];
	_ =	sdelay $0x4  }
0x18c: {  	v1 =	vadd.f32 v2, v1;
	_ =	sdelay $0x1  }
0x18d: {  	v2 =	vmul.f32 $2.000000030e-01, v1;
	_ =	sdelay $0x1  }
0x18e: {  	v1 =	vmax.f32 v1, v2  }
0x18f: {  	v1 =	vmul.f32 $1.442695020e+00, v1;
	_ =	sdelay $0x1  }
0x190: {  	(erf) = vpow2.f32 v1;
	_ =	sdelay $0x8  }
0x191: {  	v1 =	vpop (erf)  }
0x192: {  	[tilespmem:s6+$0xFFFFFEC0] =	vst v1  }
0x193: {  	v2 =	vld [tilespmem:s30+$0xFFFFFE80];
	_ =	sdelay $0x2  }
0x194: {  	v1 =	vperm.xlane v1, v0;
	_ =	sdelay $0x1  }
0x195: {  	v2 =	vmul.f32 v2, v1;
	_ =	sdelay $0x1  }
0x196: {  	[tilespmem:s6+$0xFFFFFE80] =	vst v2  }
0x197: {  	v2 =	vld [tilespmem:s30+$0xFFFFFE90];
	_ =	sdelay $0x4  }
0x198: {  	v2 =	vmul.f32 v2, v1;
	_ =	sdelay $0x1  }
0x199: {  	[tilespmem:s6+$0xFFFFFE90] =	vst v2  }
0x19a: {  	v2 =	vld [tilespmem:s30+$0xFFFFFEA0];
	_ =	sdelay $0x4  }
0x19b: {  	v2 =	vmul.f32 v2, v1;
	_ =	sdelay $0x1  }
0x19c: {  	[tilespmem:s6+$0xFFFFFEA0] =	vst v2  }
0x19d: {  	v2 =	vld [tilespmem:s30+$0xFFFFFEB0];
	_ =	sdelay $0x4  }
0x19e: {  	v1 =	vmul.f32 v2, v1;
	_ =	sdelay $0x1  }
0x19f: {  	[tilespmem:s6+$0xFFFFFEB0] =	vst v1  }
0x1a0: {  	v1 =	vld [tilespmem:s30+$0xFFFFFF10]  }
0x1a1: {  	v2 =	vld [tilespmem:s1+$0xFFFFFFD0];
	_ =	sdelay $0x4  }
0x1a2: {  	v1 =	vadd.f32 v2, v1;
	_ =	sdelay $0x1  }
0x1a3: {  	v2 =	vmul.f32 $2.000000030e-01, v1;
	_ =	sdelay $0x1  }
0x1a4: {  	v1 =	vmax.f32 v1, v2  }
0x1a5: {  	v1 =	vmul.f32 $1.442695020e+00, v1;
	_ =	sdelay $0x1  }
0x1a6: {  	(erf) = vpow2.f32 v1;
	_ =	sdelay $0x8  }
0x1a7: {  	v1 =	vpop (erf)  }
0x1a8: {  	[tilespmem:s6+$0xFFFFFF10] =	vst v1  }
0x1a9: {  	v2 =	vld [tilespmem:s30+$0xFFFFFED0];
	_ =	sdelay $0x1  }
0x1aa: {  	v1 =	vperm.xlane v1, v0;
	_ =	sdelay $0x2  }
0x1ab: {  	v2 =	vmul.f32 v2, v1;
	_ =	sdelay $0x1  }
0x1ac: {  	[tilespmem:s6+$0xFFFFFED0] =	vst v2  }
0x1ad: {  	v2 =	vld [tilespmem:s30+$0xFFFFFEE0];
	_ =	sdelay $0x4  }
0x1ae: {  	v2 =	vmul.f32 v2, v1;
	_ =	sdelay $0x1  }
0x1af: {  	[tilespmem:s6+$0xFFFFFEE0] =	vst v2  }
0x1b0: {  	v2 =	vld [tilespmem:s30+$0xFFFFFEF0];
	_ =	sdelay $0x4  }
0x1b1: {  	v2 =	vmul.f32 v2, v1;
	_ =	sdelay $0x1  }
0x1b2: {  	[tilespmem:s6+$0xFFFFFEF0] =	vst v2  }
0x1b3: {  	v2 =	vld [tilespmem:s30+$0xFFFFFF00];
	_ =	sdelay $0x4  }
0x1b4: {  	v1 =	vmul.f32 v2, v1;
	_ =	sdelay $0x1  }
0x1b5: {  	[tilespmem:s6+$0xFFFFFF00] =	vst v1  }
0x1b6: {  	v1 =	vld [tilespmem:s30+$0xFFFFFF60]  }
0x1b7: {  	v2 =	vld [tilespmem:s1+$0xFFFFFFE0];
	_ =	sdelay $0x4  }
0x1b8: {  	v1 =	vadd.f32 v2, v1;
	_ =	sdelay $0x1  }
0x1b9: {  	v2 =	vmul.f32 $2.000000030e-01, v1;
	_ =	sdelay $0x1  }
0x1ba: {  	v1 =	vmax.f32 v1, v2  }
0x1bb: {  	v1 =	vmul.f32 $1.442695020e+00, v1;
	_ =	sdelay $0x1  }
0x1bc: {  	(erf) = vpow2.f32 v1;
	_ =	sdelay $0x8  }
0x1bd: {  	v1 =	vpop (erf)  }
0x1be: {  	[tilespmem:s6+$0xFFFFFF60] =	vst v1  }
0x1bf: {  	v2 =	vld [tilespmem:s30+$0xFFFFFF20]  }
0x1c0: {  	v1 =	vperm.xlane v1, v0;
	_ =	sdelay $0x3  }
0x1c1: {  	v2 =	vmul.f32 v2, v1;
	_ =	sdelay $0x1  }
0x1c2: {  	[tilespmem:s6+$0xFFFFFF20] =	vst v2  }
0x1c3: {  	v2 =	vld [tilespmem:s30+$0xFFFFFF30];
	_ =	sdelay $0x4  }
0x1c4: {  	v2 =	vmul.f32 v2, v1;
	_ =	sdelay $0x1  }
0x1c5: {  	[tilespmem:s6+$0xFFFFFF30] =	vst v2  }
0x1c6: {  	v2 =	vld [tilespmem:s30+$0xFFFFFF40];
	_ =	sdelay $0x4  }
0x1c7: {  	v2 =	vmul.f32 v2, v1;
	_ =	sdelay $0x1  }
0x1c8: {  	[tilespmem:s6+$0xFFFFFF40] =	vst v2  }
0x1c9: {  	v2 =	vld [tilespmem:s30+$0xFFFFFF50];
	_ =	sdelay $0x4  }
0x1ca: {  	v1 =	vmul.f32 v2, v1;
	_ =	sdelay $0x1  }
0x1cb: {  	[tilespmem:s6+$0xFFFFFF50] =	vst v1  }
0x1cc: {  	v1 =	vld [tilespmem:s30+$0xFFFFFFB0]  }
0x1cd: {  	v2 =	vld [tilespmem:s1+$0xFFFFFFF0];
	_ =	sdelay $0x4  }
0x1ce: {  	v1 =	vadd.f32 v2, v1;
	_ =	sdelay $0x1  }
0x1cf: {  	v2 =	vmul.f32 $2.000000030e-01, v1;
	_ =	sdelay $0x1  }
0x1d0: {  	v1 =	vmax.f32 v1, v2  }
0x1d1: {  	v1 =	vmul.f32 $1.442695020e+00, v1;
	_ =	sdelay $0x1  }
0x1d2: {  	(erf) = vpow2.f32 v1;
	_ =	sdelay $0x8  }
0x1d3: {  	v1 =	vpop (erf)  }
0x1d4: {  	[tilespmem:s6+$0xFFFFFFB0] =	vst v1  }
0x1d5: {  	v1 =	vperm.xlane v1, v0;
	v2 =	vld [tilespmem:s30+$0xFFFFFF70];
	_ =	sdelay $0x4  }
0x1d6: {  	v2 =	vmul.f32 v2, v1;
	_ =	sdelay $0x1  }
0x1d7: {  	[tilespmem:s6+$0xFFFFFF70] =	vst v2  }
0x1d8: {  	v2 =	vld [tilespmem:s30+$0xFFFFFF80];
	_ =	sdelay $0x4  }
0x1d9: {  	v2 =	vmul.f32 v2, v1;
	_ =	sdelay $0x1  }
0x1da: {  	[tilespmem:s6+$0xFFFFFF80] =	vst v2  }
0x1db: {  	v2 =	vld [tilespmem:s30+$0xFFFFFF90];
	_ =	sdelay $0x4  }
0x1dc: {  	v2 =	vmul.f32 v2, v1;
	_ =	sdelay $0x1  }
0x1dd: {  	[tilespmem:s6+$0xFFFFFF90] =	vst v2  }
0x1de: {  	v2 =	vld [tilespmem:s30+$0xFFFFFFA0];
	_ =	sdelay $0x4  }
0x1df: {  	v1 =	vmul.f32 v2, v1;
	_ =	sdelay $0x1  }
0x1e0: {  	[tilespmem:s6+$0xFFFFFFA0] =	vst v1  }
0x1e1: {  	v1 =	vld [tilespmem:s30+$0x0]  }
0x1e2: {  	v2 =	vld [tilespmem:s1+$0x0];
	_ =	sdelay $0x4  }
0x1e3: {  	v1 =	vadd.f32 v2, v1;
	_ =	sdelay $0x1  }
0x1e4: {  	v2 =	vmul.f32 $2.000000030e-01, v1;
	_ =	sdelay $0x1  }
0x1e5: {  	v1 =	vmax.f32 v1, v2  }
0x1e6: {  	v1 =	vmul.f32 $1.442695020e+00, v1;
	_ =	sdelay $0x1  }
0x1e7: {  	(erf) = vpow2.f32 v1;
	_ =	sdelay $0x8  }
0x1e8: {  	v1 =	vpop (erf)  }
0x1e9: {  	[tilespmem:s6+$0x0] =	vst v1;
	v1 =	vperm.xlane v1, v0  }
0x1ea: {  	v2 =	vld [tilespmem:s30+$0xFFFFFFC0];
	_ =	sdelay $0x4  }
0x1eb: {  	v2 =	vmul.f32 v2, v1;
	_ =	sdelay $0x1  }
0x1ec: {  	[tilespmem:s6+$0xFFFFFFC0] =	vst v2  }
0x1ed: {  	v2 =	vld [tilespmem:s30+$0xFFFFFFD0];
	_ =	sdelay $0x4  }
0x1ee: {  	v2 =	vmul.f32 v2, v1;
	_ =	sdelay $0x1  }
0x1ef: {  	[tilespmem:s6+$0xFFFFFFD0] =	vst v2  }
0x1f0: {  	v2 =	vld [tilespmem:s30+$0xFFFFFFE0];
	_ =	sdelay $0x4  }
0x1f1: {  	v2 =	vmul.f32 v2, v1  }
.Ltmp1:
0x1f2: {  	(pc) =	sbr.rel @p0 .LBB2_5-.Ltmp1, $3  }
0x1f3: {  	[tilespmem:s6+$0xFFFFFFE0] =	vst v2  }
0x1f4: {  	v2 =	vld [tilespmem:s30+$0xFFFFFFF0];
	_ =	sdelay $0x1  }
0x1f5: {  	s6 =	sadd.s32 $0x190, s6  }
0x1f6: {  	_ =	sdelay $0x1  }
0x1f7: {  	v1 =	vmul.f32 v2, v1;
	_ =	sdelay $0x1  }
0x1f8: {  	[tilespmem:s0+$0xFFFFFFF0] =	vst v1  }
0x1f9: {  	[spmem:s2] =	stream.indirect.scatter.add.f32 [tilespmem:s23], [sflag:$0x4], $0x50, s29, s15, $0xb8;
	[tilespmem:$0x1C3E0] =	vst v63  }
0x1fa: {  	_ =	swait.ge [sflag:s18], $0x2710  }
0x1fb: {  	[sflag:s18] =	ssyncset.done $0x0  }
0x1fc: {  	[sflag:s18] =	ssyncadd.s32 $0xFFFFD8F0  }
0x1fd: {  	_ =	swait.ge [sflag:s18], $0x7D0  }
0x1fe: {  	[sflag:s18] =	ssyncset.done $0x0  }
0x1ff: {  	s28 =	sadd.s32 $0x1, s28;
	[sflag:s18] =	ssyncadd.s32 $0xFFFFF830  }
0x200: {  	p0 =	sne.s32 s28, $0x28;
	_ =	swait.ge [sflag:s24], $0x2710  }
.Ltmp2:
0x201: {  	[sflag:s24] =	ssyncset.done $0x0;
	(pc) =	sbr.rel @p0 .LBB2_2-.Ltmp2, $4  }
0x202: {  	[sflag:s24] =	ssyncadd.s32 $0xFFFFD8F0  }
0x203: {  	_ =	swait.ge [sflag:s25], $0x2710  }
0x204: {  	[sflag:s25] =	ssyncset.done $0x0  }
0x205: {  	[sflag:s25] =	ssyncadd.s32 $0xFFFFD8F0  }
0x206: {  	s26 =	sadd.s32 $0x1, s26  }
0x207: {  	p0 =	sne.s32 s26, s10  }
.Ltmp3:
0x208: {  	[bflag:$0x0] =	sbarrier.arrive $0xFFFF;
	(pc) =	sbr.rel @p0 .LBB2_1-.Ltmp3, $4  }
0x209: {  	[hbm:s9], [sflag:s13] =	dma.local [spmem:s14], $0x1900  }
0x20a: {  	_ =	swait.ge [sflag:s11], $0x1900  }
0x20b: {  	[sflag:s11] =	ssyncset.done $0x0  }
0x20c: {  	[sflag:s11] =	ssyncadd.s32 $0xFFFFE700  }
0x20d: {  	_ =	sfence.sel $0x180000  }
0x20e: {  	[bflag:$0x0] =	sbarrier.arrive $0xFFFF  }
0x20f: {  	_ =	strace $0x9000004A  }
0x210: {  	s0 =	stileid.u32;
	[bflag:$0x2] =	sbarrier.arrive $0xFFFF  }
0x211: {  	p0 =	sne.s32 s0, $0x0;
	s0 =	rddreg [dreg:$0x3]  }
0x212: {  	s0 =	sadd.s32 @!p0 $0x100000, s0  }
0x213: {  	[sflag:s0] =	ssyncadd.tile.s32 @!p0 $0x1;
	_ =	shalt  }
.Lfunc_end2:
_tile_overlayer_lowered:
.L_overlay_start_2:
0x214: {  	(tag) =	ssettag $0x2  }
0x215: {  	s0 =	rddreg [dreg:$0x0];
	s2 =	stileid.u32  }
0x216: {  	s1 =	rddreg [dreg:$0x1];
	p0 =	sne.s32 s2, $0x0  }
0x217: {  	s3 =	rddreg [dreg:$0x2];
	[bflag:$0x3] =	sbarrier.arrive $0xFFFF;
	s2 =	simm.s32 @!p0 $0x1C05  }
0x218: {  	[timem:s3], [sflag:s2] =	dma.local @!p0 [hbm:s0], s1  }
0x219: {  	s0 =	simm.s32 @!p0 $0x5  }
0x21a: {  	_ =	swait.ge @!p0 [sflag:s0], s1  }
0x21b: {  	s1 =	ssub.s32 @!p0 $0x0, s1;
	[sflag:s0] =	ssyncset.done @!p0 $0x0  }
0x21c: {  	[sflag:s0] =	ssyncadd.s32 @!p0 s1  }
0x21d: {  	[bflag:$0x3] =	sbarrier.arrive $0xFFFF  }
0x21e: {  	_ =	shalt  }

// kernel: kernel.7.cloned.1.call-start
scs
__scs_entry_jumppad:
0x0: {  	(pc) =	sbr.rel $0x88, $3  }
0x1: {  	(tag) =	ssettag $0x0;
	lr =	simm.s32 $0x1  }
0x2: {  	[smem:$0x3F97] =	sst lr;
	_ =	strace $0xD0000000  }
0x3: {  	_ = 	snop  }
0x4: {  	_ = 	snop  }
0x5: {  	_ = 	snop  }
0x6: {  	_ = 	snop  }
0x7: {  	_ = 	snop  }
__scs_overlays_trampoline_lowered:
0x8: {  	[smem:$0x3FA6] =	sst s0  }
0x9: {  	[smem:$0x3FA7] =	sst s1  }
0xa: {  	[smem:$0x3FA8] =	sst s2  }
0xb: {  	[smem:$0x3FA9] =	sst s3  }
0xc: {  	[smem:$0x3FAA] =	sst s4  }
0xd: {  	[smem:$0x3FAB] =	sst s5  }
0xe: {  	[smem:$0x3FAC] =	sst s6  }
0xf: {  	[smem:$0x3FAD] =	sst s7  }
0x10: {  	[smem:$0x3FAE] =	sst s8  }
0x11: {  	[smem:$0x3FAF] =	sst s9;
	s0 =	simm.s32 @!p0 $0x0  }
0x12: {  	s1 =	sld [smem:$0x3F95];
	s0 =	simm.s32 @p0 $0x1  }
0x13: {  	[smem:$0x3FB0] =	sst s0;
	s0 =	simm.s32 @!p1 $0x0  }
0x14: {  	s2 =	sld [smem:$0x3F94];
	s0 =	simm.s32 @p1 $0x1  }
0x15: {  	[smem:$0x3FB1] =	sst s0;
	s0 =	simm.s32 @!p2 $0x0  }
0x16: {  	s3 =	sld [smem:$0x3FDB];
	s0 =	simm.s32 @p2 $0x1  }
0x17: {  	s4 =	simm.s32 $0x1BF5;
	[smem:$0x3FB3] =	sst s0  }
0x18: {  	s0 =	sld [smem:$0x3F96];
	_ =	swait.ge [sflag:s4], $0x0  }
0x19: {  	s7 =	sld [smem:$0x3F97]  }
0x1a: {  	s8 =	sadd.s32 $0xFFFFE003, lr  }
0x1b: {  	s9 =	sadd.s32 $0xFFFFFEF7, lr;
	s5 =	simm.s32 $0xFFFFFFFF;
	p2 =	slt.u32 s8, $0xFFFFF086  }
0x1c: {  	p1 =	slt.u32 s9, $0xF7A;
	s5 =	simm.s32 @!p2 $0x0  }
0x1d: {  	s5 =	simm.s32 @p1 $0x1;
	p0 =	seq.s32 s7, s2  }
0x1e: {  	s7 =	smul.u32 @!p0 $0xF7A, s2;
	p2 =	seq.s32 @!p0 s5, $0x0  }
0x1f: {  	s9 =	smul.u32 $0xF7A, s1;
	s8 =	simm.s32 @!p0 $0x1BF5;
	p2 =	por !p2, p0  }
0x20: {  	[sflag:s8] =	ssyncset.s32 @!p0 $0xFFFFF086;
	s6 =	sadd.s32 @!p0 s3, s7;
	s7 =	simm.s32 @!p0 $0x108  }
0x21: {  	s3 =	sadd.s32 s3, s9;
	s6 =	sadd.s32 @!p0 $0x88, s6;
	s7 =	simm.s32 @p2 $0x1082  }
0x22: {  	[simem:s7], [sflag:s8] =	dma.local @!p0 [hbm:s6], $0xF7A  }
0x23: {  	s9 =	sor.u32 $0xD0000000, s2;
	s6 =	simm.s32 $0x108;
	_ =	swait.ge @!p0 [sflag:s8], $0x0  }
0x24: {  	s3 =	sadd.s32 $0x88, s3;
	s6 =	simm.s32 @!p1 $0x1082;
	[sflag:s4] =	ssyncset.s32 $0xFFFFF086  }
0x25: {  	[simem:s6], [sflag:s4] =	dma.local [hbm:s3], $0xF7A  }
0x26: {  	[smem:$0x3F97] =	sst s1;
	(tag) =	ssettag s2;
	_ =	strace s9  }
0x27: {  	s1 =	sld [smem:$0x3FA7]  }
0x28: {  	s2 =	sld [smem:$0x3FA8]  }
0x29: {  	s4 =	sld [smem:$0x3FAA]  }
0x2a: {  	p0 =	seq.s32 s5, $0x0;
	s5 =	sld [smem:$0x3FAB]  }
0x2b: {  	s6 =	sld [smem:$0x3FAC]  }
0x2c: {  	s7 =	sld [smem:$0x3FAD]  }
0x2d: {  	s3 =	simm.s32 $0x108;
	s8 =	sld [smem:$0x3FAE]  }
0x2e: {  	s3 =	simm.s32 @!p0 $0x1082;
	s9 =	sld [smem:$0x3FAF]  }
0x2f: {  	lr =	sadd.s32 s0, s3;
	s0 =	sld [smem:$0x3FA6]  }
0x30: {  	s3 =	sld [smem:$0x3FA9]  }
0x31: {  	[smem:$0x3FB2] =	sst s10  }
0x32: {  	s10 =	sld [smem:$0x3FB0];
	_ =	sdelay $0x3  }
0x33: {  	p0 =	seq.s32 s10, $0x1;
	s10 =	sld [smem:$0x3FB2];
	_ =	sdelay $0x3  }
0x34: {  	[smem:$0x3FB2] =	sst s10  }
0x35: {  	s10 =	sld [smem:$0x3FB1];
	_ =	sdelay $0x3  }
0x36: {  	p1 =	seq.s32 s10, $0x1;
	s10 =	sld [smem:$0x3FB2];
	_ =	sdelay $0x3  }
0x37: {  	[smem:$0x3FB2] =	sst s10  }
0x38: {  	s10 =	sld [smem:$0x3FB3]  }
0x39: {  	_ = 	snop;
	(pc) =	sbr.ind lr, $3  }
0x3a: {  	_ = 	snop  }
0x3b: {  	_ = 	snop  }
0x3c: {  	p2 =	seq.s32 s10, $0x1;
	s10 =	sld [smem:$0x3FB2]  }
0x3d: {  	_ =	shalt  }
0x3e: {  	_ =	shalt  }
0x3f: {  	_ =	shalt  }
0x40: {  	_ =	shalt  }
0x41: {  	_ =	shalt  }
0x42: {  	_ =	shalt  }
0x43: {  	_ =	shalt  }
0x44: {  	_ =	shalt  }
0x45: {  	_ =	shalt  }
0x46: {  	_ =	shalt  }
0x47: {  	_ =	shalt  }
0x48: {  	_ =	shalt  }
0x49: {  	_ =	shalt  }
0x4a: {  	_ =	shalt  }
0x4b: {  	_ =	shalt  }
0x4c: {  	_ =	shalt  }
0x4d: {  	_ =	shalt  }
0x4e: {  	_ =	shalt  }
0x4f: {  	_ =	shalt  }
0x50: {  	_ =	shalt  }
0x51: {  	_ =	shalt  }
0x52: {  	_ =	shalt  }
0x53: {  	_ =	shalt  }
0x54: {  	_ =	shalt  }
0x55: {  	_ =	shalt  }
0x56: {  	_ =	shalt  }
0x57: {  	_ =	shalt  }
0x58: {  	_ =	shalt  }
0x59: {  	_ =	shalt  }
0x5a: {  	_ =	shalt  }
0x5b: {  	_ =	shalt  }
0x5c: {  	_ =	shalt  }
0x5d: {  	_ =	shalt  }
0x5e: {  	_ =	shalt  }
0x5f: {  	_ =	shalt  }
0x60: {  	_ =	shalt  }
0x61: {  	_ =	shalt  }
0x62: {  	_ =	shalt  }
0x63: {  	_ =	shalt  }
0x64: {  	_ =	shalt  }
0x65: {  	_ =	shalt  }
0x66: {  	_ =	shalt  }
0x67: {  	_ =	shalt  }
0x68: {  	_ =	shalt  }
0x69: {  	_ =	shalt  }
0x6a: {  	_ =	shalt  }
0x6b: {  	_ =	shalt  }
0x6c: {  	_ =	shalt  }
0x6d: {  	_ =	shalt  }
0x6e: {  	_ =	shalt  }
0x6f: {  	_ =	shalt  }
0x70: {  	_ =	shalt  }
0x71: {  	_ =	shalt  }
0x72: {  	_ =	shalt  }
0x73: {  	_ =	shalt  }
0x74: {  	_ =	shalt  }
0x75: {  	_ =	shalt  }
0x76: {  	_ =	shalt  }
0x77: {  	_ =	shalt  }
0x78: {  	_ =	shalt  }
0x79: {  	_ =	shalt  }
0x7a: {  	_ =	shalt  }
0x7b: {  	_ =	shalt  }
0x7c: {  	_ =	shalt  }
0x7d: {  	_ =	shalt  }
0x7e: {  	_ =	shalt  }
0x7f: {  	_ =	shalt  }
0x80: {  	_ =	shalt  }
0x81: {  	_ =	shalt  }
0x82: {  	_ =	shalt  }
0x83: {  	_ =	shalt  }
0x84: {  	_ =	shalt  }
0x85: {  	_ =	shalt  }
0x86: {  	_ =	shalt  }
0x87: {  	_ =	shalt  }
.Lfunc_end0:
.L_simem_size_0:
called_computation_lowered:
.L_overlay_start_0:
0x88: {  	s2 =	sld [smem:$0x3FD9]  }
0x89: {  	s3 =	sld [smem:$0x3FFE];
	_ =	sdelay $0x1  }
0x8a: {  	s1 =	srdreg.scid  }
0x8b: {  	s0 =	sand.u32 $0x1, s1  }
0x8c: {  	s17 =	sshll.u32 s0, $0xA;
	s2 =	sadd.s32 s3, s2  }
0x8d: {  	s2 =	sadd.s32 s2, s17  }
0x8e: {  	[smem:$0x3FBE] =	sst s2  }
0x8f: {  	_ = 	snop  }
0x90: {  	s2 =	sld [smem:$0x3FD0];
	(tm) =	ssettm $0x1  }
0x91: {  	s18 =	sld [smem:$0x3FFB];
	_ =	sdelay $0x3  }
0x92: {  	_ =	strace s18  }
0x93: {  	s3 =	sld [smem:$0x3FFC];
	_ =	sdelay $0x3  }
0x94: {  	_ =	strace s3  }
0x95: {  	s3 =	sld [smem:$0x3FFD];
	_ =	sdelay $0x3  }
0x96: {  	_ =	strace s3  }
0x97: {  	_ =	strace $0x8FFFFFFF  }
0x98: {  	s19 =	sld [smem:$0x3FDB];
	_ =	sdelay $0x1  }
0x99: {  	s4 =	simm.s32 $_scs_section_size  }
0x9a: {  	s5 =	simm.s32 $_size__tile_overlayer_lowered;
	s6 =	simm.s32 $_tile_overlayer_lowered  }
0x9b: {  	s22 =	simm.s32 $0x1BFF;
	s21 =	sshll.u32 s6, $0x1;
	s3 =	sadd.s32 s4, s19  }
0x9c: {  	s7 =	simm.s32 $0x0;
	s20 =	sshll.u32 s5, $0x1;
	s5 =	sadd.s32 s21, s3  }
0x9d: {  	[timem:s7], [sflag:s22] =	dma.local [hbm:s5], s20  }
0x9e: {  	_ =	swait.ge [sflag:s22], s20  }
0x9f: {  	s4 =	ssub.s32 $0x0, s20;
	[sflag:s22] =	ssyncset.done $0x0  }
0xa0: {  	[sflag:s22] =	ssyncadd.s32 s4;
	_ =	sdelay $0x1  }
0xa1: {  	s23 =	simm.s32 $0x1B8B  }
0xa2: {  	_ =	swait.ge [sflag:s23], $0x1  }
0xa3: {  	[sflag:s23] =	ssyncset.done $0x0  }
0xa4: {  	s25 =	simm.s32 $0x1B8E;
	s24 =	sld [smem:$0x3FFE];
	[sflag:s23] =	ssyncadd.s32 $0xFFFFFFFF  }
0xa5: {  	s26 =	simm.s32 $execute0_lowered;
	[smem:$0x3FD2] =	sst s25  }
0xa6: {  	s5 =	sshll.u32 s26, $0x1;
	_ =	strace $0x80000046;
	[dreg:$0x1] =	wrdreg $0xFFFFFFFF  }
0xa7: {  	s28 =	simm.s32 $_size_execute0_lowered;
	s3 =	sadd.s32 s3, s5;
	[dreg:$0x0] =	wrdreg $0x0  }
0xa8: {  	s5 =	sshll.u32 s28, $0x1;
	[dreg:$0x2] =	wrdreg s3  }
0xa9: {  	[dreg:$0x3] =	wrdreg s5  }
0xaa: {  	[dreg:$0x4] =	wrdreg $0xC0  }
0xab: {  	_ =	task [dreg:s7], $0x5FFFF  }
0xac: {  	[dreg:$0x1] =	wrdreg $0xFFFFFFFF  }
0xad: {  	[dreg:$0x0] =	wrdreg $0x60  }
0xae: {  	[dreg:$0x2] =	wrdreg s24  }
0xaf: {  	[dreg:$0x3] =	wrdreg s2  }
0xb0: {  	[dreg:$0x4] =	wrdreg $0xFBE00  }
0xb1: {  	[dreg:$0x5] =	wrdreg $0x9  }
0xb2: {  	_ =	task.clear_ibuf [dreg:s7], $0x6FFFF;
	_ =	strace $0x90000046  }
0xb3: {  	s29 =	simm.s32 $0x9;
	_ =	strace $0x80000048  }
0xb4: {  	_ =	swait.ge [sflag:s29], $0x1  }
0xb5: {  	[sflag:s29] =	ssyncadd.s32 $0xFFFFFFFF  }
0xb6: {  	_ =	strace $0x90000048  }
0xb7: {  	_ =	sfence  }
0xb8: {  	s30 =	sld [smem:$0x0];
	_ =	sdelay $0x2  }
0xb9: {  	s31 =	sshll.u32 s1, $0xD;
	s1 =	sshrl.u32 s1, $0x2  }
0xba: {  	s3 =	sand.u32 $0x4000, s31;
	s1 =	sadd.s32 s1, s30  }
0xbb: {  	s0 =	sor.u32 s3, s0;
	s1 =	sshll.u32 s1, $0x11  }
0xbc: {  	s0 =	sor.u32 s1, s0  }
0xbd: {  	s0 =	sadd.s32 $0x8F2B, s0  }
0xbe: {  	[sflag:s0] =	ssyncadd.remote.s32 $0x1  }
0xbf: {  	_ =	sfence.sel $0xFFFF  }
0xc0: {  	[dreg:$0x0] =	wrdreg $0xFFFFFFFF;
	(pc) =	sbr.abs _section_cstart, $3  }
0xc1: {  	[dreg:$0x1] =	wrdreg $0xFFFFFFFF  }
0xc2: {  	_ =	task.clear_ibuf [dreg:s7], $0x2FFFF;
	_ =	strace $0x9FFFFFFF  }
0xc3: {  	(tm) =	ssettm $0x7FFFFFFF  }
tec
execute0_lowered:
.L_overlay_start_1:
0x0: {  	(tag) =	ssettag $0x1  }
0x1: {  	s0 =	srdreg.scid  }
0x2: {  	s1 =	rddreg [dreg:$0x0];
	s12 =	stileid.u32  }
0x3: {  	s6 =	rddreg [dreg:$0x1];
	s15 =	simm.s32 $0x7D;
	s16 =	simm.s32 $0x5000  }
0x4: {  	s17 =	simm.s32 $0x9E20;
	s18 =	simm.s32 $0x1;
	s19 =	simm.s32 $0x7710  }
0x5: {  	s20 =	simm.s32 $0xA5F0;
	s21 =	simm.s32 $0xADC0;
	s22 =	simm.s32 $0x2  }
0x6: {  	s23 =	simm.s32 $0xD4D0;
	s24 =	simm.s32 $0x3;
	s25 =	simm.s32 $0x4  }
0x7: {  	s26 =	simm.s32 $0x0;
	s0 =	sand.u32 $0x1, s0;
	s8 =	smul.u32 $0xC800, s12  }
0x8: {  	s4 =	sadd.s32 $0x1400, s1;
	s5 =	sadd.s32 $0x19C00, s1;
	s31 =	sshll.u32 s12, $0x6  }
0x9: {  	s2 =	sshll.u32 s0, $0x4;
	s9 =	smul.u32 $0xC8000, s0;
	s0 =	ssub.s32 $0x2, s0  }
0xa: {  	s13 =	sor.u32 $0x1C05, s31;
	s3 =	sor.u32 s12, s2;
	s2 =	rddreg [dreg:$0x2]  }
0xb: {  	s11 =	sshrl.u32 s8, $0x3;
	s29 =	sshrl.u32 s0, $0x1;
	s7 =	smul.u32 $0x500, s3  }
0xc: {  	s3 =	simm.s32 $0x0;
	s9 =	sadd.s32 s8, s9;
	s11 =	sadd.s32 s11, s1  }
0xd: {  	s0 =	ssub.s32 s0, s29;
	s30 =	sadd.s32 s8, s2;
	[smem:$0x7FF] =	sst s3  }
0xe: {  	s9 =	sshrl.u32 s9, $0x3;
	s8 =	sadd.s32 $0x28C00, s11;
	s11 =	simm.s32 $0x5  }
0xf: {  	v0 =	vlaneseq.u32;
	s14 =	sshrl.u32 s30, $0x3;
	_ =	strace $0x80000047;
	s6 =	sadd.s32 s6, s7  }
0x10: {  	v0 =	vshrl.u32 v0, $0x3;
	s10 =	sadd.s32 s7, s1;
	s1 =	sadd.s32 s9, s1;
	[dreg:$0x4] =	wrdreg s6  }
0x11: {  	v1 =	vor.u32 $0x2, v0;
	v2 =	vor.u32 $0x4, v0;
	v3 =	vor.u32 $0x6, v0;
	s7 =	sadd.s32 $0x1EC00, s10;
	s9 =	sadd.s32 $0x41C00, s1;
	s10 =	smax.u32 s0, $0x1  }
.LBB2_1:
0x12: {  	s0 =	rddreg [dreg:$0x4]  }
0x13: {  	[tilespmem:s3], [sflag:$0x5] =	stream.linear.gather [hbm4b:s0+s3], $0x2800, $0x38;
	[tilespmem:$0x1C3E0] =	vst v63  }
0x14: {  	_ =	swait.ge [sflag:s11], $0x2800  }
0x15: {  	[sflag:s11] =	ssyncset.done $0x0  }
0x16: {  	s31 =	simm.s32 $0x2800;
	[sflag:s11] =	ssyncadd.s32 $0xFFFFD800  }
0x17: {  	[tilespmem:s31], [sflag:$0x5] =	stream.linear.gather [hbm4b:s7+s3], $0x2800, $0x38;
	[tilespmem:$0x1C3E0] =	vst v63  }
0x18: {  	_ =	swait.ge [sflag:s11], $0x2800  }
0x19: {  	[sflag:s11] =	ssyncset.done $0x0  }
0x1a: {  	[sflag:s11] =	ssyncadd.s32 $0xFFFFD800  }
0x1b: {  	[spmem:s14], [sflag:s13] =	dma.local [hbm:s8], $0x1900  }
0x1c: {  	_ =	swait.ge [sflag:s11], $0x1900  }
0x1d: {  	[sflag:s11] =	ssyncset.done $0x0  }
0x1e: {  	[sflag:s11] =	ssyncadd.s32 $0xFFFFE700  }
0x1f: {  	[bflag:$0x0] =	sbarrier.arrive $0xFFFF  }
0x20: {  	[tilespmem:s16], [sflag:$0x1] =	stream.indirect.gather [hbm4b:s4+s15], $0x50, s3, s15, $0xb8;
	[tilespmem:$0x1C3E0] =	vst v63  }
0x21: {  	_ = 	snop  }
0x22: {  	[tilespmem:s17], [sflag:$0x1] =	stream.indirect.gather [hbm4b:s5+s15], $0x10, s31, s15, $0xb8;
	[tilespmem:$0x1C3E0] =	vst v63  }
0x23: {  	_ =	swait.ge [sflag:s18], $0x2710  }
0x24: {  	[sflag:s18] =	ssyncset.done $0x0  }
0x25: {  	[sflag:s18] =	ssyncadd.s32 $0xFFFFD8F0  }
0x26: {  	_ =	swait.ge [sflag:s18], $0x7D0  }
0x27: {  	[sflag:s18] =	ssyncset.done $0x0  }
0x28: {  	s28 =	simm.s32 $0x0;
	[sflag:s18] =	ssyncadd.s32 $0xFFFFF830  }
.LBB2_2:
0x29: {  	s30 =	sshll.u32 s28, $0x8  }
0x2a: {  	s0 =	sor.u32 $0x80, s30  }
0x2b: {  	[tilespmem:s19], [sflag:$0x2] =	stream.indirect.gather [hbm4b:s4+s15], $0x50, s0, s15, $0xb8;
	[tilespmem:$0x1C3E0] =	vst v63  }
0x2c: {  	s31 =	simm.s32 $0x50C0;
	s29 =	sadd.s32 $0x2880, s30  }
0x2d: {  	[tilespmem:s20], [sflag:$0x2] =	stream.indirect.gather [hbm4b:s5+s15], $0x10, s29, s15, $0xb8;
	[tilespmem:$0x1C3E0] =	vst v63  }
0x2e: {  	s1 =	simm.s32 $0x9E40;
	v4 =	vld [tilespmem:s31+$0xFFFFFF80]  }
0x2f: {  	v5 =	vld [tilespmem:s1+$0xFFFFFFE0];
	_ =	sdelay $0x4  }
0x30: {  	v4 =	vadd.f32 v5, v4;
	_ =	sdelay $0x1  }
0x31: {  	v5 =	vmul.f32 $2.000000030e-01, v4;
	_ =	sdelay $0x1  }
0x32: {  	v4 =	vmax.f32 v4, v5  }
0x33: {  	v4 =	vmul.f32 $1.442695020e+00, v4;
	_ =	sdelay $0x1  }
0x34: {  	(erf) = vpow2.f32 v4;
	_ =	sdelay $0x8  }
0x35: {  	s0 =	simm.s32 $0xAE80;
	v4 =	vpop (erf)  }
0x36: {  	[tilespmem:s0+$0xFFFFFF80] =	vst v4  }
0x37: {  	v5 =	vld [tilespmem:s31+$0xFFFFFF40];
	_ =	sdelay $0x2  }
0x38: {  	v6 =	vperm.xlane v4, v0;
	_ =	sdelay $0x1  }
0x39: {  	v5 =	vmul.f32 v5, v6;
	_ =	sdelay $0x1  }
0x3a: {  	[tilespmem:s0+$0xFFFFFF40] =	vst v5  }
0x3b: {  	v5 =	vld [tilespmem:s31+$0xFFFFFF50];
	_ =	sdelay $0x2  }
0x3c: {  	v6 =	vperm.xlane v4, v1;
	_ =	sdelay $0x1  }
0x3d: {  	v5 =	vmul.f32 v5, v6;
	_ =	sdelay $0x1  }
0x3e: {  	[tilespmem:s0+$0xFFFFFF50] =	vst v5  }
0x3f: {  	v5 =	vld [tilespmem:s31+$0xFFFFFF60];
	_ =	sdelay $0x2  }
0x40: {  	v6 =	vperm.xlane v4, v2;
	_ =	sdelay $0x1  }
0x41: {  	v5 =	vmul.f32 v5, v6;
	_ =	sdelay $0x1  }
0x42: {  	[tilespmem:s0+$0xFFFFFF60] =	vst v5  }
0x43: {  	v5 =	vld [tilespmem:s31+$0xFFFFFF70];
	_ =	sdelay $0x2  }
0x44: {  	v4 =	vperm.xlane v4, v3;
	_ =	sdelay $0x1  }
0x45: {  	v4 =	vmul.f32 v5, v4;
	_ =	sdelay $0x1  }
0x46: {  	[tilespmem:s0+$0xFFFFFF70] =	vst v4  }
0x47: {  	v4 =	vld [tilespmem:s31+$0xFFFFFFD0]  }
0x48: {  	v5 =	vld [tilespmem:s1+$0xFFFFFFF0];
	_ =	sdelay $0x4  }
0x49: {  	v4 =	vadd.f32 v5, v4;
	_ =	sdelay $0x1  }
0x4a: {  	v5 =	vmul.f32 $2.000000030e-01, v4;
	_ =	sdelay $0x1  }
0x4b: {  	v4 =	vmax.f32 v4, v5  }
0x4c: {  	v4 =	vmul.f32 $1.442695020e+00, v4;
	_ =	sdelay $0x1  }
0x4d: {  	(erf) = vpow2.f32 v4;
	_ =	sdelay $0x8  }
0x4e: {  	v4 =	vpop (erf)  }
0x4f: {  	[tilespmem:s0+$0xFFFFFFD0] =	vst v4  }
0x50: {  	v5 =	vld [tilespmem:s31+$0xFFFFFF90];
	_ =	sdelay $0x2  }
0x51: {  	v6 =	vperm.xlane v4, v0;
	_ =	sdelay $0x1  }
0x52: {  	v5 =	vmul.f32 v5, v6;
	_ =	sdelay $0x1  }
0x53: {  	[tilespmem:s0+$0xFFFFFF90] =	vst v5  }
0x54: {  	v5 =	vld [tilespmem:s31+$0xFFFFFFA0];
	_ =	sdelay $0x2  }
0x55: {  	v6 =	vperm.xlane v4, v1;
	_ =	sdelay $0x1  }
0x56: {  	v5 =	vmul.f32 v5, v6;
	_ =	sdelay $0x1  }
0x57: {  	[tilespmem:s0+$0xFFFFFFA0] =	vst v5  }
0x58: {  	v5 =	vld [tilespmem:s31+$0xFFFFFFB0];
	_ =	sdelay $0x2  }
0x59: {  	v6 =	vperm.xlane v4, v2;
	_ =	sdelay $0x1  }
0x5a: {  	v5 =	vmul.f32 v5, v6;
	_ =	sdelay $0x1  }
0x5b: {  	[tilespmem:s0+$0xFFFFFFB0] =	vst v5  }
0x5c: {  	v5 =	vld [tilespmem:s31+$0xFFFFFFC0];
	_ =	sdelay $0x2  }
0x5d: {  	v4 =	vperm.xlane v4, v3;
	_ =	sdelay $0x1  }
0x5e: {  	v4 =	vmul.f32 v5, v4;
	_ =	sdelay $0x1  }
0x5f: {  	[tilespmem:s0+$0xFFFFFFC0] =	vst v4  }
0x60: {  	v4 =	vld [tilespmem:s31+$0x20]  }
0x61: {  	v5 =	vld [tilespmem:s1+$0x0];
	_ =	sdelay $0x4  }
0x62: {  	v4 =	vadd.f32 v5, v4;
	_ =	sdelay $0x1  }
0x63: {  	v5 =	vmul.f32 $2.000000030e-01, v4;
	_ =	sdelay $0x1  }
0x64: {  	v4 =	vmax.f32 v4, v5  }
0x65: {  	v4 =	vmul.f32 $1.442695020e+00, v4;
	_ =	sdelay $0x1  }
0x66: {  	(erf) = vpow2.f32 v4;
	_ =	sdelay $0x8  }
0x67: {  	v4 =	vpop (erf)  }
0x68: {  	[tilespmem:s0+$0x20] =	vst v4  }
0x69: {  	v5 =	vld [tilespmem:s31+$0xFFFFFFE0];
	_ =	sdelay $0x2  }
0x6a: {  	v6 =	vperm.xlane v4, v0;
	_ =	sdelay $0x1  }
0x6b: {  	v5 =	vmul.f32 v5, v6;
	_ =	sdelay $0x1  }
0x6c: {  	[tilespmem:s0+$0xFFFFFFE0] =	vst v5  }
0x6d: {  	v5 =	vld [tilespmem:s31+$0xFFFFFFF0];
	_ =	sdelay $0x2  }
0x6e: {  	v6 =	vperm.xlane v4, v1;
	_ =	sdelay $0x1  }
0x6f: {  	v5 =	vmul.f32 v5, v6;
	_ =	sdelay $0x1  }
0x70: {  	[tilespmem:s0+$0xFFFFFFF0] =	vst v5  }
0x71: {  	v5 =	vld [tilespmem:s31+$0x0];
	_ =	sdelay $0x2  }
0x72: {  	v6 =	vperm.xlane v4, v2;
	_ =	sdelay $0x1  }
0x73: {  	v5 =	vmul.f32 v5, v6;
	_ =	sdelay $0x1  }
0x74: {  	[tilespmem:s0+$0x0] =	vst v5  }
0x75: {  	v5 =	vld [tilespmem:s31+$0x10];
	_ =	sdelay $0x2  }
0x76: {  	v4 =	vperm.xlane v4, v3;
	_ =	sdelay $0x1  }
0x77: {  	v4 =	vmul.f32 v5, v4;
	_ =	sdelay $0x1  }
0x78: {  	[tilespmem:s0+$0x10] =	vst v4  }
0x79: {  	v4 =	vld [tilespmem:s31+$0x70]  }
0x7a: {  	v5 =	vld [tilespmem:s1+$0x10];
	_ =	sdelay $0x4  }
0x7b: {  	v4 =	vadd.f32 v5, v4;
	_ =	sdelay $0x1  }
0x7c: {  	v5 =	vmul.f32 $2.000000030e-01, v4;
	_ =	sdelay $0x1  }
0x7d: {  	v4 =	vmax.f32 v4, v5  }
0x7e: {  	v4 =	vmul.f32 $1.442695020e+00, v4;
	_ =	sdelay $0x1  }
0x7f: {  	(erf) = vpow2.f32 v4;
	_ =	sdelay $0x8  }
0x80: {  	v4 =	vpop (erf)  }
0x81: {  	[tilespmem:s0+$0x70] =	vst v4  }
0x82: {  	v5 =	vld [tilespmem:s31+$0x30];
	_ =	sdelay $0x2  }
0x83: {  	v6 =	vperm.xlane v4, v0;
	_ =	sdelay $0x1  }
0x84: {  	v5 =	vmul.f32 v5, v6;
	_ =	sdelay $0x1  }
0x85: {  	[tilespmem:s0+$0x30] =	vst v5  }
0x86: {  	v5 =	vld [tilespmem:s31+$0x40];
	_ =	sdelay $0x2  }
0x87: {  	v6 =	vperm.xlane v4, v1;
	_ =	sdelay $0x1  }
0x88: {  	v5 =	vmul.f32 v5, v6;
	_ =	sdelay $0x1  }
0x89: {  	[tilespmem:s0+$0x40] =	vst v5  }
0x8a: {  	v5 =	vld [tilespmem:s31+$0x50];
	_ =	sdelay $0x2  }
0x8b: {  	v6 =	vperm.xlane v4, v2;
	_ =	sdelay $0x1  }
0x8c: {  	v5 =	vmul.f32 v5, v6;
	_ =	sdelay $0x1  }
0x8d: {  	[tilespmem:s0+$0x50] =	vst v5  }
0x8e: {  	v5 =	vld [tilespmem:s31+$0x60];
	_ =	sdelay $0x2  }
0x8f: {  	v4 =	vperm.xlane v4, v3;
	_ =	sdelay $0x1  }
0x90: {  	v4 =	vmul.f32 v5, v4;
	_ =	sdelay $0x1  }
0x91: {  	[tilespmem:s0+$0x60] =	vst v4  }
0x92: {  	v4 =	vld [tilespmem:s31+$0xC0]  }
0x93: {  	v5 =	vld [tilespmem:s1+$0x20];
	_ =	sdelay $0x4  }
0x94: {  	v4 =	vadd.f32 v5, v4;
	_ =	sdelay $0x1  }
0x95: {  	v5 =	vmul.f32 $2.000000030e-01, v4;
	_ =	sdelay $0x1  }
0x96: {  	v4 =	vmax.f32 v4, v5  }
0x97: {  	v4 =	vmul.f32 $1.442695020e+00, v4;
	_ =	sdelay $0x1  }
0x98: {  	(erf) = vpow2.f32 v4;
	_ =	sdelay $0x8  }
0x99: {  	v4 =	vpop (erf)  }
0x9a: {  	[tilespmem:s0+$0xC0] =	vst v4  }
0x9b: {  	v5 =	vld [tilespmem:s31+$0x80];
	_ =	sdelay $0x2  }
0x9c: {  	v6 =	vperm.xlane v4, v0;
	_ =	sdelay $0x1  }
0x9d: {  	v5 =	vmul.f32 v5, v6;
	_ =	sdelay $0x1  }
0x9e: {  	[tilespmem:s0+$0x80] =	vst v5  }
0x9f: {  	v5 =	vld [tilespmem:s31+$0x90];
	_ =	sdelay $0x2  }
0xa0: {  	v6 =	vperm.xlane v4, v1;
	_ =	sdelay $0x1  }
0xa1: {  	v5 =	vmul.f32 v5, v6;
	_ =	sdelay $0x1  }
0xa2: {  	[tilespmem:s0+$0x90] =	vst v5  }
0xa3: {  	v5 =	vld [tilespmem:s31+$0xA0];
	_ =	sdelay $0x2  }
0xa4: {  	v6 =	vperm.xlane v4, v2;
	_ =	sdelay $0x1  }
0xa5: {  	v5 =	vmul.f32 v5, v6;
	_ =	sdelay $0x1  }
0xa6: {  	[tilespmem:s0+$0xA0] =	vst v5  }
0xa7: {  	v5 =	vld [tilespmem:s31+$0xB0];
	_ =	sdelay $0x1  }
0xa8: {  	s12 =	simm.s32 $0x0;
	s6 =	simm.s32 $0xB010;
	v4 =	vperm.xlane v4, v3  }
.LBB2_3:
0xa9: {  	s12 =	sadd.s32 $0x5, s12;
	s1 =	sadd.s32 $0x50, s1;
	s31 =	sadd.s32 $0x190, s31  }
0xaa: {  	p0 =	slt.u32 s12, $0x78  }
0xab: {  	v4 =	vmul.f32 v5, v4;
	_ =	sdelay $0x1  }
0xac: {  	[tilespmem:s0+$0xB0] =	vst v4;
	s0 =	smov.u32 s6  }
0xad: {  	v4 =	vld [tilespmem:s31+$0xFFFFFF80]  }
0xae: {  	v5 =	vld [tilespmem:s1+$0xFFFFFFE0];
	_ =	sdelay $0x4  }
0xaf: {  	v4 =	vadd.f32 v5, v4;
	_ =	sdelay $0x1  }
0xb0: {  	v5 =	vmul.f32 $2.000000030e-01, v4;
	_ =	sdelay $0x1  }
0xb1: {  	v4 =	vmax.f32 v4, v5  }
0xb2: {  	v4 =	vmul.f32 $1.442695020e+00, v4;
	_ =	sdelay $0x1  }
0xb3: {  	(erf) = vpow2.f32 v4;
	_ =	sdelay $0x8  }
0xb4: {  	v4 =	vpop (erf)  }
0xb5: {  	[tilespmem:s6+$0xFFFFFF80] =	vst v4  }
0xb6: {  	v5 =	vld [tilespmem:s31+$0xFFFFFF40];
	_ =	sdelay $0x2  }
0xb7: {  	v6 =	vperm.xlane v4, v0;
	_ =	sdelay $0x1  }
0xb8: {  	v5 =	vmul.f32 v5, v6;
	_ =	sdelay $0x1  }
0xb9: {  	[tilespmem:s6+$0xFFFFFF40] =	vst v5  }
0xba: {  	v5 =	vld [tilespmem:s31+$0xFFFFFF50];
	_ =	sdelay $0x2  }
0xbb: {  	v6 =	vperm.xlane v4, v1;
	_ =	sdelay $0x1  }
0xbc: {  	v5 =	vmul.f32 v5, v6;
	_ =	sdelay $0x1  }
0xbd: {  	[tilespmem:s6+$0xFFFFFF50] =	vst v5  }
0xbe: {  	v5 =	vld [tilespmem:s31+$0xFFFFFF60];
	_ =	sdelay $0x2  }
0xbf: {  	v6 =	vperm.xlane v4, v2;
	_ =	sdelay $0x1  }
0xc0: {  	v5 =	vmul.f32 v5, v6;
	_ =	sdelay $0x1  }
0xc1: {  	[tilespmem:s6+$0xFFFFFF60] =	vst v5  }
0xc2: {  	v5 =	vld [tilespmem:s31+$0xFFFFFF70];
	_ =	sdelay $0x2  }
0xc3: {  	v4 =	vperm.xlane v4, v3;
	_ =	sdelay $0x1  }
0xc4: {  	v4 =	vmul.f32 v5, v4;
	_ =	sdelay $0x1  }
0xc5: {  	[tilespmem:s6+$0xFFFFFF70] =	vst v4  }
0xc6: {  	v4 =	vld [tilespmem:s31+$0xFFFFFFD0]  }
0xc7: {  	v5 =	vld [tilespmem:s1+$0xFFFFFFF0];
	_ =	sdelay $0x4  }
0xc8: {  	v4 =	vadd.f32 v5, v4;
	_ =	sdelay $0x1  }
0xc9: {  	v5 =	vmul.f32 $2.000000030e-01, v4;
	_ =	sdelay $0x1  }
0xca: {  	v4 =	vmax.f32 v4, v5  }
0xcb: {  	v4 =	vmul.f32 $1.442695020e+00, v4;
	_ =	sdelay $0x1  }
0xcc: {  	(erf) = vpow2.f32 v4;
	_ =	sdelay $0x8  }
0xcd: {  	v4 =	vpop (erf)  }
0xce: {  	[tilespmem:s6+$0xFFFFFFD0] =	vst v4  }
0xcf: {  	v5 =	vld [tilespmem:s31+$0xFFFFFF90];
	_ =	sdelay $0x1  }
0xd0: {  	v6 =	vperm.xlane v4, v0;
	_ =	sdelay $0x2  }
0xd1: {  	v5 =	vmul.f32 v5, v6;
	_ =	sdelay $0x1  }
0xd2: {  	[tilespmem:s6+$0xFFFFFF90] =	vst v5  }
0xd3: {  	v5 =	vld [tilespmem:s31+$0xFFFFFFA0];
	_ =	sdelay $0x1  }
0xd4: {  	v6 =	vperm.xlane v4, v1;
	_ =	sdelay $0x2  }
0xd5: {  	v5 =	vmul.f32 v5, v6;
	_ =	sdelay $0x1  }
0xd6: {  	[tilespmem:s6+$0xFFFFFFA0] =	vst v5  }
0xd7: {  	v5 =	vld [tilespmem:s31+$0xFFFFFFB0];
	_ =	sdelay $0x1  }
0xd8: {  	v6 =	vperm.xlane v4, v2;
	_ =	sdelay $0x2  }
0xd9: {  	v5 =	vmul.f32 v5, v6;
	_ =	sdelay $0x1  }
0xda: {  	[tilespmem:s6+$0xFFFFFFB0] =	vst v5  }
0xdb: {  	v5 =	vld [tilespmem:s31+$0xFFFFFFC0];
	_ =	sdelay $0x1  }
0xdc: {  	v4 =	vperm.xlane v4, v3;
	_ =	sdelay $0x2  }
0xdd: {  	v4 =	vmul.f32 v5, v4;
	_ =	sdelay $0x1  }
0xde: {  	[tilespmem:s6+$0xFFFFFFC0] =	vst v4  }
0xdf: {  	v4 =	vld [tilespmem:s31+$0x20]  }
0xe0: {  	v5 =	vld [tilespmem:s1+$0x0];
	_ =	sdelay $0x4  }
0xe1: {  	v4 =	vadd.f32 v5, v4;
	_ =	sdelay $0x1  }
0xe2: {  	v5 =	vmul.f32 $2.000000030e-01, v4;
	_ =	sdelay $0x1  }
0xe3: {  	v4 =	vmax.f32 v4, v5  }
0xe4: {  	v4 =	vmul.f32 $1.442695020e+00, v4;
	_ =	sdelay $0x1  }
0xe5: {  	(erf) = vpow2.f32 v4;
	_ =	sdelay $0x8  }
0xe6: {  	v4 =	vpop (erf)  }
0xe7: {  	[tilespmem:s6+$0x20] =	vst v4  }
0xe8: {  	v5 =	vld [tilespmem:s31+$0xFFFFFFE0]  }
0xe9: {  	v6 =	vperm.xlane v4, v0;
	_ =	sdelay $0x3  }
0xea: {  	v5 =	vmul.f32 v5, v6;
	_ =	sdelay $0x1  }
0xeb: {  	[tilespmem:s6+$0xFFFFFFE0] =	vst v5  }
0xec: {  	v5 =	vld [tilespmem:s31+$0xFFFFFFF0]  }
0xed: {  	v6 =	vperm.xlane v4, v1;
	_ =	sdelay $0x3  }
0xee: {  	v5 =	vmul.f32 v5, v6;
	_ =	sdelay $0x1  }
0xef: {  	[tilespmem:s6+$0xFFFFFFF0] =	vst v5  }
0xf0: {  	v5 =	vld [tilespmem:s31+$0x0]  }
0xf1: {  	v6 =	vperm.xlane v4, v2;
	_ =	sdelay $0x3  }
0xf2: {  	v5 =	vmul.f32 v5, v6;
	_ =	sdelay $0x1  }
0xf3: {  	[tilespmem:s6+$0x0] =	vst v5  }
0xf4: {  	v5 =	vld [tilespmem:s31+$0x10]  }
0xf5: {  	v4 =	vperm.xlane v4, v3;
	_ =	sdelay $0x3  }
0xf6: {  	v4 =	vmul.f32 v5, v4;
	_ =	sdelay $0x1  }
0xf7: {  	[tilespmem:s6+$0x10] =	vst v4  }
0xf8: {  	v4 =	vld [tilespmem:s31+$0x70]  }
0xf9: {  	v5 =	vld [tilespmem:s1+$0x10];
	_ =	sdelay $0x4  }
0xfa: {  	v4 =	vadd.f32 v5, v4;
	_ =	sdelay $0x1  }
0xfb: {  	v5 =	vmul.f32 $2.000000030e-01, v4;
	_ =	sdelay $0x1  }
0xfc: {  	v4 =	vmax.f32 v4, v5  }
0xfd: {  	v4 =	vmul.f32 $1.442695020e+00, v4;
	_ =	sdelay $0x1  }
0xfe: {  	(erf) = vpow2.f32 v4;
	_ =	sdelay $0x8  }
0xff: {  	v4 =	vpop (erf)  }
0x100: {  	[tilespmem:s6+$0x70] =	vst v4  }
0x101: {  	v5 =	vperm.xlane v4, v0;
	v6 =	vld [tilespmem:s31+$0x30];
	_ =	sdelay $0x4  }
0x102: {  	v5 =	vmul.f32 v6, v5;
	_ =	sdelay $0x1  }
0x103: {  	[tilespmem:s6+$0x30] =	vst v5  }
0x104: {  	v5 =	vperm.xlane v4, v1;
	v6 =	vld [tilespmem:s31+$0x40];
	_ =	sdelay $0x4  }
0x105: {  	v5 =	vmul.f32 v6, v5;
	_ =	sdelay $0x1  }
0x106: {  	[tilespmem:s6+$0x40] =	vst v5  }
0x107: {  	v5 =	vperm.xlane v4, v2;
	v6 =	vld [tilespmem:s31+$0x50];
	_ =	sdelay $0x4  }
0x108: {  	v5 =	vmul.f32 v6, v5;
	_ =	sdelay $0x1  }
0x109: {  	[tilespmem:s6+$0x50] =	vst v5  }
0x10a: {  	v4 =	vperm.xlane v4, v3;
	v5 =	vld [tilespmem:s31+$0x60];
	_ =	sdelay $0x4  }
0x10b: {  	v4 =	vmul.f32 v5, v4;
	_ =	sdelay $0x1  }
0x10c: {  	[tilespmem:s6+$0x60] =	vst v4  }
0x10d: {  	v4 =	vld [tilespmem:s31+$0xC0]  }
0x10e: {  	v5 =	vld [tilespmem:s1+$0x20];
	_ =	sdelay $0x4  }
0x10f: {  	v4 =	vadd.f32 v5, v4;
	_ =	sdelay $0x1  }
0x110: {  	v5 =	vmul.f32 $2.000000030e-01, v4;
	_ =	sdelay $0x1  }
0x111: {  	v4 =	vmax.f32 v4, v5  }
0x112: {  	v4 =	vmul.f32 $1.442695020e+00, v4;
	_ =	sdelay $0x1  }
0x113: {  	(erf) = vpow2.f32 v4;
	_ =	sdelay $0x8  }
0x114: {  	v4 =	vpop (erf)  }
0x115: {  	[tilespmem:s6+$0xC0] =	vst v4;
	v5 =	vperm.xlane v4, v0  }
0x116: {  	v6 =	vld [tilespmem:s31+$0x80];
	_ =	sdelay $0x4  }
0x117: {  	v5 =	vmul.f32 v6, v5;
	_ =	sdelay $0x1  }
0x118: {  	[tilespmem:s6+$0x80] =	vst v5;
	v5 =	vperm.xlane v4, v1  }
0x119: {  	v6 =	vld [tilespmem:s31+$0x90];
	_ =	sdelay $0x4  }
0x11a: {  	v5 =	vmul.f32 v6, v5;
	_ =	sdelay $0x1  }
0x11b: {  	[tilespmem:s6+$0x90] =	vst v5;
	v5 =	vperm.xlane v4, v2  }
0x11c: {  	v6 =	vld [tilespmem:s31+$0xA0];
	_ =	sdelay $0x4  }
0x11d: {  	v5 =	vmul.f32 v6, v5  }
.Ltmp0:
0x11e: {  	(pc) =	sbr.rel @p0 .LBB2_3-.Ltmp0, $3  }
0x11f: {  	v4 =	vperm.xlane v4, v3;
	[tilespmem:s6+$0xA0] =	vst v5  }
0x120: {  	v5 =	vld [tilespmem:s31+$0xB0];
	_ =	sdelay $0x1  }
0x121: {  	s6 =	sadd.s32 $0x190, s6  }
0x122: {  	_ =	sdelay $0x1  }
0x123: {  	v4 =	vmul.f32 v5, v4  }
0x124: {  	s1 =	sand.u32 $0x3FFFFF00, s30  }
0x125: {  	s6 =	sadd.s32 $0x2800, s1;
	[tilespmem:s0+$0xB0] =	vst v4  }
0x126: {  	[spmem:s2] =	stream.indirect.scatter.add.f32 [tilespmem:s21], [sflag:$0x3], $0x50, s6, s15, $0xb8;
	[tilespmem:$0x1C3E0] =	vst v63  }
0x127: {  	_ =	swait.ge [sflag:s22], $0x2710  }
0x128: {  	[sflag:s22] =	ssyncset.done $0x0  }
0x129: {  	s12 =	sshll.u32 s28, $0x1;
	[sflag:s22] =	ssyncadd.s32 $0xFFFFD8F0  }
0x12a: {  	s0 =	smin.u32 s12, $0x4D;
	_ =	swait.ge [sflag:s22], $0x7D0  }
0x12b: {  	s0 =	sshll.u32 s0, $0x7;
	[sflag:s22] =	ssyncset.done $0x0  }
0x12c: {  	s31 =	sadd.s32 $0x100, s0;
	[sflag:s22] =	ssyncadd.s32 $0xFFFFF830  }
0x12d: {  	[tilespmem:s16], [sflag:$0x1] =	stream.indirect.gather [hbm4b:s4+s15], $0x50, s31, s15, $0xb8;
	[tilespmem:$0x1C3E0] =	vst v63  }
0x12e: {  	s30 =	simm.s32 $0x7890;
	s0 =	sadd.s32 $0x2900, s0  }
0x12f: {  	[tilespmem:s17], [sflag:$0x1] =	stream.indirect.gather [hbm4b:s5+s15], $0x10, s0, s15, $0xb8;
	[tilespmem:$0x1C3E0] =	vst v63  }
0x130: {  	s1 =	simm.s32 $0xA630;
	v4 =	vld [tilespmem:s30+$0xFFFFFEC0]  }
0x131: {  	v5 =	vld [tilespmem:s1+$0xFFFFFFC0];
	_ =	sdelay $0x4  }
0x132: {  	v4 =	vadd.f32 v5, v4;
	_ =	sdelay $0x1  }
0x133: {  	v5 =	vmul.f32 $2.000000030e-01, v4;
	_ =	sdelay $0x1  }
0x134: {  	v4 =	vmax.f32 v4, v5  }
0x135: {  	v4 =	vmul.f32 $1.442695020e+00, v4;
	_ =	sdelay $0x1  }
0x136: {  	(erf) = vpow2.f32 v4;
	_ =	sdelay $0x8  }
0x137: {  	s0 =	simm.s32 $0xD650;
	v4 =	vpop (erf)  }
0x138: {  	[tilespmem:s0+$0xFFFFFEC0] =	vst v4  }
0x139: {  	v5 =	vld [tilespmem:s30+$0xFFFFFE80];
	_ =	sdelay $0x2  }
0x13a: {  	v6 =	vperm.xlane v4, v0;
	_ =	sdelay $0x1  }
0x13b: {  	v5 =	vmul.f32 v5, v6;
	_ =	sdelay $0x1  }
0x13c: {  	[tilespmem:s0+$0xFFFFFE80] =	vst v5  }
0x13d: {  	v5 =	vld [tilespmem:s30+$0xFFFFFE90];
	_ =	sdelay $0x2  }
0x13e: {  	v6 =	vperm.xlane v4, v1;
	_ =	sdelay $0x1  }
0x13f: {  	v5 =	vmul.f32 v5, v6;
	_ =	sdelay $0x1  }
0x140: {  	[tilespmem:s0+$0xFFFFFE90] =	vst v5  }
0x141: {  	v5 =	vld [tilespmem:s30+$0xFFFFFEA0];
	_ =	sdelay $0x2  }
0x142: {  	v6 =	vperm.xlane v4, v2;
	_ =	sdelay $0x1  }
0x143: {  	v5 =	vmul.f32 v5, v6;
	_ =	sdelay $0x1  }
0x144: {  	[tilespmem:s0+$0xFFFFFEA0] =	vst v5  }
0x145: {  	v5 =	vld [tilespmem:s30+$0xFFFFFEB0];
	_ =	sdelay $0x2  }
0x146: {  	v4 =	vperm.xlane v4, v3;
	_ =	sdelay $0x1  }
0x147: {  	v4 =	vmul.f32 v5, v4;
	_ =	sdelay $0x1  }
0x148: {  	[tilespmem:s0+$0xFFFFFEB0] =	vst v4  }
0x149: {  	v4 =	vld [tilespmem:s30+$0xFFFFFF10]  }
0x14a: {  	v5 =	vld [tilespmem:s1+$0xFFFFFFD0];
	_ =	sdelay $0x4  }
0x14b: {  	v4 =	vadd.f32 v5, v4;
	_ =	sdelay $0x1  }
0x14c: {  	v5 =	vmul.f32 $2.000000030e-01, v4;
	_ =	sdelay $0x1  }
0x14d: {  	v4 =	vmax.f32 v4, v5  }
0x14e: {  	v4 =	vmul.f32 $1.442695020e+00, v4;
	_ =	sdelay $0x1  }
0x14f: {  	(erf) = vpow2.f32 v4;
	_ =	sdelay $0x8  }
0x150: {  	v4 =	vpop (erf)  }
0x151: {  	[tilespmem:s0+$0xFFFFFF10] =	vst v4  }
0x152: {  	v5 =	vld [tilespmem:s30+$0xFFFFFED0];
	_ =	sdelay $0x2  }
0x153: {  	v6 =	vperm.xlane v4, v0;
	_ =	sdelay $0x1  }
0x154: {  	v5 =	vmul.f32 v5, v6;
	_ =	sdelay $0x1  }
0x155: {  	[tilespmem:s0+$0xFFFFFED0] =	vst v5  }
0x156: {  	v5 =	vld [tilespmem:s30+$0xFFFFFEE0];
	_ =	sdelay $0x2  }
0x157: {  	v6 =	vperm.xlane v4, v1;
	_ =	sdelay $0x1  }
0x158: {  	v5 =	vmul.f32 v5, v6;
	_ =	sdelay $0x1  }
0x159: {  	[tilespmem:s0+$0xFFFFFEE0] =	vst v5  }
0x15a: {  	v5 =	vld [tilespmem:s30+$0xFFFFFEF0];
	_ =	sdelay $0x2  }
0x15b: {  	v6 =	vperm.xlane v4, v2;
	_ =	sdelay $0x1  }
0x15c: {  	v5 =	vmul.f32 v5, v6;
	_ =	sdelay $0x1  }
0x15d: {  	[tilespmem:s0+$0xFFFFFEF0] =	vst v5  }
0x15e: {  	v5 =	vld [tilespmem:s30+$0xFFFFFF00];
	_ =	sdelay $0x2  }
0x15f: {  	v4 =	vperm.xlane v4, v3;
	_ =	sdelay $0x1  }
0x160: {  	v4 =	vmul.f32 v5, v4;
	_ =	sdelay $0x1  }
0x161: {  	[tilespmem:s0+$0xFFFFFF00] =	vst v4  }
0x162: {  	v4 =	vld [tilespmem:s30+$0xFFFFFF60]  }
0x163: {  	v5 =	vld [tilespmem:s1+$0xFFFFFFE0];
	_ =	sdelay $0x4  }
0x164: {  	v4 =	vadd.f32 v5, v4;
	_ =	sdelay $0x1  }
0x165: {  	v5 =	vmul.f32 $2.000000030e-01, v4;
	_ =	sdelay $0x1  }
0x166: {  	v4 =	vmax.f32 v4, v5  }
0x167: {  	v4 =	vmul.f32 $1.442695020e+00, v4;
	_ =	sdelay $0x1  }
0x168: {  	(erf) = vpow2.f32 v4;
	_ =	sdelay $0x8  }
0x169: {  	v4 =	vpop (erf)  }
0x16a: {  	[tilespmem:s0+$0xFFFFFF60] =	vst v4  }
0x16b: {  	v5 =	vld [tilespmem:s30+$0xFFFFFF20];
	_ =	sdelay $0x2  }
0x16c: {  	v6 =	vperm.xlane v4, v0;
	_ =	sdelay $0x1  }
0x16d: {  	v5 =	vmul.f32 v5, v6;
	_ =	sdelay $0x1  }
0x16e: {  	[tilespmem:s0+$0xFFFFFF20] =	vst v5  }
0x16f: {  	v5 =	vld [tilespmem:s30+$0xFFFFFF30];
	_ =	sdelay $0x2  }
0x170: {  	v6 =	vperm.xlane v4, v1;
	_ =	sdelay $0x1  }
0x171: {  	v5 =	vmul.f32 v5, v6;
	_ =	sdelay $0x1  }
0x172: {  	[tilespmem:s0+$0xFFFFFF30] =	vst v5  }
0x173: {  	v5 =	vld [tilespmem:s30+$0xFFFFFF40];
	_ =	sdelay $0x2  }
0x174: {  	v6 =	vperm.xlane v4, v2;
	_ =	sdelay $0x1  }
0x175: {  	v5 =	vmul.f32 v5, v6;
	_ =	sdelay $0x1  }
0x176: {  	[tilespmem:s0+$0xFFFFFF40] =	vst v5  }
0x177: {  	v5 =	vld [tilespmem:s30+$0xFFFFFF50];
	_ =	sdelay $0x2  }
0x178: {  	v4 =	vperm.xlane v4, v3;
	_ =	sdelay $0x1  }
0x179: {  	v4 =	vmul.f32 v5, v4;
	_ =	sdelay $0x1  }
0x17a: {  	[tilespmem:s0+$0xFFFFFF50] =	vst v4  }
0x17b: {  	v4 =	vld [tilespmem:s30+$0xFFFFFFB0]  }
0x17c: {  	v5 =	vld [tilespmem:s1+$0xFFFFFFF0];
	_ =	sdelay $0x4  }
0x17d: {  	v4 =	vadd.f32 v5, v4;
	_ =	sdelay $0x1  }
0x17e: {  	v5 =	vmul.f32 $2.000000030e-01, v4;
	_ =	sdelay $0x1  }
0x17f: {  	v4 =	vmax.f32 v4, v5  }
0x180: {  	v4 =	vmul.f32 $1.442695020e+00, v4;
	_ =	sdelay $0x1  }
0x181: {  	(erf) = vpow2.f32 v4;
	_ =	sdelay $0x8  }
0x182: {  	v4 =	vpop (erf)  }
0x183: {  	[tilespmem:s0+$0xFFFFFFB0] =	vst v4  }
0x184: {  	v5 =	vld [tilespmem:s30+$0xFFFFFF70];
	_ =	sdelay $0x2  }
0x185: {  	v6 =	vperm.xlane v4, v0;
	_ =	sdelay $0x1  }
0x186: {  	v5 =	vmul.f32 v5, v6;
	_ =	sdelay $0x1  }
0x187: {  	[tilespmem:s0+$0xFFFFFF70] =	vst v5  }
0x188: {  	v5 =	vld [tilespmem:s30+$0xFFFFFF80];
	_ =	sdelay $0x2  }
0x189: {  	v6 =	vperm.xlane v4, v1;
	_ =	sdelay $0x1  }
0x18a: {  	v5 =	vmul.f32 v5, v6;
	_ =	sdelay $0x1  }
0x18b: {  	[tilespmem:s0+$0xFFFFFF80] =	vst v5  }
0x18c: {  	v5 =	vld [tilespmem:s30+$0xFFFFFF90];
	_ =	sdelay $0x2  }
0x18d: {  	v6 =	vperm.xlane v4, v2;
	_ =	sdelay $0x1  }
0x18e: {  	v5 =	vmul.f32 v5, v6;
	_ =	sdelay $0x1  }
0x18f: {  	[tilespmem:s0+$0xFFFFFF90] =	vst v5  }
0x190: {  	v5 =	vld [tilespmem:s30+$0xFFFFFFA0];
	_ =	sdelay $0x2  }
0x191: {  	v4 =	vperm.xlane v4, v3;
	_ =	sdelay $0x1  }
0x192: {  	v4 =	vmul.f32 v5, v4;
	_ =	sdelay $0x1  }
0x193: {  	[tilespmem:s0+$0xFFFFFFA0] =	vst v4  }
0x194: {  	v4 =	vld [tilespmem:s30+$0x0]  }
0x195: {  	v5 =	vld [tilespmem:s1+$0x0];
	_ =	sdelay $0x4  }
0x196: {  	v4 =	vadd.f32 v5, v4;
	_ =	sdelay $0x1  }
0x197: {  	v5 =	vmul.f32 $2.000000030e-01, v4;
	_ =	sdelay $0x1  }
0x198: {  	v4 =	vmax.f32 v4, v5  }
0x199: {  	v4 =	vmul.f32 $1.442695020e+00, v4;
	_ =	sdelay $0x1  }
0x19a: {  	(erf) = vpow2.f32 v4;
	_ =	sdelay $0x8  }
0x19b: {  	v4 =	vpop (erf)  }
0x19c: {  	[tilespmem:s0+$0x0] =	vst v4  }
0x19d: {  	v5 =	vld [tilespmem:s30+$0xFFFFFFC0];
	_ =	sdelay $0x2  }
0x19e: {  	v6 =	vperm.xlane v4, v0;
	_ =	sdelay $0x1  }
0x19f: {  	v5 =	vmul.f32 v5, v6;
	_ =	sdelay $0x1  }
0x1a0: {  	[tilespmem:s0+$0xFFFFFFC0] =	vst v5  }
0x1a1: {  	v5 =	vld [tilespmem:s30+$0xFFFFFFD0];
	_ =	sdelay $0x2  }
0x1a2: {  	v6 =	vperm.xlane v4, v1;
	_ =	sdelay $0x1  }
0x1a3: {  	v5 =	vmul.f32 v5, v6;
	_ =	sdelay $0x1  }
0x1a4: {  	[tilespmem:s0+$0xFFFFFFD0] =	vst v5  }
0x1a5: {  	v5 =	vld [tilespmem:s30+$0xFFFFFFE0];
	_ =	sdelay $0x2  }
0x1a6: {  	v6 =	vperm.xlane v4, v2;
	_ =	sdelay $0x1  }
0x1a7: {  	v5 =	vmul.f32 v5, v6;
	_ =	sdelay $0x1  }
0x1a8: {  	[tilespmem:s0+$0xFFFFFFE0] =	vst v5  }
0x1a9: {  	v5 =	vld [tilespmem:s30+$0xFFFFFFF0];
	_ =	sdelay $0x1  }
0x1aa: {  	s12 =	simm.s32 $0x0;
	s6 =	simm.s32 $0xD7E0;
	v4 =	vperm.xlane v4, v3  }
.LBB2_5:
0x1ab: {  	s12 =	sadd.s32 $0x5, s12;
	s1 =	sadd.s32 $0x50, s1;
	s30 =	sadd.s32 $0x190, s30  }
0x1ac: {  	p0 =	slt.u32 s12, $0x78  }
0x1ad: {  	v4 =	vmul.f32 v5, v4;
	_ =	sdelay $0x1  }
0x1ae: {  	[tilespmem:s0+$0xFFFFFFF0] =	vst v4;
	s0 =	smov.u32 s6  }
0x1af: {  	v4 =	vld [tilespmem:s30+$0xFFFFFEC0]  }
0x1b0: {  	v5 =	vld [tilespmem:s1+$0xFFFFFFC0];
	_ =	sdelay $0x4  }
0x1b1: {  	v4 =	vadd.f32 v5, v4;
	_ =	sdelay $0x1  }
0x1b2: {  	v5 =	vmul.f32 $2.000000030e-01, v4;
	_ =	sdelay $0x1  }
0x1b3: {  	v4 =	vmax.f32 v4, v5  }
0x1b4: {  	v4 =	vmul.f32 $1.442695020e+00, v4;
	_ =	sdelay $0x1  }
0x1b5: {  	(erf) = vpow2.f32 v4;
	_ =	sdelay $0x8  }
0x1b6: {  	v4 =	vpop (erf)  }
0x1b7: {  	[tilespmem:s6+$0xFFFFFEC0] =	vst v4  }
0x1b8: {  	v5 =	vld [tilespmem:s30+$0xFFFFFE80];
	_ =	sdelay $0x2  }
0x1b9: {  	v6 =	vperm.xlane v4, v0;
	_ =	sdelay $0x1  }
0x1ba: {  	v5 =	vmul.f32 v5, v6;
	_ =	sdelay $0x1  }
0x1bb: {  	[tilespmem:s6+$0xFFFFFE80] =	vst v5  }
0x1bc: {  	v5 =	vld [tilespmem:s30+$0xFFFFFE90];
	_ =	sdelay $0x2  }
0x1bd: {  	v6 =	vperm.xlane v4, v1;
	_ =	sdelay $0x1  }
0x1be: {  	v5 =	vmul.f32 v5, v6;
	_ =	sdelay $0x1  }
0x1bf: {  	[tilespmem:s6+$0xFFFFFE90] =	vst v5  }
0x1c0: {  	v5 =	vld [tilespmem:s30+$0xFFFFFEA0];
	_ =	sdelay $0x2  }
0x1c1: {  	v6 =	vperm.xlane v4, v2;
	_ =	sdelay $0x1  }
0x1c2: {  	v5 =	vmul.f32 v5, v6;
	_ =	sdelay $0x1  }
0x1c3: {  	[tilespmem:s6+$0xFFFFFEA0] =	vst v5  }
0x1c4: {  	v5 =	vld [tilespmem:s30+$0xFFFFFEB0];
	_ =	sdelay $0x2  }
0x1c5: {  	v4 =	vperm.xlane v4, v3;
	_ =	sdelay $0x1  }
0x1c6: {  	v4 =	vmul.f32 v5, v4;
	_ =	sdelay $0x1  }
0x1c7: {  	[tilespmem:s6+$0xFFFFFEB0] =	vst v4  }
0x1c8: {  	v4 =	vld [tilespmem:s30+$0xFFFFFF10]  }
0x1c9: {  	v5 =	vld [tilespmem:s1+$0xFFFFFFD0];
	_ =	sdelay $0x4  }
0x1ca: {  	v4 =	vadd.f32 v5, v4;
	_ =	sdelay $0x1  }
0x1cb: {  	v5 =	vmul.f32 $2.000000030e-01, v4;
	_ =	sdelay $0x1  }
0x1cc: {  	v4 =	vmax.f32 v4, v5  }
0x1cd: {  	v4 =	vmul.f32 $1.442695020e+00, v4;
	_ =	sdelay $0x1  }
0x1ce: {  	(erf) = vpow2.f32 v4;
	_ =	sdelay $0x8  }
0x1cf: {  	v4 =	vpop (erf)  }
0x1d0: {  	[tilespmem:s6+$0xFFFFFF10] =	vst v4  }
0x1d1: {  	v5 =	vld [tilespmem:s30+$0xFFFFFED0];
	_ =	sdelay $0x1  }
0x1d2: {  	v6 =	vperm.xlane v4, v0;
	_ =	sdelay $0x2  }
0x1d3: {  	v5 =	vmul.f32 v5, v6;
	_ =	sdelay $0x1  }
0x1d4: {  	[tilespmem:s6+$0xFFFFFED0] =	vst v5  }
0x1d5: {  	v5 =	vld [tilespmem:s30+$0xFFFFFEE0];
	_ =	sdelay $0x1  }
0x1d6: {  	v6 =	vperm.xlane v4, v1;
	_ =	sdelay $0x2  }
0x1d7: {  	v5 =	vmul.f32 v5, v6;
	_ =	sdelay $0x1  }
0x1d8: {  	[tilespmem:s6+$0xFFFFFEE0] =	vst v5  }
0x1d9: {  	v5 =	vld [tilespmem:s30+$0xFFFFFEF0];
	_ =	sdelay $0x1  }
0x1da: {  	v6 =	vperm.xlane v4, v2;
	_ =	sdelay $0x2  }
0x1db: {  	v5 =	vmul.f32 v5, v6;
	_ =	sdelay $0x1  }
0x1dc: {  	[tilespmem:s6+$0xFFFFFEF0] =	vst v5  }
0x1dd: {  	v5 =	vld [tilespmem:s30+$0xFFFFFF00];
	_ =	sdelay $0x1  }
0x1de: {  	v4 =	vperm.xlane v4, v3;
	_ =	sdelay $0x2  }
0x1df: {  	v4 =	vmul.f32 v5, v4;
	_ =	sdelay $0x1  }
0x1e0: {  	[tilespmem:s6+$0xFFFFFF00] =	vst v4  }
0x1e1: {  	v4 =	vld [tilespmem:s30+$0xFFFFFF60]  }
0x1e2: {  	v5 =	vld [tilespmem:s1+$0xFFFFFFE0];
	_ =	sdelay $0x4  }
0x1e3: {  	v4 =	vadd.f32 v5, v4;
	_ =	sdelay $0x1  }
0x1e4: {  	v5 =	vmul.f32 $2.000000030e-01, v4;
	_ =	sdelay $0x1  }
0x1e5: {  	v4 =	vmax.f32 v4, v5  }
0x1e6: {  	v4 =	vmul.f32 $1.442695020e+00, v4;
	_ =	sdelay $0x1  }
0x1e7: {  	(erf) = vpow2.f32 v4;
	_ =	sdelay $0x8  }
0x1e8: {  	v4 =	vpop (erf)  }
0x1e9: {  	[tilespmem:s6+$0xFFFFFF60] =	vst v4  }
0x1ea: {  	v5 =	vld [tilespmem:s30+$0xFFFFFF20]  }
0x1eb: {  	v6 =	vperm.xlane v4, v0;
	_ =	sdelay $0x3  }
0x1ec: {  	v5 =	vmul.f32 v5, v6;
	_ =	sdelay $0x1  }
0x1ed: {  	[tilespmem:s6+$0xFFFFFF20] =	vst v5  }
0x1ee: {  	v5 =	vld [tilespmem:s30+$0xFFFFFF30]  }
0x1ef: {  	v6 =	vperm.xlane v4, v1;
	_ =	sdelay $0x3  }
0x1f0: {  	v5 =	vmul.f32 v5, v6;
	_ =	sdelay $0x1  }
0x1f1: {  	[tilespmem:s6+$0xFFFFFF30] =	vst v5  }
0x1f2: {  	v5 =	vld [tilespmem:s30+$0xFFFFFF40]  }
0x1f3: {  	v6 =	vperm.xlane v4, v2;
	_ =	sdelay $0x3  }
0x1f4: {  	v5 =	vmul.f32 v5, v6;
	_ =	sdelay $0x1  }
0x1f5: {  	[tilespmem:s6+$0xFFFFFF40] =	vst v5  }
0x1f6: {  	v5 =	vld [tilespmem:s30+$0xFFFFFF50]  }
0x1f7: {  	v4 =	vperm.xlane v4, v3;
	_ =	sdelay $0x3  }
0x1f8: {  	v4 =	vmul.f32 v5, v4;
	_ =	sdelay $0x1  }
0x1f9: {  	[tilespmem:s6+$0xFFFFFF50] =	vst v4  }
0x1fa: {  	v4 =	vld [tilespmem:s30+$0xFFFFFFB0]  }
0x1fb: {  	v5 =	vld [tilespmem:s1+$0xFFFFFFF0];
	_ =	sdelay $0x4  }
0x1fc: {  	v4 =	vadd.f32 v5, v4;
	_ =	sdelay $0x1  }
0x1fd: {  	v5 =	vmul.f32 $2.000000030e-01, v4;
	_ =	sdelay $0x1  }
0x1fe: {  	v4 =	vmax.f32 v4, v5  }
0x1ff: {  	v4 =	vmul.f32 $1.442695020e+00, v4;
	_ =	sdelay $0x1  }
0x200: {  	(erf) = vpow2.f32 v4;
	_ =	sdelay $0x8  }
0x201: {  	v4 =	vpop (erf)  }
0x202: {  	[tilespmem:s6+$0xFFFFFFB0] =	vst v4  }
0x203: {  	v5 =	vperm.xlane v4, v0;
	v6 =	vld [tilespmem:s30+$0xFFFFFF70];
	_ =	sdelay $0x4  }
0x204: {  	v5 =	vmul.f32 v6, v5;
	_ =	sdelay $0x1  }
0x205: {  	[tilespmem:s6+$0xFFFFFF70] =	vst v5  }
0x206: {  	v5 =	vperm.xlane v4, v1;
	v6 =	vld [tilespmem:s30+$0xFFFFFF80];
	_ =	sdelay $0x4  }
0x207: {  	v5 =	vmul.f32 v6, v5;
	_ =	sdelay $0x1  }
0x208: {  	[tilespmem:s6+$0xFFFFFF80] =	vst v5  }
0x209: {  	v5 =	vperm.xlane v4, v2;
	v6 =	vld [tilespmem:s30+$0xFFFFFF90];
	_ =	sdelay $0x4  }
0x20a: {  	v5 =	vmul.f32 v6, v5;
	_ =	sdelay $0x1  }
0x20b: {  	[tilespmem:s6+$0xFFFFFF90] =	vst v5  }
0x20c: {  	v4 =	vperm.xlane v4, v3;
	v5 =	vld [tilespmem:s30+$0xFFFFFFA0];
	_ =	sdelay $0x4  }
0x20d: {  	v4 =	vmul.f32 v5, v4;
	_ =	sdelay $0x1  }
0x20e: {  	[tilespmem:s6+$0xFFFFFFA0] =	vst v4  }
0x20f: {  	v4 =	vld [tilespmem:s30+$0x0]  }
0x210: {  	v5 =	vld [tilespmem:s1+$0x0];
	_ =	sdelay $0x4  }
0x211: {  	v4 =	vadd.f32 v5, v4;
	_ =	sdelay $0x1  }
0x212: {  	v5 =	vmul.f32 $2.000000030e-01, v4;
	_ =	sdelay $0x1  }
0x213: {  	v4 =	vmax.f32 v4, v5  }
0x214: {  	v4 =	vmul.f32 $1.442695020e+00, v4;
	_ =	sdelay $0x1  }
0x215: {  	(erf) = vpow2.f32 v4;
	_ =	sdelay $0x8  }
0x216: {  	v4 =	vpop (erf)  }
0x217: {  	[tilespmem:s6+$0x0] =	vst v4;
	v5 =	vperm.xlane v4, v0  }
0x218: {  	v6 =	vld [tilespmem:s30+$0xFFFFFFC0];
	_ =	sdelay $0x4  }
0x219: {  	v5 =	vmul.f32 v6, v5;
	_ =	sdelay $0x1  }
0x21a: {  	[tilespmem:s6+$0xFFFFFFC0] =	vst v5;
	v5 =	vperm.xlane v4, v1  }
0x21b: {  	v6 =	vld [tilespmem:s30+$0xFFFFFFD0];
	_ =	sdelay $0x4  }
0x21c: {  	v5 =	vmul.f32 v6, v5;
	_ =	sdelay $0x1  }
0x21d: {  	[tilespmem:s6+$0xFFFFFFD0] =	vst v5;
	v5 =	vperm.xlane v4, v2  }
0x21e: {  	v6 =	vld [tilespmem:s30+$0xFFFFFFE0];
	_ =	sdelay $0x4  }
0x21f: {  	v5 =	vmul.f32 v6, v5  }
.Ltmp1:
0x220: {  	(pc) =	sbr.rel @p0 .LBB2_5-.Ltmp1, $3  }
0x221: {  	v4 =	vperm.xlane v4, v3;
	[tilespmem:s6+$0xFFFFFFE0] =	vst v5  }
0x222: {  	v5 =	vld [tilespmem:s30+$0xFFFFFFF0];
	_ =	sdelay $0x1  }
0x223: {  	s6 =	sadd.s32 $0x190, s6  }
0x224: {  	_ =	sdelay $0x1  }
0x225: {  	v4 =	vmul.f32 v5, v4;
	_ =	sdelay $0x1  }
0x226: {  	[tilespmem:s0+$0xFFFFFFF0] =	vst v4  }
0x227: {  	[spmem:s2] =	stream.indirect.scatter.add.f32 [tilespmem:s23], [sflag:$0x4], $0x50, s29, s15, $0xb8;
	[tilespmem:$0x1C3E0] =	vst v63  }
0x228: {  	_ =	swait.ge [sflag:s18], $0x2710  }
0x229: {  	[sflag:s18] =	ssyncset.done $0x0  }
0x22a: {  	[sflag:s18] =	ssyncadd.s32 $0xFFFFD8F0  }
0x22b: {  	_ =	swait.ge [sflag:s18], $0x7D0  }
0x22c: {  	[sflag:s18] =	ssyncset.done $0x0  }
0x22d: {  	s28 =	sadd.s32 $0x1, s28;
	[sflag:s18] =	ssyncadd.s32 $0xFFFFF830  }
0x22e: {  	p0 =	sne.s32 s28, $0x28;
	_ =	swait.ge [sflag:s24], $0x2710  }
.Ltmp2:
0x22f: {  	[sflag:s24] =	ssyncset.done $0x0;
	(pc) =	sbr.rel @p0 .LBB2_2-.Ltmp2, $4  }
0x230: {  	[sflag:s24] =	ssyncadd.s32 $0xFFFFD8F0  }
0x231: {  	_ =	swait.ge [sflag:s25], $0x2710  }
0x232: {  	[sflag:s25] =	ssyncset.done $0x0  }
0x233: {  	[sflag:s25] =	ssyncadd.s32 $0xFFFFD8F0  }
0x234: {  	s26 =	sadd.s32 $0x1, s26  }
0x235: {  	p0 =	sne.s32 s26, s10  }
.Ltmp3:
0x236: {  	[bflag:$0x0] =	sbarrier.arrive $0xFFFF;
	(pc) =	sbr.rel @p0 .LBB2_1-.Ltmp3, $4  }
0x237: {  	[hbm:s9], [sflag:s13] =	dma.local [spmem:s14], $0x1900  }
0x238: {  	_ =	swait.ge [sflag:s11], $0x1900  }
0x239: {  	[sflag:s11] =	ssyncset.done $0x0  }
0x23a: {  	[sflag:s11] =	ssyncadd.s32 $0xFFFFE700  }
0x23b: {  	_ =	sfence.sel $0x180000  }
0x23c: {  	[bflag:$0x0] =	sbarrier.arrive $0xFFFF  }
0x23d: {  	_ =	strace $0x90000047  }
0x23e: {  	s0 =	stileid.u32;
	[bflag:$0x2] =	sbarrier.arrive $0xFFFF  }
0x23f: {  	p0 =	sne.s32 s0, $0x0;
	s0 =	rddreg [dreg:$0x3]  }
0x240: {  	s0 =	sadd.s32 @!p0 $0x100000, s0  }
0x241: {  	[sflag:s0] =	ssyncadd.tile.s32 @!p0 $0x1;
	_ =	shalt  }
.Lfunc_end2:
_tile_overlayer_lowered:
.L_overlay_start_2:
0x242: {  	(tag) =	ssettag $0x2  }
0x243: {  	s0 =	rddreg [dreg:$0x0];
	s2 =	stileid.u32  }
0x244: {  	s1 =	rddreg [dreg:$0x1];
	p0 =	sne.s32 s2, $0x0  }
0x245: {  	s3 =	rddreg [dreg:$0x2];
	[bflag:$0x3] =	sbarrier.arrive $0xFFFF;
	s2 =	simm.s32 @!p0 $0x1C05  }
0x246: {  	[timem:s3], [sflag:s2] =	dma.local @!p0 [hbm:s0], s1  }
0x247: {  	s0 =	simm.s32 @!p0 $0x5  }
0x248: {  	_ =	swait.ge @!p0 [sflag:s0], s1  }
0x249: {  	s1 =	ssub.s32 @!p0 $0x0, s1;
	[sflag:s0] =	ssyncset.done @!p0 $0x0  }
0x24a: {  	[sflag:s0] =	ssyncadd.s32 @!p0 s1  }
0x24b: {  	[bflag:$0x3] =	sbarrier.arrive $0xFFFF  }
0x24c: {  	_ =	shalt  }

</sc_bundles>
